<compile_context>
chip_gen: v7x
topology: tpu7x:2x2x1
jax: 0.10.2.dev20260603
libtpu: 0.0.44.dev20260713+nightly
codegen_flags: <defaults>
</compile_context>

<pallas_src>
import functools

import jax
import jax.numpy as jnp
from jax import lax
from jax.experimental import pallas as pl
from jax.experimental.pallas import tpu as pltpu
from jax.experimental.pallas import tpu_sc as plsc

N = 50008
E = 800128
H = 6
C = 16
D = H * C
F_IN = 64

NC = 2
NS = 16
NW = NC * NS
CH = 128
NCHUNK = E // CH

BN = 512
NP = 50176
RT = NP // NS
GRID_N = NP // BN

_f32 = jnp.float32



def _head_mask(rows, cols):
    r = lax.broadcasted_iota(jnp.int32, (rows, cols), 0) // C
    c = lax.broadcasted_iota(jnp.int32, (rows, cols), 1)
    return (r == c).astype(_f32)


def _prep_body(x_ref, w_ref, asf_ref, adf_ref,
               xw0_ref, xw1_ref, xw2_ref, alph_ref, adst_ref):
    y = jnp.dot(x_ref[...], w_ref[...], preferred_element_type=_f32,
                precision="highest")
    m = _head_mask(D, C)
    alph_ref[...] = jnp.dot(y, m * asf_ref[...], preferred_element_type=_f32,
                            precision="highest")
    adst_ref[...] = jnp.dot(y, m * adf_ref[...], preferred_element_type=_f32,
                            precision="highest")
    xw0_ref[...] = y[:, 0:32]
    xw1_ref[...] = y[:, 32:64]
    xw2_ref[...] = y[:, 64:96]


def _prep(x, w, asf, adf):
    f_in = x.shape[1]
    return pl.pallas_call(
        _prep_body,
        grid=(GRID_N,),
        in_specs=[
            pl.BlockSpec((BN, f_in), lambda i: (i, 0)),
            pl.BlockSpec((f_in, D), lambda i: (0, 0)),
            pl.BlockSpec((D, 1), lambda i: (0, 0)),
            pl.BlockSpec((D, 1), lambda i: (0, 0)),
        ],
        out_specs=[
            pl.BlockSpec((BN, 32), lambda i: (i, 0)),
            pl.BlockSpec((BN, 32), lambda i: (i, 0)),
            pl.BlockSpec((BN, 32), lambda i: (i, 0)),
            pl.BlockSpec((BN, C), lambda i: (i, 0)),
            pl.BlockSpec((BN, C), lambda i: (i, 0)),
        ],
        out_shape=[
            jax.ShapeDtypeStruct((NP, 32), _f32),
            jax.ShapeDtypeStruct((NP, 32), _f32),
            jax.ShapeDtypeStruct((NP, 32), _f32),
            jax.ShapeDtypeStruct((NP, C), _f32),
            jax.ShapeDtypeStruct((NP, C), _f32),
        ],
    )(x, w, asf, adf)


def _norm_prep_body(y_ref, sums_ref, gw_ref, gb_ref, gms_ref,
                    w_ref, asf_ref, adf_ref,
                    xw0_ref, xw1_ref, xw2_ref, alph_ref, adst_ref):
    mean = sums_ref[0:1, :] / N
    ey2 = sums_ref[1:2, :] / N
    ms = gms_ref[...]
    var = ey2 - (2.0 * ms - ms * ms) * mean * mean
    inv = lax.rsqrt(var + 1e-5)
    al = gw_ref[...] * inv
    be = gb_ref[...] - gw_ref[...] * ms * mean * inv
    z = al * y_ref[...] + be
    y = jnp.dot(z, w_ref[...], preferred_element_type=_f32,
                precision="highest")
    m = _head_mask(D, C)
    alph_ref[...] = jnp.dot(y, m * asf_ref[...], preferred_element_type=_f32,
                            precision="highest")
    adst_ref[...] = jnp.dot(y, m * adf_ref[...], preferred_element_type=_f32,
                            precision="highest")
    xw0_ref[...] = y[:, 0:32]
    xw1_ref[...] = y[:, 32:64]
    xw2_ref[...] = y[:, 64:96]


def _norm_prep(y, sums, gw, gb, gms, w, asf, adf):
    return pl.pallas_call(
        _norm_prep_body,
        grid=(GRID_N,),
        in_specs=[
            pl.BlockSpec((BN, D), lambda i: (i, 0)),
            pl.BlockSpec((2, D), lambda i: (0, 0)),
            pl.BlockSpec((1, D), lambda i: (0, 0)),
            pl.BlockSpec((1, D), lambda i: (0, 0)),
            pl.BlockSpec((1, D), lambda i: (0, 0)),
            pl.BlockSpec((D, D), lambda i: (0, 0)),
            pl.BlockSpec((D, 1), lambda i: (0, 0)),
            pl.BlockSpec((D, 1), lambda i: (0, 0)),
        ],
        out_specs=[
            pl.BlockSpec((BN, 32), lambda i: (i, 0)),
            pl.BlockSpec((BN, 32), lambda i: (i, 0)),
            pl.BlockSpec((BN, 32), lambda i: (i, 0)),
            pl.BlockSpec((BN, C), lambda i: (i, 0)),
            pl.BlockSpec((BN, C), lambda i: (i, 0)),
        ],
        out_shape=[
            jax.ShapeDtypeStruct((NP, 32), _f32),
            jax.ShapeDtypeStruct((NP, 32), _f32),
            jax.ShapeDtypeStruct((NP, 32), _f32),
            jax.ShapeDtypeStruct((NP, C), _f32),
            jax.ShapeDtypeStruct((NP, C), _f32),
        ],
    )(y, sums, gw, gb, gms, w, asf, adf)


def _combine_body(m0_ref, m1_ref, m2_ref, den_ref, b_ref, y_ref, sums_ref):
    pid = pl.program_id(0)
    m = jnp.concatenate(
        [m0_ref[0] + m0_ref[1], m1_ref[0] + m1_ref[1], m2_ref[0] + m2_ref[1]],
        axis=1)
    den = den_ref[0] + den_ref[1]
    den = jnp.where(den == 0.0, 1.0, den)
    r = lax.broadcasted_iota(jnp.int32, (C, D), 0)
    c = lax.broadcasted_iota(jnp.int32, (C, D), 1) // C
    s_mat = (r == c).astype(_f32)
    dvec = jnp.dot(den, s_mat, preferred_element_type=_f32,
                   precision="highest")
    g = m / dvec + b_ref[...]
    y = jnp.where(g > 0.0, g, jnp.exp(g) - 1.0)
    rows = BN * pid + lax.broadcasted_iota(jnp.int32, (BN, 1), 0)
    y = jnp.where(rows < N, y, 0.0)
    y_ref[...] = y

    @pl.when(pid == 0)
    def _():
        sums_ref[...] = jnp.zeros((2, D), _f32)

    sums_ref[0:1, :] += jnp.sum(y, axis=0, keepdims=True)
    sums_ref[1:2, :] += jnp.sum(y * y, axis=0, keepdims=True)


def _combine(m0, m1, m2, den, b):
    return pl.pallas_call(
        _combine_body,
        grid=(GRID_N,),
        in_specs=[
            pl.BlockSpec((NC, BN, 32), lambda i: (0, i, 0)),
            pl.BlockSpec((NC, BN, 32), lambda i: (0, i, 0)),
            pl.BlockSpec((NC, BN, 32), lambda i: (0, i, 0)),
            pl.BlockSpec((NC, BN, C), lambda i: (0, i, 0)),
            pl.BlockSpec((1, D), lambda i: (0, 0)),
        ],
        out_specs=[
            pl.BlockSpec((BN, D), lambda i: (i, 0)),
            pl.BlockSpec((2, D), lambda i: (0, 0)),
        ],
        out_shape=[
            jax.ShapeDtypeStruct((NP, D), _f32),
            jax.ShapeDtypeStruct((2, D), _f32),
        ],
    )(m0, m1, m2, den, b)


def _final_norm_body(y_ref, sums_ref, gw_ref, gb_ref, gms_ref, out_ref):
    mean = sums_ref[0:1, :] / N
    ey2 = sums_ref[1:2, :] / N
    ms = gms_ref[...]
    var = ey2 - (2.0 * ms - ms * ms) * mean * mean
    inv = lax.rsqrt(var + 1e-5)
    out_ref[...] = gw_ref[...] * inv * y_ref[...] + (
        gb_ref[...] - gw_ref[...] * ms * mean * inv)


def _final_norm(y, sums, gw, gb, gms):
    return pl.pallas_call(
        _final_norm_body,
        grid=(GRID_N,),
        in_specs=[
            pl.BlockSpec((BN, D), lambda i: (i, 0)),
            pl.BlockSpec((2, D), lambda i: (0, 0)),
            pl.BlockSpec((1, D), lambda i: (0, 0)),
            pl.BlockSpec((1, D), lambda i: (0, 0)),
            pl.BlockSpec((1, D), lambda i: (0, 0)),
        ],
        out_specs=pl.BlockSpec((BN, D), lambda i: (i, 0)),
        out_shape=jax.ShapeDtypeStruct((N, D), _f32),
    )(y, sums, gw, gb, gms)



_MESH = plsc.VectorSubcoreMesh(core_axis_name="c", subcore_axis_name="s")
_SC_PARAMS = pltpu.CompilerParams(use_tc_tiling_on_sc=False)


def _zero_shared(acc_ref, zbuf_ref, width):
    sub = lax.axis_index("s")

    def zrow(j, _):
        zbuf_ref[j, pl.ds(0, 16)] = jnp.zeros((16,), _f32)
        if width == 32:
            zbuf_ref[j, pl.ds(16, 16)] = jnp.zeros((16,), _f32)
        return 0

    lax.fori_loop(0, 448, zrow, 0)

    def zcopy(k, _):
        pltpu.sync_copy(zbuf_ref, acc_ref.at[pl.ds(sub * RT + k * 448, 448)])
        return 0

    lax.fori_loop(0, 7, zcopy, 0)


def _alpha_body(ei_ref, alph_ref, adst_ref, se_ref, den_ref,
                sidx, didx, abuf, bbuf, sbuf, zbuf, acc):
    w = lax.axis_index("s") * NC + lax.axis_index("c")
    sub = lax.axis_index("s")
    _zero_shared(acc, zbuf, 16)
    plsc.subcore_barrier()

    nch = (NCHUNK - w + NW - 1) // NW

    def chunk(k, _):
        base = (w + NW * k) * CH
        pltpu.sync_copy(ei_ref.at[0, pl.ds(base, CH)], sidx)
        pltpu.sync_copy(ei_ref.at[1, pl.ds(base, CH)], didx)
        pltpu.sync_copy(alph_ref.at[sidx], abuf)
        pltpu.sync_copy(adst_ref.at[didx], bbuf)

        def edge(i, _):
            v = abuf[i, :] + bbuf[i, :]
            v = jnp.where(v > 0.0, v, 0.2 * v)
            sbuf[i, :] = jnp.exp(v)
            return 0

        lax.fori_loop(0, CH, edge, 0)
        pltpu.sync_copy(sbuf, se_ref.at[pl.ds(base, CH)])
        pltpu.sync_copy(sbuf, acc.at[didx], add=True)
        return 0

    lax.fori_loop(0, nch, chunk, 0)
    plsc.subcore_barrier()
    pltpu.sync_copy(acc.at[pl.ds(sub * RT, RT)],
                    den_ref.at[lax.axis_index("c"), pl.ds(sub * RT, RT)])


_alpha_pass = functools.partial(
    pl.kernel,
    out_type=(jax.ShapeDtypeStruct((E, 16), _f32),
              jax.ShapeDtypeStruct((NC, NP, C), _f32)),
    mesh=_MESH,
    compiler_params=_SC_PARAMS,
    scratch_types=[
        pltpu.VMEM((CH,), jnp.int32),
        pltpu.VMEM((CH,), jnp.int32),
        pltpu.VMEM((CH, 16), _f32),
        pltpu.VMEM((CH, 16), _f32),
        pltpu.VMEM((CH, 16), _f32),
        pltpu.VMEM((448, 16), _f32),
        pltpu.VMEM_SHARED((NP, C), _f32),
    ],
)(_alpha_body)


def _feature_body(p, ei_ref, xw_ref, se_ref, msg_ref,
                  sidx, didx, xr, srow, mbuf, zbuf, acc):
    w = lax.axis_index("s") * NC + lax.axis_index("c")
    sub = lax.axis_index("s")
    _zero_shared(acc, zbuf, 32)
    plsc.subcore_barrier()

    nch = (NCHUNK - w + NW - 1) // NW

    def chunk(k, _):
        base = (w + NW * k) * CH
        pltpu.sync_copy(ei_ref.at[0, pl.ds(base, CH)], sidx)
        pltpu.sync_copy(ei_ref.at[1, pl.ds(base, CH)], didx)
        pltpu.sync_copy(xw_ref.at[sidx], xr)
        pltpu.sync_copy(se_ref.at[pl.ds(base, CH)], srow)

        def edge(i, _):
            sv = srow[i, :]
            s0 = jnp.full((16,), sv[2 * p], _f32)
            s1 = jnp.full((16,), sv[2 * p + 1], _f32)
            mbuf[i, pl.ds(0, 16)] = xr[i, pl.ds(0, 16)] * s0
            mbuf[i, pl.ds(16, 16)] = xr[i, pl.ds(16, 16)] * s1
            return 0

        lax.fori_loop(0, CH, edge, 0)
        pltpu.sync_copy(mbuf, acc.at[didx], add=True)
        return 0

    lax.fori_loop(0, nch, chunk, 0)
    plsc.subcore_barrier()
    pltpu.sync_copy(acc.at[pl.ds(sub * RT, RT)],
                    msg_ref.at[lax.axis_index("c"), pl.ds(sub * RT, RT)])


def _feature_pass(p):
    return functools.partial(
        pl.kernel,
        out_type=jax.ShapeDtypeStruct((NC, NP, 32), _f32),
        mesh=_MESH,
        compiler_params=_SC_PARAMS,
        scratch_types=[
            pltpu.VMEM((CH,), jnp.int32),
            pltpu.VMEM((CH,), jnp.int32),
            pltpu.VMEM((CH, 32), _f32),
            pltpu.VMEM((CH, 16), _f32),
            pltpu.VMEM((CH, 32), _f32),
            pltpu.VMEM((448, 32), _f32),
            pltpu.VMEM_SHARED((NP, 32), _f32),
        ],
    )(functools.partial(_feature_body, p))


_feature_passes = [_feature_pass(p) for p in range(3)]


def _gat_layer(ei, xw0, xw1, xw2, alph, adst, b):
    se, den = _alpha_pass(ei, alph, adst)
    m0 = _feature_passes[0](ei, xw0, se)
    m1 = _feature_passes[1](ei, xw1, se)
    m2 = _feature_passes[2](ei, xw2, se)
    return _combine(m0, m1, m2, den, b.reshape(1, D))



def kernel(x, edge_index, W1, as1, ad1, b1, W2, as2, ad2, b2,
           gw1, gb1, gms1, gw2, gb2, gms2):
    asf1 = as1.reshape(D, 1)
    adf1 = ad1.reshape(D, 1)
    asf2 = as2.reshape(D, 1)
    adf2 = ad2.reshape(D, 1)

    xw0, xw1, xw2, alph, adst = _prep(x, W1, asf1, adf1)
    y1, sums1 = _gat_layer(edge_index, xw0, xw1, xw2, alph, adst, b1)

    xw0, xw1, xw2, alph, adst = _norm_prep(
        y1, sums1, gw1.reshape(1, D), gb1.reshape(1, D), gms1.reshape(1, D),
        W2, asf2, adf2)
    y2, sums2 = _gat_layer(edge_index, xw0, xw1, xw2, alph, adst, b2)

    z = _final_norm(y2, sums2, gw2.reshape(1, D), gb2.reshape(1, D),
                    gms2.reshape(1, D))
    out = z.reshape(-1, 152 * D)
    return (out, out)

# --- scband reference (transcript-rebuilt; emitter-appended) ---
"""Pipeline reference for scband-gat-67869073212170 (READ-ONLY COPY).

The authoritative reference and input builder live on the scoring server;
editing this copy changes nothing except your own understanding.
"""

import jax, jax.numpy as jnp
import numpy as np

N = 50008
E = 800128
F_IN = 64
H = 6
C = 16
D = H * C


def setup_inputs(seed: int = 0) -> dict:
    key = jax.random.key(seed)
    ks = jax.random.split(key, 20)
    x = jax.random.normal(ks[0], (N, F_IN), dtype=jnp.float32)
    edge_index = jax.random.randint(ks[1], (2, E), 0, N, dtype=jnp.int32)
    s = 0.1
    return {
        'x': x,
        'edge_index': edge_index,
        'W1': jax.random.normal(ks[2], (F_IN, D), dtype=jnp.float32) * s,
        'as1': jax.random.normal(ks[3], (H, C), dtype=jnp.float32) * s,
        'ad1': jax.random.normal(ks[4], (H, C), dtype=jnp.float32) * s,
        'b1': jnp.zeros((D,), dtype=jnp.float32),
        'W2': jax.random.normal(ks[5], (D, D), dtype=jnp.float32) * s,
        'as2': jax.random.normal(ks[6], (H, C), dtype=jnp.float32) * s,
        'ad2': jax.random.normal(ks[7], (H, C), dtype=jnp.float32) * s,
        'b2': jnp.zeros((D,), dtype=jnp.float32),
        'gw1': jnp.ones((D,), dtype=jnp.float32),
        'gb1': jnp.zeros((D,), dtype=jnp.float32),
        'gms1': jnp.ones((D,), dtype=jnp.float32),
        'gw2': jnp.ones((D,), dtype=jnp.float32),
        'gb2': jnp.zeros((D,), dtype=jnp.float32),
        'gms2': jnp.ones((D,), dtype=jnp.float32),
    }


def gat_conv(x, src, dst, W, a_src, a_dst, b):
    xw = (x @ W).reshape(-1, H, C)
    alpha_src = (xw * a_src[None]).sum(-1)  # [N, H]
    alpha_dst = (xw * a_dst[None]).sum(-1)  # [N, H]
    alpha = alpha_src[src] + alpha_dst[dst]  # [E, H]
    alpha = jax.nn.leaky_relu(alpha, 0.2)
    amax = jax.ops.segment_max(alpha, dst, num_segments=N)
    amax = jnp.where(jnp.isfinite(amax), amax, 0.0)
    ex = jnp.exp(alpha - amax[dst])
    denom = jax.ops.segment_sum(ex, dst, num_segments=N)
    attn = ex / (denom[dst] + 1e-16)
    msg = xw[src] * attn[..., None]  # [E, H, C]
    out = jax.ops.segment_sum(msg, dst, num_segments=N)
    return out.reshape(-1, D) + b


def graph_norm(x, weight, bias, mean_scale):
    # PyG GraphNorm with batch=None: whole graph is one segment
    mean = x.mean(axis=0, keepdims=True)
    out = x - mean_scale * mean
    var = (out * out).mean(axis=0, keepdims=True)
    return weight * out / jnp.sqrt(var + 1e-5) + bias


def reference(x, edge_index, W1, as1, ad1, b1, W2, as2, ad2, b2, gw1, gb1, gms1, gw2, gb2, gms2):
    src = edge_index[0]
    dst = edge_index[1]
    h = gat_conv(x, src, dst, W1, as1, ad1, b1)
    h = jax.nn.elu(h)
    h = graph_norm(h, gw1, gb1, gms1)
    # dropout is identity in eval mode
    h = gat_conv(h, src, dst, W2, as2, ad2, b2)
    h = jax.nn.elu(h)
    h = graph_norm(h, gw2, gb2, gms2)
    out = h.reshape(-1, 152 * h.shape[1])
    embedding = out
    return (out, embedding)

if __name__ == "__main__":
    import jax
    _d = setup_inputs()
    print(jax.jit(kernel)(*tuple(_d.values())))

</pallas_src>

<mosaic_0001>
#map = affine_map<(d0, d1) -> (0, 0)>
#map1 = affine_map<(d0, d1) -> (0, 0, 0)>
module attributes {stable_mosaic.version = 14 : i64} {
  func.func @_feature_body(%arg0: i32, %arg1: i32, %arg2: memref<2x800128xi32, #tpu.memory_space<hbm>>, %arg3: memref<50176x32xf32, #tpu.memory_space<hbm>>, %arg4: memref<800128x16xf32, #tpu.memory_space<hbm>>, %arg5: memref<2x50176x32xf32, #tpu.memory_space<hbm>>, %arg6: memref<128xi32, #tpu.memory_space<vmem>>, %arg7: memref<128xi32, #tpu.memory_space<vmem>>, %arg8: memref<128x32xf32, #tpu.memory_space<vmem>>, %arg9: memref<128x16xf32, #tpu.memory_space<vmem>>, %arg10: memref<128x32xf32, #tpu.memory_space<vmem>>, %arg11: memref<448x32xf32, #tpu.memory_space<vmem>>, %arg12: memref<50176x32xf32, #tpu.memory_space<vmem_shared>>) attributes {dimension_semantics = [#tpu.dimension_semantics<core_parallel>, #tpu.dimension_semantics<subcore_parallel>], iteration_bounds = array<i64: 2, 16>, scalar_prefetch = 0 : i64, scratch_operands = 7 : i64, tpu.core_type = #tpu.core_type<sc_vector_subcore>, window_params = [{transform_indices = #map}, {transform_indices = #map}, {transform_indices = #map}, {transform_indices = #map1}]} {
    %mul3A = arith.constant 2 : i32
    %mul3A_0 = arith.muli %arg1, %mul3A : i32
    %add3A = arith.addi %mul3A_0, %arg0 : i32
    %scan3A = arith.constant 0 : i32
    %scan3A_1 = arith.constant 0 : i32
    %scan3A_2 = arith.constant 448 : i32
    %scan3A_3 = arith.addi %scan3A_1, %scan3A_2 : i32
    %scan3A_4 = arith.constant 1 : i32
    %scan3A_5 = scf.for %scan3A_52 = %scan3A_1 to %scan3A_3 step %scan3A_4 iter_args(%scan3A_53 = %scan3A) -> (i32)  : i32 {
      %broadcast_in_dim3A = arith.constant 0.000000e+00 : f32
      %broadcast_in_dim3A_54 = vector.broadcast %broadcast_in_dim3A : f32 to vector<16xf32>
      %swap3A = arith.index_cast %scan3A_52 : i32 to index
      %swap3A_55 = arith.constant 0 : index
      %swap3A_56 = tpu.vector_load %arg11[%swap3A, %swap3A_55] {strides = array<i32>} : memref<448x32xf32, #tpu.memory_space<vmem>>, vector<1x16xf32>,
      %swap3A_57 = vector.shape_cast %swap3A_56 : vector<1x16xf32> to vector<16xf32>
      %swap3A_58 = vector.shape_cast %broadcast_in_dim3A_54 : vector<16xf32> to vector<1x16xf32>
      tpu.vector_store %arg11[%swap3A, %swap3A_55], %swap3A_58 {strides = array<i32>} : memref<448x32xf32, #tpu.memory_space<vmem>>, vector<1x16xf32>,
      %broadcast_in_dim3A_59 = arith.constant 0.000000e+00 : f32
      %broadcast_in_dim3A_60 = vector.broadcast %broadcast_in_dim3A_59 : f32 to vector<16xf32>
      %swap3A_61 = arith.index_cast %scan3A_52 : i32 to index
      %swap3A_62 = arith.constant 16 : index
      %swap3A_63 = tpu.vector_load %arg11[%swap3A_61, %swap3A_62] {strides = array<i32>} : memref<448x32xf32, #tpu.memory_space<vmem>>, vector<1x16xf32>,
      %swap3A_64 = vector.shape_cast %swap3A_63 : vector<1x16xf32> to vector<16xf32>
      %swap3A_65 = vector.shape_cast %broadcast_in_dim3A_60 : vector<16xf32> to vector<1x16xf32>
      tpu.vector_store %arg11[%swap3A_61, %swap3A_62], %swap3A_65 {strides = array<i32>} : memref<448x32xf32, #tpu.memory_space<vmem>>, vector<1x16xf32>,
      %scan3A_66 = arith.constant 0 : i32
      scf.yield %scan3A_66 : i32
    }
    %scan3A_6 = arith.constant 448 : i32
    %scan3A_7 = arith.constant 0 : i32
    %scan3A_8 = arith.constant 0 : i32
    %scan3A_9 = arith.constant 7 : i32
    %scan3A_10 = arith.addi %scan3A_8, %scan3A_9 : i32
    %scan3A_11 = arith.constant 1 : i32
    %scan3A_12 = scf.for %scan3A_52 = %scan3A_8 to %scan3A_10 step %scan3A_11 iter_args(%scan3A_53 = %scan3A_7) -> (i32)  : i32 {
      %mul3A_54 = arith.constant 3136 : i32
      %mul3A_55 = arith.muli %arg1, %mul3A_54 : i32
      %mul3A_56 = arith.constant 448 : i32
      %mul3A_57 = arith.muli %scan3A_52, %mul3A_56 : i32
      %add3A_58 = arith.addi %mul3A_55, %mul3A_57 : i32
      "tpu.region"() ({
        %run_scoped3A = tpu.sem_alloc : memref<!tpu.dma_semaphore, #tpu.memory_space<semaphore_mem>>
        %dma_start3A = arith.constant 0 : i32
        %dma_start3A_60 = tpu.memref_slice %arg12[%add3A_58, %dma_start3A] : memref<50176x32xf32, #tpu.memory_space<vmem_shared>> -> memref<448x32xf32, #tpu.memory_space<vmem_shared>>
        %dma_start3A_61 = arith.constant 0 : i32
        %dma_start3A_62 = tpu.memref_slice %arg12[%add3A_58, %dma_start3A_61] : memref<50176x32xf32, #tpu.memory_space<vmem_shared>> -> memref<448x32xf32, #tpu.memory_space<vmem_shared>>
        tpu.enqueue_dma source(%arg11 : memref<448x32xf32, #tpu.memory_space<vmem>>) target(%dma_start3A_62 : memref<448x32xf32, #tpu.memory_space<vmem_shared>>) target_semaphore(%run_scoped3A : memref<!tpu.dma_semaphore, #tpu.memory_space<semaphore_mem>>)
        %dma_wait3A = arith.constant 0 : i32
        %dma_wait3A_63 = tpu.memref_slice %arg12[%add3A_58, %dma_wait3A] : memref<50176x32xf32, #tpu.memory_space<vmem_shared>> -> memref<448x32xf32, #tpu.memory_space<vmem_shared>>
        %dma_wait3A_64 = arith.constant 0 : i32
        %dma_wait3A_65 = tpu.memref_slice %arg12[%add3A_58, %dma_wait3A_64] : memref<50176x32xf32, #tpu.memory_space<vmem_shared>> -> memref<448x32xf32, #tpu.memory_space<vmem_shared>>
        tpu.wait_dma2 semaphore(%run_scoped3A : memref<!tpu.dma_semaphore, #tpu.memory_space<semaphore_mem>>) src(%arg11 : memref<448x32xf32, #tpu.memory_space<vmem>>) dst(%dma_wait3A_65 : memref<448x32xf32, #tpu.memory_space<vmem_shared>>)
        tpu.yield
      }) : () -> ()
      %scan3A_59 = arith.constant 0 : i32
      scf.yield %scan3A_59 : i32
    }
    %scan3A_13 = arith.constant 7 : i32
    %barrier3A = arith.constant 0 : index
    tpu.barrier barrier_id(%barrier3A)
    %sub3A = arith.constant 6251 : i32
    %sub3A_14 = arith.subi %sub3A, %add3A : i32
    %add3A_15 = arith.constant 32 : i32
    %add3A_16 = arith.addi %sub3A_14, %add3A_15 : i32
    %sub3A_17 = arith.constant 1 : i32
    %sub3A_18 = arith.subi %add3A_16, %sub3A_17 : i32
    %jit3A = arith.constant 32 : i32
    %div3A = arith.divsi %sub3A_18, %jit3A : i32
    %sign3A = arith.constant 0 : i32
    %sign3A_19 = arith.cmpi sgt, %sub3A_18, %sign3A : i32
    %sign3A_20 = arith.extui %sign3A_19 : i1 to i32
    %sign3A_21 = arith.constant 0 : i32
    %sign3A_22 = arith.cmpi slt, %sub3A_18, %sign3A_21 : i32
    %sign3A_23 = arith.extui %sign3A_22 : i1 to i32
    %sign3A_24 = arith.subi %sign3A_20, %sign3A_23 : i32
    %sign3A_25 = arith.constant 0 : i32
    %sign3A_26 = arith.cmpi sgt, %jit3A, %sign3A_25 : i32
    %sign3A_27 = arith.extui %sign3A_26 : i1 to i32
    %sign3A_28 = arith.constant 0 : i32
    %sign3A_29 = arith.cmpi slt, %jit3A, %sign3A_28 : i32
    %sign3A_30 = arith.extui %sign3A_29 : i1 to i32
    %sign3A_31 = arith.subi %sign3A_27, %sign3A_30 : i32
    %ne3A = arith.cmpi ne, %sign3A_24, %sign3A_31 : i32
    %rem3A = arith.remsi %sub3A_18, %jit3A : i32
    %ne3A_32 = arith.constant 0 : i32
    %ne3A_33 = arith.cmpi ne, %rem3A, %ne3A_32 : i32
    %and3A = arith.andi %ne3A, %ne3A_33 : i1
    %sub3A_34 = arith.constant 1 : i32
    %sub3A_35 = arith.subi %div3A, %sub3A_34 : i32
    %select_n3A = arith.select %and3A, %sub3A_35, %div3A : i32
    %while3A = arith.constant 0 : i32
    %while3A_36 = arith.constant 0 : i32
    %while3A_37 = arith.subi %select_n3A, %while3A : i32
    %while3A_38 = arith.addi %while3A, %while3A_37 : i32
    %while3A_39 = arith.constant 1 : i32
    %while3A_40 = arith.divsi %while3A_37, %while3A_39 : i32
    %while3A_41 = arith.muli %while3A_40, %while3A_39 : i32
    %while3A_42 = arith.addi %while3A, %while3A_41 : i32
    %while3A_43 = arith.constant 1 : i32
    %while3A_44 = scf.for %while3A_52 = %while3A to %while3A_42 step %while3A_43 iter_args(%while3A_53 = %while3A_36) -> (i32)  : i32 {
      %mul3A_54 = arith.constant 32 : i32
      %mul3A_55 = arith.muli %mul3A_54, %while3A_52 : i32
      %add3A_56 = arith.addi %add3A, %mul3A_55 : i32
      %mul3A_57 = arith.constant 128 : i32
      %mul3A_58 = arith.muli %add3A_56, %mul3A_57 : i32
      %run_scoped3A = arith.constant 0 : i32
      "tpu.region"() ({
        %run_scoped3A_68 = tpu.sem_alloc : memref<!tpu.dma_semaphore, #tpu.memory_space<semaphore_mem>>
        %dma_start3A = tpu.memref_slice %arg2[%run_scoped3A, %mul3A_58] : memref<2x800128xi32, #tpu.memory_space<hbm>> -> memref<1x128xi32, #tpu.memory_space<hbm>>
        %dma_start3A_69 = tpu.memref_squeeze %dma_start3A : memref<1x128xi32, #tpu.memory_space<hbm>> -> memref<128xi32, #tpu.memory_space<hbm>>
        %dma_start3A_70 = tpu.memref_slice %arg2[%run_scoped3A, %mul3A_58] : memref<2x800128xi32, #tpu.memory_space<hbm>> -> memref<1x128xi32, #tpu.memory_space<hbm>>
        %dma_start3A_71 = tpu.memref_squeeze %dma_start3A_70 : memref<1x128xi32, #tpu.memory_space<hbm>> -> memref<128xi32, #tpu.memory_space<hbm>>
        tpu.enqueue_dma source(%dma_start3A_71 : memref<128xi32, #tpu.memory_space<hbm>>) target(%arg6 : memref<128xi32, #tpu.memory_space<vmem>>) target_semaphore(%run_scoped3A_68 : memref<!tpu.dma_semaphore, #tpu.memory_space<semaphore_mem>>)
        %dma_wait3A = tpu.memref_slice %arg2[%run_scoped3A, %mul3A_58] : memref<2x800128xi32, #tpu.memory_space<hbm>> -> memref<1x128xi32, #tpu.memory_space<hbm>>
        %dma_wait3A_72 = tpu.memref_squeeze %dma_wait3A : memref<1x128xi32, #tpu.memory_space<hbm>> -> memref<128xi32, #tpu.memory_space<hbm>>
        %dma_wait3A_73 = tpu.memref_slice %arg2[%run_scoped3A, %mul3A_58] : memref<2x800128xi32, #tpu.memory_space<hbm>> -> memref<1x128xi32, #tpu.memory_space<hbm>>
        %dma_wait3A_74 = tpu.memref_squeeze %dma_wait3A_73 : memref<1x128xi32, #tpu.memory_space<hbm>> -> memref<128xi32, #tpu.memory_space<hbm>>
        tpu.wait_dma2 semaphore(%run_scoped3A_68 : memref<!tpu.dma_semaphore, #tpu.memory_space<semaphore_mem>>) src(%dma_wait3A_74 : memref<128xi32, #tpu.memory_space<hbm>>) dst(%arg6 : memref<128xi32, #tpu.memory_space<vmem>>)
        tpu.yield
      }) : () -> ()
      %run_scoped3A_59 = arith.constant 1 : i32
      "tpu.region"() ({
        %run_scoped3A_68 = tpu.sem_alloc : memref<!tpu.dma_semaphore, #tpu.memory_space<semaphore_mem>>
        %dma_start3A = tpu.memref_slice %arg2[%run_scoped3A_59, %mul3A_58] : memref<2x800128xi32, #tpu.memory_space<hbm>> -> memref<1x128xi32, #tpu.memory_space<hbm>>
        %dma_start3A_69 = tpu.memref_squeeze %dma_start3A : memref<1x128xi32, #tpu.memory_space<hbm>> -> memref<128xi32, #tpu.memory_space<hbm>>
        %dma_start3A_70 = tpu.memref_slice %arg2[%run_scoped3A_59, %mul3A_58] : memref<2x800128xi32, #tpu.memory_space<hbm>> -> memref<1x128xi32, #tpu.memory_space<hbm>>
        %dma_start3A_71 = tpu.memref_squeeze %dma_start3A_70 : memref<1x128xi32, #tpu.memory_space<hbm>> -> memref<128xi32, #tpu.memory_space<hbm>>
        tpu.enqueue_dma source(%dma_start3A_71 : memref<128xi32, #tpu.memory_space<hbm>>) target(%arg7 : memref<128xi32, #tpu.memory_space<vmem>>) target_semaphore(%run_scoped3A_68 : memref<!tpu.dma_semaphore, #tpu.memory_space<semaphore_mem>>)
        %dma_wait3A = tpu.memref_slice %arg2[%run_scoped3A_59, %mul3A_58] : memref<2x800128xi32, #tpu.memory_space<hbm>> -> memref<1x128xi32, #tpu.memory_space<hbm>>
        %dma_wait3A_72 = tpu.memref_squeeze %dma_wait3A : memref<1x128xi32, #tpu.memory_space<hbm>> -> memref<128xi32, #tpu.memory_space<hbm>>
        %dma_wait3A_73 = tpu.memref_slice %arg2[%run_scoped3A_59, %mul3A_58] : memref<2x800128xi32, #tpu.memory_space<hbm>> -> memref<1x128xi32, #tpu.memory_space<hbm>>
        %dma_wait3A_74 = tpu.memref_squeeze %dma_wait3A_73 : memref<1x128xi32, #tpu.memory_space<hbm>> -> memref<128xi32, #tpu.memory_space<hbm>>
        tpu.wait_dma2 semaphore(%run_scoped3A_68 : memref<!tpu.dma_semaphore, #tpu.memory_space<semaphore_mem>>) src(%dma_wait3A_74 : memref<128xi32, #tpu.memory_space<hbm>>) dst(%arg7 : memref<128xi32, #tpu.memory_space<vmem>>)
        tpu.yield
      }) : () -> ()
      "tpu.region"() ({
        %run_scoped3A_68 = tpu.sem_alloc : memref<!tpu.dma_semaphore, #tpu.memory_space<semaphore_mem>>
        %dma_start3A = arith.constant 0 : i32
        %dma_start3A_69 = arith.constant 0 : i32
        %dma_start3A_70 = tpu.memref_slice %arg3[%dma_start3A, %dma_start3A_69] : memref<50176x32xf32, #tpu.memory_space<hbm>> -> memref<50176x32xf32, #tpu.memory_space<hbm>>
        tpu.enqueue_indirect_dma source(%dma_start3A_70 : memref<50176x32xf32, #tpu.memory_space<hbm>>) target(%arg8 : memref<128x32xf32, #tpu.memory_space<vmem>>) offsets(%arg6 : memref<128xi32, #tpu.memory_space<vmem>>) semaphore(%run_scoped3A_68 : memref<!tpu.dma_semaphore, #tpu.memory_space<semaphore_mem>>)
        %dma_wait3A = arith.constant 0 : i32
        %dma_wait3A_71 = arith.constant 0 : i32
        %dma_wait3A_72 = tpu.memref_slice %arg3[%dma_wait3A, %dma_wait3A_71] : memref<50176x32xf32, #tpu.memory_space<hbm>> -> memref<50176x32xf32, #tpu.memory_space<hbm>>
        tpu.wait_indirect_dma semaphore(%run_scoped3A_68 : memref<!tpu.dma_semaphore, #tpu.memory_space<semaphore_mem>>) src(%dma_wait3A_72 : memref<50176x32xf32, #tpu.memory_space<hbm>>) dst(%arg8 : memref<128x32xf32, #tpu.memory_space<vmem>>)
        tpu.yield
      }) : () -> ()
      "tpu.region"() ({
        %run_scoped3A_68 = tpu.sem_alloc : memref<!tpu.dma_semaphore, #tpu.memory_space<semaphore_mem>>
        %dma_start3A = arith.constant 0 : i32
        %dma_start3A_69 = tpu.memref_slice %arg4[%mul3A_58, %dma_start3A] : memref<800128x16xf32, #tpu.memory_space<hbm>> -> memref<128x16xf32, #tpu.memory_space<hbm>>
        %dma_start3A_70 = arith.constant 0 : i32
        %dma_start3A_71 = tpu.memref_slice %arg4[%mul3A_58, %dma_start3A_70] : memref<800128x16xf32, #tpu.memory_space<hbm>> -> memref<128x16xf32, #tpu.memory_space<hbm>>
        tpu.enqueue_dma source(%dma_start3A_71 : memref<128x16xf32, #tpu.memory_space<hbm>>) target(%arg9 : memref<128x16xf32, #tpu.memory_space<vmem>>) target_semaphore(%run_scoped3A_68 : memref<!tpu.dma_semaphore, #tpu.memory_space<semaphore_mem>>)
        %dma_wait3A = arith.constant 0 : i32
        %dma_wait3A_72 = tpu.memref_slice %arg4[%mul3A_58, %dma_wait3A] : memref<800128x16xf32, #tpu.memory_space<hbm>> -> memref<128x16xf32, #tpu.memory_space<hbm>>
        %dma_wait3A_73 = arith.constant 0 : i32
        %dma_wait3A_74 = tpu.memref_slice %arg4[%mul3A_58, %dma_wait3A_73] : memref<800128x16xf32, #tpu.memory_space<hbm>> -> memref<128x16xf32, #tpu.memory_space<hbm>>
        tpu.wait_dma2 semaphore(%run_scoped3A_68 : memref<!tpu.dma_semaphore, #tpu.memory_space<semaphore_mem>>) src(%dma_wait3A_74 : memref<128x16xf32, #tpu.memory_space<hbm>>) dst(%arg9 : memref<128x16xf32, #tpu.memory_space<vmem>>)
        tpu.yield
      }) : () -> ()
      %scan3A_60 = arith.constant 0 : i32
      %scan3A_61 = arith.constant 0 : i32
      %scan3A_62 = arith.constant 128 : i32
      %scan3A_63 = arith.addi %scan3A_61, %scan3A_62 : i32
      %scan3A_64 = arith.constant 1 : i32
      %scan3A_65 = scf.for %scan3A_68 = %scan3A_61 to %scan3A_63 step %scan3A_64 iter_args(%scan3A_69 = %scan3A_60) -> (i32)  : i32 {
        %get3A = arith.index_cast %scan3A_68 : i32 to index
        %get3A_70 = arith.constant 0 : index
        %get3A_71 = tpu.vector_load %arg9[%get3A, %get3A_70] {strides = array<i32>} : memref<128x16xf32, #tpu.memory_space<vmem>>, vector<1x16xf32>,
        %get3A_72 = vector.shape_cast %get3A_71 : vector<1x16xf32> to vector<16xf32>
        %slice3A = vector.extract_strided_slice %get3A_72 {offsets = [2], sizes = [1], strides = [1]} : vector<16xf32> to vector<1xf32>
        %squeeze3A = vector.extract %slice3A[0] : f32 from vector<1xf32>
        %broadcast_in_dim3A = vector.broadcast %squeeze3A : f32 to vector<16xf32>
        %slice3A_73 = vector.extract_strided_slice %get3A_72 {offsets = [3], sizes = [1], strides = [1]} : vector<16xf32> to vector<1xf32>
        %squeeze3A_74 = vector.extract %slice3A_73[0] : f32 from vector<1xf32>
        %broadcast_in_dim3A_75 = vector.broadcast %squeeze3A_74 : f32 to vector<16xf32>
        %get3A_76 = arith.index_cast %scan3A_68 : i32 to index
        %get3A_77 = arith.constant 0 : index
        %get3A_78 = tpu.vector_load %arg8[%get3A_76, %get3A_77] {strides = array<i32>} : memref<128x32xf32, #tpu.memory_space<vmem>>, vector<1x16xf32>,
        %get3A_79 = vector.shape_cast %get3A_78 : vector<1x16xf32> to vector<16xf32>
        %mul3A_80 = arith.mulf %get3A_79, %broadcast_in_dim3A : vector<16xf32>
        %swap3A = arith.index_cast %scan3A_68 : i32 to index
        %swap3A_81 = arith.constant 0 : index
        %swap3A_82 = tpu.vector_load %arg10[%swap3A, %swap3A_81] {strides = array<i32>} : memref<128x32xf32, #tpu.memory_space<vmem>>, vector<1x16xf32>,
        %swap3A_83 = vector.shape_cast %swap3A_82 : vector<1x16xf32> to vector<16xf32>
        %swap3A_84 = vector.shape_cast %mul3A_80 : vector<16xf32> to vector<1x16xf32>
        tpu.vector_store %arg10[%swap3A, %swap3A_81], %swap3A_84 {strides = array<i32>} : memref<128x32xf32, #tpu.memory_space<vmem>>, vector<1x16xf32>,
        %get3A_85 = arith.index_cast %scan3A_68 : i32 to index
        %get3A_86 = arith.constant 16 : index
        %get3A_87 = tpu.vector_load %arg8[%get3A_85, %get3A_86] {strides = array<i32>} : memref<128x32xf32, #tpu.memory_space<vmem>>, vector<1x16xf32>,
        %get3A_88 = vector.shape_cast %get3A_87 : vector<1x16xf32> to vector<16xf32>
        %mul3A_89 = arith.mulf %get3A_88, %broadcast_in_dim3A_75 : vector<16xf32>
        %swap3A_90 = arith.index_cast %scan3A_68 : i32 to index
        %swap3A_91 = arith.constant 16 : index
        %swap3A_92 = tpu.vector_load %arg10[%swap3A_90, %swap3A_91] {strides = array<i32>} : memref<128x32xf32, #tpu.memory_space<vmem>>, vector<1x16xf32>,
        %swap3A_93 = vector.shape_cast %swap3A_92 : vector<1x16xf32> to vector<16xf32>
        %swap3A_94 = vector.shape_cast %mul3A_89 : vector<16xf32> to vector<1x16xf32>
        tpu.vector_store %arg10[%swap3A_90, %swap3A_91], %swap3A_94 {strides = array<i32>} : memref<128x32xf32, #tpu.memory_space<vmem>>, vector<1x16xf32>,
        %scan3A_95 = arith.constant 0 : i32
        scf.yield %scan3A_95 : i32
      }
      %scan3A_66 = arith.constant 128 : i32
      "tpu.region"() ({
        %run_scoped3A_68 = tpu.sem_alloc : memref<!tpu.dma_semaphore, #tpu.memory_space<semaphore_mem>>
        %dma_start3A = arith.constant 0 : i32
        %dma_start3A_69 = arith.constant 0 : i32
        %dma_start3A_70 = tpu.memref_slice %arg12[%dma_start3A, %dma_start3A_69] : memref<50176x32xf32, #tpu.memory_space<vmem_shared>> -> memref<50176x32xf32, #tpu.memory_space<vmem_shared>>
        tpu.enqueue_indirect_dma source(%arg10 : memref<128x32xf32, #tpu.memory_space<vmem>>) target(%dma_start3A_70 : memref<50176x32xf32, #tpu.memory_space<vmem_shared>>) offsets(%arg7 : memref<128xi32, #tpu.memory_space<vmem>>) semaphore(%run_scoped3A_68 : memref<!tpu.dma_semaphore, #tpu.memory_space<semaphore_mem>>) {add = true}
        %dma_wait3A = arith.constant 0 : i32
        %dma_wait3A_71 = arith.constant 0 : i32
        %dma_wait3A_72 = tpu.memref_slice %arg12[%dma_wait3A, %dma_wait3A_71] : memref<50176x32xf32, #tpu.memory_space<vmem_shared>> -> memref<50176x32xf32, #tpu.memory_space<vmem_shared>>
        tpu.wait_indirect_dma semaphore(%run_scoped3A_68 : memref<!tpu.dma_semaphore, #tpu.memory_space<semaphore_mem>>) src(%arg10 : memref<128x32xf32, #tpu.memory_space<vmem>>) dst(%dma_wait3A_72 : memref<50176x32xf32, #tpu.memory_space<vmem_shared>>)
        tpu.yield
      }) : () -> ()
      %while3A_67 = arith.constant 0 : i32
      scf.yield %while3A_67 : i32
    }
    %while3A_45 = arith.constant 1 : i32
    %while3A_46 = scf.for %while3A_52 = %while3A_42 to %while3A_38 step %while3A_45 iter_args(%while3A_53 = %while3A_44) -> (i32)  : i32 {
      %mul3A_54 = arith.constant 32 : i32
      %mul3A_55 = arith.muli %mul3A_54, %while3A_52 : i32
      %add3A_56 = arith.addi %add3A, %mul3A_55 : i32
      %mul3A_57 = arith.constant 128 : i32
      %mul3A_58 = arith.muli %add3A_56, %mul3A_57 : i32
      %run_scoped3A = arith.constant 0 : i32
      "tpu.region"() ({
        %run_scoped3A_68 = tpu.sem_alloc : memref<!tpu.dma_semaphore, #tpu.memory_space<semaphore_mem>>
        %dma_start3A = tpu.memref_slice %arg2[%run_scoped3A, %mul3A_58] : memref<2x800128xi32, #tpu.memory_space<hbm>> -> memref<1x128xi32, #tpu.memory_space<hbm>>
        %dma_start3A_69 = tpu.memref_squeeze %dma_start3A : memref<1x128xi32, #tpu.memory_space<hbm>> -> memref<128xi32, #tpu.memory_space<hbm>>
        %dma_start3A_70 = tpu.memref_slice %arg2[%run_scoped3A, %mul3A_58] : memref<2x800128xi32, #tpu.memory_space<hbm>> -> memref<1x128xi32, #tpu.memory_space<hbm>>
        %dma_start3A_71 = tpu.memref_squeeze %dma_start3A_70 : memref<1x128xi32, #tpu.memory_space<hbm>> -> memref<128xi32, #tpu.memory_space<hbm>>
        tpu.enqueue_dma source(%dma_start3A_71 : memref<128xi32, #tpu.memory_space<hbm>>) target(%arg6 : memref<128xi32, #tpu.memory_space<vmem>>) target_semaphore(%run_scoped3A_68 : memref<!tpu.dma_semaphore, #tpu.memory_space<semaphore_mem>>)
        %dma_wait3A = tpu.memref_slice %arg2[%run_scoped3A, %mul3A_58] : memref<2x800128xi32, #tpu.memory_space<hbm>> -> memref<1x128xi32, #tpu.memory_space<hbm>>
        %dma_wait3A_72 = tpu.memref_squeeze %dma_wait3A : memref<1x128xi32, #tpu.memory_space<hbm>> -> memref<128xi32, #tpu.memory_space<hbm>>
        %dma_wait3A_73 = tpu.memref_slice %arg2[%run_scoped3A, %mul3A_58] : memref<2x800128xi32, #tpu.memory_space<hbm>> -> memref<1x128xi32, #tpu.memory_space<hbm>>
        %dma_wait3A_74 = tpu.memref_squeeze %dma_wait3A_73 : memref<1x128xi32, #tpu.memory_space<hbm>> -> memref<128xi32, #tpu.memory_space<hbm>>
        tpu.wait_dma2 semaphore(%run_scoped3A_68 : memref<!tpu.dma_semaphore, #tpu.memory_space<semaphore_mem>>) src(%dma_wait3A_74 : memref<128xi32, #tpu.memory_space<hbm>>) dst(%arg6 : memref<128xi32, #tpu.memory_space<vmem>>)
        tpu.yield
      }) : () -> ()
      %run_scoped3A_59 = arith.constant 1 : i32
      "tpu.region"() ({
        %run_scoped3A_68 = tpu.sem_alloc : memref<!tpu.dma_semaphore, #tpu.memory_space<semaphore_mem>>
        %dma_start3A = tpu.memref_slice %arg2[%run_scoped3A_59, %mul3A_58] : memref<2x800128xi32, #tpu.memory_space<hbm>> -> memref<1x128xi32, #tpu.memory_space<hbm>>
        %dma_start3A_69 = tpu.memref_squeeze %dma_start3A : memref<1x128xi32, #tpu.memory_space<hbm>> -> memref<128xi32, #tpu.memory_space<hbm>>
        %dma_start3A_70 = tpu.memref_slice %arg2[%run_scoped3A_59, %mul3A_58] : memref<2x800128xi32, #tpu.memory_space<hbm>> -> memref<1x128xi32, #tpu.memory_space<hbm>>
        %dma_start3A_71 = tpu.memref_squeeze %dma_start3A_70 : memref<1x128xi32, #tpu.memory_space<hbm>> -> memref<128xi32, #tpu.memory_space<hbm>>
        tpu.enqueue_dma source(%dma_start3A_71 : memref<128xi32, #tpu.memory_space<hbm>>) target(%arg7 : memref<128xi32, #tpu.memory_space<vmem>>) target_semaphore(%run_scoped3A_68 : memref<!tpu.dma_semaphore, #tpu.memory_space<semaphore_mem>>)
        %dma_wait3A = tpu.memref_slice %arg2[%run_scoped3A_59, %mul3A_58] : memref<2x800128xi32, #tpu.memory_space<hbm>> -> memref<1x128xi32, #tpu.memory_space<hbm>>
        %dma_wait3A_72 = tpu.memref_squeeze %dma_wait3A : memref<1x128xi32, #tpu.memory_space<hbm>> -> memref<128xi32, #tpu.memory_space<hbm>>
        %dma_wait3A_73 = tpu.memref_slice %arg2[%run_scoped3A_59, %mul3A_58] : memref<2x800128xi32, #tpu.memory_space<hbm>> -> memref<1x128xi32, #tpu.memory_space<hbm>>
        %dma_wait3A_74 = tpu.memref_squeeze %dma_wait3A_73 : memref<1x128xi32, #tpu.memory_space<hbm>> -> memref<128xi32, #tpu.memory_space<hbm>>
        tpu.wait_dma2 semaphore(%run_scoped3A_68 : memref<!tpu.dma_semaphore, #tpu.memory_space<semaphore_mem>>) src(%dma_wait3A_74 : memref<128xi32, #tpu.memory_space<hbm>>) dst(%arg7 : memref<128xi32, #tpu.memory_space<vmem>>)
        tpu.yield
      }) : () -> ()
      "tpu.region"() ({
        %run_scoped3A_68 = tpu.sem_alloc : memref<!tpu.dma_semaphore, #tpu.memory_space<semaphore_mem>>
        %dma_start3A = arith.constant 0 : i32
        %dma_start3A_69 = arith.constant 0 : i32
        %dma_start3A_70 = tpu.memref_slice %arg3[%dma_start3A, %dma_start3A_69] : memref<50176x32xf32, #tpu.memory_space<hbm>> -> memref<50176x32xf32, #tpu.memory_space<hbm>>
        tpu.enqueue_indirect_dma source(%dma_start3A_70 : memref<50176x32xf32, #tpu.memory_space<hbm>>) target(%arg8 : memref<128x32xf32, #tpu.memory_space<vmem>>) offsets(%arg6 : memref<128xi32, #tpu.memory_space<vmem>>) semaphore(%run_scoped3A_68 : memref<!tpu.dma_semaphore, #tpu.memory_space<semaphore_mem>>)
        %dma_wait3A = arith.constant 0 : i32
        %dma_wait3A_71 = arith.constant 0 : i32
        %dma_wait3A_72 = tpu.memref_slice %arg3[%dma_wait3A, %dma_wait3A_71] : memref<50176x32xf32, #tpu.memory_space<hbm>> -> memref<50176x32xf32, #tpu.memory_space<hbm>>
        tpu.wait_indirect_dma semaphore(%run_scoped3A_68 : memref<!tpu.dma_semaphore, #tpu.memory_space<semaphore_mem>>) src(%dma_wait3A_72 : memref<50176x32xf32, #tpu.memory_space<hbm>>) dst(%arg8 : memref<128x32xf32, #tpu.memory_space<vmem>>)
        tpu.yield
      }) : () -> ()
      "tpu.region"() ({
        %run_scoped3A_68 = tpu.sem_alloc : memref<!tpu.dma_semaphore, #tpu.memory_space<semaphore_mem>>
        %dma_start3A = arith.constant 0 : i32
        %dma_start3A_69 = tpu.memref_slice %arg4[%mul3A_58, %dma_start3A] : memref<800128x16xf32, #tpu.memory_space<hbm>> -> memref<128x16xf32, #tpu.memory_space<hbm>>
        %dma_start3A_70 = arith.constant 0 : i32
        %dma_start3A_71 = tpu.memref_slice %arg4[%mul3A_58, %dma_start3A_70] : memref<800128x16xf32, #tpu.memory_space<hbm>> -> memref<128x16xf32, #tpu.memory_space<hbm>>
        tpu.enqueue_dma source(%dma_start3A_71 : memref<128x16xf32, #tpu.memory_space<hbm>>) target(%arg9 : memref<128x16xf32, #tpu.memory_space<vmem>>) target_semaphore(%run_scoped3A_68 : memref<!tpu.dma_semaphore, #tpu.memory_space<semaphore_mem>>)
        %dma_wait3A = arith.constant 0 : i32
        %dma_wait3A_72 = tpu.memref_slice %arg4[%mul3A_58, %dma_wait3A] : memref<800128x16xf32, #tpu.memory_space<hbm>> -> memref<128x16xf32, #tpu.memory_space<hbm>>
        %dma_wait3A_73 = arith.constant 0 : i32
        %dma_wait3A_74 = tpu.memref_slice %arg4[%mul3A_58, %dma_wait3A_73] : memref<800128x16xf32, #tpu.memory_space<hbm>> -> memref<128x16xf32, #tpu.memory_space<hbm>>
        tpu.wait_dma2 semaphore(%run_scoped3A_68 : memref<!tpu.dma_semaphore, #tpu.memory_space<semaphore_mem>>) src(%dma_wait3A_74 : memref<128x16xf32, #tpu.memory_space<hbm>>) dst(%arg9 : memref<128x16xf32, #tpu.memory_space<vmem>>)
        tpu.yield
      }) : () -> ()
      %scan3A_60 = arith.constant 0 : i32
      %scan3A_61 = arith.constant 0 : i32
      %scan3A_62 = arith.constant 128 : i32
      %scan3A_63 = arith.addi %scan3A_61, %scan3A_62 : i32
      %scan3A_64 = arith.constant 1 : i32
      %scan3A_65 = scf.for %scan3A_68 = %scan3A_61 to %scan3A_63 step %scan3A_64 iter_args(%scan3A_69 = %scan3A_60) -> (i32)  : i32 {
        %get3A = arith.index_cast %scan3A_68 : i32 to index
        %get3A_70 = arith.constant 0 : index
        %get3A_71 = tpu.vector_load %arg9[%get3A, %get3A_70] {strides = array<i32>} : memref<128x16xf32, #tpu.memory_space<vmem>>, vector<1x16xf32>,
        %get3A_72 = vector.shape_cast %get3A_71 : vector<1x16xf32> to vector<16xf32>
        %slice3A = vector.extract_strided_slice %get3A_72 {offsets = [2], sizes = [1], strides = [1]} : vector<16xf32> to vector<1xf32>
        %squeeze3A = vector.extract %slice3A[0] : f32 from vector<1xf32>
        %broadcast_in_dim3A = vector.broadcast %squeeze3A : f32 to vector<16xf32>
        %slice3A_73 = vector.extract_strided_slice %get3A_72 {offsets = [3], sizes = [1], strides = [1]} : vector<16xf32> to vector<1xf32>
        %squeeze3A_74 = vector.extract %slice3A_73[0] : f32 from vector<1xf32>
        %broadcast_in_dim3A_75 = vector.broadcast %squeeze3A_74 : f32 to vector<16xf32>
        %get3A_76 = arith.index_cast %scan3A_68 : i32 to index
        %get3A_77 = arith.constant 0 : index
        %get3A_78 = tpu.vector_load %arg8[%get3A_76, %get3A_77] {strides = array<i32>} : memref<128x32xf32, #tpu.memory_space<vmem>>, vector<1x16xf32>,
        %get3A_79 = vector.shape_cast %get3A_78 : vector<1x16xf32> to vector<16xf32>
        %mul3A_80 = arith.mulf %get3A_79, %broadcast_in_dim3A : vector<16xf32>
        %swap3A = arith.index_cast %scan3A_68 : i32 to index
        %swap3A_81 = arith.constant 0 : index
        %swap3A_82 = tpu.vector_load %arg10[%swap3A, %swap3A_81] {strides = array<i32>} : memref<128x32xf32, #tpu.memory_space<vmem>>, vector<1x16xf32>,
        %swap3A_83 = vector.shape_cast %swap3A_82 : vector<1x16xf32> to vector<16xf32>
        %swap3A_84 = vector.shape_cast %mul3A_80 : vector<16xf32> to vector<1x16xf32>
        tpu.vector_store %arg10[%swap3A, %swap3A_81], %swap3A_84 {strides = array<i32>} : memref<128x32xf32, #tpu.memory_space<vmem>>, vector<1x16xf32>,
        %get3A_85 = arith.index_cast %scan3A_68 : i32 to index
        %get3A_86 = arith.constant 16 : index
        %get3A_87 = tpu.vector_load %arg8[%get3A_85, %get3A_86] {strides = array<i32>} : memref<128x32xf32, #tpu.memory_space<vmem>>, vector<1x16xf32>,
        %get3A_88 = vector.shape_cast %get3A_87 : vector<1x16xf32> to vector<16xf32>
        %mul3A_89 = arith.mulf %get3A_88, %broadcast_in_dim3A_75 : vector<16xf32>
        %swap3A_90 = arith.index_cast %scan3A_68 : i32 to index
        %swap3A_91 = arith.constant 16 : index
        %swap3A_92 = tpu.vector_load %arg10[%swap3A_90, %swap3A_91] {strides = array<i32>} : memref<128x32xf32, #tpu.memory_space<vmem>>, vector<1x16xf32>,
        %swap3A_93 = vector.shape_cast %swap3A_92 : vector<1x16xf32> to vector<16xf32>
        %swap3A_94 = vector.shape_cast %mul3A_89 : vector<16xf32> to vector<1x16xf32>
        tpu.vector_store %arg10[%swap3A_90, %swap3A_91], %swap3A_94 {strides = array<i32>} : memref<128x32xf32, #tpu.memory_space<vmem>>, vector<1x16xf32>,
        %scan3A_95 = arith.constant 0 : i32
        scf.yield %scan3A_95 : i32
      }
      %scan3A_66 = arith.constant 128 : i32
      "tpu.region"() ({
        %run_scoped3A_68 = tpu.sem_alloc : memref<!tpu.dma_semaphore, #tpu.memory_space<semaphore_mem>>
        %dma_start3A = arith.constant 0 : i32
        %dma_start3A_69 = arith.constant 0 : i32
        %dma_start3A_70 = tpu.memref_slice %arg12[%dma_start3A, %dma_start3A_69] : memref<50176x32xf32, #tpu.memory_space<vmem_shared>> -> memref<50176x32xf32, #tpu.memory_space<vmem_shared>>
        tpu.enqueue_indirect_dma source(%arg10 : memref<128x32xf32, #tpu.memory_space<vmem>>) target(%dma_start3A_70 : memref<50176x32xf32, #tpu.memory_space<vmem_shared>>) offsets(%arg7 : memref<128xi32, #tpu.memory_space<vmem>>) semaphore(%run_scoped3A_68 : memref<!tpu.dma_semaphore, #tpu.memory_space<semaphore_mem>>) {add = true}
        %dma_wait3A = arith.constant 0 : i32
        %dma_wait3A_71 = arith.constant 0 : i32
        %dma_wait3A_72 = tpu.memref_slice %arg12[%dma_wait3A, %dma_wait3A_71] : memref<50176x32xf32, #tpu.memory_space<vmem_shared>> -> memref<50176x32xf32, #tpu.memory_space<vmem_shared>>
        tpu.wait_indirect_dma semaphore(%run_scoped3A_68 : memref<!tpu.dma_semaphore, #tpu.memory_space<semaphore_mem>>) src(%arg10 : memref<128x32xf32, #tpu.memory_space<vmem>>) dst(%dma_wait3A_72 : memref<50176x32xf32, #tpu.memory_space<vmem_shared>>)
        tpu.yield
      }) : () -> ()
      %while3A_67 = arith.constant 0 : i32
      scf.yield %while3A_67 : i32
    }
    %barrier3A_47 = arith.constant 0 : index
    tpu.barrier barrier_id(%barrier3A_47)
    %mul3A_48 = arith.constant 3136 : i32
    %mul3A_49 = arith.muli %arg1, %mul3A_48 : i32
    %mul3A_50 = arith.constant 3136 : i32
    %mul3A_51 = arith.muli %arg1, %mul3A_50 : i32
    "tpu.region"() ({
      %run_scoped3A = tpu.sem_alloc : memref<!tpu.dma_semaphore, #tpu.memory_space<semaphore_mem>>
      %dma_start3A = arith.constant 0 : i32
      %dma_start3A_52 = tpu.memref_slice %arg5[%arg0, %mul3A_51, %dma_start3A] : memref<2x50176x32xf32, #tpu.memory_space<hbm>> -> memref<1x3136x32xf32, #tpu.memory_space<hbm>>
      %dma_start3A_53 = tpu.memref_squeeze %dma_start3A_52 : memref<1x3136x32xf32, #tpu.memory_space<hbm>> -> memref<3136x32xf32, #tpu.memory_space<hbm>>
      %dma_start3A_54 = arith.constant 0 : i32
      %dma_start3A_55 = tpu.memref_slice %arg12[%mul3A_49, %dma_start3A_54] : memref<50176x32xf32, #tpu.memory_space<vmem_shared>> -> memref<3136x32xf32, #tpu.memory_space<vmem_shared>>
      tpu.enqueue_dma source(%dma_start3A_55 : memref<3136x32xf32, #tpu.memory_space<vmem_shared>>) target(%dma_start3A_53 : memref<3136x32xf32, #tpu.memory_space<hbm>>) target_semaphore(%run_scoped3A : memref<!tpu.dma_semaphore, #tpu.memory_space<semaphore_mem>>)
      %dma_wait3A = arith.constant 0 : i32
      %dma_wait3A_56 = tpu.memref_slice %arg5[%arg0, %mul3A_51, %dma_wait3A] : memref<2x50176x32xf32, #tpu.memory_space<hbm>> -> memref<1x3136x32xf32, #tpu.memory_space<hbm>>
      %dma_wait3A_57 = tpu.memref_squeeze %dma_wait3A_56 : memref<1x3136x32xf32, #tpu.memory_space<hbm>> -> memref<3136x32xf32, #tpu.memory_space<hbm>>
      %dma_wait3A_58 = arith.constant 0 : i32
      %dma_wait3A_59 = tpu.memref_slice %arg12[%mul3A_49, %dma_wait3A_58] : memref<50176x32xf32, #tpu.memory_space<vmem_shared>> -> memref<3136x32xf32, #tpu.memory_space<vmem_shared>>
      tpu.wait_dma2 semaphore(%run_scoped3A : memref<!tpu.dma_semaphore, #tpu.memory_space<semaphore_mem>>) src(%dma_wait3A_59 : memref<3136x32xf32, #tpu.memory_space<vmem_shared>>) dst(%dma_wait3A_57 : memref<3136x32xf32, #tpu.memory_space<hbm>>)
      tpu.yield
    }) : () -> ()
    return
  }
}

#map = affine_map<(d0, d1) -> (0, 0)>
#map1 = affine_map<(d0, d1) -> (0, 0, 0)>
module attributes {stable_mosaic.version = 14 : i64} {
  func.func @_alpha_body(%arg0: i32, %arg1: i32, %arg2: memref<2x800128xi32, #tpu.memory_space<hbm>>, %arg3: memref<50176x16xf32, #tpu.memory_space<hbm>>, %arg4: memref<50176x16xf32, #tpu.memory_space<hbm>>, %arg5: memref<800128x16xf32, #tpu.memory_space<hbm>>, %arg6: memref<2x50176x16xf32, #tpu.memory_space<hbm>>, %arg7: memref<128xi32, #tpu.memory_space<vmem>>, %arg8: memref<128xi32, #tpu.memory_space<vmem>>, %arg9: memref<128x16xf32, #tpu.memory_space<vmem>>, %arg10: memref<128x16xf32, #tpu.memory_space<vmem>>, %arg11: memref<128x16xf32, #tpu.memory_space<vmem>>, %arg12: memref<448x16xf32, #tpu.memory_space<vmem>>, %arg13: memref<50176x16xf32, #tpu.memory_space<vmem_shared>>) attributes {dimension_semantics = [#tpu.dimension_semantics<core_parallel>, #tpu.dimension_semantics<subcore_parallel>], iteration_bounds = array<i64: 2, 16>, scalar_prefetch = 0 : i64, scratch_operands = 7 : i64, tpu.core_type = #tpu.core_type<sc_vector_subcore>, window_params = [{transform_indices = #map}, {transform_indices = #map}, {transform_indices = #map}, {transform_indices = #map}, {transform_indices = #map1}]} {
    %mul3A = arith.constant 2 : i32
    %mul3A_0 = arith.muli %arg1, %mul3A : i32
    %add3A = arith.addi %mul3A_0, %arg0 : i32
    %scan3A = arith.constant 0 : i32
    %scan3A_1 = arith.constant 0 : i32
    %scan3A_2 = arith.constant 448 : i32
    %scan3A_3 = arith.addi %scan3A_1, %scan3A_2 : i32
    %scan3A_4 = arith.constant 1 : i32
    %scan3A_5 = scf.for %scan3A_52 = %scan3A_1 to %scan3A_3 step %scan3A_4 iter_args(%scan3A_53 = %scan3A) -> (i32)  : i32 {
      %broadcast_in_dim3A = arith.constant 0.000000e+00 : f32
      %broadcast_in_dim3A_54 = vector.broadcast %broadcast_in_dim3A : f32 to vector<16xf32>
      %swap3A = arith.index_cast %scan3A_52 : i32 to index
      %swap3A_55 = arith.constant 0 : index
      %swap3A_56 = tpu.vector_load %arg12[%swap3A, %swap3A_55] {strides = array<i32>} : memref<448x16xf32, #tpu.memory_space<vmem>>, vector<1x16xf32>,
      %swap3A_57 = vector.shape_cast %swap3A_56 : vector<1x16xf32> to vector<16xf32>
      %swap3A_58 = vector.shape_cast %broadcast_in_dim3A_54 : vector<16xf32> to vector<1x16xf32>
      tpu.vector_store %arg12[%swap3A, %swap3A_55], %swap3A_58 {strides = array<i32>} : memref<448x16xf32, #tpu.memory_space<vmem>>, vector<1x16xf32>,
      %scan3A_59 = arith.constant 0 : i32
      scf.yield %scan3A_59 : i32
    }
    %scan3A_6 = arith.constant 448 : i32
    %scan3A_7 = arith.constant 0 : i32
    %scan3A_8 = arith.constant 0 : i32
    %scan3A_9 = arith.constant 7 : i32
    %scan3A_10 = arith.addi %scan3A_8, %scan3A_9 : i32
    %scan3A_11 = arith.constant 1 : i32
    %scan3A_12 = scf.for %scan3A_52 = %scan3A_8 to %scan3A_10 step %scan3A_11 iter_args(%scan3A_53 = %scan3A_7) -> (i32)  : i32 {
      %mul3A_54 = arith.constant 3136 : i32
      %mul3A_55 = arith.muli %arg1, %mul3A_54 : i32
      %mul3A_56 = arith.constant 448 : i32
      %mul3A_57 = arith.muli %scan3A_52, %mul3A_56 : i32
      %add3A_58 = arith.addi %mul3A_55, %mul3A_57 : i32
      "tpu.region"() ({
        %run_scoped3A = tpu.sem_alloc : memref<!tpu.dma_semaphore, #tpu.memory_space<semaphore_mem>>
        %dma_start3A = arith.constant 0 : i32
        %dma_start3A_60 = tpu.memref_slice %arg13[%add3A_58, %dma_start3A] : memref<50176x16xf32, #tpu.memory_space<vmem_shared>> -> memref<448x16xf32, #tpu.memory_space<vmem_shared>>
        %dma_start3A_61 = arith.constant 0 : i32
        %dma_start3A_62 = tpu.memref_slice %arg13[%add3A_58, %dma_start3A_61] : memref<50176x16xf32, #tpu.memory_space<vmem_shared>> -> memref<448x16xf32, #tpu.memory_space<vmem_shared>>
        tpu.enqueue_dma source(%arg12 : memref<448x16xf32, #tpu.memory_space<vmem>>) target(%dma_start3A_62 : memref<448x16xf32, #tpu.memory_space<vmem_shared>>) target_semaphore(%run_scoped3A : memref<!tpu.dma_semaphore, #tpu.memory_space<semaphore_mem>>)
        %dma_wait3A = arith.constant 0 : i32
        %dma_wait3A_63 = tpu.memref_slice %arg13[%add3A_58, %dma_wait3A] : memref<50176x16xf32, #tpu.memory_space<vmem_shared>> -> memref<448x16xf32, #tpu.memory_space<vmem_shared>>
        %dma_wait3A_64 = arith.constant 0 : i32
        %dma_wait3A_65 = tpu.memref_slice %arg13[%add3A_58, %dma_wait3A_64] : memref<50176x16xf32, #tpu.memory_space<vmem_shared>> -> memref<448x16xf32, #tpu.memory_space<vmem_shared>>
        tpu.wait_dma2 semaphore(%run_scoped3A : memref<!tpu.dma_semaphore, #tpu.memory_space<semaphore_mem>>) src(%arg12 : memref<448x16xf32, #tpu.memory_space<vmem>>) dst(%dma_wait3A_65 : memref<448x16xf32, #tpu.memory_space<vmem_shared>>)
        tpu.yield
      }) : () -> ()
      %scan3A_59 = arith.constant 0 : i32
      scf.yield %scan3A_59 : i32
    }
    %scan3A_13 = arith.constant 7 : i32
    %barrier3A = arith.constant 0 : index
    tpu.barrier barrier_id(%barrier3A)
    %sub3A = arith.constant 6251 : i32
    %sub3A_14 = arith.subi %sub3A, %add3A : i32
    %add3A_15 = arith.constant 32 : i32
    %add3A_16 = arith.addi %sub3A_14, %add3A_15 : i32
    %sub3A_17 = arith.constant 1 : i32
    %sub3A_18 = arith.subi %add3A_16, %sub3A_17 : i32
    %jit3A = arith.constant 32 : i32
    %div3A = arith.divsi %sub3A_18, %jit3A : i32
    %sign3A = arith.constant 0 : i32
    %sign3A_19 = arith.cmpi sgt, %sub3A_18, %sign3A : i32
    %sign3A_20 = arith.extui %sign3A_19 : i1 to i32
    %sign3A_21 = arith.constant 0 : i32
    %sign3A_22 = arith.cmpi slt, %sub3A_18, %sign3A_21 : i32
    %sign3A_23 = arith.extui %sign3A_22 : i1 to i32
    %sign3A_24 = arith.subi %sign3A_20, %sign3A_23 : i32
    %sign3A_25 = arith.constant 0 : i32
    %sign3A_26 = arith.cmpi sgt, %jit3A, %sign3A_25 : i32
    %sign3A_27 = arith.extui %sign3A_26 : i1 to i32
    %sign3A_28 = arith.constant 0 : i32
    %sign3A_29 = arith.cmpi slt, %jit3A, %sign3A_28 : i32
    %sign3A_30 = arith.extui %sign3A_29 : i1 to i32
    %sign3A_31 = arith.subi %sign3A_27, %sign3A_30 : i32
    %ne3A = arith.cmpi ne, %sign3A_24, %sign3A_31 : i32
    %rem3A = arith.remsi %sub3A_18, %jit3A : i32
    %ne3A_32 = arith.constant 0 : i32
    %ne3A_33 = arith.cmpi ne, %rem3A, %ne3A_32 : i32
    %and3A = arith.andi %ne3A, %ne3A_33 : i1
    %sub3A_34 = arith.constant 1 : i32
    %sub3A_35 = arith.subi %div3A, %sub3A_34 : i32
    %select_n3A = arith.select %and3A, %sub3A_35, %div3A : i32
    %while3A = arith.constant 0 : i32
    %while3A_36 = arith.constant 0 : i32
    %while3A_37 = arith.subi %select_n3A, %while3A : i32
    %while3A_38 = arith.addi %while3A, %while3A_37 : i32
    %while3A_39 = arith.constant 1 : i32
    %while3A_40 = arith.divsi %while3A_37, %while3A_39 : i32
    %while3A_41 = arith.muli %while3A_40, %while3A_39 : i32
    %while3A_42 = arith.addi %while3A, %while3A_41 : i32
    %while3A_43 = arith.constant 1 : i32
    %while3A_44 = scf.for %while3A_52 = %while3A to %while3A_42 step %while3A_43 iter_args(%while3A_53 = %while3A_36) -> (i32)  : i32 {
      %mul3A_54 = arith.constant 32 : i32
      %mul3A_55 = arith.muli %mul3A_54, %while3A_52 : i32
      %add3A_56 = arith.addi %add3A, %mul3A_55 : i32
      %mul3A_57 = arith.constant 128 : i32
      %mul3A_58 = arith.muli %add3A_56, %mul3A_57 : i32
      %run_scoped3A = arith.constant 0 : i32
      "tpu.region"() ({
        %run_scoped3A_68 = tpu.sem_alloc : memref<!tpu.dma_semaphore, #tpu.memory_space<semaphore_mem>>
        %dma_start3A = tpu.memref_slice %arg2[%run_scoped3A, %mul3A_58] : memref<2x800128xi32, #tpu.memory_space<hbm>> -> memref<1x128xi32, #tpu.memory_space<hbm>>
        %dma_start3A_69 = tpu.memref_squeeze %dma_start3A : memref<1x128xi32, #tpu.memory_space<hbm>> -> memref<128xi32, #tpu.memory_space<hbm>>
        %dma_start3A_70 = tpu.memref_slice %arg2[%run_scoped3A, %mul3A_58] : memref<2x800128xi32, #tpu.memory_space<hbm>> -> memref<1x128xi32, #tpu.memory_space<hbm>>
        %dma_start3A_71 = tpu.memref_squeeze %dma_start3A_70 : memref<1x128xi32, #tpu.memory_space<hbm>> -> memref<128xi32, #tpu.memory_space<hbm>>
        tpu.enqueue_dma source(%dma_start3A_71 : memref<128xi32, #tpu.memory_space<hbm>>) target(%arg7 : memref<128xi32, #tpu.memory_space<vmem>>) target_semaphore(%run_scoped3A_68 : memref<!tpu.dma_semaphore, #tpu.memory_space<semaphore_mem>>)
        %dma_wait3A = tpu.memref_slice %arg2[%run_scoped3A, %mul3A_58] : memref<2x800128xi32, #tpu.memory_space<hbm>> -> memref<1x128xi32, #tpu.memory_space<hbm>>
        %dma_wait3A_72 = tpu.memref_squeeze %dma_wait3A : memref<1x128xi32, #tpu.memory_space<hbm>> -> memref<128xi32, #tpu.memory_space<hbm>>
        %dma_wait3A_73 = tpu.memref_slice %arg2[%run_scoped3A, %mul3A_58] : memref<2x800128xi32, #tpu.memory_space<hbm>> -> memref<1x128xi32, #tpu.memory_space<hbm>>
        %dma_wait3A_74 = tpu.memref_squeeze %dma_wait3A_73 : memref<1x128xi32, #tpu.memory_space<hbm>> -> memref<128xi32, #tpu.memory_space<hbm>>
        tpu.wait_dma2 semaphore(%run_scoped3A_68 : memref<!tpu.dma_semaphore, #tpu.memory_space<semaphore_mem>>) src(%dma_wait3A_74 : memref<128xi32, #tpu.memory_space<hbm>>) dst(%arg7 : memref<128xi32, #tpu.memory_space<vmem>>)
        tpu.yield
      }) : () -> ()
      %run_scoped3A_59 = arith.constant 1 : i32
      "tpu.region"() ({
        %run_scoped3A_68 = tpu.sem_alloc : memref<!tpu.dma_semaphore, #tpu.memory_space<semaphore_mem>>
        %dma_start3A = tpu.memref_slice %arg2[%run_scoped3A_59, %mul3A_58] : memref<2x800128xi32, #tpu.memory_space<hbm>> -> memref<1x128xi32, #tpu.memory_space<hbm>>
        %dma_start3A_69 = tpu.memref_squeeze %dma_start3A : memref<1x128xi32, #tpu.memory_space<hbm>> -> memref<128xi32, #tpu.memory_space<hbm>>
        %dma_start3A_70 = tpu.memref_slice %arg2[%run_scoped3A_59, %mul3A_58] : memref<2x800128xi32, #tpu.memory_space<hbm>> -> memref<1x128xi32, #tpu.memory_space<hbm>>
        %dma_start3A_71 = tpu.memref_squeeze %dma_start3A_70 : memref<1x128xi32, #tpu.memory_space<hbm>> -> memref<128xi32, #tpu.memory_space<hbm>>
        tpu.enqueue_dma source(%dma_start3A_71 : memref<128xi32, #tpu.memory_space<hbm>>) target(%arg8 : memref<128xi32, #tpu.memory_space<vmem>>) target_semaphore(%run_scoped3A_68 : memref<!tpu.dma_semaphore, #tpu.memory_space<semaphore_mem>>)
        %dma_wait3A = tpu.memref_slice %arg2[%run_scoped3A_59, %mul3A_58] : memref<2x800128xi32, #tpu.memory_space<hbm>> -> memref<1x128xi32, #tpu.memory_space<hbm>>
        %dma_wait3A_72 = tpu.memref_squeeze %dma_wait3A : memref<1x128xi32, #tpu.memory_space<hbm>> -> memref<128xi32, #tpu.memory_space<hbm>>
        %dma_wait3A_73 = tpu.memref_slice %arg2[%run_scoped3A_59, %mul3A_58] : memref<2x800128xi32, #tpu.memory_space<hbm>> -> memref<1x128xi32, #tpu.memory_space<hbm>>
        %dma_wait3A_74 = tpu.memref_squeeze %dma_wait3A_73 : memref<1x128xi32, #tpu.memory_space<hbm>> -> memref<128xi32, #tpu.memory_space<hbm>>
        tpu.wait_dma2 semaphore(%run_scoped3A_68 : memref<!tpu.dma_semaphore, #tpu.memory_space<semaphore_mem>>) src(%dma_wait3A_74 : memref<128xi32, #tpu.memory_space<hbm>>) dst(%arg8 : memref<128xi32, #tpu.memory_space<vmem>>)
        tpu.yield
      }) : () -> ()
      "tpu.region"() ({
        %run_scoped3A_68 = tpu.sem_alloc : memref<!tpu.dma_semaphore, #tpu.memory_space<semaphore_mem>>
        %dma_start3A = arith.constant 0 : i32
        %dma_start3A_69 = arith.constant 0 : i32
        %dma_start3A_70 = tpu.memref_slice %arg3[%dma_start3A, %dma_start3A_69] : memref<50176x16xf32, #tpu.memory_space<hbm>> -> memref<50176x16xf32, #tpu.memory_space<hbm>>
        tpu.enqueue_indirect_dma source(%dma_start3A_70 : memref<50176x16xf32, #tpu.memory_space<hbm>>) target(%arg9 : memref<128x16xf32, #tpu.memory_space<vmem>>) offsets(%arg7 : memref<128xi32, #tpu.memory_space<vmem>>) semaphore(%run_scoped3A_68 : memref<!tpu.dma_semaphore, #tpu.memory_space<semaphore_mem>>)
        %dma_wait3A = arith.constant 0 : i32
        %dma_wait3A_71 = arith.constant 0 : i32
        %dma_wait3A_72 = tpu.memref_slice %arg3[%dma_wait3A, %dma_wait3A_71] : memref<50176x16xf32, #tpu.memory_space<hbm>> -> memref<50176x16xf32, #tpu.memory_space<hbm>>
        tpu.wait_indirect_dma semaphore(%run_scoped3A_68 : memref<!tpu.dma_semaphore, #tpu.memory_space<semaphore_mem>>) src(%dma_wait3A_72 : memref<50176x16xf32, #tpu.memory_space<hbm>>) dst(%arg9 : memref<128x16xf32, #tpu.memory_space<vmem>>)
        tpu.yield
      }) : () -> ()
      "tpu.region"() ({
        %run_scoped3A_68 = tpu.sem_alloc : memref<!tpu.dma_semaphore, #tpu.memory_space<semaphore_mem>>
        %dma_start3A = arith.constant 0 : i32
        %dma_start3A_69 = arith.constant 0 : i32
        %dma_start3A_70 = tpu.memref_slice %arg4[%dma_start3A, %dma_start3A_69] : memref<50176x16xf32, #tpu.memory_space<hbm>> -> memref<50176x16xf32, #tpu.memory_space<hbm>>
        tpu.enqueue_indirect_dma source(%dma_start3A_70 : memref<50176x16xf32, #tpu.memory_space<hbm>>) target(%arg10 : memref<128x16xf32, #tpu.memory_space<vmem>>) offsets(%arg8 : memref<128xi32, #tpu.memory_space<vmem>>) semaphore(%run_scoped3A_68 : memref<!tpu.dma_semaphore, #tpu.memory_space<semaphore_mem>>)
        %dma_wait3A = arith.constant 0 : i32
        %dma_wait3A_71 = arith.constant 0 : i32
        %dma_wait3A_72 = tpu.memref_slice %arg4[%dma_wait3A, %dma_wait3A_71] : memref<50176x16xf32, #tpu.memory_space<hbm>> -> memref<50176x16xf32, #tpu.memory_space<hbm>>
        tpu.wait_indirect_dma semaphore(%run_scoped3A_68 : memref<!tpu.dma_semaphore, #tpu.memory_space<semaphore_mem>>) src(%dma_wait3A_72 : memref<50176x16xf32, #tpu.memory_space<hbm>>) dst(%arg10 : memref<128x16xf32, #tpu.memory_space<vmem>>)
        tpu.yield
      }) : () -> ()
      %scan3A_60 = arith.constant 0 : i32
      %scan3A_61 = arith.constant 0 : i32
      %scan3A_62 = arith.constant 128 : i32
      %scan3A_63 = arith.addi %scan3A_61, %scan3A_62 : i32
      %scan3A_64 = arith.constant 1 : i32
      %scan3A_65 = scf.for %scan3A_68 = %scan3A_61 to %scan3A_63 step %scan3A_64 iter_args(%scan3A_69 = %scan3A_60) -> (i32)  : i32 {
        %get3A = arith.index_cast %scan3A_68 : i32 to index
        %get3A_70 = arith.constant 0 : index
        %get3A_71 = tpu.vector_load %arg9[%get3A, %get3A_70] {strides = array<i32>} : memref<128x16xf32, #tpu.memory_space<vmem>>, vector<1x16xf32>,
        %get3A_72 = vector.shape_cast %get3A_71 : vector<1x16xf32> to vector<16xf32>
        %get3A_73 = arith.index_cast %scan3A_68 : i32 to index
        %get3A_74 = arith.constant 0 : index
        %get3A_75 = tpu.vector_load %arg10[%get3A_73, %get3A_74] {strides = array<i32>} : memref<128x16xf32, #tpu.memory_space<vmem>>, vector<1x16xf32>,
        %get3A_76 = vector.shape_cast %get3A_75 : vector<1x16xf32> to vector<16xf32>
        %add3A_77 = arith.addf %get3A_72, %get3A_76 : vector<16xf32>
        %gt3A = arith.constant 0.000000e+00 : f32
        %gt3A_78 = vector.broadcast %gt3A : f32 to vector<16xf32>
        %gt3A_79 = arith.cmpf ogt, %add3A_77, %gt3A_78 : vector<16xf32>
        %mul3A_80 = arith.constant 2.000000e-01 : f32
        %mul3A_81 = vector.broadcast %mul3A_80 : f32 to vector<16xf32>
        %mul3A_82 = arith.mulf %mul3A_81, %add3A_77 : vector<16xf32>
        %select_n3A_83 = arith.select %gt3A_79, %add3A_77, %mul3A_82 : vector<16xi1>, vector<16xf32>
        %exp3A = math.exp %select_n3A_83 : vector<16xf32>
        %swap3A = arith.index_cast %scan3A_68 : i32 to index
        %swap3A_84 = arith.constant 0 : index
        %swap3A_85 = tpu.vector_load %arg11[%swap3A, %swap3A_84] {strides = array<i32>} : memref<128x16xf32, #tpu.memory_space<vmem>>, vector<1x16xf32>,
        %swap3A_86 = vector.shape_cast %swap3A_85 : vector<1x16xf32> to vector<16xf32>
        %swap3A_87 = vector.shape_cast %exp3A : vector<16xf32> to vector<1x16xf32>
        tpu.vector_store %arg11[%swap3A, %swap3A_84], %swap3A_87 {strides = array<i32>} : memref<128x16xf32, #tpu.memory_space<vmem>>, vector<1x16xf32>,
        %scan3A_88 = arith.constant 0 : i32
        scf.yield %scan3A_88 : i32
      }
      %scan3A_66 = arith.constant 128 : i32
      "tpu.region"() ({
        %run_scoped3A_68 = tpu.sem_alloc : memref<!tpu.dma_semaphore, #tpu.memory_space<semaphore_mem>>
        %dma_start3A = arith.constant 0 : i32
        %dma_start3A_69 = tpu.memref_slice %arg5[%mul3A_58, %dma_start3A] : memref<800128x16xf32, #tpu.memory_space<hbm>> -> memref<128x16xf32, #tpu.memory_space<hbm>>
        %dma_start3A_70 = arith.constant 0 : i32
        %dma_start3A_71 = tpu.memref_slice %arg5[%mul3A_58, %dma_start3A_70] : memref<800128x16xf32, #tpu.memory_space<hbm>> -> memref<128x16xf32, #tpu.memory_space<hbm>>
        tpu.enqueue_dma source(%arg11 : memref<128x16xf32, #tpu.memory_space<vmem>>) target(%dma_start3A_71 : memref<128x16xf32, #tpu.memory_space<hbm>>) target_semaphore(%run_scoped3A_68 : memref<!tpu.dma_semaphore, #tpu.memory_space<semaphore_mem>>)
        %dma_wait3A = arith.constant 0 : i32
        %dma_wait3A_72 = tpu.memref_slice %arg5[%mul3A_58, %dma_wait3A] : memref<800128x16xf32, #tpu.memory_space<hbm>> -> memref<128x16xf32, #tpu.memory_space<hbm>>
        %dma_wait3A_73 = arith.constant 0 : i32
        %dma_wait3A_74 = tpu.memref_slice %arg5[%mul3A_58, %dma_wait3A_73] : memref<800128x16xf32, #tpu.memory_space<hbm>> -> memref<128x16xf32, #tpu.memory_space<hbm>>
        tpu.wait_dma2 semaphore(%run_scoped3A_68 : memref<!tpu.dma_semaphore, #tpu.memory_space<semaphore_mem>>) src(%arg11 : memref<128x16xf32, #tpu.memory_space<vmem>>) dst(%dma_wait3A_74 : memref<128x16xf32, #tpu.memory_space<hbm>>)
        tpu.yield
      }) : () -> ()
      "tpu.region"() ({
        %run_scoped3A_68 = tpu.sem_alloc : memref<!tpu.dma_semaphore, #tpu.memory_space<semaphore_mem>>
        %dma_start3A = arith.constant 0 : i32
        %dma_start3A_69 = arith.constant 0 : i32
        %dma_start3A_70 = tpu.memref_slice %arg13[%dma_start3A, %dma_start3A_69] : memref<50176x16xf32, #tpu.memory_space<vmem_shared>> -> memref<50176x16xf32, #tpu.memory_space<vmem_shared>>
        tpu.enqueue_indirect_dma source(%arg11 : memref<128x16xf32, #tpu.memory_space<vmem>>) target(%dma_start3A_70 : memref<50176x16xf32, #tpu.memory_space<vmem_shared>>) offsets(%arg8 : memref<128xi32, #tpu.memory_space<vmem>>) semaphore(%run_scoped3A_68 : memref<!tpu.dma_semaphore, #tpu.memory_space<semaphore_mem>>) {add = true}
        %dma_wait3A = arith.constant 0 : i32
        %dma_wait3A_71 = arith.constant 0 : i32
        %dma_wait3A_72 = tpu.memref_slice %arg13[%dma_wait3A, %dma_wait3A_71] : memref<50176x16xf32, #tpu.memory_space<vmem_shared>> -> memref<50176x16xf32, #tpu.memory_space<vmem_shared>>
        tpu.wait_indirect_dma semaphore(%run_scoped3A_68 : memref<!tpu.dma_semaphore, #tpu.memory_space<semaphore_mem>>) src(%arg11 : memref<128x16xf32, #tpu.memory_space<vmem>>) dst(%dma_wait3A_72 : memref<50176x16xf32, #tpu.memory_space<vmem_shared>>)
        tpu.yield
      }) : () -> ()
      %while3A_67 = arith.constant 0 : i32
      scf.yield %while3A_67 : i32
    }
    %while3A_45 = arith.constant 1 : i32
    %while3A_46 = scf.for %while3A_52 = %while3A_42 to %while3A_38 step %while3A_45 iter_args(%while3A_53 = %while3A_44) -> (i32)  : i32 {
      %mul3A_54 = arith.constant 32 : i32
      %mul3A_55 = arith.muli %mul3A_54, %while3A_52 : i32
      %add3A_56 = arith.addi %add3A, %mul3A_55 : i32
      %mul3A_57 = arith.constant 128 : i32
      %mul3A_58 = arith.muli %add3A_56, %mul3A_57 : i32
      %run_scoped3A = arith.constant 0 : i32
      "tpu.region"() ({
        %run_scoped3A_68 = tpu.sem_alloc : memref<!tpu.dma_semaphore, #tpu.memory_space<semaphore_mem>>
        %dma_start3A = tpu.memref_slice %arg2[%run_scoped3A, %mul3A_58] : memref<2x800128xi32, #tpu.memory_space<hbm>> -> memref<1x128xi32, #tpu.memory_space<hbm>>
        %dma_start3A_69 = tpu.memref_squeeze %dma_start3A : memref<1x128xi32, #tpu.memory_space<hbm>> -> memref<128xi32, #tpu.memory_space<hbm>>
        %dma_start3A_70 = tpu.memref_slice %arg2[%run_scoped3A, %mul3A_58] : memref<2x800128xi32, #tpu.memory_space<hbm>> -> memref<1x128xi32, #tpu.memory_space<hbm>>
        %dma_start3A_71 = tpu.memref_squeeze %dma_start3A_70 : memref<1x128xi32, #tpu.memory_space<hbm>> -> memref<128xi32, #tpu.memory_space<hbm>>
        tpu.enqueue_dma source(%dma_start3A_71 : memref<128xi32, #tpu.memory_space<hbm>>) target(%arg7 : memref<128xi32, #tpu.memory_space<vmem>>) target_semaphore(%run_scoped3A_68 : memref<!tpu.dma_semaphore, #tpu.memory_space<semaphore_mem>>)
        %dma_wait3A = tpu.memref_slice %arg2[%run_scoped3A, %mul3A_58] : memref<2x800128xi32, #tpu.memory_space<hbm>> -> memref<1x128xi32, #tpu.memory_space<hbm>>
        %dma_wait3A_72 = tpu.memref_squeeze %dma_wait3A : memref<1x128xi32, #tpu.memory_space<hbm>> -> memref<128xi32, #tpu.memory_space<hbm>>
        %dma_wait3A_73 = tpu.memref_slice %arg2[%run_scoped3A, %mul3A_58] : memref<2x800128xi32, #tpu.memory_space<hbm>> -> memref<1x128xi32, #tpu.memory_space<hbm>>
        %dma_wait3A_74 = tpu.memref_squeeze %dma_wait3A_73 : memref<1x128xi32, #tpu.memory_space<hbm>> -> memref<128xi32, #tpu.memory_space<hbm>>
        tpu.wait_dma2 semaphore(%run_scoped3A_68 : memref<!tpu.dma_semaphore, #tpu.memory_space<semaphore_mem>>) src(%dma_wait3A_74 : memref<128xi32, #tpu.memory_space<hbm>>) dst(%arg7 : memref<128xi32, #tpu.memory_space<vmem>>)
        tpu.yield
      }) : () -> ()
      %run_scoped3A_59 = arith.constant 1 : i32
      "tpu.region"() ({
        %run_scoped3A_68 = tpu.sem_alloc : memref<!tpu.dma_semaphore, #tpu.memory_space<semaphore_mem>>
        %dma_start3A = tpu.memref_slice %arg2[%run_scoped3A_59, %mul3A_58] : memref<2x800128xi32, #tpu.memory_space<hbm>> -> memref<1x128xi32, #tpu.memory_space<hbm>>
        %dma_start3A_69 = tpu.memref_squeeze %dma_start3A : memref<1x128xi32, #tpu.memory_space<hbm>> -> memref<128xi32, #tpu.memory_space<hbm>>
        %dma_start3A_70 = tpu.memref_slice %arg2[%run_scoped3A_59, %mul3A_58] : memref<2x800128xi32, #tpu.memory_space<hbm>> -> memref<1x128xi32, #tpu.memory_space<hbm>>
        %dma_start3A_71 = tpu.memref_squeeze %dma_start3A_70 : memref<1x128xi32, #tpu.memory_space<hbm>> -> memref<128xi32, #tpu.memory_space<hbm>>
        tpu.enqueue_dma source(%dma_start3A_71 : memref<128xi32, #tpu.memory_space<hbm>>) target(%arg8 : memref<128xi32, #tpu.memory_space<vmem>>) target_semaphore(%run_scoped3A_68 : memref<!tpu.dma_semaphore, #tpu.memory_space<semaphore_mem>>)
        %dma_wait3A = tpu.memref_slice %arg2[%run_scoped3A_59, %mul3A_58] : memref<2x800128xi32, #tpu.memory_space<hbm>> -> memref<1x128xi32, #tpu.memory_space<hbm>>
        %dma_wait3A_72 = tpu.memref_squeeze %dma_wait3A : memref<1x128xi32, #tpu.memory_space<hbm>> -> memref<128xi32, #tpu.memory_space<hbm>>
        %dma_wait3A_73 = tpu.memref_slice %arg2[%run_scoped3A_59, %mul3A_58] : memref<2x800128xi32, #tpu.memory_space<hbm>> -> memref<1x128xi32, #tpu.memory_space<hbm>>
        %dma_wait3A_74 = tpu.memref_squeeze %dma_wait3A_73 : memref<1x128xi32, #tpu.memory_space<hbm>> -> memref<128xi32, #tpu.memory_space<hbm>>
        tpu.wait_dma2 semaphore(%run_scoped3A_68 : memref<!tpu.dma_semaphore, #tpu.memory_space<semaphore_mem>>) src(%dma_wait3A_74 : memref<128xi32, #tpu.memory_space<hbm>>) dst(%arg8 : memref<128xi32, #tpu.memory_space<vmem>>)
        tpu.yield
      }) : () -> ()
      "tpu.region"() ({
        %run_scoped3A_68 = tpu.sem_alloc : memref<!tpu.dma_semaphore, #tpu.memory_space<semaphore_mem>>
        %dma_start3A = arith.constant 0 : i32
        %dma_start3A_69 = arith.constant 0 : i32
        %dma_start3A_70 = tpu.memref_slice %arg3[%dma_start3A, %dma_start3A_69] : memref<50176x16xf32, #tpu.memory_space<hbm>> -> memref<50176x16xf32, #tpu.memory_space<hbm>>
        tpu.enqueue_indirect_dma source(%dma_start3A_70 : memref<50176x16xf32, #tpu.memory_space<hbm>>) target(%arg9 : memref<128x16xf32, #tpu.memory_space<vmem>>) offsets(%arg7 : memref<128xi32, #tpu.memory_space<vmem>>) semaphore(%run_scoped3A_68 : memref<!tpu.dma_semaphore, #tpu.memory_space<semaphore_mem>>)
        %dma_wait3A = arith.constant 0 : i32
        %dma_wait3A_71 = arith.constant 0 : i32
        %dma_wait3A_72 = tpu.memref_slice %arg3[%dma_wait3A, %dma_wait3A_71] : memref<50176x16xf32, #tpu.memory_space<hbm>> -> memref<50176x16xf32, #tpu.memory_space<hbm>>
        tpu.wait_indirect_dma semaphore(%run_scoped3A_68 : memref<!tpu.dma_semaphore, #tpu.memory_space<semaphore_mem>>) src(%dma_wait3A_72 : memref<50176x16xf32, #tpu.memory_space<hbm>>) dst(%arg9 : memref<128x16xf32, #tpu.memory_space<vmem>>)
        tpu.yield
      }) : () -> ()
      "tpu.region"() ({
        %run_scoped3A_68 = tpu.sem_alloc : memref<!tpu.dma_semaphore, #tpu.memory_space<semaphore_mem>>
        %dma_start3A = arith.constant 0 : i32
        %dma_start3A_69 = arith.constant 0 : i32
        %dma_start3A_70 = tpu.memref_slice %arg4[%dma_start3A, %dma_start3A_69] : memref<50176x16xf32, #tpu.memory_space<hbm>> -> memref<50176x16xf32, #tpu.memory_space<hbm>>
        tpu.enqueue_indirect_dma source(%dma_start3A_70 : memref<50176x16xf32, #tpu.memory_space<hbm>>) target(%arg10 : memref<128x16xf32, #tpu.memory_space<vmem>>) offsets(%arg8 : memref<128xi32, #tpu.memory_space<vmem>>) semaphore(%run_scoped3A_68 : memref<!tpu.dma_semaphore, #tpu.memory_space<semaphore_mem>>)
        %dma_wait3A = arith.constant 0 : i32
        %dma_wait3A_71 = arith.constant 0 : i32
        %dma_wait3A_72 = tpu.memref_slice %arg4[%dma_wait3A, %dma_wait3A_71] : memref<50176x16xf32, #tpu.memory_space<hbm>> -> memref<50176x16xf32, #tpu.memory_space<hbm>>
        tpu.wait_indirect_dma semaphore(%run_scoped3A_68 : memref<!tpu.dma_semaphore, #tpu.memory_space<semaphore_mem>>) src(%dma_wait3A_72 : memref<50176x16xf32, #tpu.memory_space<hbm>>) dst(%arg10 : memref<128x16xf32, #tpu.memory_space<vmem>>)
        tpu.yield
      }) : () -> ()
      %scan3A_60 = arith.constant 0 : i32
      %scan3A_61 = arith.constant 0 : i32
      %scan3A_62 = arith.constant 128 : i32
      %scan3A_63 = arith.addi %scan3A_61, %scan3A_62 : i32
      %scan3A_64 = arith.constant 1 : i32
      %scan3A_65 = scf.for %scan3A_68 = %scan3A_61 to %scan3A_63 step %scan3A_64 iter_args(%scan3A_69 = %scan3A_60) -> (i32)  : i32 {
        %get3A = arith.index_cast %scan3A_68 : i32 to index
        %get3A_70 = arith.constant 0 : index
        %get3A_71 = tpu.vector_load %arg9[%get3A, %get3A_70] {strides = array<i32>} : memref<128x16xf32, #tpu.memory_space<vmem>>, vector<1x16xf32>,
        %get3A_72 = vector.shape_cast %get3A_71 : vector<1x16xf32> to vector<16xf32>
        %get3A_73 = arith.index_cast %scan3A_68 : i32 to index
        %get3A_74 = arith.constant 0 : index
        %get3A_75 = tpu.vector_load %arg10[%get3A_73, %get3A_74] {strides = array<i32>} : memref<128x16xf32, #tpu.memory_space<vmem>>, vector<1x16xf32>,
        %get3A_76 = vector.shape_cast %get3A_75 : vector<1x16xf32> to vector<16xf32>
        %add3A_77 = arith.addf %get3A_72, %get3A_76 : vector<16xf32>
        %gt3A = arith.constant 0.000000e+00 : f32
        %gt3A_78 = vector.broadcast %gt3A : f32 to vector<16xf32>
        %gt3A_79 = arith.cmpf ogt, %add3A_77, %gt3A_78 : vector<16xf32>
        %mul3A_80 = arith.constant 2.000000e-01 : f32
        %mul3A_81 = vector.broadcast %mul3A_80 : f32 to vector<16xf32>
        %mul3A_82 = arith.mulf %mul3A_81, %add3A_77 : vector<16xf32>
        %select_n3A_83 = arith.select %gt3A_79, %add3A_77, %mul3A_82 : vector<16xi1>, vector<16xf32>
        %exp3A = math.exp %select_n3A_83 : vector<16xf32>
        %swap3A = arith.index_cast %scan3A_68 : i32 to index
        %swap3A_84 = arith.constant 0 : index
        %swap3A_85 = tpu.vector_load %arg11[%swap3A, %swap3A_84] {strides = array<i32>} : memref<128x16xf32, #tpu.memory_space<vmem>>, vector<1x16xf32>,
        %swap3A_86 = vector.shape_cast %swap3A_85 : vector<1x16xf32> to vector<16xf32>
        %swap3A_87 = vector.shape_cast %exp3A : vector<16xf32> to vector<1x16xf32>
        tpu.vector_store %arg11[%swap3A, %swap3A_84], %swap3A_87 {strides = array<i32>} : memref<128x16xf32, #tpu.memory_space<vmem>>, vector<1x16xf32>,
        %scan3A_88 = arith.constant 0 : i32
        scf.yield %scan3A_88 : i32
      }
      %scan3A_66 = arith.constant 128 : i32
      "tpu.region"() ({
        %run_scoped3A_68 = tpu.sem_alloc : memref<!tpu.dma_semaphore, #tpu.memory_space<semaphore_mem>>
        %dma_start3A = arith.constant 0 : i32
        %dma_start3A_69 = tpu.memref_slice %arg5[%mul3A_58, %dma_start3A] : memref<800128x16xf32, #tpu.memory_space<hbm>> -> memref<128x16xf32, #tpu.memory_space<hbm>>
        %dma_start3A_70 = arith.constant 0 : i32
        %dma_start3A_71 = tpu.memref_slice %arg5[%mul3A_58, %dma_start3A_70] : memref<800128x16xf32, #tpu.memory_space<hbm>> -> memref<128x16xf32, #tpu.memory_space<hbm>>
        tpu.enqueue_dma source(%arg11 : memref<128x16xf32, #tpu.memory_space<vmem>>) target(%dma_start3A_71 : memref<128x16xf32, #tpu.memory_space<hbm>>) target_semaphore(%run_scoped3A_68 : memref<!tpu.dma_semaphore, #tpu.memory_space<semaphore_mem>>)
        %dma_wait3A = arith.constant 0 : i32
        %dma_wait3A_72 = tpu.memref_slice %arg5[%mul3A_58, %dma_wait3A] : memref<800128x16xf32, #tpu.memory_space<hbm>> -> memref<128x16xf32, #tpu.memory_space<hbm>>
        %dma_wait3A_73 = arith.constant 0 : i32
        %dma_wait3A_74 = tpu.memref_slice %arg5[%mul3A_58, %dma_wait3A_73] : memref<800128x16xf32, #tpu.memory_space<hbm>> -> memref<128x16xf32, #tpu.memory_space<hbm>>
        tpu.wait_dma2 semaphore(%run_scoped3A_68 : memref<!tpu.dma_semaphore, #tpu.memory_space<semaphore_mem>>) src(%arg11 : memref<128x16xf32, #tpu.memory_space<vmem>>) dst(%dma_wait3A_74 : memref<128x16xf32, #tpu.memory_space<hbm>>)
        tpu.yield
      }) : () -> ()
      "tpu.region"() ({
        %run_scoped3A_68 = tpu.sem_alloc : memref<!tpu.dma_semaphore, #tpu.memory_space<semaphore_mem>>
        %dma_start3A = arith.constant 0 : i32
        %dma_start3A_69 = arith.constant 0 : i32
        %dma_start3A_70 = tpu.memref_slice %arg13[%dma_start3A, %dma_start3A_69] : memref<50176x16xf32, #tpu.memory_space<vmem_shared>> -> memref<50176x16xf32, #tpu.memory_space<vmem_shared>>
        tpu.enqueue_indirect_dma source(%arg11 : memref<128x16xf32, #tpu.memory_space<vmem>>) target(%dma_start3A_70 : memref<50176x16xf32, #tpu.memory_space<vmem_shared>>) offsets(%arg8 : memref<128xi32, #tpu.memory_space<vmem>>) semaphore(%run_scoped3A_68 : memref<!tpu.dma_semaphore, #tpu.memory_space<semaphore_mem>>) {add = true}
        %dma_wait3A = arith.constant 0 : i32
        %dma_wait3A_71 = arith.constant 0 : i32
        %dma_wait3A_72 = tpu.memref_slice %arg13[%dma_wait3A, %dma_wait3A_71] : memref<50176x16xf32, #tpu.memory_space<vmem_shared>> -> memref<50176x16xf32, #tpu.memory_space<vmem_shared>>
        tpu.wait_indirect_dma semaphore(%run_scoped3A_68 : memref<!tpu.dma_semaphore, #tpu.memory_space<semaphore_mem>>) src(%arg11 : memref<128x16xf32, #tpu.memory_space<vmem>>) dst(%dma_wait3A_72 : memref<50176x16xf32, #tpu.memory_space<vmem_shared>>)
        tpu.yield
      }) : () -> ()
      %while3A_67 = arith.constant 0 : i32
      scf.yield %while3A_67 : i32
    }
    %barrier3A_47 = arith.constant 0 : index
    tpu.barrier barrier_id(%barrier3A_47)
    %mul3A_48 = arith.constant 3136 : i32
    %mul3A_49 = arith.muli %arg1, %mul3A_48 : i32
    %mul3A_50 = arith.constant 3136 : i32
    %mul3A_51 = arith.muli %arg1, %mul3A_50 : i32
    "tpu.region"() ({
      %run_scoped3A = tpu.sem_alloc : memref<!tpu.dma_semaphore, #tpu.memory_space<semaphore_mem>>
      %dma_start3A = arith.constant 0 : i32
      %dma_start3A_52 = tpu.memref_slice %arg6[%arg0, %mul3A_51, %dma_start3A] : memref<2x50176x16xf32, #tpu.memory_space<hbm>> -> memref<1x3136x16xf32, #tpu.memory_space<hbm>>
      %dma_start3A_53 = tpu.memref_squeeze %dma_start3A_52 : memref<1x3136x16xf32, #tpu.memory_space<hbm>> -> memref<3136x16xf32, #tpu.memory_space<hbm>>
      %dma_start3A_54 = arith.constant 0 : i32
      %dma_start3A_55 = tpu.memref_slice %arg13[%mul3A_49, %dma_start3A_54] : memref<50176x16xf32, #tpu.memory_space<vmem_shared>> -> memref<3136x16xf32, #tpu.memory_space<vmem_shared>>
      tpu.enqueue_dma source(%dma_start3A_55 : memref<3136x16xf32, #tpu.memory_space<vmem_shared>>) target(%dma_start3A_53 : memref<3136x16xf32, #tpu.memory_space<hbm>>) target_semaphore(%run_scoped3A : memref<!tpu.dma_semaphore, #tpu.memory_space<semaphore_mem>>)
      %dma_wait3A = arith.constant 0 : i32
      %dma_wait3A_56 = tpu.memref_slice %arg6[%arg0, %mul3A_51, %dma_wait3A] : memref<2x50176x16xf32, #tpu.memory_space<hbm>> -> memref<1x3136x16xf32, #tpu.memory_space<hbm>>
      %dma_wait3A_57 = tpu.memref_squeeze %dma_wait3A_56 : memref<1x3136x16xf32, #tpu.memory_space<hbm>> -> memref<3136x16xf32, #tpu.memory_space<hbm>>
      %dma_wait3A_58 = arith.constant 0 : i32
      %dma_wait3A_59 = tpu.memref_slice %arg13[%mul3A_49, %dma_wait3A_58] : memref<50176x16xf32, #tpu.memory_space<vmem_shared>> -> memref<3136x16xf32, #tpu.memory_space<vmem_shared>>
      tpu.wait_dma2 semaphore(%run_scoped3A : memref<!tpu.dma_semaphore, #tpu.memory_space<semaphore_mem>>) src(%dma_wait3A_59 : memref<3136x16xf32, #tpu.memory_space<vmem_shared>>) dst(%dma_wait3A_57 : memref<3136x16xf32, #tpu.memory_space<hbm>>)
      tpu.yield
    }) : () -> ()
    return
  }
}

#map = affine_map<(d0, d1) -> (0, 0)>
#map1 = affine_map<(d0, d1) -> (0, 0, 0)>
module attributes {stable_mosaic.version = 14 : i64} {
  func.func @_feature_body(%arg0: i32, %arg1: i32, %arg2: memref<2x800128xi32, #tpu.memory_space<hbm>>, %arg3: memref<50176x32xf32, #tpu.memory_space<hbm>>, %arg4: memref<800128x16xf32, #tpu.memory_space<hbm>>, %arg5: memref<2x50176x32xf32, #tpu.memory_space<hbm>>, %arg6: memref<128xi32, #tpu.memory_space<vmem>>, %arg7: memref<128xi32, #tpu.memory_space<vmem>>, %arg8: memref<128x32xf32, #tpu.memory_space<vmem>>, %arg9: memref<128x16xf32, #tpu.memory_space<vmem>>, %arg10: memref<128x32xf32, #tpu.memory_space<vmem>>, %arg11: memref<448x32xf32, #tpu.memory_space<vmem>>, %arg12: memref<50176x32xf32, #tpu.memory_space<vmem_shared>>) attributes {dimension_semantics = [#tpu.dimension_semantics<core_parallel>, #tpu.dimension_semantics<subcore_parallel>], iteration_bounds = array<i64: 2, 16>, scalar_prefetch = 0 : i64, scratch_operands = 7 : i64, tpu.core_type = #tpu.core_type<sc_vector_subcore>, window_params = [{transform_indices = #map}, {transform_indices = #map}, {transform_indices = #map}, {transform_indices = #map1}]} {
    %mul3A = arith.constant 2 : i32
    %mul3A_0 = arith.muli %arg1, %mul3A : i32
    %add3A = arith.addi %mul3A_0, %arg0 : i32
    %scan3A = arith.constant 0 : i32
    %scan3A_1 = arith.constant 0 : i32
    %scan3A_2 = arith.constant 448 : i32
    %scan3A_3 = arith.addi %scan3A_1, %scan3A_2 : i32
    %scan3A_4 = arith.constant 1 : i32
    %scan3A_5 = scf.for %scan3A_52 = %scan3A_1 to %scan3A_3 step %scan3A_4 iter_args(%scan3A_53 = %scan3A) -> (i32)  : i32 {
      %broadcast_in_dim3A = arith.constant 0.000000e+00 : f32
      %broadcast_in_dim3A_54 = vector.broadcast %broadcast_in_dim3A : f32 to vector<16xf32>
      %swap3A = arith.index_cast %scan3A_52 : i32 to index
      %swap3A_55 = arith.constant 0 : index
      %swap3A_56 = tpu.vector_load %arg11[%swap3A, %swap3A_55] {strides = array<i32>} : memref<448x32xf32, #tpu.memory_space<vmem>>, vector<1x16xf32>,
      %swap3A_57 = vector.shape_cast %swap3A_56 : vector<1x16xf32> to vector<16xf32>
      %swap3A_58 = vector.shape_cast %broadcast_in_dim3A_54 : vector<16xf32> to vector<1x16xf32>
      tpu.vector_store %arg11[%swap3A, %swap3A_55], %swap3A_58 {strides = array<i32>} : memref<448x32xf32, #tpu.memory_space<vmem>>, vector<1x16xf32>,
      %broadcast_in_dim3A_59 = arith.constant 0.000000e+00 : f32
      %broadcast_in_dim3A_60 = vector.broadcast %broadcast_in_dim3A_59 : f32 to vector<16xf32>
      %swap3A_61 = arith.index_cast %scan3A_52 : i32 to index
      %swap3A_62 = arith.constant 16 : index
      %swap3A_63 = tpu.vector_load %arg11[%swap3A_61, %swap3A_62] {strides = array<i32>} : memref<448x32xf32, #tpu.memory_space<vmem>>, vector<1x16xf32>,
      %swap3A_64 = vector.shape_cast %swap3A_63 : vector<1x16xf32> to vector<16xf32>
      %swap3A_65 = vector.shape_cast %broadcast_in_dim3A_60 : vector<16xf32> to vector<1x16xf32>
      tpu.vector_store %arg11[%swap3A_61, %swap3A_62], %swap3A_65 {strides = array<i32>} : memref<448x32xf32, #tpu.memory_space<vmem>>, vector<1x16xf32>,
      %scan3A_66 = arith.constant 0 : i32
      scf.yield %scan3A_66 : i32
    }
    %scan3A_6 = arith.constant 448 : i32
    %scan3A_7 = arith.constant 0 : i32
    %scan3A_8 = arith.constant 0 : i32
    %scan3A_9 = arith.constant 7 : i32
    %scan3A_10 = arith.addi %scan3A_8, %scan3A_9 : i32
    %scan3A_11 = arith.constant 1 : i32
    %scan3A_12 = scf.for %scan3A_52 = %scan3A_8 to %scan3A_10 step %scan3A_11 iter_args(%scan3A_53 = %scan3A_7) -> (i32)  : i32 {
      %mul3A_54 = arith.constant 3136 : i32
      %mul3A_55 = arith.muli %arg1, %mul3A_54 : i32
      %mul3A_56 = arith.constant 448 : i32
      %mul3A_57 = arith.muli %scan3A_52, %mul3A_56 : i32
      %add3A_58 = arith.addi %mul3A_55, %mul3A_57 : i32
      "tpu.region"() ({
        %run_scoped3A = tpu.sem_alloc : memref<!tpu.dma_semaphore, #tpu.memory_space<semaphore_mem>>
        %dma_start3A = arith.constant 0 : i32
        %dma_start3A_60 = tpu.memref_slice %arg12[%add3A_58, %dma_start3A] : memref<50176x32xf32, #tpu.memory_space<vmem_shared>> -> memref<448x32xf32, #tpu.memory_space<vmem_shared>>
        %dma_start3A_61 = arith.constant 0 : i32
        %dma_start3A_62 = tpu.memref_slice %arg12[%add3A_58, %dma_start3A_61] : memref<50176x32xf32, #tpu.memory_space<vmem_shared>> -> memref<448x32xf32, #tpu.memory_space<vmem_shared>>
        tpu.enqueue_dma source(%arg11 : memref<448x32xf32, #tpu.memory_space<vmem>>) target(%dma_start3A_62 : memref<448x32xf32, #tpu.memory_space<vmem_shared>>) target_semaphore(%run_scoped3A : memref<!tpu.dma_semaphore, #tpu.memory_space<semaphore_mem>>)
        %dma_wait3A = arith.constant 0 : i32
        %dma_wait3A_63 = tpu.memref_slice %arg12[%add3A_58, %dma_wait3A] : memref<50176x32xf32, #tpu.memory_space<vmem_shared>> -> memref<448x32xf32, #tpu.memory_space<vmem_shared>>
        %dma_wait3A_64 = arith.constant 0 : i32
        %dma_wait3A_65 = tpu.memref_slice %arg12[%add3A_58, %dma_wait3A_64] : memref<50176x32xf32, #tpu.memory_space<vmem_shared>> -> memref<448x32xf32, #tpu.memory_space<vmem_shared>>
        tpu.wait_dma2 semaphore(%run_scoped3A : memref<!tpu.dma_semaphore, #tpu.memory_space<semaphore_mem>>) src(%arg11 : memref<448x32xf32, #tpu.memory_space<vmem>>) dst(%dma_wait3A_65 : memref<448x32xf32, #tpu.memory_space<vmem_shared>>)
        tpu.yield
      }) : () -> ()
      %scan3A_59 = arith.constant 0 : i32
      scf.yield %scan3A_59 : i32
    }
    %scan3A_13 = arith.constant 7 : i32
    %barrier3A = arith.constant 0 : index
    tpu.barrier barrier_id(%barrier3A)
    %sub3A = arith.constant 6251 : i32
    %sub3A_14 = arith.subi %sub3A, %add3A : i32
    %add3A_15 = arith.constant 32 : i32
    %add3A_16 = arith.addi %sub3A_14, %add3A_15 : i32
    %sub3A_17 = arith.constant 1 : i32
    %sub3A_18 = arith.subi %add3A_16, %sub3A_17 : i32
    %jit3A = arith.constant 32 : i32
    %div3A = arith.divsi %sub3A_18, %jit3A : i32
    %sign3A = arith.constant 0 : i32
    %sign3A_19 = arith.cmpi sgt, %sub3A_18, %sign3A : i32
    %sign3A_20 = arith.extui %sign3A_19 : i1 to i32
    %sign3A_21 = arith.constant 0 : i32
    %sign3A_22 = arith.cmpi slt, %sub3A_18, %sign3A_21 : i32
    %sign3A_23 = arith.extui %sign3A_22 : i1 to i32
    %sign3A_24 = arith.subi %sign3A_20, %sign3A_23 : i32
    %sign3A_25 = arith.constant 0 : i32
    %sign3A_26 = arith.cmpi sgt, %jit3A, %sign3A_25 : i32
    %sign3A_27 = arith.extui %sign3A_26 : i1 to i32
    %sign3A_28 = arith.constant 0 : i32
    %sign3A_29 = arith.cmpi slt, %jit3A, %sign3A_28 : i32
    %sign3A_30 = arith.extui %sign3A_29 : i1 to i32
    %sign3A_31 = arith.subi %sign3A_27, %sign3A_30 : i32
    %ne3A = arith.cmpi ne, %sign3A_24, %sign3A_31 : i32
    %rem3A = arith.remsi %sub3A_18, %jit3A : i32
    %ne3A_32 = arith.constant 0 : i32
    %ne3A_33 = arith.cmpi ne, %rem3A, %ne3A_32 : i32
    %and3A = arith.andi %ne3A, %ne3A_33 : i1
    %sub3A_34 = arith.constant 1 : i32
    %sub3A_35 = arith.subi %div3A, %sub3A_34 : i32
    %select_n3A = arith.select %and3A, %sub3A_35, %div3A : i32
    %while3A = arith.constant 0 : i32
    %while3A_36 = arith.constant 0 : i32
    %while3A_37 = arith.subi %select_n3A, %while3A : i32
    %while3A_38 = arith.addi %while3A, %while3A_37 : i32
    %while3A_39 = arith.constant 1 : i32
    %while3A_40 = arith.divsi %while3A_37, %while3A_39 : i32
    %while3A_41 = arith.muli %while3A_40, %while3A_39 : i32
    %while3A_42 = arith.addi %while3A, %while3A_41 : i32
    %while3A_43 = arith.constant 1 : i32
    %while3A_44 = scf.for %while3A_52 = %while3A to %while3A_42 step %while3A_43 iter_args(%while3A_53 = %while3A_36) -> (i32)  : i32 {
      %mul3A_54 = arith.constant 32 : i32
      %mul3A_55 = arith.muli %mul3A_54, %while3A_52 : i32
      %add3A_56 = arith.addi %add3A, %mul3A_55 : i32
      %mul3A_57 = arith.constant 128 : i32
      %mul3A_58 = arith.muli %add3A_56, %mul3A_57 : i32
      %run_scoped3A = arith.constant 0 : i32
      "tpu.region"() ({
        %run_scoped3A_68 = tpu.sem_alloc : memref<!tpu.dma_semaphore, #tpu.memory_space<semaphore_mem>>
        %dma_start3A = tpu.memref_slice %arg2[%run_scoped3A, %mul3A_58] : memref<2x800128xi32, #tpu.memory_space<hbm>> -> memref<1x128xi32, #tpu.memory_space<hbm>>
        %dma_start3A_69 = tpu.memref_squeeze %dma_start3A : memref<1x128xi32, #tpu.memory_space<hbm>> -> memref<128xi32, #tpu.memory_space<hbm>>
        %dma_start3A_70 = tpu.memref_slice %arg2[%run_scoped3A, %mul3A_58] : memref<2x800128xi32, #tpu.memory_space<hbm>> -> memref<1x128xi32, #tpu.memory_space<hbm>>
        %dma_start3A_71 = tpu.memref_squeeze %dma_start3A_70 : memref<1x128xi32, #tpu.memory_space<hbm>> -> memref<128xi32, #tpu.memory_space<hbm>>
        tpu.enqueue_dma source(%dma_start3A_71 : memref<128xi32, #tpu.memory_space<hbm>>) target(%arg6 : memref<128xi32, #tpu.memory_space<vmem>>) target_semaphore(%run_scoped3A_68 : memref<!tpu.dma_semaphore, #tpu.memory_space<semaphore_mem>>)
        %dma_wait3A = tpu.memref_slice %arg2[%run_scoped3A, %mul3A_58] : memref<2x800128xi32, #tpu.memory_space<hbm>> -> memref<1x128xi32, #tpu.memory_space<hbm>>
        %dma_wait3A_72 = tpu.memref_squeeze %dma_wait3A : memref<1x128xi32, #tpu.memory_space<hbm>> -> memref<128xi32, #tpu.memory_space<hbm>>
        %dma_wait3A_73 = tpu.memref_slice %arg2[%run_scoped3A, %mul3A_58] : memref<2x800128xi32, #tpu.memory_space<hbm>> -> memref<1x128xi32, #tpu.memory_space<hbm>>
        %dma_wait3A_74 = tpu.memref_squeeze %dma_wait3A_73 : memref<1x128xi32, #tpu.memory_space<hbm>> -> memref<128xi32, #tpu.memory_space<hbm>>
        tpu.wait_dma2 semaphore(%run_scoped3A_68 : memref<!tpu.dma_semaphore, #tpu.memory_space<semaphore_mem>>) src(%dma_wait3A_74 : memref<128xi32, #tpu.memory_space<hbm>>) dst(%arg6 : memref<128xi32, #tpu.memory_space<vmem>>)
        tpu.yield
      }) : () -> ()
      %run_scoped3A_59 = arith.constant 1 : i32
      "tpu.region"() ({
        %run_scoped3A_68 = tpu.sem_alloc : memref<!tpu.dma_semaphore, #tpu.memory_space<semaphore_mem>>
        %dma_start3A = tpu.memref_slice %arg2[%run_scoped3A_59, %mul3A_58] : memref<2x800128xi32, #tpu.memory_space<hbm>> -> memref<1x128xi32, #tpu.memory_space<hbm>>
        %dma_start3A_69 = tpu.memref_squeeze %dma_start3A : memref<1x128xi32, #tpu.memory_space<hbm>> -> memref<128xi32, #tpu.memory_space<hbm>>
        %dma_start3A_70 = tpu.memref_slice %arg2[%run_scoped3A_59, %mul3A_58] : memref<2x800128xi32, #tpu.memory_space<hbm>> -> memref<1x128xi32, #tpu.memory_space<hbm>>
        %dma_start3A_71 = tpu.memref_squeeze %dma_start3A_70 : memref<1x128xi32, #tpu.memory_space<hbm>> -> memref<128xi32, #tpu.memory_space<hbm>>
        tpu.enqueue_dma source(%dma_start3A_71 : memref<128xi32, #tpu.memory_space<hbm>>) target(%arg7 : memref<128xi32, #tpu.memory_space<vmem>>) target_semaphore(%run_scoped3A_68 : memref<!tpu.dma_semaphore, #tpu.memory_space<semaphore_mem>>)
        %dma_wait3A = tpu.memref_slice %arg2[%run_scoped3A_59, %mul3A_58] : memref<2x800128xi32, #tpu.memory_space<hbm>> -> memref<1x128xi32, #tpu.memory_space<hbm>>
        %dma_wait3A_72 = tpu.memref_squeeze %dma_wait3A : memref<1x128xi32, #tpu.memory_space<hbm>> -> memref<128xi32, #tpu.memory_space<hbm>>
        %dma_wait3A_73 = tpu.memref_slice %arg2[%run_scoped3A_59, %mul3A_58] : memref<2x800128xi32, #tpu.memory_space<hbm>> -> memref<1x128xi32, #tpu.memory_space<hbm>>
        %dma_wait3A_74 = tpu.memref_squeeze %dma_wait3A_73 : memref<1x128xi32, #tpu.memory_space<hbm>> -> memref<128xi32, #tpu.memory_space<hbm>>
        tpu.wait_dma2 semaphore(%run_scoped3A_68 : memref<!tpu.dma_semaphore, #tpu.memory_space<semaphore_mem>>) src(%dma_wait3A_74 : memref<128xi32, #tpu.memory_space<hbm>>) dst(%arg7 : memref<128xi32, #tpu.memory_space<vmem>>)
        tpu.yield
      }) : () -> ()
      "tpu.region"() ({
        %run_scoped3A_68 = tpu.sem_alloc : memref<!tpu.dma_semaphore, #tpu.memory_space<semaphore_mem>>
        %dma_start3A = arith.constant 0 : i32
        %dma_start3A_69 = arith.constant 0 : i32
        %dma_start3A_70 = tpu.memref_slice %arg3[%dma_start3A, %dma_start3A_69] : memref<50176x32xf32, #tpu.memory_space<hbm>> -> memref<50176x32xf32, #tpu.memory_space<hbm>>
        tpu.enqueue_indirect_dma source(%dma_start3A_70 : memref<50176x32xf32, #tpu.memory_space<hbm>>) target(%arg8 : memref<128x32xf32, #tpu.memory_space<vmem>>) offsets(%arg6 : memref<128xi32, #tpu.memory_space<vmem>>) semaphore(%run_scoped3A_68 : memref<!tpu.dma_semaphore, #tpu.memory_space<semaphore_mem>>)
        %dma_wait3A = arith.constant 0 : i32
        %dma_wait3A_71 = arith.constant 0 : i32
        %dma_wait3A_72 = tpu.memref_slice %arg3[%dma_wait3A, %dma_wait3A_71] : memref<50176x32xf32, #tpu.memory_space<hbm>> -> memref<50176x32xf32, #tpu.memory_space<hbm>>
        tpu.wait_indirect_dma semaphore(%run_scoped3A_68 : memref<!tpu.dma_semaphore, #tpu.memory_space<semaphore_mem>>) src(%dma_wait3A_72 : memref<50176x32xf32, #tpu.memory_space<hbm>>) dst(%arg8 : memref<128x32xf32, #tpu.memory_space<vmem>>)
        tpu.yield
      }) : () -> ()
      "tpu.region"() ({
        %run_scoped3A_68 = tpu.sem_alloc : memref<!tpu.dma_semaphore, #tpu.memory_space<semaphore_mem>>
        %dma_start3A = arith.constant 0 : i32
        %dma_start3A_69 = tpu.memref_slice %arg4[%mul3A_58, %dma_start3A] : memref<800128x16xf32, #tpu.memory_space<hbm>> -> memref<128x16xf32, #tpu.memory_space<hbm>>
        %dma_start3A_70 = arith.constant 0 : i32
        %dma_start3A_71 = tpu.memref_slice %arg4[%mul3A_58, %dma_start3A_70] : memref<800128x16xf32, #tpu.memory_space<hbm>> -> memref<128x16xf32, #tpu.memory_space<hbm>>
        tpu.enqueue_dma source(%dma_start3A_71 : memref<128x16xf32, #tpu.memory_space<hbm>>) target(%arg9 : memref<128x16xf32, #tpu.memory_space<vmem>>) target_semaphore(%run_scoped3A_68 : memref<!tpu.dma_semaphore, #tpu.memory_space<semaphore_mem>>)
        %dma_wait3A = arith.constant 0 : i32
        %dma_wait3A_72 = tpu.memref_slice %arg4[%mul3A_58, %dma_wait3A] : memref<800128x16xf32, #tpu.memory_space<hbm>> -> memref<128x16xf32, #tpu.memory_space<hbm>>
        %dma_wait3A_73 = arith.constant 0 : i32
        %dma_wait3A_74 = tpu.memref_slice %arg4[%mul3A_58, %dma_wait3A_73] : memref<800128x16xf32, #tpu.memory_space<hbm>> -> memref<128x16xf32, #tpu.memory_space<hbm>>
        tpu.wait_dma2 semaphore(%run_scoped3A_68 : memref<!tpu.dma_semaphore, #tpu.memory_space<semaphore_mem>>) src(%dma_wait3A_74 : memref<128x16xf32, #tpu.memory_space<hbm>>) dst(%arg9 : memref<128x16xf32, #tpu.memory_space<vmem>>)
        tpu.yield
      }) : () -> ()
      %scan3A_60 = arith.constant 0 : i32
      %scan3A_61 = arith.constant 0 : i32
      %scan3A_62 = arith.constant 128 : i32
      %scan3A_63 = arith.addi %scan3A_61, %scan3A_62 : i32
      %scan3A_64 = arith.constant 1 : i32
      %scan3A_65 = scf.for %scan3A_68 = %scan3A_61 to %scan3A_63 step %scan3A_64 iter_args(%scan3A_69 = %scan3A_60) -> (i32)  : i32 {
        %get3A = arith.index_cast %scan3A_68 : i32 to index
        %get3A_70 = arith.constant 0 : index
        %get3A_71 = tpu.vector_load %arg9[%get3A, %get3A_70] {strides = array<i32>} : memref<128x16xf32, #tpu.memory_space<vmem>>, vector<1x16xf32>,
        %get3A_72 = vector.shape_cast %get3A_71 : vector<1x16xf32> to vector<16xf32>
        %slice3A = vector.extract_strided_slice %get3A_72 {offsets = [0], sizes = [1], strides = [1]} : vector<16xf32> to vector<1xf32>
        %squeeze3A = vector.extract %slice3A[0] : f32 from vector<1xf32>
        %broadcast_in_dim3A = vector.broadcast %squeeze3A : f32 to vector<16xf32>
        %slice3A_73 = vector.extract_strided_slice %get3A_72 {offsets = [1], sizes = [1], strides = [1]} : vector<16xf32> to vector<1xf32>
        %squeeze3A_74 = vector.extract %slice3A_73[0] : f32 from vector<1xf32>
        %broadcast_in_dim3A_75 = vector.broadcast %squeeze3A_74 : f32 to vector<16xf32>
        %get3A_76 = arith.index_cast %scan3A_68 : i32 to index
        %get3A_77 = arith.constant 0 : index
        %get3A_78 = tpu.vector_load %arg8[%get3A_76, %get3A_77] {strides = array<i32>} : memref<128x32xf32, #tpu.memory_space<vmem>>, vector<1x16xf32>,
        %get3A_79 = vector.shape_cast %get3A_78 : vector<1x16xf32> to vector<16xf32>
        %mul3A_80 = arith.mulf %get3A_79, %broadcast_in_dim3A : vector<16xf32>
        %swap3A = arith.index_cast %scan3A_68 : i32 to index
        %swap3A_81 = arith.constant 0 : index
        %swap3A_82 = tpu.vector_load %arg10[%swap3A, %swap3A_81] {strides = array<i32>} : memref<128x32xf32, #tpu.memory_space<vmem>>, vector<1x16xf32>,
        %swap3A_83 = vector.shape_cast %swap3A_82 : vector<1x16xf32> to vector<16xf32>
        %swap3A_84 = vector.shape_cast %mul3A_80 : vector<16xf32> to vector<1x16xf32>
        tpu.vector_store %arg10[%swap3A, %swap3A_81], %swap3A_84 {strides = array<i32>} : memref<128x32xf32, #tpu.memory_space<vmem>>, vector<1x16xf32>,
        %get3A_85 = arith.index_cast %scan3A_68 : i32 to index
        %get3A_86 = arith.constant 16 : index
        %get3A_87 = tpu.vector_load %arg8[%get3A_85, %get3A_86] {strides = array<i32>} : memref<128x32xf32, #tpu.memory_space<vmem>>, vector<1x16xf32>,
        %get3A_88 = vector.shape_cast %get3A_87 : vector<1x16xf32> to vector<16xf32>
        %mul3A_89 = arith.mulf %get3A_88, %broadcast_in_dim3A_75 : vector<16xf32>
        %swap3A_90 = arith.index_cast %scan3A_68 : i32 to index
        %swap3A_91 = arith.constant 16 : index
        %swap3A_92 = tpu.vector_load %arg10[%swap3A_90, %swap3A_91] {strides = array<i32>} : memref<128x32xf32, #tpu.memory_space<vmem>>, vector<1x16xf32>,
        %swap3A_93 = vector.shape_cast %swap3A_92 : vector<1x16xf32> to vector<16xf32>
        %swap3A_94 = vector.shape_cast %mul3A_89 : vector<16xf32> to vector<1x16xf32>
        tpu.vector_store %arg10[%swap3A_90, %swap3A_91], %swap3A_94 {strides = array<i32>} : memref<128x32xf32, #tpu.memory_space<vmem>>, vector<1x16xf32>,
        %scan3A_95 = arith.constant 0 : i32
        scf.yield %scan3A_95 : i32
      }
      %scan3A_66 = arith.constant 128 : i32
      "tpu.region"() ({
        %run_scoped3A_68 = tpu.sem_alloc : memref<!tpu.dma_semaphore, #tpu.memory_space<semaphore_mem>>
        %dma_start3A = arith.constant 0 : i32
        %dma_start3A_69 = arith.constant 0 : i32
        %dma_start3A_70 = tpu.memref_slice %arg12[%dma_start3A, %dma_start3A_69] : memref<50176x32xf32, #tpu.memory_space<vmem_shared>> -> memref<50176x32xf32, #tpu.memory_space<vmem_shared>>
        tpu.enqueue_indirect_dma source(%arg10 : memref<128x32xf32, #tpu.memory_space<vmem>>) target(%dma_start3A_70 : memref<50176x32xf32, #tpu.memory_space<vmem_shared>>) offsets(%arg7 : memref<128xi32, #tpu.memory_space<vmem>>) semaphore(%run_scoped3A_68 : memref<!tpu.dma_semaphore, #tpu.memory_space<semaphore_mem>>) {add = true}
        %dma_wait3A = arith.constant 0 : i32
        %dma_wait3A_71 = arith.constant 0 : i32
        %dma_wait3A_72 = tpu.memref_slice %arg12[%dma_wait3A, %dma_wait3A_71] : memref<50176x32xf32, #tpu.memory_space<vmem_shared>> -> memref<50176x32xf32, #tpu.memory_space<vmem_shared>>
        tpu.wait_indirect_dma semaphore(%run_scoped3A_68 : memref<!tpu.dma_semaphore, #tpu.memory_space<semaphore_mem>>) src(%arg10 : memref<128x32xf32, #tpu.memory_space<vmem>>) dst(%dma_wait3A_72 : memref<50176x32xf32, #tpu.memory_space<vmem_shared>>)
        tpu.yield
      }) : () -> ()
      %while3A_67 = arith.constant 0 : i32
      scf.yield %while3A_67 : i32
    }
    %while3A_45 = arith.constant 1 : i32
    %while3A_46 = scf.for %while3A_52 = %while3A_42 to %while3A_38 step %while3A_45 iter_args(%while3A_53 = %while3A_44) -> (i32)  : i32 {
      %mul3A_54 = arith.constant 32 : i32
      %mul3A_55 = arith.muli %mul3A_54, %while3A_52 : i32
      %add3A_56 = arith.addi %add3A, %mul3A_55 : i32
      %mul3A_57 = arith.constant 128 : i32
      %mul3A_58 = arith.muli %add3A_56, %mul3A_57 : i32
      %run_scoped3A = arith.constant 0 : i32
      "tpu.region"() ({
        %run_scoped3A_68 = tpu.sem_alloc : memref<!tpu.dma_semaphore, #tpu.memory_space<semaphore_mem>>
        %dma_start3A = tpu.memref_slice %arg2[%run_scoped3A, %mul3A_58] : memref<2x800128xi32, #tpu.memory_space<hbm>> -> memref<1x128xi32, #tpu.memory_space<hbm>>
        %dma_start3A_69 = tpu.memref_squeeze %dma_start3A : memref<1x128xi32, #tpu.memory_space<hbm>> -> memref<128xi32, #tpu.memory_space<hbm>>
        %dma_start3A_70 = tpu.memref_slice %arg2[%run_scoped3A, %mul3A_58] : memref<2x800128xi32, #tpu.memory_space<hbm>> -> memref<1x128xi32, #tpu.memory_space<hbm>>
        %dma_start3A_71 = tpu.memref_squeeze %dma_start3A_70 : memref<1x128xi32, #tpu.memory_space<hbm>> -> memref<128xi32, #tpu.memory_space<hbm>>
        tpu.enqueue_dma source(%dma_start3A_71 : memref<128xi32, #tpu.memory_space<hbm>>) target(%arg6 : memref<128xi32, #tpu.memory_space<vmem>>) target_semaphore(%run_scoped3A_68 : memref<!tpu.dma_semaphore, #tpu.memory_space<semaphore_mem>>)
        %dma_wait3A = tpu.memref_slice %arg2[%run_scoped3A, %mul3A_58] : memref<2x800128xi32, #tpu.memory_space<hbm>> -> memref<1x128xi32, #tpu.memory_space<hbm>>
        %dma_wait3A_72 = tpu.memref_squeeze %dma_wait3A : memref<1x128xi32, #tpu.memory_space<hbm>> -> memref<128xi32, #tpu.memory_space<hbm>>
        %dma_wait3A_73 = tpu.memref_slice %arg2[%run_scoped3A, %mul3A_58] : memref<2x800128xi32, #tpu.memory_space<hbm>> -> memref<1x128xi32, #tpu.memory_space<hbm>>
        %dma_wait3A_74 = tpu.memref_squeeze %dma_wait3A_73 : memref<1x128xi32, #tpu.memory_space<hbm>> -> memref<128xi32, #tpu.memory_space<hbm>>
        tpu.wait_dma2 semaphore(%run_scoped3A_68 : memref<!tpu.dma_semaphore, #tpu.memory_space<semaphore_mem>>) src(%dma_wait3A_74 : memref<128xi32, #tpu.memory_space<hbm>>) dst(%arg6 : memref<128xi32, #tpu.memory_space<vmem>>)
        tpu.yield
      }) : () -> ()
      %run_scoped3A_59 = arith.constant 1 : i32
      "tpu.region"() ({
        %run_scoped3A_68 = tpu.sem_alloc : memref<!tpu.dma_semaphore, #tpu.memory_space<semaphore_mem>>
        %dma_start3A = tpu.memref_slice %arg2[%run_scoped3A_59, %mul3A_58] : memref<2x800128xi32, #tpu.memory_space<hbm>> -> memref<1x128xi32, #tpu.memory_space<hbm>>
        %dma_start3A_69 = tpu.memref_squeeze %dma_start3A : memref<1x128xi32, #tpu.memory_space<hbm>> -> memref<128xi32, #tpu.memory_space<hbm>>
        %dma_start3A_70 = tpu.memref_slice %arg2[%run_scoped3A_59, %mul3A_58] : memref<2x800128xi32, #tpu.memory_space<hbm>> -> memref<1x128xi32, #tpu.memory_space<hbm>>
        %dma_start3A_71 = tpu.memref_squeeze %dma_start3A_70 : memref<1x128xi32, #tpu.memory_space<hbm>> -> memref<128xi32, #tpu.memory_space<hbm>>
        tpu.enqueue_dma source(%dma_start3A_71 : memref<128xi32, #tpu.memory_space<hbm>>) target(%arg7 : memref<128xi32, #tpu.memory_space<vmem>>) target_semaphore(%run_scoped3A_68 : memref<!tpu.dma_semaphore, #tpu.memory_space<semaphore_mem>>)
        %dma_wait3A = tpu.memref_slice %arg2[%run_scoped3A_59, %mul3A_58] : memref<2x800128xi32, #tpu.memory_space<hbm>> -> memref<1x128xi32, #tpu.memory_space<hbm>>
        %dma_wait3A_72 = tpu.memref_squeeze %dma_wait3A : memref<1x128xi32, #tpu.memory_space<hbm>> -> memref<128xi32, #tpu.memory_space<hbm>>
        %dma_wait3A_73 = tpu.memref_slice %arg2[%run_scoped3A_59, %mul3A_58] : memref<2x800128xi32, #tpu.memory_space<hbm>> -> memref<1x128xi32, #tpu.memory_space<hbm>>
        %dma_wait3A_74 = tpu.memref_squeeze %dma_wait3A_73 : memref<1x128xi32, #tpu.memory_space<hbm>> -> memref<128xi32, #tpu.memory_space<hbm>>
        tpu.wait_dma2 semaphore(%run_scoped3A_68 : memref<!tpu.dma_semaphore, #tpu.memory_space<semaphore_mem>>) src(%dma_wait3A_74 : memref<128xi32, #tpu.memory_space<hbm>>) dst(%arg7 : memref<128xi32, #tpu.memory_space<vmem>>)
        tpu.yield
      }) : () -> ()
      "tpu.region"() ({
        %run_scoped3A_68 = tpu.sem_alloc : memref<!tpu.dma_semaphore, #tpu.memory_space<semaphore_mem>>
        %dma_start3A = arith.constant 0 : i32
        %dma_start3A_69 = arith.constant 0 : i32
        %dma_start3A_70 = tpu.memref_slice %arg3[%dma_start3A, %dma_start3A_69] : memref<50176x32xf32, #tpu.memory_space<hbm>> -> memref<50176x32xf32, #tpu.memory_space<hbm>>
        tpu.enqueue_indirect_dma source(%dma_start3A_70 : memref<50176x32xf32, #tpu.memory_space<hbm>>) target(%arg8 : memref<128x32xf32, #tpu.memory_space<vmem>>) offsets(%arg6 : memref<128xi32, #tpu.memory_space<vmem>>) semaphore(%run_scoped3A_68 : memref<!tpu.dma_semaphore, #tpu.memory_space<semaphore_mem>>)
        %dma_wait3A = arith.constant 0 : i32
        %dma_wait3A_71 = arith.constant 0 : i32
        %dma_wait3A_72 = tpu.memref_slice %arg3[%dma_wait3A, %dma_wait3A_71] : memref<50176x32xf32, #tpu.memory_space<hbm>> -> memref<50176x32xf32, #tpu.memory_space<hbm>>
        tpu.wait_indirect_dma semaphore(%run_scoped3A_68 : memref<!tpu.dma_semaphore, #tpu.memory_space<semaphore_mem>>) src(%dma_wait3A_72 : memref<50176x32xf32, #tpu.memory_space<hbm>>) dst(%arg8 : memref<128x32xf32, #tpu.memory_space<vmem>>)
        tpu.yield
      }) : () -> ()
      "tpu.region"() ({
        %run_scoped3A_68 = tpu.sem_alloc : memref<!tpu.dma_semaphore, #tpu.memory_space<semaphore_mem>>
        %dma_start3A = arith.constant 0 : i32
        %dma_start3A_69 = tpu.memref_slice %arg4[%mul3A_58, %dma_start3A] : memref<800128x16xf32, #tpu.memory_space<hbm>> -> memref<128x16xf32, #tpu.memory_space<hbm>>
        %dma_start3A_70 = arith.constant 0 : i32
        %dma_start3A_71 = tpu.memref_slice %arg4[%mul3A_58, %dma_start3A_70] : memref<800128x16xf32, #tpu.memory_space<hbm>> -> memref<128x16xf32, #tpu.memory_space<hbm>>
        tpu.enqueue_dma source(%dma_start3A_71 : memref<128x16xf32, #tpu.memory_space<hbm>>) target(%arg9 : memref<128x16xf32, #tpu.memory_space<vmem>>) target_semaphore(%run_scoped3A_68 : memref<!tpu.dma_semaphore, #tpu.memory_space<semaphore_mem>>)
        %dma_wait3A = arith.constant 0 : i32
        %dma_wait3A_72 = tpu.memref_slice %arg4[%mul3A_58, %dma_wait3A] : memref<800128x16xf32, #tpu.memory_space<hbm>> -> memref<128x16xf32, #tpu.memory_space<hbm>>
        %dma_wait3A_73 = arith.constant 0 : i32
        %dma_wait3A_74 = tpu.memref_slice %arg4[%mul3A_58, %dma_wait3A_73] : memref<800128x16xf32, #tpu.memory_space<hbm>> -> memref<128x16xf32, #tpu.memory_space<hbm>>
        tpu.wait_dma2 semaphore(%run_scoped3A_68 : memref<!tpu.dma_semaphore, #tpu.memory_space<semaphore_mem>>) src(%dma_wait3A_74 : memref<128x16xf32, #tpu.memory_space<hbm>>) dst(%arg9 : memref<128x16xf32, #tpu.memory_space<vmem>>)
        tpu.yield
      }) : () -> ()
      %scan3A_60 = arith.constant 0 : i32
      %scan3A_61 = arith.constant 0 : i32
      %scan3A_62 = arith.constant 128 : i32
      %scan3A_63 = arith.addi %scan3A_61, %scan3A_62 : i32
      %scan3A_64 = arith.constant 1 : i32
      %scan3A_65 = scf.for %scan3A_68 = %scan3A_61 to %scan3A_63 step %scan3A_64 iter_args(%scan3A_69 = %scan3A_60) -> (i32)  : i32 {
        %get3A = arith.index_cast %scan3A_68 : i32 to index
        %get3A_70 = arith.constant 0 : index
        %get3A_71 = tpu.vector_load %arg9[%get3A, %get3A_70] {strides = array<i32>} : memref<128x16xf32, #tpu.memory_space<vmem>>, vector<1x16xf32>,
        %get3A_72 = vector.shape_cast %get3A_71 : vector<1x16xf32> to vector<16xf32>
        %slice3A = vector.extract_strided_slice %get3A_72 {offsets = [0], sizes = [1], strides = [1]} : vector<16xf32> to vector<1xf32>
        %squeeze3A = vector.extract %slice3A[0] : f32 from vector<1xf32>
        %broadcast_in_dim3A = vector.broadcast %squeeze3A : f32 to vector<16xf32>
        %slice3A_73 = vector.extract_strided_slice %get3A_72 {offsets = [1], sizes = [1], strides = [1]} : vector<16xf32> to vector<1xf32>
        %squeeze3A_74 = vector.extract %slice3A_73[0] : f32 from vector<1xf32>
        %broadcast_in_dim3A_75 = vector.broadcast %squeeze3A_74 : f32 to vector<16xf32>
        %get3A_76 = arith.index_cast %scan3A_68 : i32 to index
        %get3A_77 = arith.constant 0 : index
        %get3A_78 = tpu.vector_load %arg8[%get3A_76, %get3A_77] {strides = array<i32>} : memref<128x32xf32, #tpu.memory_space<vmem>>, vector<1x16xf32>,
        %get3A_79 = vector.shape_cast %get3A_78 : vector<1x16xf32> to vector<16xf32>
        %mul3A_80 = arith.mulf %get3A_79, %broadcast_in_dim3A : vector<16xf32>
        %swap3A = arith.index_cast %scan3A_68 : i32 to index
        %swap3A_81 = arith.constant 0 : index
        %swap3A_82 = tpu.vector_load %arg10[%swap3A, %swap3A_81] {strides = array<i32>} : memref<128x32xf32, #tpu.memory_space<vmem>>, vector<1x16xf32>,
        %swap3A_83 = vector.shape_cast %swap3A_82 : vector<1x16xf32> to vector<16xf32>
        %swap3A_84 = vector.shape_cast %mul3A_80 : vector<16xf32> to vector<1x16xf32>
        tpu.vector_store %arg10[%swap3A, %swap3A_81], %swap3A_84 {strides = array<i32>} : memref<128x32xf32, #tpu.memory_space<vmem>>, vector<1x16xf32>,
        %get3A_85 = arith.index_cast %scan3A_68 : i32 to index
        %get3A_86 = arith.constant 16 : index
        %get3A_87 = tpu.vector_load %arg8[%get3A_85, %get3A_86] {strides = array<i32>} : memref<128x32xf32, #tpu.memory_space<vmem>>, vector<1x16xf32>,
        %get3A_88 = vector.shape_cast %get3A_87 : vector<1x16xf32> to vector<16xf32>
        %mul3A_89 = arith.mulf %get3A_88, %broadcast_in_dim3A_75 : vector<16xf32>
        %swap3A_90 = arith.index_cast %scan3A_68 : i32 to index
        %swap3A_91 = arith.constant 16 : index
        %swap3A_92 = tpu.vector_load %arg10[%swap3A_90, %swap3A_91] {strides = array<i32>} : memref<128x32xf32, #tpu.memory_space<vmem>>, vector<1x16xf32>,
        %swap3A_93 = vector.shape_cast %swap3A_92 : vector<1x16xf32> to vector<16xf32>
        %swap3A_94 = vector.shape_cast %mul3A_89 : vector<16xf32> to vector<1x16xf32>
        tpu.vector_store %arg10[%swap3A_90, %swap3A_91], %swap3A_94 {strides = array<i32>} : memref<128x32xf32, #tpu.memory_space<vmem>>, vector<1x16xf32>,
        %scan3A_95 = arith.constant 0 : i32
        scf.yield %scan3A_95 : i32
      }
      %scan3A_66 = arith.constant 128 : i32
      "tpu.region"() ({
        %run_scoped3A_68 = tpu.sem_alloc : memref<!tpu.dma_semaphore, #tpu.memory_space<semaphore_mem>>
        %dma_start3A = arith.constant 0 : i32
        %dma_start3A_69 = arith.constant 0 : i32
        %dma_start3A_70 = tpu.memref_slice %arg12[%dma_start3A, %dma_start3A_69] : memref<50176x32xf32, #tpu.memory_space<vmem_shared>> -> memref<50176x32xf32, #tpu.memory_space<vmem_shared>>
        tpu.enqueue_indirect_dma source(%arg10 : memref<128x32xf32, #tpu.memory_space<vmem>>) target(%dma_start3A_70 : memref<50176x32xf32, #tpu.memory_space<vmem_shared>>) offsets(%arg7 : memref<128xi32, #tpu.memory_space<vmem>>) semaphore(%run_scoped3A_68 : memref<!tpu.dma_semaphore, #tpu.memory_space<semaphore_mem>>) {add = true}
        %dma_wait3A = arith.constant 0 : i32
        %dma_wait3A_71 = arith.constant 0 : i32
        %dma_wait3A_72 = tpu.memref_slice %arg12[%dma_wait3A, %dma_wait3A_71] : memref<50176x32xf32, #tpu.memory_space<vmem_shared>> -> memref<50176x32xf32, #tpu.memory_space<vmem_shared>>
        tpu.wait_indirect_dma semaphore(%run_scoped3A_68 : memref<!tpu.dma_semaphore, #tpu.memory_space<semaphore_mem>>) src(%arg10 : memref<128x32xf32, #tpu.memory_space<vmem>>) dst(%dma_wait3A_72 : memref<50176x32xf32, #tpu.memory_space<vmem_shared>>)
        tpu.yield
      }) : () -> ()
      %while3A_67 = arith.constant 0 : i32
      scf.yield %while3A_67 : i32
    }
    %barrier3A_47 = arith.constant 0 : index
    tpu.barrier barrier_id(%barrier3A_47)
    %mul3A_48 = arith.constant 3136 : i32
    %mul3A_49 = arith.muli %arg1, %mul3A_48 : i32
    %mul3A_50 = arith.constant 3136 : i32
    %mul3A_51 = arith.muli %arg1, %mul3A_50 : i32
    "tpu.region"() ({
      %run_scoped3A = tpu.sem_alloc : memref<!tpu.dma_semaphore, #tpu.memory_space<semaphore_mem>>
      %dma_start3A = arith.constant 0 : i32
      %dma_start3A_52 = tpu.memref_slice %arg5[%arg0, %mul3A_51, %dma_start3A] : memref<2x50176x32xf32, #tpu.memory_space<hbm>> -> memref<1x3136x32xf32, #tpu.memory_space<hbm>>
      %dma_start3A_53 = tpu.memref_squeeze %dma_start3A_52 : memref<1x3136x32xf32, #tpu.memory_space<hbm>> -> memref<3136x32xf32, #tpu.memory_space<hbm>>
      %dma_start3A_54 = arith.constant 0 : i32
      %dma_start3A_55 = tpu.memref_slice %arg12[%mul3A_49, %dma_start3A_54] : memref<50176x32xf32, #tpu.memory_space<vmem_shared>> -> memref<3136x32xf32, #tpu.memory_space<vmem_shared>>
      tpu.enqueue_dma source(%dma_start3A_55 : memref<3136x32xf32, #tpu.memory_space<vmem_shared>>) target(%dma_start3A_53 : memref<3136x32xf32, #tpu.memory_space<hbm>>) target_semaphore(%run_scoped3A : memref<!tpu.dma_semaphore, #tpu.memory_space<semaphore_mem>>)
      %dma_wait3A = arith.constant 0 : i32
      %dma_wait3A_56 = tpu.memref_slice %arg5[%arg0, %mul3A_51, %dma_wait3A] : memref<2x50176x32xf32, #tpu.memory_space<hbm>> -> memref<1x3136x32xf32, #tpu.memory_space<hbm>>
      %dma_wait3A_57 = tpu.memref_squeeze %dma_wait3A_56 : memref<1x3136x32xf32, #tpu.memory_space<hbm>> -> memref<3136x32xf32, #tpu.memory_space<hbm>>
      %dma_wait3A_58 = arith.constant 0 : i32
      %dma_wait3A_59 = tpu.memref_slice %arg12[%mul3A_49, %dma_wait3A_58] : memref<50176x32xf32, #tpu.memory_space<vmem_shared>> -> memref<3136x32xf32, #tpu.memory_space<vmem_shared>>
      tpu.wait_dma2 semaphore(%run_scoped3A : memref<!tpu.dma_semaphore, #tpu.memory_space<semaphore_mem>>) src(%dma_wait3A_59 : memref<3136x32xf32, #tpu.memory_space<vmem_shared>>) dst(%dma_wait3A_57 : memref<3136x32xf32, #tpu.memory_space<hbm>>)
      tpu.yield
    }) : () -> ()
    return
  }
}

#map = affine_map<(d0, d1) -> (0, 0)>
#map1 = affine_map<(d0, d1) -> (0, 0, 0)>
module attributes {stable_mosaic.version = 14 : i64} {
  func.func @_feature_body(%arg0: i32, %arg1: i32, %arg2: memref<2x800128xi32, #tpu.memory_space<hbm>>, %arg3: memref<50176x32xf32, #tpu.memory_space<hbm>>, %arg4: memref<800128x16xf32, #tpu.memory_space<hbm>>, %arg5: memref<2x50176x32xf32, #tpu.memory_space<hbm>>, %arg6: memref<128xi32, #tpu.memory_space<vmem>>, %arg7: memref<128xi32, #tpu.memory_space<vmem>>, %arg8: memref<128x32xf32, #tpu.memory_space<vmem>>, %arg9: memref<128x16xf32, #tpu.memory_space<vmem>>, %arg10: memref<128x32xf32, #tpu.memory_space<vmem>>, %arg11: memref<448x32xf32, #tpu.memory_space<vmem>>, %arg12: memref<50176x32xf32, #tpu.memory_space<vmem_shared>>) attributes {dimension_semantics = [#tpu.dimension_semantics<core_parallel>, #tpu.dimension_semantics<subcore_parallel>], iteration_bounds = array<i64: 2, 16>, scalar_prefetch = 0 : i64, scratch_operands = 7 : i64, tpu.core_type = #tpu.core_type<sc_vector_subcore>, window_params = [{transform_indices = #map}, {transform_indices = #map}, {transform_indices = #map}, {transform_indices = #map1}]} {
    %mul3A = arith.constant 2 : i32
    %mul3A_0 = arith.muli %arg1, %mul3A : i32
    %add3A = arith.addi %mul3A_0, %arg0 : i32
    %scan3A = arith.constant 0 : i32
    %scan3A_1 = arith.constant 0 : i32
    %scan3A_2 = arith.constant 448 : i32
    %scan3A_3 = arith.addi %scan3A_1, %scan3A_2 : i32
    %scan3A_4 = arith.constant 1 : i32
    %scan3A_5 = scf.for %scan3A_52 = %scan3A_1 to %scan3A_3 step %scan3A_4 iter_args(%scan3A_53 = %scan3A) -> (i32)  : i32 {
      %broadcast_in_dim3A = arith.constant 0.000000e+00 : f32
      %broadcast_in_dim3A_54 = vector.broadcast %broadcast_in_dim3A : f32 to vector<16xf32>
      %swap3A = arith.index_cast %scan3A_52 : i32 to index
      %swap3A_55 = arith.constant 0 : index
      %swap3A_56 = tpu.vector_load %arg11[%swap3A, %swap3A_55] {strides = array<i32>} : memref<448x32xf32, #tpu.memory_space<vmem>>, vector<1x16xf32>,
      %swap3A_57 = vector.shape_cast %swap3A_56 : vector<1x16xf32> to vector<16xf32>
      %swap3A_58 = vector.shape_cast %broadcast_in_dim3A_54 : vector<16xf32> to vector<1x16xf32>
      tpu.vector_store %arg11[%swap3A, %swap3A_55], %swap3A_58 {strides = array<i32>} : memref<448x32xf32, #tpu.memory_space<vmem>>, vector<1x16xf32>,
      %broadcast_in_dim3A_59 = arith.constant 0.000000e+00 : f32
      %broadcast_in_dim3A_60 = vector.broadcast %broadcast_in_dim3A_59 : f32 to vector<16xf32>
      %swap3A_61 = arith.index_cast %scan3A_52 : i32 to index
      %swap3A_62 = arith.constant 16 : index
      %swap3A_63 = tpu.vector_load %arg11[%swap3A_61, %swap3A_62] {strides = array<i32>} : memref<448x32xf32, #tpu.memory_space<vmem>>, vector<1x16xf32>,
      %swap3A_64 = vector.shape_cast %swap3A_63 : vector<1x16xf32> to vector<16xf32>
      %swap3A_65 = vector.shape_cast %broadcast_in_dim3A_60 : vector<16xf32> to vector<1x16xf32>
      tpu.vector_store %arg11[%swap3A_61, %swap3A_62], %swap3A_65 {strides = array<i32>} : memref<448x32xf32, #tpu.memory_space<vmem>>, vector<1x16xf32>,
      %scan3A_66 = arith.constant 0 : i32
      scf.yield %scan3A_66 : i32
    }
    %scan3A_6 = arith.constant 448 : i32
    %scan3A_7 = arith.constant 0 : i32
    %scan3A_8 = arith.constant 0 : i32
    %scan3A_9 = arith.constant 7 : i32
    %scan3A_10 = arith.addi %scan3A_8, %scan3A_9 : i32
    %scan3A_11 = arith.constant 1 : i32
    %scan3A_12 = scf.for %scan3A_52 = %scan3A_8 to %scan3A_10 step %scan3A_11 iter_args(%scan3A_53 = %scan3A_7) -> (i32)  : i32 {
      %mul3A_54 = arith.constant 3136 : i32
      %mul3A_55 = arith.muli %arg1, %mul3A_54 : i32
      %mul3A_56 = arith.constant 448 : i32
      %mul3A_57 = arith.muli %scan3A_52, %mul3A_56 : i32
      %add3A_58 = arith.addi %mul3A_55, %mul3A_57 : i32
      "tpu.region"() ({
        %run_scoped3A = tpu.sem_alloc : memref<!tpu.dma_semaphore, #tpu.memory_space<semaphore_mem>>
        %dma_start3A = arith.constant 0 : i32
        %dma_start3A_60 = tpu.memref_slice %arg12[%add3A_58, %dma_start3A] : memref<50176x32xf32, #tpu.memory_space<vmem_shared>> -> memref<448x32xf32, #tpu.memory_space<vmem_shared>>
        %dma_start3A_61 = arith.constant 0 : i32
        %dma_start3A_62 = tpu.memref_slice %arg12[%add3A_58, %dma_start3A_61] : memref<50176x32xf32, #tpu.memory_space<vmem_shared>> -> memref<448x32xf32, #tpu.memory_space<vmem_shared>>
        tpu.enqueue_dma source(%arg11 : memref<448x32xf32, #tpu.memory_space<vmem>>) target(%dma_start3A_62 : memref<448x32xf32, #tpu.memory_space<vmem_shared>>) target_semaphore(%run_scoped3A : memref<!tpu.dma_semaphore, #tpu.memory_space<semaphore_mem>>)
        %dma_wait3A = arith.constant 0 : i32
        %dma_wait3A_63 = tpu.memref_slice %arg12[%add3A_58, %dma_wait3A] : memref<50176x32xf32, #tpu.memory_space<vmem_shared>> -> memref<448x32xf32, #tpu.memory_space<vmem_shared>>
        %dma_wait3A_64 = arith.constant 0 : i32
        %dma_wait3A_65 = tpu.memref_slice %arg12[%add3A_58, %dma_wait3A_64] : memref<50176x32xf32, #tpu.memory_space<vmem_shared>> -> memref<448x32xf32, #tpu.memory_space<vmem_shared>>
        tpu.wait_dma2 semaphore(%run_scoped3A : memref<!tpu.dma_semaphore, #tpu.memory_space<semaphore_mem>>) src(%arg11 : memref<448x32xf32, #tpu.memory_space<vmem>>) dst(%dma_wait3A_65 : memref<448x32xf32, #tpu.memory_space<vmem_shared>>)
        tpu.yield
      }) : () -> ()
      %scan3A_59 = arith.constant 0 : i32
      scf.yield %scan3A_59 : i32
    }
    %scan3A_13 = arith.constant 7 : i32
    %barrier3A = arith.constant 0 : index
    tpu.barrier barrier_id(%barrier3A)
    %sub3A = arith.constant 6251 : i32
    %sub3A_14 = arith.subi %sub3A, %add3A : i32
    %add3A_15 = arith.constant 32 : i32
    %add3A_16 = arith.addi %sub3A_14, %add3A_15 : i32
    %sub3A_17 = arith.constant 1 : i32
    %sub3A_18 = arith.subi %add3A_16, %sub3A_17 : i32
    %jit3A = arith.constant 32 : i32
    %div3A = arith.divsi %sub3A_18, %jit3A : i32
    %sign3A = arith.constant 0 : i32
    %sign3A_19 = arith.cmpi sgt, %sub3A_18, %sign3A : i32
    %sign3A_20 = arith.extui %sign3A_19 : i1 to i32
    %sign3A_21 = arith.constant 0 : i32
    %sign3A_22 = arith.cmpi slt, %sub3A_18, %sign3A_21 : i32
    %sign3A_23 = arith.extui %sign3A_22 : i1 to i32
    %sign3A_24 = arith.subi %sign3A_20, %sign3A_23 : i32
    %sign3A_25 = arith.constant 0 : i32
    %sign3A_26 = arith.cmpi sgt, %jit3A, %sign3A_25 : i32
    %sign3A_27 = arith.extui %sign3A_26 : i1 to i32
    %sign3A_28 = arith.constant 0 : i32
    %sign3A_29 = arith.cmpi slt, %jit3A, %sign3A_28 : i32
    %sign3A_30 = arith.extui %sign3A_29 : i1 to i32
    %sign3A_31 = arith.subi %sign3A_27, %sign3A_30 : i32
    %ne3A = arith.cmpi ne, %sign3A_24, %sign3A_31 : i32
    %rem3A = arith.remsi %sub3A_18, %jit3A : i32
    %ne3A_32 = arith.constant 0 : i32
    %ne3A_33 = arith.cmpi ne, %rem3A, %ne3A_32 : i32
    %and3A = arith.andi %ne3A, %ne3A_33 : i1
    %sub3A_34 = arith.constant 1 : i32
    %sub3A_35 = arith.subi %div3A, %sub3A_34 : i32
    %select_n3A = arith.select %and3A, %sub3A_35, %div3A : i32
    %while3A = arith.constant 0 : i32
    %while3A_36 = arith.constant 0 : i32
    %while3A_37 = arith.subi %select_n3A, %while3A : i32
    %while3A_38 = arith.addi %while3A, %while3A_37 : i32
    %while3A_39 = arith.constant 1 : i32
    %while3A_40 = arith.divsi %while3A_37, %while3A_39 : i32
    %while3A_41 = arith.muli %while3A_40, %while3A_39 : i32
    %while3A_42 = arith.addi %while3A, %while3A_41 : i32
    %while3A_43 = arith.constant 1 : i32
    %while3A_44 = scf.for %while3A_52 = %while3A to %while3A_42 step %while3A_43 iter_args(%while3A_53 = %while3A_36) -> (i32)  : i32 {
      %mul3A_54 = arith.constant 32 : i32
      %mul3A_55 = arith.muli %mul3A_54, %while3A_52 : i32
      %add3A_56 = arith.addi %add3A, %mul3A_55 : i32
      %mul3A_57 = arith.constant 128 : i32
      %mul3A_58 = arith.muli %add3A_56, %mul3A_57 : i32
      %run_scoped3A = arith.constant 0 : i32
      "tpu.region"() ({
        %run_scoped3A_68 = tpu.sem_alloc : memref<!tpu.dma_semaphore, #tpu.memory_space<semaphore_mem>>
        %dma_start3A = tpu.memref_slice %arg2[%run_scoped3A, %mul3A_58] : memref<2x800128xi32, #tpu.memory_space<hbm>> -> memref<1x128xi32, #tpu.memory_space<hbm>>
        %dma_start3A_69 = tpu.memref_squeeze %dma_start3A : memref<1x128xi32, #tpu.memory_space<hbm>> -> memref<128xi32, #tpu.memory_space<hbm>>
        %dma_start3A_70 = tpu.memref_slice %arg2[%run_scoped3A, %mul3A_58] : memref<2x800128xi32, #tpu.memory_space<hbm>> -> memref<1x128xi32, #tpu.memory_space<hbm>>
        %dma_start3A_71 = tpu.memref_squeeze %dma_start3A_70 : memref<1x128xi32, #tpu.memory_space<hbm>> -> memref<128xi32, #tpu.memory_space<hbm>>
        tpu.enqueue_dma source(%dma_start3A_71 : memref<128xi32, #tpu.memory_space<hbm>>) target(%arg6 : memref<128xi32, #tpu.memory_space<vmem>>) target_semaphore(%run_scoped3A_68 : memref<!tpu.dma_semaphore, #tpu.memory_space<semaphore_mem>>)
        %dma_wait3A = tpu.memref_slice %arg2[%run_scoped3A, %mul3A_58] : memref<2x800128xi32, #tpu.memory_space<hbm>> -> memref<1x128xi32, #tpu.memory_space<hbm>>
        %dma_wait3A_72 = tpu.memref_squeeze %dma_wait3A : memref<1x128xi32, #tpu.memory_space<hbm>> -> memref<128xi32, #tpu.memory_space<hbm>>
        %dma_wait3A_73 = tpu.memref_slice %arg2[%run_scoped3A, %mul3A_58] : memref<2x800128xi32, #tpu.memory_space<hbm>> -> memref<1x128xi32, #tpu.memory_space<hbm>>
        %dma_wait3A_74 = tpu.memref_squeeze %dma_wait3A_73 : memref<1x128xi32, #tpu.memory_space<hbm>> -> memref<128xi32, #tpu.memory_space<hbm>>
        tpu.wait_dma2 semaphore(%run_scoped3A_68 : memref<!tpu.dma_semaphore, #tpu.memory_space<semaphore_mem>>) src(%dma_wait3A_74 : memref<128xi32, #tpu.memory_space<hbm>>) dst(%arg6 : memref<128xi32, #tpu.memory_space<vmem>>)
        tpu.yield
      }) : () -> ()
      %run_scoped3A_59 = arith.constant 1 : i32
      "tpu.region"() ({
        %run_scoped3A_68 = tpu.sem_alloc : memref<!tpu.dma_semaphore, #tpu.memory_space<semaphore_mem>>
        %dma_start3A = tpu.memref_slice %arg2[%run_scoped3A_59, %mul3A_58] : memref<2x800128xi32, #tpu.memory_space<hbm>> -> memref<1x128xi32, #tpu.memory_space<hbm>>
        %dma_start3A_69 = tpu.memref_squeeze %dma_start3A : memref<1x128xi32, #tpu.memory_space<hbm>> -> memref<128xi32, #tpu.memory_space<hbm>>
        %dma_start3A_70 = tpu.memref_slice %arg2[%run_scoped3A_59, %mul3A_58] : memref<2x800128xi32, #tpu.memory_space<hbm>> -> memref<1x128xi32, #tpu.memory_space<hbm>>
        %dma_start3A_71 = tpu.memref_squeeze %dma_start3A_70 : memref<1x128xi32, #tpu.memory_space<hbm>> -> memref<128xi32, #tpu.memory_space<hbm>>
        tpu.enqueue_dma source(%dma_start3A_71 : memref<128xi32, #tpu.memory_space<hbm>>) target(%arg7 : memref<128xi32, #tpu.memory_space<vmem>>) target_semaphore(%run_scoped3A_68 : memref<!tpu.dma_semaphore, #tpu.memory_space<semaphore_mem>>)
        %dma_wait3A = tpu.memref_slice %arg2[%run_scoped3A_59, %mul3A_58] : memref<2x800128xi32, #tpu.memory_space<hbm>> -> memref<1x128xi32, #tpu.memory_space<hbm>>
        %dma_wait3A_72 = tpu.memref_squeeze %dma_wait3A : memref<1x128xi32, #tpu.memory_space<hbm>> -> memref<128xi32, #tpu.memory_space<hbm>>
        %dma_wait3A_73 = tpu.memref_slice %arg2[%run_scoped3A_59, %mul3A_58] : memref<2x800128xi32, #tpu.memory_space<hbm>> -> memref<1x128xi32, #tpu.memory_space<hbm>>
        %dma_wait3A_74 = tpu.memref_squeeze %dma_wait3A_73 : memref<1x128xi32, #tpu.memory_space<hbm>> -> memref<128xi32, #tpu.memory_space<hbm>>
        tpu.wait_dma2 semaphore(%run_scoped3A_68 : memref<!tpu.dma_semaphore, #tpu.memory_space<semaphore_mem>>) src(%dma_wait3A_74 : memref<128xi32, #tpu.memory_space<hbm>>) dst(%arg7 : memref<128xi32, #tpu.memory_space<vmem>>)
        tpu.yield
      }) : () -> ()
      "tpu.region"() ({
        %run_scoped3A_68 = tpu.sem_alloc : memref<!tpu.dma_semaphore, #tpu.memory_space<semaphore_mem>>
        %dma_start3A = arith.constant 0 : i32
        %dma_start3A_69 = arith.constant 0 : i32
        %dma_start3A_70 = tpu.memref_slice %arg3[%dma_start3A, %dma_start3A_69] : memref<50176x32xf32, #tpu.memory_space<hbm>> -> memref<50176x32xf32, #tpu.memory_space<hbm>>
        tpu.enqueue_indirect_dma source(%dma_start3A_70 : memref<50176x32xf32, #tpu.memory_space<hbm>>) target(%arg8 : memref<128x32xf32, #tpu.memory_space<vmem>>) offsets(%arg6 : memref<128xi32, #tpu.memory_space<vmem>>) semaphore(%run_scoped3A_68 : memref<!tpu.dma_semaphore, #tpu.memory_space<semaphore_mem>>)
        %dma_wait3A = arith.constant 0 : i32
        %dma_wait3A_71 = arith.constant 0 : i32
        %dma_wait3A_72 = tpu.memref_slice %arg3[%dma_wait3A, %dma_wait3A_71] : memref<50176x32xf32, #tpu.memory_space<hbm>> -> memref<50176x32xf32, #tpu.memory_space<hbm>>
        tpu.wait_indirect_dma semaphore(%run_scoped3A_68 : memref<!tpu.dma_semaphore, #tpu.memory_space<semaphore_mem>>) src(%dma_wait3A_72 : memref<50176x32xf32, #tpu.memory_space<hbm>>) dst(%arg8 : memref<128x32xf32, #tpu.memory_space<vmem>>)
        tpu.yield
      }) : () -> ()
      "tpu.region"() ({
        %run_scoped3A_68 = tpu.sem_alloc : memref<!tpu.dma_semaphore, #tpu.memory_space<semaphore_mem>>
        %dma_start3A = arith.constant 0 : i32
        %dma_start3A_69 = tpu.memref_slice %arg4[%mul3A_58, %dma_start3A] : memref<800128x16xf32, #tpu.memory_space<hbm>> -> memref<128x16xf32, #tpu.memory_space<hbm>>
        %dma_start3A_70 = arith.constant 0 : i32
        %dma_start3A_71 = tpu.memref_slice %arg4[%mul3A_58, %dma_start3A_70] : memref<800128x16xf32, #tpu.memory_space<hbm>> -> memref<128x16xf32, #tpu.memory_space<hbm>>
        tpu.enqueue_dma source(%dma_start3A_71 : memref<128x16xf32, #tpu.memory_space<hbm>>) target(%arg9 : memref<128x16xf32, #tpu.memory_space<vmem>>) target_semaphore(%run_scoped3A_68 : memref<!tpu.dma_semaphore, #tpu.memory_space<semaphore_mem>>)
        %dma_wait3A = arith.constant 0 : i32
        %dma_wait3A_72 = tpu.memref_slice %arg4[%mul3A_58, %dma_wait3A] : memref<800128x16xf32, #tpu.memory_space<hbm>> -> memref<128x16xf32, #tpu.memory_space<hbm>>
        %dma_wait3A_73 = arith.constant 0 : i32
        %dma_wait3A_74 = tpu.memref_slice %arg4[%mul3A_58, %dma_wait3A_73] : memref<800128x16xf32, #tpu.memory_space<hbm>> -> memref<128x16xf32, #tpu.memory_space<hbm>>
        tpu.wait_dma2 semaphore(%run_scoped3A_68 : memref<!tpu.dma_semaphore, #tpu.memory_space<semaphore_mem>>) src(%dma_wait3A_74 : memref<128x16xf32, #tpu.memory_space<hbm>>) dst(%arg9 : memref<128x16xf32, #tpu.memory_space<vmem>>)
        tpu.yield
      }) : () -> ()
      %scan3A_60 = arith.constant 0 : i32
      %scan3A_61 = arith.constant 0 : i32
      %scan3A_62 = arith.constant 128 : i32
      %scan3A_63 = arith.addi %scan3A_61, %scan3A_62 : i32
      %scan3A_64 = arith.constant 1 : i32
      %scan3A_65 = scf.for %scan3A_68 = %scan3A_61 to %scan3A_63 step %scan3A_64 iter_args(%scan3A_69 = %scan3A_60) -> (i32)  : i32 {
        %get3A = arith.index_cast %scan3A_68 : i32 to index
        %get3A_70 = arith.constant 0 : index
        %get3A_71 = tpu.vector_load %arg9[%get3A, %get3A_70] {strides = array<i32>} : memref<128x16xf32, #tpu.memory_space<vmem>>, vector<1x16xf32>,
        %get3A_72 = vector.shape_cast %get3A_71 : vector<1x16xf32> to vector<16xf32>
        %slice3A = vector.extract_strided_slice %get3A_72 {offsets = [4], sizes = [1], strides = [1]} : vector<16xf32> to vector<1xf32>
        %squeeze3A = vector.extract %slice3A[0] : f32 from vector<1xf32>
        %broadcast_in_dim3A = vector.broadcast %squeeze3A : f32 to vector<16xf32>
        %slice3A_73 = vector.extract_strided_slice %get3A_72 {offsets = [5], sizes = [1], strides = [1]} : vector<16xf32> to vector<1xf32>
        %squeeze3A_74 = vector.extract %slice3A_73[0] : f32 from vector<1xf32>
        %broadcast_in_dim3A_75 = vector.broadcast %squeeze3A_74 : f32 to vector<16xf32>
        %get3A_76 = arith.index_cast %scan3A_68 : i32 to index
        %get3A_77 = arith.constant 0 : index
        %get3A_78 = tpu.vector_load %arg8[%get3A_76, %get3A_77] {strides = array<i32>} : memref<128x32xf32, #tpu.memory_space<vmem>>, vector<1x16xf32>,
        %get3A_79 = vector.shape_cast %get3A_78 : vector<1x16xf32> to vector<16xf32>
        %mul3A_80 = arith.mulf %get3A_79, %broadcast_in_dim3A : vector<16xf32>
        %swap3A = arith.index_cast %scan3A_68 : i32 to index
        %swap3A_81 = arith.constant 0 : index
        %swap3A_82 = tpu.vector_load %arg10[%swap3A, %swap3A_81] {strides = array<i32>} : memref<128x32xf32, #tpu.memory_space<vmem>>, vector<1x16xf32>,
        %swap3A_83 = vector.shape_cast %swap3A_82 : vector<1x16xf32> to vector<16xf32>
        %swap3A_84 = vector.shape_cast %mul3A_80 : vector<16xf32> to vector<1x16xf32>
        tpu.vector_store %arg10[%swap3A, %swap3A_81], %swap3A_84 {strides = array<i32>} : memref<128x32xf32, #tpu.memory_space<vmem>>, vector<1x16xf32>,
        %get3A_85 = arith.index_cast %scan3A_68 : i32 to index
        %get3A_86 = arith.constant 16 : index
        %get3A_87 = tpu.vector_load %arg8[%get3A_85, %get3A_86] {strides = array<i32>} : memref<128x32xf32, #tpu.memory_space<vmem>>, vector<1x16xf32>,
        %get3A_88 = vector.shape_cast %get3A_87 : vector<1x16xf32> to vector<16xf32>
        %mul3A_89 = arith.mulf %get3A_88, %broadcast_in_dim3A_75 : vector<16xf32>
        %swap3A_90 = arith.index_cast %scan3A_68 : i32 to index
        %swap3A_91 = arith.constant 16 : index
        %swap3A_92 = tpu.vector_load %arg10[%swap3A_90, %swap3A_91] {strides = array<i32>} : memref<128x32xf32, #tpu.memory_space<vmem>>, vector<1x16xf32>,
        %swap3A_93 = vector.shape_cast %swap3A_92 : vector<1x16xf32> to vector<16xf32>
        %swap3A_94 = vector.shape_cast %mul3A_89 : vector<16xf32> to vector<1x16xf32>
        tpu.vector_store %arg10[%swap3A_90, %swap3A_91], %swap3A_94 {strides = array<i32>} : memref<128x32xf32, #tpu.memory_space<vmem>>, vector<1x16xf32>,
        %scan3A_95 = arith.constant 0 : i32
        scf.yield %scan3A_95 : i32
      }
      %scan3A_66 = arith.constant 128 : i32
      "tpu.region"() ({
        %run_scoped3A_68 = tpu.sem_alloc : memref<!tpu.dma_semaphore, #tpu.memory_space<semaphore_mem>>
        %dma_start3A = arith.constant 0 : i32
        %dma_start3A_69 = arith.constant 0 : i32
        %dma_start3A_70 = tpu.memref_slice %arg12[%dma_start3A, %dma_start3A_69] : memref<50176x32xf32, #tpu.memory_space<vmem_shared>> -> memref<50176x32xf32, #tpu.memory_space<vmem_shared>>
        tpu.enqueue_indirect_dma source(%arg10 : memref<128x32xf32, #tpu.memory_space<vmem>>) target(%dma_start3A_70 : memref<50176x32xf32, #tpu.memory_space<vmem_shared>>) offsets(%arg7 : memref<128xi32, #tpu.memory_space<vmem>>) semaphore(%run_scoped3A_68 : memref<!tpu.dma_semaphore, #tpu.memory_space<semaphore_mem>>) {add = true}
        %dma_wait3A = arith.constant 0 : i32
        %dma_wait3A_71 = arith.constant 0 : i32
        %dma_wait3A_72 = tpu.memref_slice %arg12[%dma_wait3A, %dma_wait3A_71] : memref<50176x32xf32, #tpu.memory_space<vmem_shared>> -> memref<50176x32xf32, #tpu.memory_space<vmem_shared>>
        tpu.wait_indirect_dma semaphore(%run_scoped3A_68 : memref<!tpu.dma_semaphore, #tpu.memory_space<semaphore_mem>>) src(%arg10 : memref<128x32xf32, #tpu.memory_space<vmem>>) dst(%dma_wait3A_72 : memref<50176x32xf32, #tpu.memory_space<vmem_shared>>)
        tpu.yield
      }) : () -> ()
      %while3A_67 = arith.constant 0 : i32
      scf.yield %while3A_67 : i32
    }
    %while3A_45 = arith.constant 1 : i32
    %while3A_46 = scf.for %while3A_52 = %while3A_42 to %while3A_38 step %while3A_45 iter_args(%while3A_53 = %while3A_44) -> (i32)  : i32 {
      %mul3A_54 = arith.constant 32 : i32
      %mul3A_55 = arith.muli %mul3A_54, %while3A_52 : i32
      %add3A_56 = arith.addi %add3A, %mul3A_55 : i32
      %mul3A_57 = arith.constant 128 : i32
      %mul3A_58 = arith.muli %add3A_56, %mul3A_57 : i32
      %run_scoped3A = arith.constant 0 : i32
      "tpu.region"() ({
        %run_scoped3A_68 = tpu.sem_alloc : memref<!tpu.dma_semaphore, #tpu.memory_space<semaphore_mem>>
        %dma_start3A = tpu.memref_slice %arg2[%run_scoped3A, %mul3A_58] : memref<2x800128xi32, #tpu.memory_space<hbm>> -> memref<1x128xi32, #tpu.memory_space<hbm>>
        %dma_start3A_69 = tpu.memref_squeeze %dma_start3A : memref<1x128xi32, #tpu.memory_space<hbm>> -> memref<128xi32, #tpu.memory_space<hbm>>
        %dma_start3A_70 = tpu.memref_slice %arg2[%run_scoped3A, %mul3A_58] : memref<2x800128xi32, #tpu.memory_space<hbm>> -> memref<1x128xi32, #tpu.memory_space<hbm>>
        %dma_start3A_71 = tpu.memref_squeeze %dma_start3A_70 : memref<1x128xi32, #tpu.memory_space<hbm>> -> memref<128xi32, #tpu.memory_space<hbm>>
        tpu.enqueue_dma source(%dma_start3A_71 : memref<128xi32, #tpu.memory_space<hbm>>) target(%arg6 : memref<128xi32, #tpu.memory_space<vmem>>) target_semaphore(%run_scoped3A_68 : memref<!tpu.dma_semaphore, #tpu.memory_space<semaphore_mem>>)
        %dma_wait3A = tpu.memref_slice %arg2[%run_scoped3A, %mul3A_58] : memref<2x800128xi32, #tpu.memory_space<hbm>> -> memref<1x128xi32, #tpu.memory_space<hbm>>
        %dma_wait3A_72 = tpu.memref_squeeze %dma_wait3A : memref<1x128xi32, #tpu.memory_space<hbm>> -> memref<128xi32, #tpu.memory_space<hbm>>
        %dma_wait3A_73 = tpu.memref_slice %arg2[%run_scoped3A, %mul3A_58] : memref<2x800128xi32, #tpu.memory_space<hbm>> -> memref<1x128xi32, #tpu.memory_space<hbm>>
        %dma_wait3A_74 = tpu.memref_squeeze %dma_wait3A_73 : memref<1x128xi32, #tpu.memory_space<hbm>> -> memref<128xi32, #tpu.memory_space<hbm>>
        tpu.wait_dma2 semaphore(%run_scoped3A_68 : memref<!tpu.dma_semaphore, #tpu.memory_space<semaphore_mem>>) src(%dma_wait3A_74 : memref<128xi32, #tpu.memory_space<hbm>>) dst(%arg6 : memref<128xi32, #tpu.memory_space<vmem>>)
        tpu.yield
      }) : () -> ()
      %run_scoped3A_59 = arith.constant 1 : i32
      "tpu.region"() ({
        %run_scoped3A_68 = tpu.sem_alloc : memref<!tpu.dma_semaphore, #tpu.memory_space<semaphore_mem>>
        %dma_start3A = tpu.memref_slice %arg2[%run_scoped3A_59, %mul3A_58] : memref<2x800128xi32, #tpu.memory_space<hbm>> -> memref<1x128xi32, #tpu.memory_space<hbm>>
        %dma_start3A_69 = tpu.memref_squeeze %dma_start3A : memref<1x128xi32, #tpu.memory_space<hbm>> -> memref<128xi32, #tpu.memory_space<hbm>>
        %dma_start3A_70 = tpu.memref_slice %arg2[%run_scoped3A_59, %mul3A_58] : memref<2x800128xi32, #tpu.memory_space<hbm>> -> memref<1x128xi32, #tpu.memory_space<hbm>>
        %dma_start3A_71 = tpu.memref_squeeze %dma_start3A_70 : memref<1x128xi32, #tpu.memory_space<hbm>> -> memref<128xi32, #tpu.memory_space<hbm>>
        tpu.enqueue_dma source(%dma_start3A_71 : memref<128xi32, #tpu.memory_space<hbm>>) target(%arg7 : memref<128xi32, #tpu.memory_space<vmem>>) target_semaphore(%run_scoped3A_68 : memref<!tpu.dma_semaphore, #tpu.memory_space<semaphore_mem>>)
        %dma_wait3A = tpu.memref_slice %arg2[%run_scoped3A_59, %mul3A_58] : memref<2x800128xi32, #tpu.memory_space<hbm>> -> memref<1x128xi32, #tpu.memory_space<hbm>>
        %dma_wait3A_72 = tpu.memref_squeeze %dma_wait3A : memref<1x128xi32, #tpu.memory_space<hbm>> -> memref<128xi32, #tpu.memory_space<hbm>>
        %dma_wait3A_73 = tpu.memref_slice %arg2[%run_scoped3A_59, %mul3A_58] : memref<2x800128xi32, #tpu.memory_space<hbm>> -> memref<1x128xi32, #tpu.memory_space<hbm>>
        %dma_wait3A_74 = tpu.memref_squeeze %dma_wait3A_73 : memref<1x128xi32, #tpu.memory_space<hbm>> -> memref<128xi32, #tpu.memory_space<hbm>>
        tpu.wait_dma2 semaphore(%run_scoped3A_68 : memref<!tpu.dma_semaphore, #tpu.memory_space<semaphore_mem>>) src(%dma_wait3A_74 : memref<128xi32, #tpu.memory_space<hbm>>) dst(%arg7 : memref<128xi32, #tpu.memory_space<vmem>>)
        tpu.yield
      }) : () -> ()
      "tpu.region"() ({
        %run_scoped3A_68 = tpu.sem_alloc : memref<!tpu.dma_semaphore, #tpu.memory_space<semaphore_mem>>
        %dma_start3A = arith.constant 0 : i32
        %dma_start3A_69 = arith.constant 0 : i32
        %dma_start3A_70 = tpu.memref_slice %arg3[%dma_start3A, %dma_start3A_69] : memref<50176x32xf32, #tpu.memory_space<hbm>> -> memref<50176x32xf32, #tpu.memory_space<hbm>>
        tpu.enqueue_indirect_dma source(%dma_start3A_70 : memref<50176x32xf32, #tpu.memory_space<hbm>>) target(%arg8 : memref<128x32xf32, #tpu.memory_space<vmem>>) offsets(%arg6 : memref<128xi32, #tpu.memory_space<vmem>>) semaphore(%run_scoped3A_68 : memref<!tpu.dma_semaphore, #tpu.memory_space<semaphore_mem>>)
        %dma_wait3A = arith.constant 0 : i32
        %dma_wait3A_71 = arith.constant 0 : i32
        %dma_wait3A_72 = tpu.memref_slice %arg3[%dma_wait3A, %dma_wait3A_71] : memref<50176x32xf32, #tpu.memory_space<hbm>> -> memref<50176x32xf32, #tpu.memory_space<hbm>>
        tpu.wait_indirect_dma semaphore(%run_scoped3A_68 : memref<!tpu.dma_semaphore, #tpu.memory_space<semaphore_mem>>) src(%dma_wait3A_72 : memref<50176x32xf32, #tpu.memory_space<hbm>>) dst(%arg8 : memref<128x32xf32, #tpu.memory_space<vmem>>)
        tpu.yield
      }) : () -> ()
      "tpu.region"() ({
        %run_scoped3A_68 = tpu.sem_alloc : memref<!tpu.dma_semaphore, #tpu.memory_space<semaphore_mem>>
        %dma_start3A = arith.constant 0 : i32
        %dma_start3A_69 = tpu.memref_slice %arg4[%mul3A_58, %dma_start3A] : memref<800128x16xf32, #tpu.memory_space<hbm>> -> memref<128x16xf32, #tpu.memory_space<hbm>>
        %dma_start3A_70 = arith.constant 0 : i32
        %dma_start3A_71 = tpu.memref_slice %arg4[%mul3A_58, %dma_start3A_70] : memref<800128x16xf32, #tpu.memory_space<hbm>> -> memref<128x16xf32, #tpu.memory_space<hbm>>
        tpu.enqueue_dma source(%dma_start3A_71 : memref<128x16xf32, #tpu.memory_space<hbm>>) target(%arg9 : memref<128x16xf32, #tpu.memory_space<vmem>>) target_semaphore(%run_scoped3A_68 : memref<!tpu.dma_semaphore, #tpu.memory_space<semaphore_mem>>)
        %dma_wait3A = arith.constant 0 : i32
        %dma_wait3A_72 = tpu.memref_slice %arg4[%mul3A_58, %dma_wait3A] : memref<800128x16xf32, #tpu.memory_space<hbm>> -> memref<128x16xf32, #tpu.memory_space<hbm>>
        %dma_wait3A_73 = arith.constant 0 : i32
        %dma_wait3A_74 = tpu.memref_slice %arg4[%mul3A_58, %dma_wait3A_73] : memref<800128x16xf32, #tpu.memory_space<hbm>> -> memref<128x16xf32, #tpu.memory_space<hbm>>
        tpu.wait_dma2 semaphore(%run_scoped3A_68 : memref<!tpu.dma_semaphore, #tpu.memory_space<semaphore_mem>>) src(%dma_wait3A_74 : memref<128x16xf32, #tpu.memory_space<hbm>>) dst(%arg9 : memref<128x16xf32, #tpu.memory_space<vmem>>)
        tpu.yield
      }) : () -> ()
      %scan3A_60 = arith.constant 0 : i32
      %scan3A_61 = arith.constant 0 : i32
      %scan3A_62 = arith.constant 128 : i32
      %scan3A_63 = arith.addi %scan3A_61, %scan3A_62 : i32
      %scan3A_64 = arith.constant 1 : i32
      %scan3A_65 = scf.for %scan3A_68 = %scan3A_61 to %scan3A_63 step %scan3A_64 iter_args(%scan3A_69 = %scan3A_60) -> (i32)  : i32 {
        %get3A = arith.index_cast %scan3A_68 : i32 to index
        %get3A_70 = arith.constant 0 : index
        %get3A_71 = tpu.vector_load %arg9[%get3A, %get3A_70] {strides = array<i32>} : memref<128x16xf32, #tpu.memory_space<vmem>>, vector<1x16xf32>,
        %get3A_72 = vector.shape_cast %get3A_71 : vector<1x16xf32> to vector<16xf32>
        %slice3A = vector.extract_strided_slice %get3A_72 {offsets = [4], sizes = [1], strides = [1]} : vector<16xf32> to vector<1xf32>
        %squeeze3A = vector.extract %slice3A[0] : f32 from vector<1xf32>
        %broadcast_in_dim3A = vector.broadcast %squeeze3A : f32 to vector<16xf32>
        %slice3A_73 = vector.extract_strided_slice %get3A_72 {offsets = [5], sizes = [1], strides = [1]} : vector<16xf32> to vector<1xf32>
        %squeeze3A_74 = vector.extract %slice3A_73[0] : f32 from vector<1xf32>
        %broadcast_in_dim3A_75 = vector.broadcast %squeeze3A_74 : f32 to vector<16xf32>
        %get3A_76 = arith.index_cast %scan3A_68 : i32 to index
        %get3A_77 = arith.constant 0 : index
        %get3A_78 = tpu.vector_load %arg8[%get3A_76, %get3A_77] {strides = array<i32>} : memref<128x32xf32, #tpu.memory_space<vmem>>, vector<1x16xf32>,
        %get3A_79 = vector.shape_cast %get3A_78 : vector<1x16xf32> to vector<16xf32>
        %mul3A_80 = arith.mulf %get3A_79, %broadcast_in_dim3A : vector<16xf32>
        %swap3A = arith.index_cast %scan3A_68 : i32 to index
        %swap3A_81 = arith.constant 0 : index
        %swap3A_82 = tpu.vector_load %arg10[%swap3A, %swap3A_81] {strides = array<i32>} : memref<128x32xf32, #tpu.memory_space<vmem>>, vector<1x16xf32>,
        %swap3A_83 = vector.shape_cast %swap3A_82 : vector<1x16xf32> to vector<16xf32>
        %swap3A_84 = vector.shape_cast %mul3A_80 : vector<16xf32> to vector<1x16xf32>
        tpu.vector_store %arg10[%swap3A, %swap3A_81], %swap3A_84 {strides = array<i32>} : memref<128x32xf32, #tpu.memory_space<vmem>>, vector<1x16xf32>,
        %get3A_85 = arith.index_cast %scan3A_68 : i32 to index
        %get3A_86 = arith.constant 16 : index
        %get3A_87 = tpu.vector_load %arg8[%get3A_85, %get3A_86] {strides = array<i32>} : memref<128x32xf32, #tpu.memory_space<vmem>>, vector<1x16xf32>,
        %get3A_88 = vector.shape_cast %get3A_87 : vector<1x16xf32> to vector<16xf32>
        %mul3A_89 = arith.mulf %get3A_88, %broadcast_in_dim3A_75 : vector<16xf32>
        %swap3A_90 = arith.index_cast %scan3A_68 : i32 to index
        %swap3A_91 = arith.constant 16 : index
        %swap3A_92 = tpu.vector_load %arg10[%swap3A_90, %swap3A_91] {strides = array<i32>} : memref<128x32xf32, #tpu.memory_space<vmem>>, vector<1x16xf32>,
        %swap3A_93 = vector.shape_cast %swap3A_92 : vector<1x16xf32> to vector<16xf32>
        %swap3A_94 = vector.shape_cast %mul3A_89 : vector<16xf32> to vector<1x16xf32>
        tpu.vector_store %arg10[%swap3A_90, %swap3A_91], %swap3A_94 {strides = array<i32>} : memref<128x32xf32, #tpu.memory_space<vmem>>, vector<1x16xf32>,
        %scan3A_95 = arith.constant 0 : i32
        scf.yield %scan3A_95 : i32
      }
      %scan3A_66 = arith.constant 128 : i32
      "tpu.region"() ({
        %run_scoped3A_68 = tpu.sem_alloc : memref<!tpu.dma_semaphore, #tpu.memory_space<semaphore_mem>>
        %dma_start3A = arith.constant 0 : i32
        %dma_start3A_69 = arith.constant 0 : i32
        %dma_start3A_70 = tpu.memref_slice %arg12[%dma_start3A, %dma_start3A_69] : memref<50176x32xf32, #tpu.memory_space<vmem_shared>> -> memref<50176x32xf32, #tpu.memory_space<vmem_shared>>
        tpu.enqueue_indirect_dma source(%arg10 : memref<128x32xf32, #tpu.memory_space<vmem>>) target(%dma_start3A_70 : memref<50176x32xf32, #tpu.memory_space<vmem_shared>>) offsets(%arg7 : memref<128xi32, #tpu.memory_space<vmem>>) semaphore(%run_scoped3A_68 : memref<!tpu.dma_semaphore, #tpu.memory_space<semaphore_mem>>) {add = true}
        %dma_wait3A = arith.constant 0 : i32
        %dma_wait3A_71 = arith.constant 0 : i32
        %dma_wait3A_72 = tpu.memref_slice %arg12[%dma_wait3A, %dma_wait3A_71] : memref<50176x32xf32, #tpu.memory_space<vmem_shared>> -> memref<50176x32xf32, #tpu.memory_space<vmem_shared>>
        tpu.wait_indirect_dma semaphore(%run_scoped3A_68 : memref<!tpu.dma_semaphore, #tpu.memory_space<semaphore_mem>>) src(%arg10 : memref<128x32xf32, #tpu.memory_space<vmem>>) dst(%dma_wait3A_72 : memref<50176x32xf32, #tpu.memory_space<vmem_shared>>)
        tpu.yield
      }) : () -> ()
      %while3A_67 = arith.constant 0 : i32
      scf.yield %while3A_67 : i32
    }
    %barrier3A_47 = arith.constant 0 : index
    tpu.barrier barrier_id(%barrier3A_47)
    %mul3A_48 = arith.constant 3136 : i32
    %mul3A_49 = arith.muli %arg1, %mul3A_48 : i32
    %mul3A_50 = arith.constant 3136 : i32
    %mul3A_51 = arith.muli %arg1, %mul3A_50 : i32
    "tpu.region"() ({
      %run_scoped3A = tpu.sem_alloc : memref<!tpu.dma_semaphore, #tpu.memory_space<semaphore_mem>>
      %dma_start3A = arith.constant 0 : i32
      %dma_start3A_52 = tpu.memref_slice %arg5[%arg0, %mul3A_51, %dma_start3A] : memref<2x50176x32xf32, #tpu.memory_space<hbm>> -> memref<1x3136x32xf32, #tpu.memory_space<hbm>>
      %dma_start3A_53 = tpu.memref_squeeze %dma_start3A_52 : memref<1x3136x32xf32, #tpu.memory_space<hbm>> -> memref<3136x32xf32, #tpu.memory_space<hbm>>
      %dma_start3A_54 = arith.constant 0 : i32
      %dma_start3A_55 = tpu.memref_slice %arg12[%mul3A_49, %dma_start3A_54] : memref<50176x32xf32, #tpu.memory_space<vmem_shared>> -> memref<3136x32xf32, #tpu.memory_space<vmem_shared>>
      tpu.enqueue_dma source(%dma_start3A_55 : memref<3136x32xf32, #tpu.memory_space<vmem_shared>>) target(%dma_start3A_53 : memref<3136x32xf32, #tpu.memory_space<hbm>>) target_semaphore(%run_scoped3A : memref<!tpu.dma_semaphore, #tpu.memory_space<semaphore_mem>>)
      %dma_wait3A = arith.constant 0 : i32
      %dma_wait3A_56 = tpu.memref_slice %arg5[%arg0, %mul3A_51, %dma_wait3A] : memref<2x50176x32xf32, #tpu.memory_space<hbm>> -> memref<1x3136x32xf32, #tpu.memory_space<hbm>>
      %dma_wait3A_57 = tpu.memref_squeeze %dma_wait3A_56 : memref<1x3136x32xf32, #tpu.memory_space<hbm>> -> memref<3136x32xf32, #tpu.memory_space<hbm>>
      %dma_wait3A_58 = arith.constant 0 : i32
      %dma_wait3A_59 = tpu.memref_slice %arg12[%mul3A_49, %dma_wait3A_58] : memref<50176x32xf32, #tpu.memory_space<vmem_shared>> -> memref<3136x32xf32, #tpu.memory_space<vmem_shared>>
      tpu.wait_dma2 semaphore(%run_scoped3A : memref<!tpu.dma_semaphore, #tpu.memory_space<semaphore_mem>>) src(%dma_wait3A_59 : memref<3136x32xf32, #tpu.memory_space<vmem_shared>>) dst(%dma_wait3A_57 : memref<3136x32xf32, #tpu.memory_space<hbm>>)
      tpu.yield
    }) : () -> ()
    return
  }
}

#map = affine_map<(d0, d1) -> (0, 0)>
#map1 = affine_map<(d0, d1) -> (0, 0, 0)>
module attributes {stable_mosaic.version = 14 : i64} {
  func.func @_alpha_body(%arg0: i32, %arg1: i32, %arg2: memref<2x800128xi32, #tpu.memory_space<hbm>>, %arg3: memref<50176x16xf32, #tpu.memory_space<hbm>>, %arg4: memref<50176x16xf32, #tpu.memory_space<hbm>>, %arg5: memref<800128x16xf32, #tpu.memory_space<hbm>>, %arg6: memref<2x50176x16xf32, #tpu.memory_space<hbm>>, %arg7: memref<128xi32, #tpu.memory_space<vmem>>, %arg8: memref<128xi32, #tpu.memory_space<vmem>>, %arg9: memref<128x16xf32, #tpu.memory_space<vmem>>, %arg10: memref<128x16xf32, #tpu.memory_space<vmem>>, %arg11: memref<128x16xf32, #tpu.memory_space<vmem>>, %arg12: memref<448x16xf32, #tpu.memory_space<vmem>>, %arg13: memref<50176x16xf32, #tpu.memory_space<vmem_shared>>) attributes {dimension_semantics = [#tpu.dimension_semantics<core_parallel>, #tpu.dimension_semantics<subcore_parallel>], iteration_bounds = array<i64: 2, 16>, scalar_prefetch = 0 : i64, scratch_operands = 7 : i64, tpu.core_type = #tpu.core_type<sc_vector_subcore>, window_params = [{transform_indices = #map}, {transform_indices = #map}, {transform_indices = #map}, {transform_indices = #map}, {transform_indices = #map1}]} {
    %mul3A = arith.constant 2 : i32
    %mul3A_0 = arith.muli %arg1, %mul3A : i32
    %add3A = arith.addi %mul3A_0, %arg0 : i32
    %scan3A = arith.constant 0 : i32
    %scan3A_1 = arith.constant 0 : i32
    %scan3A_2 = arith.constant 448 : i32
    %scan3A_3 = arith.addi %scan3A_1, %scan3A_2 : i32
    %scan3A_4 = arith.constant 1 : i32
    %scan3A_5 = scf.for %scan3A_52 = %scan3A_1 to %scan3A_3 step %scan3A_4 iter_args(%scan3A_53 = %scan3A) -> (i32)  : i32 {
      %broadcast_in_dim3A = arith.constant 0.000000e+00 : f32
      %broadcast_in_dim3A_54 = vector.broadcast %broadcast_in_dim3A : f32 to vector<16xf32>
      %swap3A = arith.index_cast %scan3A_52 : i32 to index
      %swap3A_55 = arith.constant 0 : index
      %swap3A_56 = tpu.vector_load %arg12[%swap3A, %swap3A_55] {strides = array<i32>} : memref<448x16xf32, #tpu.memory_space<vmem>>, vector<1x16xf32>,
      %swap3A_57 = vector.shape_cast %swap3A_56 : vector<1x16xf32> to vector<16xf32>
      %swap3A_58 = vector.shape_cast %broadcast_in_dim3A_54 : vector<16xf32> to vector<1x16xf32>
      tpu.vector_store %arg12[%swap3A, %swap3A_55], %swap3A_58 {strides = array<i32>} : memref<448x16xf32, #tpu.memory_space<vmem>>, vector<1x16xf32>,
      %scan3A_59 = arith.constant 0 : i32
      scf.yield %scan3A_59 : i32
    }
    %scan3A_6 = arith.constant 448 : i32
    %scan3A_7 = arith.constant 0 : i32
    %scan3A_8 = arith.constant 0 : i32
    %scan3A_9 = arith.constant 7 : i32
    %scan3A_10 = arith.addi %scan3A_8, %scan3A_9 : i32
    %scan3A_11 = arith.constant 1 : i32
    %scan3A_12 = scf.for %scan3A_52 = %scan3A_8 to %scan3A_10 step %scan3A_11 iter_args(%scan3A_53 = %scan3A_7) -> (i32)  : i32 {
      %mul3A_54 = arith.constant 3136 : i32
      %mul3A_55 = arith.muli %arg1, %mul3A_54 : i32
      %mul3A_56 = arith.constant 448 : i32
      %mul3A_57 = arith.muli %scan3A_52, %mul3A_56 : i32
      %add3A_58 = arith.addi %mul3A_55, %mul3A_57 : i32
      "tpu.region"() ({
        %run_scoped3A = tpu.sem_alloc : memref<!tpu.dma_semaphore, #tpu.memory_space<semaphore_mem>>
        %dma_start3A = arith.constant 0 : i32
        %dma_start3A_60 = tpu.memref_slice %arg13[%add3A_58, %dma_start3A] : memref<50176x16xf32, #tpu.memory_space<vmem_shared>> -> memref<448x16xf32, #tpu.memory_space<vmem_shared>>
        %dma_start3A_61 = arith.constant 0 : i32
        %dma_start3A_62 = tpu.memref_slice %arg13[%add3A_58, %dma_start3A_61] : memref<50176x16xf32, #tpu.memory_space<vmem_shared>> -> memref<448x16xf32, #tpu.memory_space<vmem_shared>>
        tpu.enqueue_dma source(%arg12 : memref<448x16xf32, #tpu.memory_space<vmem>>) target(%dma_start3A_62 : memref<448x16xf32, #tpu.memory_space<vmem_shared>>) target_semaphore(%run_scoped3A : memref<!tpu.dma_semaphore, #tpu.memory_space<semaphore_mem>>)
        %dma_wait3A = arith.constant 0 : i32
        %dma_wait3A_63 = tpu.memref_slice %arg13[%add3A_58, %dma_wait3A] : memref<50176x16xf32, #tpu.memory_space<vmem_shared>> -> memref<448x16xf32, #tpu.memory_space<vmem_shared>>
        %dma_wait3A_64 = arith.constant 0 : i32
        %dma_wait3A_65 = tpu.memref_slice %arg13[%add3A_58, %dma_wait3A_64] : memref<50176x16xf32, #tpu.memory_space<vmem_shared>> -> memref<448x16xf32, #tpu.memory_space<vmem_shared>>
        tpu.wait_dma2 semaphore(%run_scoped3A : memref<!tpu.dma_semaphore, #tpu.memory_space<semaphore_mem>>) src(%arg12 : memref<448x16xf32, #tpu.memory_space<vmem>>) dst(%dma_wait3A_65 : memref<448x16xf32, #tpu.memory_space<vmem_shared>>)
        tpu.yield
      }) : () -> ()
      %scan3A_59 = arith.constant 0 : i32
      scf.yield %scan3A_59 : i32
    }
    %scan3A_13 = arith.constant 7 : i32
    %barrier3A = arith.constant 0 : index
    tpu.barrier barrier_id(%barrier3A)
    %sub3A = arith.constant 6251 : i32
    %sub3A_14 = arith.subi %sub3A, %add3A : i32
    %add3A_15 = arith.constant 32 : i32
    %add3A_16 = arith.addi %sub3A_14, %add3A_15 : i32
    %sub3A_17 = arith.constant 1 : i32
    %sub3A_18 = arith.subi %add3A_16, %sub3A_17 : i32
    %jit3A = arith.constant 32 : i32
    %div3A = arith.divsi %sub3A_18, %jit3A : i32
    %sign3A = arith.constant 0 : i32
    %sign3A_19 = arith.cmpi sgt, %sub3A_18, %sign3A : i32
    %sign3A_20 = arith.extui %sign3A_19 : i1 to i32
    %sign3A_21 = arith.constant 0 : i32
    %sign3A_22 = arith.cmpi slt, %sub3A_18, %sign3A_21 : i32
    %sign3A_23 = arith.extui %sign3A_22 : i1 to i32
    %sign3A_24 = arith.subi %sign3A_20, %sign3A_23 : i32
    %sign3A_25 = arith.constant 0 : i32
    %sign3A_26 = arith.cmpi sgt, %jit3A, %sign3A_25 : i32
    %sign3A_27 = arith.extui %sign3A_26 : i1 to i32
    %sign3A_28 = arith.constant 0 : i32
    %sign3A_29 = arith.cmpi slt, %jit3A, %sign3A_28 : i32
    %sign3A_30 = arith.extui %sign3A_29 : i1 to i32
    %sign3A_31 = arith.subi %sign3A_27, %sign3A_30 : i32
    %ne3A = arith.cmpi ne, %sign3A_24, %sign3A_31 : i32
    %rem3A = arith.remsi %sub3A_18, %jit3A : i32
    %ne3A_32 = arith.constant 0 : i32
    %ne3A_33 = arith.cmpi ne, %rem3A, %ne3A_32 : i32
    %and3A = arith.andi %ne3A, %ne3A_33 : i1
    %sub3A_34 = arith.constant 1 : i32
    %sub3A_35 = arith.subi %div3A, %sub3A_34 : i32
    %select_n3A = arith.select %and3A, %sub3A_35, %div3A : i32
    %while3A = arith.constant 0 : i32
    %while3A_36 = arith.constant 0 : i32
    %while3A_37 = arith.subi %select_n3A, %while3A : i32
    %while3A_38 = arith.addi %while3A, %while3A_37 : i32
    %while3A_39 = arith.constant 1 : i32
    %while3A_40 = arith.divsi %while3A_37, %while3A_39 : i32
    %while3A_41 = arith.muli %while3A_40, %while3A_39 : i32
    %while3A_42 = arith.addi %while3A, %while3A_41 : i32
    %while3A_43 = arith.constant 1 : i32
    %while3A_44 = scf.for %while3A_52 = %while3A to %while3A_42 step %while3A_43 iter_args(%while3A_53 = %while3A_36) -> (i32)  : i32 {
      %mul3A_54 = arith.constant 32 : i32
      %mul3A_55 = arith.muli %mul3A_54, %while3A_52 : i32
      %add3A_56 = arith.addi %add3A, %mul3A_55 : i32
      %mul3A_57 = arith.constant 128 : i32
      %mul3A_58 = arith.muli %add3A_56, %mul3A_57 : i32
      %run_scoped3A = arith.constant 0 : i32
      "tpu.region"() ({
        %run_scoped3A_68 = tpu.sem_alloc : memref<!tpu.dma_semaphore, #tpu.memory_space<semaphore_mem>>
        %dma_start3A = tpu.memref_slice %arg2[%run_scoped3A, %mul3A_58] : memref<2x800128xi32, #tpu.memory_space<hbm>> -> memref<1x128xi32, #tpu.memory_space<hbm>>
        %dma_start3A_69 = tpu.memref_squeeze %dma_start3A : memref<1x128xi32, #tpu.memory_space<hbm>> -> memref<128xi32, #tpu.memory_space<hbm>>
        %dma_start3A_70 = tpu.memref_slice %arg2[%run_scoped3A, %mul3A_58] : memref<2x800128xi32, #tpu.memory_space<hbm>> -> memref<1x128xi32, #tpu.memory_space<hbm>>
        %dma_start3A_71 = tpu.memref_squeeze %dma_start3A_70 : memref<1x128xi32, #tpu.memory_space<hbm>> -> memref<128xi32, #tpu.memory_space<hbm>>
        tpu.enqueue_dma source(%dma_start3A_71 : memref<128xi32, #tpu.memory_space<hbm>>) target(%arg7 : memref<128xi32, #tpu.memory_space<vmem>>) target_semaphore(%run_scoped3A_68 : memref<!tpu.dma_semaphore, #tpu.memory_space<semaphore_mem>>)
        %dma_wait3A = tpu.memref_slice %arg2[%run_scoped3A, %mul3A_58] : memref<2x800128xi32, #tpu.memory_space<hbm>> -> memref<1x128xi32, #tpu.memory_space<hbm>>
        %dma_wait3A_72 = tpu.memref_squeeze %dma_wait3A : memref<1x128xi32, #tpu.memory_space<hbm>> -> memref<128xi32, #tpu.memory_space<hbm>>
        %dma_wait3A_73 = tpu.memref_slice %arg2[%run_scoped3A, %mul3A_58] : memref<2x800128xi32, #tpu.memory_space<hbm>> -> memref<1x128xi32, #tpu.memory_space<hbm>>
        %dma_wait3A_74 = tpu.memref_squeeze %dma_wait3A_73 : memref<1x128xi32, #tpu.memory_space<hbm>> -> memref<128xi32, #tpu.memory_space<hbm>>
        tpu.wait_dma2 semaphore(%run_scoped3A_68 : memref<!tpu.dma_semaphore, #tpu.memory_space<semaphore_mem>>) src(%dma_wait3A_74 : memref<128xi32, #tpu.memory_space<hbm>>) dst(%arg7 : memref<128xi32, #tpu.memory_space<vmem>>)
        tpu.yield
      }) : () -> ()
      %run_scoped3A_59 = arith.constant 1 : i32
      "tpu.region"() ({
        %run_scoped3A_68 = tpu.sem_alloc : memref<!tpu.dma_semaphore, #tpu.memory_space<semaphore_mem>>
        %dma_start3A = tpu.memref_slice %arg2[%run_scoped3A_59, %mul3A_58] : memref<2x800128xi32, #tpu.memory_space<hbm>> -> memref<1x128xi32, #tpu.memory_space<hbm>>
        %dma_start3A_69 = tpu.memref_squeeze %dma_start3A : memref<1x128xi32, #tpu.memory_space<hbm>> -> memref<128xi32, #tpu.memory_space<hbm>>
        %dma_start3A_70 = tpu.memref_slice %arg2[%run_scoped3A_59, %mul3A_58] : memref<2x800128xi32, #tpu.memory_space<hbm>> -> memref<1x128xi32, #tpu.memory_space<hbm>>
        %dma_start3A_71 = tpu.memref_squeeze %dma_start3A_70 : memref<1x128xi32, #tpu.memory_space<hbm>> -> memref<128xi32, #tpu.memory_space<hbm>>
        tpu.enqueue_dma source(%dma_start3A_71 : memref<128xi32, #tpu.memory_space<hbm>>) target(%arg8 : memref<128xi32, #tpu.memory_space<vmem>>) target_semaphore(%run_scoped3A_68 : memref<!tpu.dma_semaphore, #tpu.memory_space<semaphore_mem>>)
        %dma_wait3A = tpu.memref_slice %arg2[%run_scoped3A_59, %mul3A_58] : memref<2x800128xi32, #tpu.memory_space<hbm>> -> memref<1x128xi32, #tpu.memory_space<hbm>>
        %dma_wait3A_72 = tpu.memref_squeeze %dma_wait3A : memref<1x128xi32, #tpu.memory_space<hbm>> -> memref<128xi32, #tpu.memory_space<hbm>>
        %dma_wait3A_73 = tpu.memref_slice %arg2[%run_scoped3A_59, %mul3A_58] : memref<2x800128xi32, #tpu.memory_space<hbm>> -> memref<1x128xi32, #tpu.memory_space<hbm>>
        %dma_wait3A_74 = tpu.memref_squeeze %dma_wait3A_73 : memref<1x128xi32, #tpu.memory_space<hbm>> -> memref<128xi32, #tpu.memory_space<hbm>>
        tpu.wait_dma2 semaphore(%run_scoped3A_68 : memref<!tpu.dma_semaphore, #tpu.memory_space<semaphore_mem>>) src(%dma_wait3A_74 : memref<128xi32, #tpu.memory_space<hbm>>) dst(%arg8 : memref<128xi32, #tpu.memory_space<vmem>>)
        tpu.yield
      }) : () -> ()
      "tpu.region"() ({
        %run_scoped3A_68 = tpu.sem_alloc : memref<!tpu.dma_semaphore, #tpu.memory_space<semaphore_mem>>
        %dma_start3A = arith.constant 0 : i32
        %dma_start3A_69 = arith.constant 0 : i32
        %dma_start3A_70 = tpu.memref_slice %arg3[%dma_start3A, %dma_start3A_69] : memref<50176x16xf32, #tpu.memory_space<hbm>> -> memref<50176x16xf32, #tpu.memory_space<hbm>>
        tpu.enqueue_indirect_dma source(%dma_start3A_70 : memref<50176x16xf32, #tpu.memory_space<hbm>>) target(%arg9 : memref<128x16xf32, #tpu.memory_space<vmem>>) offsets(%arg7 : memref<128xi32, #tpu.memory_space<vmem>>) semaphore(%run_scoped3A_68 : memref<!tpu.dma_semaphore, #tpu.memory_space<semaphore_mem>>)
        %dma_wait3A = arith.constant 0 : i32
        %dma_wait3A_71 = arith.constant 0 : i32
        %dma_wait3A_72 = tpu.memref_slice %arg3[%dma_wait3A, %dma_wait3A_71] : memref<50176x16xf32, #tpu.memory_space<hbm>> -> memref<50176x16xf32, #tpu.memory_space<hbm>>
        tpu.wait_indirect_dma semaphore(%run_scoped3A_68 : memref<!tpu.dma_semaphore, #tpu.memory_space<semaphore_mem>>) src(%dma_wait3A_72 : memref<50176x16xf32, #tpu.memory_space<hbm>>) dst(%arg9 : memref<128x16xf32, #tpu.memory_space<vmem>>)
        tpu.yield
      }) : () -> ()
      "tpu.region"() ({
        %run_scoped3A_68 = tpu.sem_alloc : memref<!tpu.dma_semaphore, #tpu.memory_space<semaphore_mem>>
        %dma_start3A = arith.constant 0 : i32
        %dma_start3A_69 = arith.constant 0 : i32
        %dma_start3A_70 = tpu.memref_slice %arg4[%dma_start3A, %dma_start3A_69] : memref<50176x16xf32, #tpu.memory_space<hbm>> -> memref<50176x16xf32, #tpu.memory_space<hbm>>
        tpu.enqueue_indirect_dma source(%dma_start3A_70 : memref<50176x16xf32, #tpu.memory_space<hbm>>) target(%arg10 : memref<128x16xf32, #tpu.memory_space<vmem>>) offsets(%arg8 : memref<128xi32, #tpu.memory_space<vmem>>) semaphore(%run_scoped3A_68 : memref<!tpu.dma_semaphore, #tpu.memory_space<semaphore_mem>>)
        %dma_wait3A = arith.constant 0 : i32
        %dma_wait3A_71 = arith.constant 0 : i32
        %dma_wait3A_72 = tpu.memref_slice %arg4[%dma_wait3A, %dma_wait3A_71] : memref<50176x16xf32, #tpu.memory_space<hbm>> -> memref<50176x16xf32, #tpu.memory_space<hbm>>
        tpu.wait_indirect_dma semaphore(%run_scoped3A_68 : memref<!tpu.dma_semaphore, #tpu.memory_space<semaphore_mem>>) src(%dma_wait3A_72 : memref<50176x16xf32, #tpu.memory_space<hbm>>) dst(%arg10 : memref<128x16xf32, #tpu.memory_space<vmem>>)
        tpu.yield
      }) : () -> ()
      %scan3A_60 = arith.constant 0 : i32
      %scan3A_61 = arith.constant 0 : i32
      %scan3A_62 = arith.constant 128 : i32
      %scan3A_63 = arith.addi %scan3A_61, %scan3A_62 : i32
      %scan3A_64 = arith.constant 1 : i32
      %scan3A_65 = scf.for %scan3A_68 = %scan3A_61 to %scan3A_63 step %scan3A_64 iter_args(%scan3A_69 = %scan3A_60) -> (i32)  : i32 {
        %get3A = arith.index_cast %scan3A_68 : i32 to index
        %get3A_70 = arith.constant 0 : index
        %get3A_71 = tpu.vector_load %arg9[%get3A, %get3A_70] {strides = array<i32>} : memref<128x16xf32, #tpu.memory_space<vmem>>, vector<1x16xf32>,
        %get3A_72 = vector.shape_cast %get3A_71 : vector<1x16xf32> to vector<16xf32>
        %get3A_73 = arith.index_cast %scan3A_68 : i32 to index
        %get3A_74 = arith.constant 0 : index
        %get3A_75 = tpu.vector_load %arg10[%get3A_73, %get3A_74] {strides = array<i32>} : memref<128x16xf32, #tpu.memory_space<vmem>>, vector<1x16xf32>,
        %get3A_76 = vector.shape_cast %get3A_75 : vector<1x16xf32> to vector<16xf32>
        %add3A_77 = arith.addf %get3A_72, %get3A_76 : vector<16xf32>
        %gt3A = arith.constant 0.000000e+00 : f32
        %gt3A_78 = vector.broadcast %gt3A : f32 to vector<16xf32>
        %gt3A_79 = arith.cmpf ogt, %add3A_77, %gt3A_78 : vector<16xf32>
        %mul3A_80 = arith.constant 2.000000e-01 : f32
        %mul3A_81 = vector.broadcast %mul3A_80 : f32 to vector<16xf32>
        %mul3A_82 = arith.mulf %mul3A_81, %add3A_77 : vector<16xf32>
        %select_n3A_83 = arith.select %gt3A_79, %add3A_77, %mul3A_82 : vector<16xi1>, vector<16xf32>
        %exp3A = math.exp %select_n3A_83 : vector<16xf32>
        %swap3A = arith.index_cast %scan3A_68 : i32 to index
        %swap3A_84 = arith.constant 0 : index
        %swap3A_85 = tpu.vector_load %arg11[%swap3A, %swap3A_84] {strides = array<i32>} : memref<128x16xf32, #tpu.memory_space<vmem>>, vector<1x16xf32>,
        %swap3A_86 = vector.shape_cast %swap3A_85 : vector<1x16xf32> to vector<16xf32>
        %swap3A_87 = vector.shape_cast %exp3A : vector<16xf32> to vector<1x16xf32>
        tpu.vector_store %arg11[%swap3A, %swap3A_84], %swap3A_87 {strides = array<i32>} : memref<128x16xf32, #tpu.memory_space<vmem>>, vector<1x16xf32>,
        %scan3A_88 = arith.constant 0 : i32
        scf.yield %scan3A_88 : i32
      }
      %scan3A_66 = arith.constant 128 : i32
      "tpu.region"() ({
        %run_scoped3A_68 = tpu.sem_alloc : memref<!tpu.dma_semaphore, #tpu.memory_space<semaphore_mem>>
        %dma_start3A = arith.constant 0 : i32
        %dma_start3A_69 = tpu.memref_slice %arg5[%mul3A_58, %dma_start3A] : memref<800128x16xf32, #tpu.memory_space<hbm>> -> memref<128x16xf32, #tpu.memory_space<hbm>>
        %dma_start3A_70 = arith.constant 0 : i32
        %dma_start3A_71 = tpu.memref_slice %arg5[%mul3A_58, %dma_start3A_70] : memref<800128x16xf32, #tpu.memory_space<hbm>> -> memref<128x16xf32, #tpu.memory_space<hbm>>
        tpu.enqueue_dma source(%arg11 : memref<128x16xf32, #tpu.memory_space<vmem>>) target(%dma_start3A_71 : memref<128x16xf32, #tpu.memory_space<hbm>>) target_semaphore(%run_scoped3A_68 : memref<!tpu.dma_semaphore, #tpu.memory_space<semaphore_mem>>)
        %dma_wait3A = arith.constant 0 : i32
        %dma_wait3A_72 = tpu.memref_slice %arg5[%mul3A_58, %dma_wait3A] : memref<800128x16xf32, #tpu.memory_space<hbm>> -> memref<128x16xf32, #tpu.memory_space<hbm>>
        %dma_wait3A_73 = arith.constant 0 : i32
        %dma_wait3A_74 = tpu.memref_slice %arg5[%mul3A_58, %dma_wait3A_73] : memref<800128x16xf32, #tpu.memory_space<hbm>> -> memref<128x16xf32, #tpu.memory_space<hbm>>
        tpu.wait_dma2 semaphore(%run_scoped3A_68 : memref<!tpu.dma_semaphore, #tpu.memory_space<semaphore_mem>>) src(%arg11 : memref<128x16xf32, #tpu.memory_space<vmem>>) dst(%dma_wait3A_74 : memref<128x16xf32, #tpu.memory_space<hbm>>)
        tpu.yield
      }) : () -> ()
      "tpu.region"() ({
        %run_scoped3A_68 = tpu.sem_alloc : memref<!tpu.dma_semaphore, #tpu.memory_space<semaphore_mem>>
        %dma_start3A = arith.constant 0 : i32
        %dma_start3A_69 = arith.constant 0 : i32
        %dma_start3A_70 = tpu.memref_slice %arg13[%dma_start3A, %dma_start3A_69] : memref<50176x16xf32, #tpu.memory_space<vmem_shared>> -> memref<50176x16xf32, #tpu.memory_space<vmem_shared>>
        tpu.enqueue_indirect_dma source(%arg11 : memref<128x16xf32, #tpu.memory_space<vmem>>) target(%dma_start3A_70 : memref<50176x16xf32, #tpu.memory_space<vmem_shared>>) offsets(%arg8 : memref<128xi32, #tpu.memory_space<vmem>>) semaphore(%run_scoped3A_68 : memref<!tpu.dma_semaphore, #tpu.memory_space<semaphore_mem>>) {add = true}
        %dma_wait3A = arith.constant 0 : i32
        %dma_wait3A_71 = arith.constant 0 : i32
        %dma_wait3A_72 = tpu.memref_slice %arg13[%dma_wait3A, %dma_wait3A_71] : memref<50176x16xf32, #tpu.memory_space<vmem_shared>> -> memref<50176x16xf32, #tpu.memory_space<vmem_shared>>
        tpu.wait_indirect_dma semaphore(%run_scoped3A_68 : memref<!tpu.dma_semaphore, #tpu.memory_space<semaphore_mem>>) src(%arg11 : memref<128x16xf32, #tpu.memory_space<vmem>>) dst(%dma_wait3A_72 : memref<50176x16xf32, #tpu.memory_space<vmem_shared>>)
        tpu.yield
      }) : () -> ()
      %while3A_67 = arith.constant 0 : i32
      scf.yield %while3A_67 : i32
    }
    %while3A_45 = arith.constant 1 : i32
    %while3A_46 = scf.for %while3A_52 = %while3A_42 to %while3A_38 step %while3A_45 iter_args(%while3A_53 = %while3A_44) -> (i32)  : i32 {
      %mul3A_54 = arith.constant 32 : i32
      %mul3A_55 = arith.muli %mul3A_54, %while3A_52 : i32
      %add3A_56 = arith.addi %add3A, %mul3A_55 : i32
      %mul3A_57 = arith.constant 128 : i32
      %mul3A_58 = arith.muli %add3A_56, %mul3A_57 : i32
      %run_scoped3A = arith.constant 0 : i32
      "tpu.region"() ({
        %run_scoped3A_68 = tpu.sem_alloc : memref<!tpu.dma_semaphore, #tpu.memory_space<semaphore_mem>>
        %dma_start3A = tpu.memref_slice %arg2[%run_scoped3A, %mul3A_58] : memref<2x800128xi32, #tpu.memory_space<hbm>> -> memref<1x128xi32, #tpu.memory_space<hbm>>
        %dma_start3A_69 = tpu.memref_squeeze %dma_start3A : memref<1x128xi32, #tpu.memory_space<hbm>> -> memref<128xi32, #tpu.memory_space<hbm>>
        %dma_start3A_70 = tpu.memref_slice %arg2[%run_scoped3A, %mul3A_58] : memref<2x800128xi32, #tpu.memory_space<hbm>> -> memref<1x128xi32, #tpu.memory_space<hbm>>
        %dma_start3A_71 = tpu.memref_squeeze %dma_start3A_70 : memref<1x128xi32, #tpu.memory_space<hbm>> -> memref<128xi32, #tpu.memory_space<hbm>>
        tpu.enqueue_dma source(%dma_start3A_71 : memref<128xi32, #tpu.memory_space<hbm>>) target(%arg7 : memref<128xi32, #tpu.memory_space<vmem>>) target_semaphore(%run_scoped3A_68 : memref<!tpu.dma_semaphore, #tpu.memory_space<semaphore_mem>>)
        %dma_wait3A = tpu.memref_slice %arg2[%run_scoped3A, %mul3A_58] : memref<2x800128xi32, #tpu.memory_space<hbm>> -> memref<1x128xi32, #tpu.memory_space<hbm>>
        %dma_wait3A_72 = tpu.memref_squeeze %dma_wait3A : memref<1x128xi32, #tpu.memory_space<hbm>> -> memref<128xi32, #tpu.memory_space<hbm>>
        %dma_wait3A_73 = tpu.memref_slice %arg2[%run_scoped3A, %mul3A_58] : memref<2x800128xi32, #tpu.memory_space<hbm>> -> memref<1x128xi32, #tpu.memory_space<hbm>>
        %dma_wait3A_74 = tpu.memref_squeeze %dma_wait3A_73 : memref<1x128xi32, #tpu.memory_space<hbm>> -> memref<128xi32, #tpu.memory_space<hbm>>
        tpu.wait_dma2 semaphore(%run_scoped3A_68 : memref<!tpu.dma_semaphore, #tpu.memory_space<semaphore_mem>>) src(%dma_wait3A_74 : memref<128xi32, #tpu.memory_space<hbm>>) dst(%arg7 : memref<128xi32, #tpu.memory_space<vmem>>)
        tpu.yield
      }) : () -> ()
      %run_scoped3A_59 = arith.constant 1 : i32
      "tpu.region"() ({
        %run_scoped3A_68 = tpu.sem_alloc : memref<!tpu.dma_semaphore, #tpu.memory_space<semaphore_mem>>
        %dma_start3A = tpu.memref_slice %arg2[%run_scoped3A_59, %mul3A_58] : memref<2x800128xi32, #tpu.memory_space<hbm>> -> memref<1x128xi32, #tpu.memory_space<hbm>>
        %dma_start3A_69 = tpu.memref_squeeze %dma_start3A : memref<1x128xi32, #tpu.memory_space<hbm>> -> memref<128xi32, #tpu.memory_space<hbm>>
        %dma_start3A_70 = tpu.memref_slice %arg2[%run_scoped3A_59, %mul3A_58] : memref<2x800128xi32, #tpu.memory_space<hbm>> -> memref<1x128xi32, #tpu.memory_space<hbm>>
        %dma_start3A_71 = tpu.memref_squeeze %dma_start3A_70 : memref<1x128xi32, #tpu.memory_space<hbm>> -> memref<128xi32, #tpu.memory_space<hbm>>
        tpu.enqueue_dma source(%dma_start3A_71 : memref<128xi32, #tpu.memory_space<hbm>>) target(%arg8 : memref<128xi32, #tpu.memory_space<vmem>>) target_semaphore(%run_scoped3A_68 : memref<!tpu.dma_semaphore, #tpu.memory_space<semaphore_mem>>)
        %dma_wait3A = tpu.memref_slice %arg2[%run_scoped3A_59, %mul3A_58] : memref<2x800128xi32, #tpu.memory_space<hbm>> -> memref<1x128xi32, #tpu.memory_space<hbm>>
        %dma_wait3A_72 = tpu.memref_squeeze %dma_wait3A : memref<1x128xi32, #tpu.memory_space<hbm>> -> memref<128xi32, #tpu.memory_space<hbm>>
        %dma_wait3A_73 = tpu.memref_slice %arg2[%run_scoped3A_59, %mul3A_58] : memref<2x800128xi32, #tpu.memory_space<hbm>> -> memref<1x128xi32, #tpu.memory_space<hbm>>
        %dma_wait3A_74 = tpu.memref_squeeze %dma_wait3A_73 : memref<1x128xi32, #tpu.memory_space<hbm>> -> memref<128xi32, #tpu.memory_space<hbm>>
        tpu.wait_dma2 semaphore(%run_scoped3A_68 : memref<!tpu.dma_semaphore, #tpu.memory_space<semaphore_mem>>) src(%dma_wait3A_74 : memref<128xi32, #tpu.memory_space<hbm>>) dst(%arg8 : memref<128xi32, #tpu.memory_space<vmem>>)
        tpu.yield
      }) : () -> ()
      "tpu.region"() ({
        %run_scoped3A_68 = tpu.sem_alloc : memref<!tpu.dma_semaphore, #tpu.memory_space<semaphore_mem>>
        %dma_start3A = arith.constant 0 : i32
        %dma_start3A_69 = arith.constant 0 : i32
        %dma_start3A_70 = tpu.memref_slice %arg3[%dma_start3A, %dma_start3A_69] : memref<50176x16xf32, #tpu.memory_space<hbm>> -> memref<50176x16xf32, #tpu.memory_space<hbm>>
        tpu.enqueue_indirect_dma source(%dma_start3A_70 : memref<50176x16xf32, #tpu.memory_space<hbm>>) target(%arg9 : memref<128x16xf32, #tpu.memory_space<vmem>>) offsets(%arg7 : memref<128xi32, #tpu.memory_space<vmem>>) semaphore(%run_scoped3A_68 : memref<!tpu.dma_semaphore, #tpu.memory_space<semaphore_mem>>)
        %dma_wait3A = arith.constant 0 : i32
        %dma_wait3A_71 = arith.constant 0 : i32
        %dma_wait3A_72 = tpu.memref_slice %arg3[%dma_wait3A, %dma_wait3A_71] : memref<50176x16xf32, #tpu.memory_space<hbm>> -> memref<50176x16xf32, #tpu.memory_space<hbm>>
        tpu.wait_indirect_dma semaphore(%run_scoped3A_68 : memref<!tpu.dma_semaphore, #tpu.memory_space<semaphore_mem>>) src(%dma_wait3A_72 : memref<50176x16xf32, #tpu.memory_space<hbm>>) dst(%arg9 : memref<128x16xf32, #tpu.memory_space<vmem>>)
        tpu.yield
      }) : () -> ()
      "tpu.region"() ({
        %run_scoped3A_68 = tpu.sem_alloc : memref<!tpu.dma_semaphore, #tpu.memory_space<semaphore_mem>>
        %dma_start3A = arith.constant 0 : i32
        %dma_start3A_69 = arith.constant 0 : i32
        %dma_start3A_70 = tpu.memref_slice %arg4[%dma_start3A, %dma_start3A_69] : memref<50176x16xf32, #tpu.memory_space<hbm>> -> memref<50176x16xf32, #tpu.memory_space<hbm>>
        tpu.enqueue_indirect_dma source(%dma_start3A_70 : memref<50176x16xf32, #tpu.memory_space<hbm>>) target(%arg10 : memref<128x16xf32, #tpu.memory_space<vmem>>) offsets(%arg8 : memref<128xi32, #tpu.memory_space<vmem>>) semaphore(%run_scoped3A_68 : memref<!tpu.dma_semaphore, #tpu.memory_space<semaphore_mem>>)
        %dma_wait3A = arith.constant 0 : i32
        %dma_wait3A_71 = arith.constant 0 : i32
        %dma_wait3A_72 = tpu.memref_slice %arg4[%dma_wait3A, %dma_wait3A_71] : memref<50176x16xf32, #tpu.memory_space<hbm>> -> memref<50176x16xf32, #tpu.memory_space<hbm>>
        tpu.wait_indirect_dma semaphore(%run_scoped3A_68 : memref<!tpu.dma_semaphore, #tpu.memory_space<semaphore_mem>>) src(%dma_wait3A_72 : memref<50176x16xf32, #tpu.memory_space<hbm>>) dst(%arg10 : memref<128x16xf32, #tpu.memory_space<vmem>>)
        tpu.yield
      }) : () -> ()
      %scan3A_60 = arith.constant 0 : i32
      %scan3A_61 = arith.constant 0 : i32
      %scan3A_62 = arith.constant 128 : i32
      %scan3A_63 = arith.addi %scan3A_61, %scan3A_62 : i32
      %scan3A_64 = arith.constant 1 : i32
      %scan3A_65 = scf.for %scan3A_68 = %scan3A_61 to %scan3A_63 step %scan3A_64 iter_args(%scan3A_69 = %scan3A_60) -> (i32)  : i32 {
        %get3A = arith.index_cast %scan3A_68 : i32 to index
        %get3A_70 = arith.constant 0 : index
        %get3A_71 = tpu.vector_load %arg9[%get3A, %get3A_70] {strides = array<i32>} : memref<128x16xf32, #tpu.memory_space<vmem>>, vector<1x16xf32>,
        %get3A_72 = vector.shape_cast %get3A_71 : vector<1x16xf32> to vector<16xf32>
        %get3A_73 = arith.index_cast %scan3A_68 : i32 to index
        %get3A_74 = arith.constant 0 : index
        %get3A_75 = tpu.vector_load %arg10[%get3A_73, %get3A_74] {strides = array<i32>} : memref<128x16xf32, #tpu.memory_space<vmem>>, vector<1x16xf32>,
        %get3A_76 = vector.shape_cast %get3A_75 : vector<1x16xf32> to vector<16xf32>
        %add3A_77 = arith.addf %get3A_72, %get3A_76 : vector<16xf32>
        %gt3A = arith.constant 0.000000e+00 : f32
        %gt3A_78 = vector.broadcast %gt3A : f32 to vector<16xf32>
        %gt3A_79 = arith.cmpf ogt, %add3A_77, %gt3A_78 : vector<16xf32>
        %mul3A_80 = arith.constant 2.000000e-01 : f32
        %mul3A_81 = vector.broadcast %mul3A_80 : f32 to vector<16xf32>
        %mul3A_82 = arith.mulf %mul3A_81, %add3A_77 : vector<16xf32>
        %select_n3A_83 = arith.select %gt3A_79, %add3A_77, %mul3A_82 : vector<16xi1>, vector<16xf32>
        %exp3A = math.exp %select_n3A_83 : vector<16xf32>
        %swap3A = arith.index_cast %scan3A_68 : i32 to index
        %swap3A_84 = arith.constant 0 : index
        %swap3A_85 = tpu.vector_load %arg11[%swap3A, %swap3A_84] {strides = array<i32>} : memref<128x16xf32, #tpu.memory_space<vmem>>, vector<1x16xf32>,
        %swap3A_86 = vector.shape_cast %swap3A_85 : vector<1x16xf32> to vector<16xf32>
        %swap3A_87 = vector.shape_cast %exp3A : vector<16xf32> to vector<1x16xf32>
        tpu.vector_store %arg11[%swap3A, %swap3A_84], %swap3A_87 {strides = array<i32>} : memref<128x16xf32, #tpu.memory_space<vmem>>, vector<1x16xf32>,
        %scan3A_88 = arith.constant 0 : i32
        scf.yield %scan3A_88 : i32
      }
      %scan3A_66 = arith.constant 128 : i32
      "tpu.region"() ({
        %run_scoped3A_68 = tpu.sem_alloc : memref<!tpu.dma_semaphore, #tpu.memory_space<semaphore_mem>>
        %dma_start3A = arith.constant 0 : i32
        %dma_start3A_69 = tpu.memref_slice %arg5[%mul3A_58, %dma_start3A] : memref<800128x16xf32, #tpu.memory_space<hbm>> -> memref<128x16xf32, #tpu.memory_space<hbm>>
        %dma_start3A_70 = arith.constant 0 : i32
        %dma_start3A_71 = tpu.memref_slice %arg5[%mul3A_58, %dma_start3A_70] : memref<800128x16xf32, #tpu.memory_space<hbm>> -> memref<128x16xf32, #tpu.memory_space<hbm>>
        tpu.enqueue_dma source(%arg11 : memref<128x16xf32, #tpu.memory_space<vmem>>) target(%dma_start3A_71 : memref<128x16xf32, #tpu.memory_space<hbm>>) target_semaphore(%run_scoped3A_68 : memref<!tpu.dma_semaphore, #tpu.memory_space<semaphore_mem>>)
        %dma_wait3A = arith.constant 0 : i32
        %dma_wait3A_72 = tpu.memref_slice %arg5[%mul3A_58, %dma_wait3A] : memref<800128x16xf32, #tpu.memory_space<hbm>> -> memref<128x16xf32, #tpu.memory_space<hbm>>
        %dma_wait3A_73 = arith.constant 0 : i32
        %dma_wait3A_74 = tpu.memref_slice %arg5[%mul3A_58, %dma_wait3A_73] : memref<800128x16xf32, #tpu.memory_space<hbm>> -> memref<128x16xf32, #tpu.memory_space<hbm>>
        tpu.wait_dma2 semaphore(%run_scoped3A_68 : memref<!tpu.dma_semaphore, #tpu.memory_space<semaphore_mem>>) src(%arg11 : memref<128x16xf32, #tpu.memory_space<vmem>>) dst(%dma_wait3A_74 : memref<128x16xf32, #tpu.memory_space<hbm>>)
        tpu.yield
      }) : () -> ()
      "tpu.region"() ({
        %run_scoped3A_68 = tpu.sem_alloc : memref<!tpu.dma_semaphore, #tpu.memory_space<semaphore_mem>>
        %dma_start3A = arith.constant 0 : i32
        %dma_start3A_69 = arith.constant 0 : i32
        %dma_start3A_70 = tpu.memref_slice %arg13[%dma_start3A, %dma_start3A_69] : memref<50176x16xf32, #tpu.memory_space<vmem_shared>> -> memref<50176x16xf32, #tpu.memory_space<vmem_shared>>
        tpu.enqueue_indirect_dma source(%arg11 : memref<128x16xf32, #tpu.memory_space<vmem>>) target(%dma_start3A_70 : memref<50176x16xf32, #tpu.memory_space<vmem_shared>>) offsets(%arg8 : memref<128xi32, #tpu.memory_space<vmem>>) semaphore(%run_scoped3A_68 : memref<!tpu.dma_semaphore, #tpu.memory_space<semaphore_mem>>) {add = true}
        %dma_wait3A = arith.constant 0 : i32
        %dma_wait3A_71 = arith.constant 0 : i32
        %dma_wait3A_72 = tpu.memref_slice %arg13[%dma_wait3A, %dma_wait3A_71] : memref<50176x16xf32, #tpu.memory_space<vmem_shared>> -> memref<50176x16xf32, #tpu.memory_space<vmem_shared>>
        tpu.wait_indirect_dma semaphore(%run_scoped3A_68 : memref<!tpu.dma_semaphore, #tpu.memory_space<semaphore_mem>>) src(%arg11 : memref<128x16xf32, #tpu.memory_space<vmem>>) dst(%dma_wait3A_72 : memref<50176x16xf32, #tpu.memory_space<vmem_shared>>)
        tpu.yield
      }) : () -> ()
      %while3A_67 = arith.constant 0 : i32
      scf.yield %while3A_67 : i32
    }
    %barrier3A_47 = arith.constant 0 : index
    tpu.barrier barrier_id(%barrier3A_47)
    %mul3A_48 = arith.constant 3136 : i32
    %mul3A_49 = arith.muli %arg1, %mul3A_48 : i32
    %mul3A_50 = arith.constant 3136 : i32
    %mul3A_51 = arith.muli %arg1, %mul3A_50 : i32
    "tpu.region"() ({
      %run_scoped3A = tpu.sem_alloc : memref<!tpu.dma_semaphore, #tpu.memory_space<semaphore_mem>>
      %dma_start3A = arith.constant 0 : i32
      %dma_start3A_52 = tpu.memref_slice %arg6[%arg0, %mul3A_51, %dma_start3A] : memref<2x50176x16xf32, #tpu.memory_space<hbm>> -> memref<1x3136x16xf32, #tpu.memory_space<hbm>>
      %dma_start3A_53 = tpu.memref_squeeze %dma_start3A_52 : memref<1x3136x16xf32, #tpu.memory_space<hbm>> -> memref<3136x16xf32, #tpu.memory_space<hbm>>
      %dma_start3A_54 = arith.constant 0 : i32
      %dma_start3A_55 = tpu.memref_slice %arg13[%mul3A_49, %dma_start3A_54] : memref<50176x16xf32, #tpu.memory_space<vmem_shared>> -> memref<3136x16xf32, #tpu.memory_space<vmem_shared>>
      tpu.enqueue_dma source(%dma_start3A_55 : memref<3136x16xf32, #tpu.memory_space<vmem_shared>>) target(%dma_start3A_53 : memref<3136x16xf32, #tpu.memory_space<hbm>>) target_semaphore(%run_scoped3A : memref<!tpu.dma_semaphore, #tpu.memory_space<semaphore_mem>>)
      %dma_wait3A = arith.constant 0 : i32
      %dma_wait3A_56 = tpu.memref_slice %arg6[%arg0, %mul3A_51, %dma_wait3A] : memref<2x50176x16xf32, #tpu.memory_space<hbm>> -> memref<1x3136x16xf32, #tpu.memory_space<hbm>>
      %dma_wait3A_57 = tpu.memref_squeeze %dma_wait3A_56 : memref<1x3136x16xf32, #tpu.memory_space<hbm>> -> memref<3136x16xf32, #tpu.memory_space<hbm>>
      %dma_wait3A_58 = arith.constant 0 : i32
      %dma_wait3A_59 = tpu.memref_slice %arg13[%mul3A_49, %dma_wait3A_58] : memref<50176x16xf32, #tpu.memory_space<vmem_shared>> -> memref<3136x16xf32, #tpu.memory_space<vmem_shared>>
      tpu.wait_dma2 semaphore(%run_scoped3A : memref<!tpu.dma_semaphore, #tpu.memory_space<semaphore_mem>>) src(%dma_wait3A_59 : memref<3136x16xf32, #tpu.memory_space<vmem_shared>>) dst(%dma_wait3A_57 : memref<3136x16xf32, #tpu.memory_space<hbm>>)
      tpu.yield
    }) : () -> ()
    return
  }
}

#map = affine_map<(d0, d1) -> (0, 0)>
#map1 = affine_map<(d0, d1) -> (0, 0, 0)>
module attributes {stable_mosaic.version = 14 : i64} {
  func.func @_feature_body(%arg0: i32, %arg1: i32, %arg2: memref<2x800128xi32, #tpu.memory_space<hbm>>, %arg3: memref<50176x32xf32, #tpu.memory_space<hbm>>, %arg4: memref<800128x16xf32, #tpu.memory_space<hbm>>, %arg5: memref<2x50176x32xf32, #tpu.memory_space<hbm>>, %arg6: memref<128xi32, #tpu.memory_space<vmem>>, %arg7: memref<128xi32, #tpu.memory_space<vmem>>, %arg8: memref<128x32xf32, #tpu.memory_space<vmem>>, %arg9: memref<128x16xf32, #tpu.memory_space<vmem>>, %arg10: memref<128x32xf32, #tpu.memory_space<vmem>>, %arg11: memref<448x32xf32, #tpu.memory_space<vmem>>, %arg12: memref<50176x32xf32, #tpu.memory_space<vmem_shared>>) attributes {dimension_semantics = [#tpu.dimension_semantics<core_parallel>, #tpu.dimension_semantics<subcore_parallel>], iteration_bounds = array<i64: 2, 16>, scalar_prefetch = 0 : i64, scratch_operands = 7 : i64, tpu.core_type = #tpu.core_type<sc_vector_subcore>, window_params = [{transform_indices = #map}, {transform_indices = #map}, {transform_indices = #map}, {transform_indices = #map1}]} {
    %mul3A = arith.constant 2 : i32
    %mul3A_0 = arith.muli %arg1, %mul3A : i32
    %add3A = arith.addi %mul3A_0, %arg0 : i32
    %scan3A = arith.constant 0 : i32
    %scan3A_1 = arith.constant 0 : i32
    %scan3A_2 = arith.constant 448 : i32
    %scan3A_3 = arith.addi %scan3A_1, %scan3A_2 : i32
    %scan3A_4 = arith.constant 1 : i32
    %scan3A_5 = scf.for %scan3A_52 = %scan3A_1 to %scan3A_3 step %scan3A_4 iter_args(%scan3A_53 = %scan3A) -> (i32)  : i32 {
      %broadcast_in_dim3A = arith.constant 0.000000e+00 : f32
      %broadcast_in_dim3A_54 = vector.broadcast %broadcast_in_dim3A : f32 to vector<16xf32>
      %swap3A = arith.index_cast %scan3A_52 : i32 to index
      %swap3A_55 = arith.constant 0 : index
      %swap3A_56 = tpu.vector_load %arg11[%swap3A, %swap3A_55] {strides = array<i32>} : memref<448x32xf32, #tpu.memory_space<vmem>>, vector<1x16xf32>,
      %swap3A_57 = vector.shape_cast %swap3A_56 : vector<1x16xf32> to vector<16xf32>
      %swap3A_58 = vector.shape_cast %broadcast_in_dim3A_54 : vector<16xf32> to vector<1x16xf32>
      tpu.vector_store %arg11[%swap3A, %swap3A_55], %swap3A_58 {strides = array<i32>} : memref<448x32xf32, #tpu.memory_space<vmem>>, vector<1x16xf32>,
      %broadcast_in_dim3A_59 = arith.constant 0.000000e+00 : f32
      %broadcast_in_dim3A_60 = vector.broadcast %broadcast_in_dim3A_59 : f32 to vector<16xf32>
      %swap3A_61 = arith.index_cast %scan3A_52 : i32 to index
      %swap3A_62 = arith.constant 16 : index
      %swap3A_63 = tpu.vector_load %arg11[%swap3A_61, %swap3A_62] {strides = array<i32>} : memref<448x32xf32, #tpu.memory_space<vmem>>, vector<1x16xf32>,
      %swap3A_64 = vector.shape_cast %swap3A_63 : vector<1x16xf32> to vector<16xf32>
      %swap3A_65 = vector.shape_cast %broadcast_in_dim3A_60 : vector<16xf32> to vector<1x16xf32>
      tpu.vector_store %arg11[%swap3A_61, %swap3A_62], %swap3A_65 {strides = array<i32>} : memref<448x32xf32, #tpu.memory_space<vmem>>, vector<1x16xf32>,
      %scan3A_66 = arith.constant 0 : i32
      scf.yield %scan3A_66 : i32
    }
    %scan3A_6 = arith.constant 448 : i32
    %scan3A_7 = arith.constant 0 : i32
    %scan3A_8 = arith.constant 0 : i32
    %scan3A_9 = arith.constant 7 : i32
    %scan3A_10 = arith.addi %scan3A_8, %scan3A_9 : i32
    %scan3A_11 = arith.constant 1 : i32
    %scan3A_12 = scf.for %scan3A_52 = %scan3A_8 to %scan3A_10 step %scan3A_11 iter_args(%scan3A_53 = %scan3A_7) -> (i32)  : i32 {
      %mul3A_54 = arith.constant 3136 : i32
      %mul3A_55 = arith.muli %arg1, %mul3A_54 : i32
      %mul3A_56 = arith.constant 448 : i32
      %mul3A_57 = arith.muli %scan3A_52, %mul3A_56 : i32
      %add3A_58 = arith.addi %mul3A_55, %mul3A_57 : i32
      "tpu.region"() ({
        %run_scoped3A = tpu.sem_alloc : memref<!tpu.dma_semaphore, #tpu.memory_space<semaphore_mem>>
        %dma_start3A = arith.constant 0 : i32
        %dma_start3A_60 = tpu.memref_slice %arg12[%add3A_58, %dma_start3A] : memref<50176x32xf32, #tpu.memory_space<vmem_shared>> -> memref<448x32xf32, #tpu.memory_space<vmem_shared>>
        %dma_start3A_61 = arith.constant 0 : i32
        %dma_start3A_62 = tpu.memref_slice %arg12[%add3A_58, %dma_start3A_61] : memref<50176x32xf32, #tpu.memory_space<vmem_shared>> -> memref<448x32xf32, #tpu.memory_space<vmem_shared>>
        tpu.enqueue_dma source(%arg11 : memref<448x32xf32, #tpu.memory_space<vmem>>) target(%dma_start3A_62 : memref<448x32xf32, #tpu.memory_space<vmem_shared>>) target_semaphore(%run_scoped3A : memref<!tpu.dma_semaphore, #tpu.memory_space<semaphore_mem>>)
        %dma_wait3A = arith.constant 0 : i32
        %dma_wait3A_63 = tpu.memref_slice %arg12[%add3A_58, %dma_wait3A] : memref<50176x32xf32, #tpu.memory_space<vmem_shared>> -> memref<448x32xf32, #tpu.memory_space<vmem_shared>>
        %dma_wait3A_64 = arith.constant 0 : i32
        %dma_wait3A_65 = tpu.memref_slice %arg12[%add3A_58, %dma_wait3A_64] : memref<50176x32xf32, #tpu.memory_space<vmem_shared>> -> memref<448x32xf32, #tpu.memory_space<vmem_shared>>
        tpu.wait_dma2 semaphore(%run_scoped3A : memref<!tpu.dma_semaphore, #tpu.memory_space<semaphore_mem>>) src(%arg11 : memref<448x32xf32, #tpu.memory_space<vmem>>) dst(%dma_wait3A_65 : memref<448x32xf32, #tpu.memory_space<vmem_shared>>)
        tpu.yield
      }) : () -> ()
      %scan3A_59 = arith.constant 0 : i32
      scf.yield %scan3A_59 : i32
    }
    %scan3A_13 = arith.constant 7 : i32
    %barrier3A = arith.constant 0 : index
    tpu.barrier barrier_id(%barrier3A)
    %sub3A = arith.constant 6251 : i32
    %sub3A_14 = arith.subi %sub3A, %add3A : i32
    %add3A_15 = arith.constant 32 : i32
    %add3A_16 = arith.addi %sub3A_14, %add3A_15 : i32
    %sub3A_17 = arith.constant 1 : i32
    %sub3A_18 = arith.subi %add3A_16, %sub3A_17 : i32
    %jit3A = arith.constant 32 : i32
    %div3A = arith.divsi %sub3A_18, %jit3A : i32
    %sign3A = arith.constant 0 : i32
    %sign3A_19 = arith.cmpi sgt, %sub3A_18, %sign3A : i32
    %sign3A_20 = arith.extui %sign3A_19 : i1 to i32
    %sign3A_21 = arith.constant 0 : i32
    %sign3A_22 = arith.cmpi slt, %sub3A_18, %sign3A_21 : i32
    %sign3A_23 = arith.extui %sign3A_22 : i1 to i32
    %sign3A_24 = arith.subi %sign3A_20, %sign3A_23 : i32
    %sign3A_25 = arith.constant 0 : i32
    %sign3A_26 = arith.cmpi sgt, %jit3A, %sign3A_25 : i32
    %sign3A_27 = arith.extui %sign3A_26 : i1 to i32
    %sign3A_28 = arith.constant 0 : i32
    %sign3A_29 = arith.cmpi slt, %jit3A, %sign3A_28 : i32
    %sign3A_30 = arith.extui %sign3A_29 : i1 to i32
    %sign3A_31 = arith.subi %sign3A_27, %sign3A_30 : i32
    %ne3A = arith.cmpi ne, %sign3A_24, %sign3A_31 : i32
    %rem3A = arith.remsi %sub3A_18, %jit3A : i32
    %ne3A_32 = arith.constant 0 : i32
    %ne3A_33 = arith.cmpi ne, %rem3A, %ne3A_32 : i32
    %and3A = arith.andi %ne3A, %ne3A_33 : i1
    %sub3A_34 = arith.constant 1 : i32
    %sub3A_35 = arith.subi %div3A, %sub3A_34 : i32
    %select_n3A = arith.select %and3A, %sub3A_35, %div3A : i32
    %while3A = arith.constant 0 : i32
    %while3A_36 = arith.constant 0 : i32
    %while3A_37 = arith.subi %select_n3A, %while3A : i32
    %while3A_38 = arith.addi %while3A, %while3A_37 : i32
    %while3A_39 = arith.constant 1 : i32
    %while3A_40 = arith.divsi %while3A_37, %while3A_39 : i32
    %while3A_41 = arith.muli %while3A_40, %while3A_39 : i32
    %while3A_42 = arith.addi %while3A, %while3A_41 : i32
    %while3A_43 = arith.constant 1 : i32
    %while3A_44 = scf.for %while3A_52 = %while3A to %while3A_42 step %while3A_43 iter_args(%while3A_53 = %while3A_36) -> (i32)  : i32 {
      %mul3A_54 = arith.constant 32 : i32
      %mul3A_55 = arith.muli %mul3A_54, %while3A_52 : i32
      %add3A_56 = arith.addi %add3A, %mul3A_55 : i32
      %mul3A_57 = arith.constant 128 : i32
      %mul3A_58 = arith.muli %add3A_56, %mul3A_57 : i32
      %run_scoped3A = arith.constant 0 : i32
      "tpu.region"() ({
        %run_scoped3A_68 = tpu.sem_alloc : memref<!tpu.dma_semaphore, #tpu.memory_space<semaphore_mem>>
        %dma_start3A = tpu.memref_slice %arg2[%run_scoped3A, %mul3A_58] : memref<2x800128xi32, #tpu.memory_space<hbm>> -> memref<1x128xi32, #tpu.memory_space<hbm>>
        %dma_start3A_69 = tpu.memref_squeeze %dma_start3A : memref<1x128xi32, #tpu.memory_space<hbm>> -> memref<128xi32, #tpu.memory_space<hbm>>
        %dma_start3A_70 = tpu.memref_slice %arg2[%run_scoped3A, %mul3A_58] : memref<2x800128xi32, #tpu.memory_space<hbm>> -> memref<1x128xi32, #tpu.memory_space<hbm>>
        %dma_start3A_71 = tpu.memref_squeeze %dma_start3A_70 : memref<1x128xi32, #tpu.memory_space<hbm>> -> memref<128xi32, #tpu.memory_space<hbm>>
        tpu.enqueue_dma source(%dma_start3A_71 : memref<128xi32, #tpu.memory_space<hbm>>) target(%arg6 : memref<128xi32, #tpu.memory_space<vmem>>) target_semaphore(%run_scoped3A_68 : memref<!tpu.dma_semaphore, #tpu.memory_space<semaphore_mem>>)
        %dma_wait3A = tpu.memref_slice %arg2[%run_scoped3A, %mul3A_58] : memref<2x800128xi32, #tpu.memory_space<hbm>> -> memref<1x128xi32, #tpu.memory_space<hbm>>
        %dma_wait3A_72 = tpu.memref_squeeze %dma_wait3A : memref<1x128xi32, #tpu.memory_space<hbm>> -> memref<128xi32, #tpu.memory_space<hbm>>
        %dma_wait3A_73 = tpu.memref_slice %arg2[%run_scoped3A, %mul3A_58] : memref<2x800128xi32, #tpu.memory_space<hbm>> -> memref<1x128xi32, #tpu.memory_space<hbm>>
        %dma_wait3A_74 = tpu.memref_squeeze %dma_wait3A_73 : memref<1x128xi32, #tpu.memory_space<hbm>> -> memref<128xi32, #tpu.memory_space<hbm>>
        tpu.wait_dma2 semaphore(%run_scoped3A_68 : memref<!tpu.dma_semaphore, #tpu.memory_space<semaphore_mem>>) src(%dma_wait3A_74 : memref<128xi32, #tpu.memory_space<hbm>>) dst(%arg6 : memref<128xi32, #tpu.memory_space<vmem>>)
        tpu.yield
      }) : () -> ()
      %run_scoped3A_59 = arith.constant 1 : i32
      "tpu.region"() ({
        %run_scoped3A_68 = tpu.sem_alloc : memref<!tpu.dma_semaphore, #tpu.memory_space<semaphore_mem>>
        %dma_start3A = tpu.memref_slice %arg2[%run_scoped3A_59, %mul3A_58] : memref<2x800128xi32, #tpu.memory_space<hbm>> -> memref<1x128xi32, #tpu.memory_space<hbm>>
        %dma_start3A_69 = tpu.memref_squeeze %dma_start3A : memref<1x128xi32, #tpu.memory_space<hbm>> -> memref<128xi32, #tpu.memory_space<hbm>>
        %dma_start3A_70 = tpu.memref_slice %arg2[%run_scoped3A_59, %mul3A_58] : memref<2x800128xi32, #tpu.memory_space<hbm>> -> memref<1x128xi32, #tpu.memory_space<hbm>>
        %dma_start3A_71 = tpu.memref_squeeze %dma_start3A_70 : memref<1x128xi32, #tpu.memory_space<hbm>> -> memref<128xi32, #tpu.memory_space<hbm>>
        tpu.enqueue_dma source(%dma_start3A_71 : memref<128xi32, #tpu.memory_space<hbm>>) target(%arg7 : memref<128xi32, #tpu.memory_space<vmem>>) target_semaphore(%run_scoped3A_68 : memref<!tpu.dma_semaphore, #tpu.memory_space<semaphore_mem>>)
        %dma_wait3A = tpu.memref_slice %arg2[%run_scoped3A_59, %mul3A_58] : memref<2x800128xi32, #tpu.memory_space<hbm>> -> memref<1x128xi32, #tpu.memory_space<hbm>>
        %dma_wait3A_72 = tpu.memref_squeeze %dma_wait3A : memref<1x128xi32, #tpu.memory_space<hbm>> -> memref<128xi32, #tpu.memory_space<hbm>>
        %dma_wait3A_73 = tpu.memref_slice %arg2[%run_scoped3A_59, %mul3A_58] : memref<2x800128xi32, #tpu.memory_space<hbm>> -> memref<1x128xi32, #tpu.memory_space<hbm>>
        %dma_wait3A_74 = tpu.memref_squeeze %dma_wait3A_73 : memref<1x128xi32, #tpu.memory_space<hbm>> -> memref<128xi32, #tpu.memory_space<hbm>>
        tpu.wait_dma2 semaphore(%run_scoped3A_68 : memref<!tpu.dma_semaphore, #tpu.memory_space<semaphore_mem>>) src(%dma_wait3A_74 : memref<128xi32, #tpu.memory_space<hbm>>) dst(%arg7 : memref<128xi32, #tpu.memory_space<vmem>>)
        tpu.yield
      }) : () -> ()
      "tpu.region"() ({
        %run_scoped3A_68 = tpu.sem_alloc : memref<!tpu.dma_semaphore, #tpu.memory_space<semaphore_mem>>
        %dma_start3A = arith.constant 0 : i32
        %dma_start3A_69 = arith.constant 0 : i32
        %dma_start3A_70 = tpu.memref_slice %arg3[%dma_start3A, %dma_start3A_69] : memref<50176x32xf32, #tpu.memory_space<hbm>> -> memref<50176x32xf32, #tpu.memory_space<hbm>>
        tpu.enqueue_indirect_dma source(%dma_start3A_70 : memref<50176x32xf32, #tpu.memory_space<hbm>>) target(%arg8 : memref<128x32xf32, #tpu.memory_space<vmem>>) offsets(%arg6 : memref<128xi32, #tpu.memory_space<vmem>>) semaphore(%run_scoped3A_68 : memref<!tpu.dma_semaphore, #tpu.memory_space<semaphore_mem>>)
        %dma_wait3A = arith.constant 0 : i32
        %dma_wait3A_71 = arith.constant 0 : i32
        %dma_wait3A_72 = tpu.memref_slice %arg3[%dma_wait3A, %dma_wait3A_71] : memref<50176x32xf32, #tpu.memory_space<hbm>> -> memref<50176x32xf32, #tpu.memory_space<hbm>>
        tpu.wait_indirect_dma semaphore(%run_scoped3A_68 : memref<!tpu.dma_semaphore, #tpu.memory_space<semaphore_mem>>) src(%dma_wait3A_72 : memref<50176x32xf32, #tpu.memory_space<hbm>>) dst(%arg8 : memref<128x32xf32, #tpu.memory_space<vmem>>)
        tpu.yield
      }) : () -> ()
      "tpu.region"() ({
        %run_scoped3A_68 = tpu.sem_alloc : memref<!tpu.dma_semaphore, #tpu.memory_space<semaphore_mem>>
        %dma_start3A = arith.constant 0 : i32
        %dma_start3A_69 = tpu.memref_slice %arg4[%mul3A_58, %dma_start3A] : memref<800128x16xf32, #tpu.memory_space<hbm>> -> memref<128x16xf32, #tpu.memory_space<hbm>>
        %dma_start3A_70 = arith.constant 0 : i32
        %dma_start3A_71 = tpu.memref_slice %arg4[%mul3A_58, %dma_start3A_70] : memref<800128x16xf32, #tpu.memory_space<hbm>> -> memref<128x16xf32, #tpu.memory_space<hbm>>
        tpu.enqueue_dma source(%dma_start3A_71 : memref<128x16xf32, #tpu.memory_space<hbm>>) target(%arg9 : memref<128x16xf32, #tpu.memory_space<vmem>>) target_semaphore(%run_scoped3A_68 : memref<!tpu.dma_semaphore, #tpu.memory_space<semaphore_mem>>)
        %dma_wait3A = arith.constant 0 : i32
        %dma_wait3A_72 = tpu.memref_slice %arg4[%mul3A_58, %dma_wait3A] : memref<800128x16xf32, #tpu.memory_space<hbm>> -> memref<128x16xf32, #tpu.memory_space<hbm>>
        %dma_wait3A_73 = arith.constant 0 : i32
        %dma_wait3A_74 = tpu.memref_slice %arg4[%mul3A_58, %dma_wait3A_73] : memref<800128x16xf32, #tpu.memory_space<hbm>> -> memref<128x16xf32, #tpu.memory_space<hbm>>
        tpu.wait_dma2 semaphore(%run_scoped3A_68 : memref<!tpu.dma_semaphore, #tpu.memory_space<semaphore_mem>>) src(%dma_wait3A_74 : memref<128x16xf32, #tpu.memory_space<hbm>>) dst(%arg9 : memref<128x16xf32, #tpu.memory_space<vmem>>)
        tpu.yield
      }) : () -> ()
      %scan3A_60 = arith.constant 0 : i32
      %scan3A_61 = arith.constant 0 : i32
      %scan3A_62 = arith.constant 128 : i32
      %scan3A_63 = arith.addi %scan3A_61, %scan3A_62 : i32
      %scan3A_64 = arith.constant 1 : i32
      %scan3A_65 = scf.for %scan3A_68 = %scan3A_61 to %scan3A_63 step %scan3A_64 iter_args(%scan3A_69 = %scan3A_60) -> (i32)  : i32 {
        %get3A = arith.index_cast %scan3A_68 : i32 to index
        %get3A_70 = arith.constant 0 : index
        %get3A_71 = tpu.vector_load %arg9[%get3A, %get3A_70] {strides = array<i32>} : memref<128x16xf32, #tpu.memory_space<vmem>>, vector<1x16xf32>,
        %get3A_72 = vector.shape_cast %get3A_71 : vector<1x16xf32> to vector<16xf32>
        %slice3A = vector.extract_strided_slice %get3A_72 {offsets = [4], sizes = [1], strides = [1]} : vector<16xf32> to vector<1xf32>
        %squeeze3A = vector.extract %slice3A[0] : f32 from vector<1xf32>
        %broadcast_in_dim3A = vector.broadcast %squeeze3A : f32 to vector<16xf32>
        %slice3A_73 = vector.extract_strided_slice %get3A_72 {offsets = [5], sizes = [1], strides = [1]} : vector<16xf32> to vector<1xf32>
        %squeeze3A_74 = vector.extract %slice3A_73[0] : f32 from vector<1xf32>
        %broadcast_in_dim3A_75 = vector.broadcast %squeeze3A_74 : f32 to vector<16xf32>
        %get3A_76 = arith.index_cast %scan3A_68 : i32 to index
        %get3A_77 = arith.constant 0 : index
        %get3A_78 = tpu.vector_load %arg8[%get3A_76, %get3A_77] {strides = array<i32>} : memref<128x32xf32, #tpu.memory_space<vmem>>, vector<1x16xf32>,
        %get3A_79 = vector.shape_cast %get3A_78 : vector<1x16xf32> to vector<16xf32>
        %mul3A_80 = arith.mulf %get3A_79, %broadcast_in_dim3A : vector<16xf32>
        %swap3A = arith.index_cast %scan3A_68 : i32 to index
        %swap3A_81 = arith.constant 0 : index
        %swap3A_82 = tpu.vector_load %arg10[%swap3A, %swap3A_81] {strides = array<i32>} : memref<128x32xf32, #tpu.memory_space<vmem>>, vector<1x16xf32>,
        %swap3A_83 = vector.shape_cast %swap3A_82 : vector<1x16xf32> to vector<16xf32>
        %swap3A_84 = vector.shape_cast %mul3A_80 : vector<16xf32> to vector<1x16xf32>
        tpu.vector_store %arg10[%swap3A, %swap3A_81], %swap3A_84 {strides = array<i32>} : memref<128x32xf32, #tpu.memory_space<vmem>>, vector<1x16xf32>,
        %get3A_85 = arith.index_cast %scan3A_68 : i32 to index
        %get3A_86 = arith.constant 16 : index
        %get3A_87 = tpu.vector_load %arg8[%get3A_85, %get3A_86] {strides = array<i32>} : memref<128x32xf32, #tpu.memory_space<vmem>>, vector<1x16xf32>,
        %get3A_88 = vector.shape_cast %get3A_87 : vector<1x16xf32> to vector<16xf32>
        %mul3A_89 = arith.mulf %get3A_88, %broadcast_in_dim3A_75 : vector<16xf32>
        %swap3A_90 = arith.index_cast %scan3A_68 : i32 to index
        %swap3A_91 = arith.constant 16 : index
        %swap3A_92 = tpu.vector_load %arg10[%swap3A_90, %swap3A_91] {strides = array<i32>} : memref<128x32xf32, #tpu.memory_space<vmem>>, vector<1x16xf32>,
        %swap3A_93 = vector.shape_cast %swap3A_92 : vector<1x16xf32> to vector<16xf32>
        %swap3A_94 = vector.shape_cast %mul3A_89 : vector<16xf32> to vector<1x16xf32>
        tpu.vector_store %arg10[%swap3A_90, %swap3A_91], %swap3A_94 {strides = array<i32>} : memref<128x32xf32, #tpu.memory_space<vmem>>, vector<1x16xf32>,
        %scan3A_95 = arith.constant 0 : i32
        scf.yield %scan3A_95 : i32
      }
      %scan3A_66 = arith.constant 128 : i32
      "tpu.region"() ({
        %run_scoped3A_68 = tpu.sem_alloc : memref<!tpu.dma_semaphore, #tpu.memory_space<semaphore_mem>>
        %dma_start3A = arith.constant 0 : i32
        %dma_start3A_69 = arith.constant 0 : i32
        %dma_start3A_70 = tpu.memref_slice %arg12[%dma_start3A, %dma_start3A_69] : memref<50176x32xf32, #tpu.memory_space<vmem_shared>> -> memref<50176x32xf32, #tpu.memory_space<vmem_shared>>
        tpu.enqueue_indirect_dma source(%arg10 : memref<128x32xf32, #tpu.memory_space<vmem>>) target(%dma_start3A_70 : memref<50176x32xf32, #tpu.memory_space<vmem_shared>>) offsets(%arg7 : memref<128xi32, #tpu.memory_space<vmem>>) semaphore(%run_scoped3A_68 : memref<!tpu.dma_semaphore, #tpu.memory_space<semaphore_mem>>) {add = true}
        %dma_wait3A = arith.constant 0 : i32
        %dma_wait3A_71 = arith.constant 0 : i32
        %dma_wait3A_72 = tpu.memref_slice %arg12[%dma_wait3A, %dma_wait3A_71] : memref<50176x32xf32, #tpu.memory_space<vmem_shared>> -> memref<50176x32xf32, #tpu.memory_space<vmem_shared>>
        tpu.wait_indirect_dma semaphore(%run_scoped3A_68 : memref<!tpu.dma_semaphore, #tpu.memory_space<semaphore_mem>>) src(%arg10 : memref<128x32xf32, #tpu.memory_space<vmem>>) dst(%dma_wait3A_72 : memref<50176x32xf32, #tpu.memory_space<vmem_shared>>)
        tpu.yield
      }) : () -> ()
      %while3A_67 = arith.constant 0 : i32
      scf.yield %while3A_67 : i32
    }
    %while3A_45 = arith.constant 1 : i32
    %while3A_46 = scf.for %while3A_52 = %while3A_42 to %while3A_38 step %while3A_45 iter_args(%while3A_53 = %while3A_44) -> (i32)  : i32 {
      %mul3A_54 = arith.constant 32 : i32
      %mul3A_55 = arith.muli %mul3A_54, %while3A_52 : i32
      %add3A_56 = arith.addi %add3A, %mul3A_55 : i32
      %mul3A_57 = arith.constant 128 : i32
      %mul3A_58 = arith.muli %add3A_56, %mul3A_57 : i32
      %run_scoped3A = arith.constant 0 : i32
      "tpu.region"() ({
        %run_scoped3A_68 = tpu.sem_alloc : memref<!tpu.dma_semaphore, #tpu.memory_space<semaphore_mem>>
        %dma_start3A = tpu.memref_slice %arg2[%run_scoped3A, %mul3A_58] : memref<2x800128xi32, #tpu.memory_space<hbm>> -> memref<1x128xi32, #tpu.memory_space<hbm>>
        %dma_start3A_69 = tpu.memref_squeeze %dma_start3A : memref<1x128xi32, #tpu.memory_space<hbm>> -> memref<128xi32, #tpu.memory_space<hbm>>
        %dma_start3A_70 = tpu.memref_slice %arg2[%run_scoped3A, %mul3A_58] : memref<2x800128xi32, #tpu.memory_space<hbm>> -> memref<1x128xi32, #tpu.memory_space<hbm>>
        %dma_start3A_71 = tpu.memref_squeeze %dma_start3A_70 : memref<1x128xi32, #tpu.memory_space<hbm>> -> memref<128xi32, #tpu.memory_space<hbm>>
        tpu.enqueue_dma source(%dma_start3A_71 : memref<128xi32, #tpu.memory_space<hbm>>) target(%arg6 : memref<128xi32, #tpu.memory_space<vmem>>) target_semaphore(%run_scoped3A_68 : memref<!tpu.dma_semaphore, #tpu.memory_space<semaphore_mem>>)
        %dma_wait3A = tpu.memref_slice %arg2[%run_scoped3A, %mul3A_58] : memref<2x800128xi32, #tpu.memory_space<hbm>> -> memref<1x128xi32, #tpu.memory_space<hbm>>
        %dma_wait3A_72 = tpu.memref_squeeze %dma_wait3A : memref<1x128xi32, #tpu.memory_space<hbm>> -> memref<128xi32, #tpu.memory_space<hbm>>
        %dma_wait3A_73 = tpu.memref_slice %arg2[%run_scoped3A, %mul3A_58] : memref<2x800128xi32, #tpu.memory_space<hbm>> -> memref<1x128xi32, #tpu.memory_space<hbm>>
        %dma_wait3A_74 = tpu.memref_squeeze %dma_wait3A_73 : memref<1x128xi32, #tpu.memory_space<hbm>> -> memref<128xi32, #tpu.memory_space<hbm>>
        tpu.wait_dma2 semaphore(%run_scoped3A_68 : memref<!tpu.dma_semaphore, #tpu.memory_space<semaphore_mem>>) src(%dma_wait3A_74 : memref<128xi32, #tpu.memory_space<hbm>>) dst(%arg6 : memref<128xi32, #tpu.memory_space<vmem>>)
        tpu.yield
      }) : () -> ()
      %run_scoped3A_59 = arith.constant 1 : i32
      "tpu.region"() ({
        %run_scoped3A_68 = tpu.sem_alloc : memref<!tpu.dma_semaphore, #tpu.memory_space<semaphore_mem>>
        %dma_start3A = tpu.memref_slice %arg2[%run_scoped3A_59, %mul3A_58] : memref<2x800128xi32, #tpu.memory_space<hbm>> -> memref<1x128xi32, #tpu.memory_space<hbm>>
        %dma_start3A_69 = tpu.memref_squeeze %dma_start3A : memref<1x128xi32, #tpu.memory_space<hbm>> -> memref<128xi32, #tpu.memory_space<hbm>>
        %dma_start3A_70 = tpu.memref_slice %arg2[%run_scoped3A_59, %mul3A_58] : memref<2x800128xi32, #tpu.memory_space<hbm>> -> memref<1x128xi32, #tpu.memory_space<hbm>>
        %dma_start3A_71 = tpu.memref_squeeze %dma_start3A_70 : memref<1x128xi32, #tpu.memory_space<hbm>> -> memref<128xi32, #tpu.memory_space<hbm>>
        tpu.enqueue_dma source(%dma_start3A_71 : memref<128xi32, #tpu.memory_space<hbm>>) target(%arg7 : memref<128xi32, #tpu.memory_space<vmem>>) target_semaphore(%run_scoped3A_68 : memref<!tpu.dma_semaphore, #tpu.memory_space<semaphore_mem>>)
        %dma_wait3A = tpu.memref_slice %arg2[%run_scoped3A_59, %mul3A_58] : memref<2x800128xi32, #tpu.memory_space<hbm>> -> memref<1x128xi32, #tpu.memory_space<hbm>>
        %dma_wait3A_72 = tpu.memref_squeeze %dma_wait3A : memref<1x128xi32, #tpu.memory_space<hbm>> -> memref<128xi32, #tpu.memory_space<hbm>>
        %dma_wait3A_73 = tpu.memref_slice %arg2[%run_scoped3A_59, %mul3A_58] : memref<2x800128xi32, #tpu.memory_space<hbm>> -> memref<1x128xi32, #tpu.memory_space<hbm>>
        %dma_wait3A_74 = tpu.memref_squeeze %dma_wait3A_73 : memref<1x128xi32, #tpu.memory_space<hbm>> -> memref<128xi32, #tpu.memory_space<hbm>>
        tpu.wait_dma2 semaphore(%run_scoped3A_68 : memref<!tpu.dma_semaphore, #tpu.memory_space<semaphore_mem>>) src(%dma_wait3A_74 : memref<128xi32, #tpu.memory_space<hbm>>) dst(%arg7 : memref<128xi32, #tpu.memory_space<vmem>>)
        tpu.yield
      }) : () -> ()
      "tpu.region"() ({
        %run_scoped3A_68 = tpu.sem_alloc : memref<!tpu.dma_semaphore, #tpu.memory_space<semaphore_mem>>
        %dma_start3A = arith.constant 0 : i32
        %dma_start3A_69 = arith.constant 0 : i32
        %dma_start3A_70 = tpu.memref_slice %arg3[%dma_start3A, %dma_start3A_69] : memref<50176x32xf32, #tpu.memory_space<hbm>> -> memref<50176x32xf32, #tpu.memory_space<hbm>>
        tpu.enqueue_indirect_dma source(%dma_start3A_70 : memref<50176x32xf32, #tpu.memory_space<hbm>>) target(%arg8 : memref<128x32xf32, #tpu.memory_space<vmem>>) offsets(%arg6 : memref<128xi32, #tpu.memory_space<vmem>>) semaphore(%run_scoped3A_68 : memref<!tpu.dma_semaphore, #tpu.memory_space<semaphore_mem>>)
        %dma_wait3A = arith.constant 0 : i32
        %dma_wait3A_71 = arith.constant 0 : i32
        %dma_wait3A_72 = tpu.memref_slice %arg3[%dma_wait3A, %dma_wait3A_71] : memref<50176x32xf32, #tpu.memory_space<hbm>> -> memref<50176x32xf32, #tpu.memory_space<hbm>>
        tpu.wait_indirect_dma semaphore(%run_scoped3A_68 : memref<!tpu.dma_semaphore, #tpu.memory_space<semaphore_mem>>) src(%dma_wait3A_72 : memref<50176x32xf32, #tpu.memory_space<hbm>>) dst(%arg8 : memref<128x32xf32, #tpu.memory_space<vmem>>)
        tpu.yield
      }) : () -> ()
      "tpu.region"() ({
        %run_scoped3A_68 = tpu.sem_alloc : memref<!tpu.dma_semaphore, #tpu.memory_space<semaphore_mem>>
        %dma_start3A = arith.constant 0 : i32
        %dma_start3A_69 = tpu.memref_slice %arg4[%mul3A_58, %dma_start3A] : memref<800128x16xf32, #tpu.memory_space<hbm>> -> memref<128x16xf32, #tpu.memory_space<hbm>>
        %dma_start3A_70 = arith.constant 0 : i32
        %dma_start3A_71 = tpu.memref_slice %arg4[%mul3A_58, %dma_start3A_70] : memref<800128x16xf32, #tpu.memory_space<hbm>> -> memref<128x16xf32, #tpu.memory_space<hbm>>
        tpu.enqueue_dma source(%dma_start3A_71 : memref<128x16xf32, #tpu.memory_space<hbm>>) target(%arg9 : memref<128x16xf32, #tpu.memory_space<vmem>>) target_semaphore(%run_scoped3A_68 : memref<!tpu.dma_semaphore, #tpu.memory_space<semaphore_mem>>)
        %dma_wait3A = arith.constant 0 : i32
        %dma_wait3A_72 = tpu.memref_slice %arg4[%mul3A_58, %dma_wait3A] : memref<800128x16xf32, #tpu.memory_space<hbm>> -> memref<128x16xf32, #tpu.memory_space<hbm>>
        %dma_wait3A_73 = arith.constant 0 : i32
        %dma_wait3A_74 = tpu.memref_slice %arg4[%mul3A_58, %dma_wait3A_73] : memref<800128x16xf32, #tpu.memory_space<hbm>> -> memref<128x16xf32, #tpu.memory_space<hbm>>
        tpu.wait_dma2 semaphore(%run_scoped3A_68 : memref<!tpu.dma_semaphore, #tpu.memory_space<semaphore_mem>>) src(%dma_wait3A_74 : memref<128x16xf32, #tpu.memory_space<hbm>>) dst(%arg9 : memref<128x16xf32, #tpu.memory_space<vmem>>)
        tpu.yield
      }) : () -> ()
      %scan3A_60 = arith.constant 0 : i32
      %scan3A_61 = arith.constant 0 : i32
      %scan3A_62 = arith.constant 128 : i32
      %scan3A_63 = arith.addi %scan3A_61, %scan3A_62 : i32
      %scan3A_64 = arith.constant 1 : i32
      %scan3A_65 = scf.for %scan3A_68 = %scan3A_61 to %scan3A_63 step %scan3A_64 iter_args(%scan3A_69 = %scan3A_60) -> (i32)  : i32 {
        %get3A = arith.index_cast %scan3A_68 : i32 to index
        %get3A_70 = arith.constant 0 : index
        %get3A_71 = tpu.vector_load %arg9[%get3A, %get3A_70] {strides = array<i32>} : memref<128x16xf32, #tpu.memory_space<vmem>>, vector<1x16xf32>,
        %get3A_72 = vector.shape_cast %get3A_71 : vector<1x16xf32> to vector<16xf32>
        %slice3A = vector.extract_strided_slice %get3A_72 {offsets = [4], sizes = [1], strides = [1]} : vector<16xf32> to vector<1xf32>
        %squeeze3A = vector.extract %slice3A[0] : f32 from vector<1xf32>
        %broadcast_in_dim3A = vector.broadcast %squeeze3A : f32 to vector<16xf32>
        %slice3A_73 = vector.extract_strided_slice %get3A_72 {offsets = [5], sizes = [1], strides = [1]} : vector<16xf32> to vector<1xf32>
        %squeeze3A_74 = vector.extract %slice3A_73[0] : f32 from vector<1xf32>
        %broadcast_in_dim3A_75 = vector.broadcast %squeeze3A_74 : f32 to vector<16xf32>
        %get3A_76 = arith.index_cast %scan3A_68 : i32 to index
        %get3A_77 = arith.constant 0 : index
        %get3A_78 = tpu.vector_load %arg8[%get3A_76, %get3A_77] {strides = array<i32>} : memref<128x32xf32, #tpu.memory_space<vmem>>, vector<1x16xf32>,
        %get3A_79 = vector.shape_cast %get3A_78 : vector<1x16xf32> to vector<16xf32>
        %mul3A_80 = arith.mulf %get3A_79, %broadcast_in_dim3A : vector<16xf32>
        %swap3A = arith.index_cast %scan3A_68 : i32 to index
        %swap3A_81 = arith.constant 0 : index
        %swap3A_82 = tpu.vector_load %arg10[%swap3A, %swap3A_81] {strides = array<i32>} : memref<128x32xf32, #tpu.memory_space<vmem>>, vector<1x16xf32>,
        %swap3A_83 = vector.shape_cast %swap3A_82 : vector<1x16xf32> to vector<16xf32>
        %swap3A_84 = vector.shape_cast %mul3A_80 : vector<16xf32> to vector<1x16xf32>
        tpu.vector_store %arg10[%swap3A, %swap3A_81], %swap3A_84 {strides = array<i32>} : memref<128x32xf32, #tpu.memory_space<vmem>>, vector<1x16xf32>,
        %get3A_85 = arith.index_cast %scan3A_68 : i32 to index
        %get3A_86 = arith.constant 16 : index
        %get3A_87 = tpu.vector_load %arg8[%get3A_85, %get3A_86] {strides = array<i32>} : memref<128x32xf32, #tpu.memory_space<vmem>>, vector<1x16xf32>,
        %get3A_88 = vector.shape_cast %get3A_87 : vector<1x16xf32> to vector<16xf32>
        %mul3A_89 = arith.mulf %get3A_88, %broadcast_in_dim3A_75 : vector<16xf32>
        %swap3A_90 = arith.index_cast %scan3A_68 : i32 to index
        %swap3A_91 = arith.constant 16 : index
        %swap3A_92 = tpu.vector_load %arg10[%swap3A_90, %swap3A_91] {strides = array<i32>} : memref<128x32xf32, #tpu.memory_space<vmem>>, vector<1x16xf32>,
        %swap3A_93 = vector.shape_cast %swap3A_92 : vector<1x16xf32> to vector<16xf32>
        %swap3A_94 = vector.shape_cast %mul3A_89 : vector<16xf32> to vector<1x16xf32>
        tpu.vector_store %arg10[%swap3A_90, %swap3A_91], %swap3A_94 {strides = array<i32>} : memref<128x32xf32, #tpu.memory_space<vmem>>, vector<1x16xf32>,
        %scan3A_95 = arith.constant 0 : i32
        scf.yield %scan3A_95 : i32
      }
      %scan3A_66 = arith.constant 128 : i32
      "tpu.region"() ({
        %run_scoped3A_68 = tpu.sem_alloc : memref<!tpu.dma_semaphore, #tpu.memory_space<semaphore_mem>>
        %dma_start3A = arith.constant 0 : i32
        %dma_start3A_69 = arith.constant 0 : i32
        %dma_start3A_70 = tpu.memref_slice %arg12[%dma_start3A, %dma_start3A_69] : memref<50176x32xf32, #tpu.memory_space<vmem_shared>> -> memref<50176x32xf32, #tpu.memory_space<vmem_shared>>
        tpu.enqueue_indirect_dma source(%arg10 : memref<128x32xf32, #tpu.memory_space<vmem>>) target(%dma_start3A_70 : memref<50176x32xf32, #tpu.memory_space<vmem_shared>>) offsets(%arg7 : memref<128xi32, #tpu.memory_space<vmem>>) semaphore(%run_scoped3A_68 : memref<!tpu.dma_semaphore, #tpu.memory_space<semaphore_mem>>) {add = true}
        %dma_wait3A = arith.constant 0 : i32
        %dma_wait3A_71 = arith.constant 0 : i32
        %dma_wait3A_72 = tpu.memref_slice %arg12[%dma_wait3A, %dma_wait3A_71] : memref<50176x32xf32, #tpu.memory_space<vmem_shared>> -> memref<50176x32xf32, #tpu.memory_space<vmem_shared>>
        tpu.wait_indirect_dma semaphore(%run_scoped3A_68 : memref<!tpu.dma_semaphore, #tpu.memory_space<semaphore_mem>>) src(%arg10 : memref<128x32xf32, #tpu.memory_space<vmem>>) dst(%dma_wait3A_72 : memref<50176x32xf32, #tpu.memory_space<vmem_shared>>)
        tpu.yield
      }) : () -> ()
      %while3A_67 = arith.constant 0 : i32
      scf.yield %while3A_67 : i32
    }
    %barrier3A_47 = arith.constant 0 : index
    tpu.barrier barrier_id(%barrier3A_47)
    %mul3A_48 = arith.constant 3136 : i32
    %mul3A_49 = arith.muli %arg1, %mul3A_48 : i32
    %mul3A_50 = arith.constant 3136 : i32
    %mul3A_51 = arith.muli %arg1, %mul3A_50 : i32
    "tpu.region"() ({
      %run_scoped3A = tpu.sem_alloc : memref<!tpu.dma_semaphore, #tpu.memory_space<semaphore_mem>>
      %dma_start3A = arith.constant 0 : i32
      %dma_start3A_52 = tpu.memref_slice %arg5[%arg0, %mul3A_51, %dma_start3A] : memref<2x50176x32xf32, #tpu.memory_space<hbm>> -> memref<1x3136x32xf32, #tpu.memory_space<hbm>>
      %dma_start3A_53 = tpu.memref_squeeze %dma_start3A_52 : memref<1x3136x32xf32, #tpu.memory_space<hbm>> -> memref<3136x32xf32, #tpu.memory_space<hbm>>
      %dma_start3A_54 = arith.constant 0 : i32
      %dma_start3A_55 = tpu.memref_slice %arg12[%mul3A_49, %dma_start3A_54] : memref<50176x32xf32, #tpu.memory_space<vmem_shared>> -> memref<3136x32xf32, #tpu.memory_space<vmem_shared>>
      tpu.enqueue_dma source(%dma_start3A_55 : memref<3136x32xf32, #tpu.memory_space<vmem_shared>>) target(%dma_start3A_53 : memref<3136x32xf32, #tpu.memory_space<hbm>>) target_semaphore(%run_scoped3A : memref<!tpu.dma_semaphore, #tpu.memory_space<semaphore_mem>>)
      %dma_wait3A = arith.constant 0 : i32
      %dma_wait3A_56 = tpu.memref_slice %arg5[%arg0, %mul3A_51, %dma_wait3A] : memref<2x50176x32xf32, #tpu.memory_space<hbm>> -> memref<1x3136x32xf32, #tpu.memory_space<hbm>>
      %dma_wait3A_57 = tpu.memref_squeeze %dma_wait3A_56 : memref<1x3136x32xf32, #tpu.memory_space<hbm>> -> memref<3136x32xf32, #tpu.memory_space<hbm>>
      %dma_wait3A_58 = arith.constant 0 : i32
      %dma_wait3A_59 = tpu.memref_slice %arg12[%mul3A_49, %dma_wait3A_58] : memref<50176x32xf32, #tpu.memory_space<vmem_shared>> -> memref<3136x32xf32, #tpu.memory_space<vmem_shared>>
      tpu.wait_dma2 semaphore(%run_scoped3A : memref<!tpu.dma_semaphore, #tpu.memory_space<semaphore_mem>>) src(%dma_wait3A_59 : memref<3136x32xf32, #tpu.memory_space<vmem_shared>>) dst(%dma_wait3A_57 : memref<3136x32xf32, #tpu.memory_space<hbm>>)
      tpu.yield
    }) : () -> ()
    return
  }
}

#map = affine_map<(d0, d1) -> (0, 0)>
#map1 = affine_map<(d0, d1) -> (0, 0, 0)>
module attributes {stable_mosaic.version = 14 : i64} {
  func.func @_feature_body(%arg0: i32, %arg1: i32, %arg2: memref<2x800128xi32, #tpu.memory_space<hbm>>, %arg3: memref<50176x32xf32, #tpu.memory_space<hbm>>, %arg4: memref<800128x16xf32, #tpu.memory_space<hbm>>, %arg5: memref<2x50176x32xf32, #tpu.memory_space<hbm>>, %arg6: memref<128xi32, #tpu.memory_space<vmem>>, %arg7: memref<128xi32, #tpu.memory_space<vmem>>, %arg8: memref<128x32xf32, #tpu.memory_space<vmem>>, %arg9: memref<128x16xf32, #tpu.memory_space<vmem>>, %arg10: memref<128x32xf32, #tpu.memory_space<vmem>>, %arg11: memref<448x32xf32, #tpu.memory_space<vmem>>, %arg12: memref<50176x32xf32, #tpu.memory_space<vmem_shared>>) attributes {dimension_semantics = [#tpu.dimension_semantics<core_parallel>, #tpu.dimension_semantics<subcore_parallel>], iteration_bounds = array<i64: 2, 16>, scalar_prefetch = 0 : i64, scratch_operands = 7 : i64, tpu.core_type = #tpu.core_type<sc_vector_subcore>, window_params = [{transform_indices = #map}, {transform_indices = #map}, {transform_indices = #map}, {transform_indices = #map1}]} {
    %mul3A = arith.constant 2 : i32
    %mul3A_0 = arith.muli %arg1, %mul3A : i32
    %add3A = arith.addi %mul3A_0, %arg0 : i32
    %scan3A = arith.constant 0 : i32
    %scan3A_1 = arith.constant 0 : i32
    %scan3A_2 = arith.constant 448 : i32
    %scan3A_3 = arith.addi %scan3A_1, %scan3A_2 : i32
    %scan3A_4 = arith.constant 1 : i32
    %scan3A_5 = scf.for %scan3A_52 = %scan3A_1 to %scan3A_3 step %scan3A_4 iter_args(%scan3A_53 = %scan3A) -> (i32)  : i32 {
      %broadcast_in_dim3A = arith.constant 0.000000e+00 : f32
      %broadcast_in_dim3A_54 = vector.broadcast %broadcast_in_dim3A : f32 to vector<16xf32>
      %swap3A = arith.index_cast %scan3A_52 : i32 to index
      %swap3A_55 = arith.constant 0 : index
      %swap3A_56 = tpu.vector_load %arg11[%swap3A, %swap3A_55] {strides = array<i32>} : memref<448x32xf32, #tpu.memory_space<vmem>>, vector<1x16xf32>,
      %swap3A_57 = vector.shape_cast %swap3A_56 : vector<1x16xf32> to vector<16xf32>
      %swap3A_58 = vector.shape_cast %broadcast_in_dim3A_54 : vector<16xf32> to vector<1x16xf32>
      tpu.vector_store %arg11[%swap3A, %swap3A_55], %swap3A_58 {strides = array<i32>} : memref<448x32xf32, #tpu.memory_space<vmem>>, vector<1x16xf32>,
      %broadcast_in_dim3A_59 = arith.constant 0.000000e+00 : f32
      %broadcast_in_dim3A_60 = vector.broadcast %broadcast_in_dim3A_59 : f32 to vector<16xf32>
      %swap3A_61 = arith.index_cast %scan3A_52 : i32 to index
      %swap3A_62 = arith.constant 16 : index
      %swap3A_63 = tpu.vector_load %arg11[%swap3A_61, %swap3A_62] {strides = array<i32>} : memref<448x32xf32, #tpu.memory_space<vmem>>, vector<1x16xf32>,
      %swap3A_64 = vector.shape_cast %swap3A_63 : vector<1x16xf32> to vector<16xf32>
      %swap3A_65 = vector.shape_cast %broadcast_in_dim3A_60 : vector<16xf32> to vector<1x16xf32>
      tpu.vector_store %arg11[%swap3A_61, %swap3A_62], %swap3A_65 {strides = array<i32>} : memref<448x32xf32, #tpu.memory_space<vmem>>, vector<1x16xf32>,
      %scan3A_66 = arith.constant 0 : i32
      scf.yield %scan3A_66 : i32
    }
    %scan3A_6 = arith.constant 448 : i32
    %scan3A_7 = arith.constant 0 : i32
    %scan3A_8 = arith.constant 0 : i32
    %scan3A_9 = arith.constant 7 : i32
    %scan3A_10 = arith.addi %scan3A_8, %scan3A_9 : i32
    %scan3A_11 = arith.constant 1 : i32
    %scan3A_12 = scf.for %scan3A_52 = %scan3A_8 to %scan3A_10 step %scan3A_11 iter_args(%scan3A_53 = %scan3A_7) -> (i32)  : i32 {
      %mul3A_54 = arith.constant 3136 : i32
      %mul3A_55 = arith.muli %arg1, %mul3A_54 : i32
      %mul3A_56 = arith.constant 448 : i32
      %mul3A_57 = arith.muli %scan3A_52, %mul3A_56 : i32
      %add3A_58 = arith.addi %mul3A_55, %mul3A_57 : i32
      "tpu.region"() ({
        %run_scoped3A = tpu.sem_alloc : memref<!tpu.dma_semaphore, #tpu.memory_space<semaphore_mem>>
        %dma_start3A = arith.constant 0 : i32
        %dma_start3A_60 = tpu.memref_slice %arg12[%add3A_58, %dma_start3A] : memref<50176x32xf32, #tpu.memory_space<vmem_shared>> -> memref<448x32xf32, #tpu.memory_space<vmem_shared>>
        %dma_start3A_61 = arith.constant 0 : i32
        %dma_start3A_62 = tpu.memref_slice %arg12[%add3A_58, %dma_start3A_61] : memref<50176x32xf32, #tpu.memory_space<vmem_shared>> -> memref<448x32xf32, #tpu.memory_space<vmem_shared>>
        tpu.enqueue_dma source(%arg11 : memref<448x32xf32, #tpu.memory_space<vmem>>) target(%dma_start3A_62 : memref<448x32xf32, #tpu.memory_space<vmem_shared>>) target_semaphore(%run_scoped3A : memref<!tpu.dma_semaphore, #tpu.memory_space<semaphore_mem>>)
        %dma_wait3A = arith.constant 0 : i32
        %dma_wait3A_63 = tpu.memref_slice %arg12[%add3A_58, %dma_wait3A] : memref<50176x32xf32, #tpu.memory_space<vmem_shared>> -> memref<448x32xf32, #tpu.memory_space<vmem_shared>>
        %dma_wait3A_64 = arith.constant 0 : i32
        %dma_wait3A_65 = tpu.memref_slice %arg12[%add3A_58, %dma_wait3A_64] : memref<50176x32xf32, #tpu.memory_space<vmem_shared>> -> memref<448x32xf32, #tpu.memory_space<vmem_shared>>
        tpu.wait_dma2 semaphore(%run_scoped3A : memref<!tpu.dma_semaphore, #tpu.memory_space<semaphore_mem>>) src(%arg11 : memref<448x32xf32, #tpu.memory_space<vmem>>) dst(%dma_wait3A_65 : memref<448x32xf32, #tpu.memory_space<vmem_shared>>)
        tpu.yield
      }) : () -> ()
      %scan3A_59 = arith.constant 0 : i32
      scf.yield %scan3A_59 : i32
    }
    %scan3A_13 = arith.constant 7 : i32
    %barrier3A = arith.constant 0 : index
    tpu.barrier barrier_id(%barrier3A)
    %sub3A = arith.constant 6251 : i32
    %sub3A_14 = arith.subi %sub3A, %add3A : i32
    %add3A_15 = arith.constant 32 : i32
    %add3A_16 = arith.addi %sub3A_14, %add3A_15 : i32
    %sub3A_17 = arith.constant 1 : i32
    %sub3A_18 = arith.subi %add3A_16, %sub3A_17 : i32
    %jit3A = arith.constant 32 : i32
    %div3A = arith.divsi %sub3A_18, %jit3A : i32
    %sign3A = arith.constant 0 : i32
    %sign3A_19 = arith.cmpi sgt, %sub3A_18, %sign3A : i32
    %sign3A_20 = arith.extui %sign3A_19 : i1 to i32
    %sign3A_21 = arith.constant 0 : i32
    %sign3A_22 = arith.cmpi slt, %sub3A_18, %sign3A_21 : i32
    %sign3A_23 = arith.extui %sign3A_22 : i1 to i32
    %sign3A_24 = arith.subi %sign3A_20, %sign3A_23 : i32
    %sign3A_25 = arith.constant 0 : i32
    %sign3A_26 = arith.cmpi sgt, %jit3A, %sign3A_25 : i32
    %sign3A_27 = arith.extui %sign3A_26 : i1 to i32
    %sign3A_28 = arith.constant 0 : i32
    %sign3A_29 = arith.cmpi slt, %jit3A, %sign3A_28 : i32
    %sign3A_30 = arith.extui %sign3A_29 : i1 to i32
    %sign3A_31 = arith.subi %sign3A_27, %sign3A_30 : i32
    %ne3A = arith.cmpi ne, %sign3A_24, %sign3A_31 : i32
    %rem3A = arith.remsi %sub3A_18, %jit3A : i32
    %ne3A_32 = arith.constant 0 : i32
    %ne3A_33 = arith.cmpi ne, %rem3A, %ne3A_32 : i32
    %and3A = arith.andi %ne3A, %ne3A_33 : i1
    %sub3A_34 = arith.constant 1 : i32
    %sub3A_35 = arith.subi %div3A, %sub3A_34 : i32
    %select_n3A = arith.select %and3A, %sub3A_35, %div3A : i32
    %while3A = arith.constant 0 : i32
    %while3A_36 = arith.constant 0 : i32
    %while3A_37 = arith.subi %select_n3A, %while3A : i32
    %while3A_38 = arith.addi %while3A, %while3A_37 : i32
    %while3A_39 = arith.constant 1 : i32
    %while3A_40 = arith.divsi %while3A_37, %while3A_39 : i32
    %while3A_41 = arith.muli %while3A_40, %while3A_39 : i32
    %while3A_42 = arith.addi %while3A, %while3A_41 : i32
    %while3A_43 = arith.constant 1 : i32
    %while3A_44 = scf.for %while3A_52 = %while3A to %while3A_42 step %while3A_43 iter_args(%while3A_53 = %while3A_36) -> (i32)  : i32 {
      %mul3A_54 = arith.constant 32 : i32
      %mul3A_55 = arith.muli %mul3A_54, %while3A_52 : i32
      %add3A_56 = arith.addi %add3A, %mul3A_55 : i32
      %mul3A_57 = arith.constant 128 : i32
      %mul3A_58 = arith.muli %add3A_56, %mul3A_57 : i32
      %run_scoped3A = arith.constant 0 : i32
      "tpu.region"() ({
        %run_scoped3A_68 = tpu.sem_alloc : memref<!tpu.dma_semaphore, #tpu.memory_space<semaphore_mem>>
        %dma_start3A = tpu.memref_slice %arg2[%run_scoped3A, %mul3A_58] : memref<2x800128xi32, #tpu.memory_space<hbm>> -> memref<1x128xi32, #tpu.memory_space<hbm>>
        %dma_start3A_69 = tpu.memref_squeeze %dma_start3A : memref<1x128xi32, #tpu.memory_space<hbm>> -> memref<128xi32, #tpu.memory_space<hbm>>
        %dma_start3A_70 = tpu.memref_slice %arg2[%run_scoped3A, %mul3A_58] : memref<2x800128xi32, #tpu.memory_space<hbm>> -> memref<1x128xi32, #tpu.memory_space<hbm>>
        %dma_start3A_71 = tpu.memref_squeeze %dma_start3A_70 : memref<1x128xi32, #tpu.memory_space<hbm>> -> memref<128xi32, #tpu.memory_space<hbm>>
        tpu.enqueue_dma source(%dma_start3A_71 : memref<128xi32, #tpu.memory_space<hbm>>) target(%arg6 : memref<128xi32, #tpu.memory_space<vmem>>) target_semaphore(%run_scoped3A_68 : memref<!tpu.dma_semaphore, #tpu.memory_space<semaphore_mem>>)
        %dma_wait3A = tpu.memref_slice %arg2[%run_scoped3A, %mul3A_58] : memref<2x800128xi32, #tpu.memory_space<hbm>> -> memref<1x128xi32, #tpu.memory_space<hbm>>
        %dma_wait3A_72 = tpu.memref_squeeze %dma_wait3A : memref<1x128xi32, #tpu.memory_space<hbm>> -> memref<128xi32, #tpu.memory_space<hbm>>
        %dma_wait3A_73 = tpu.memref_slice %arg2[%run_scoped3A, %mul3A_58] : memref<2x800128xi32, #tpu.memory_space<hbm>> -> memref<1x128xi32, #tpu.memory_space<hbm>>
        %dma_wait3A_74 = tpu.memref_squeeze %dma_wait3A_73 : memref<1x128xi32, #tpu.memory_space<hbm>> -> memref<128xi32, #tpu.memory_space<hbm>>
        tpu.wait_dma2 semaphore(%run_scoped3A_68 : memref<!tpu.dma_semaphore, #tpu.memory_space<semaphore_mem>>) src(%dma_wait3A_74 : memref<128xi32, #tpu.memory_space<hbm>>) dst(%arg6 : memref<128xi32, #tpu.memory_space<vmem>>)
        tpu.yield
      }) : () -> ()
      %run_scoped3A_59 = arith.constant 1 : i32
      "tpu.region"() ({
        %run_scoped3A_68 = tpu.sem_alloc : memref<!tpu.dma_semaphore, #tpu.memory_space<semaphore_mem>>
        %dma_start3A = tpu.memref_slice %arg2[%run_scoped3A_59, %mul3A_58] : memref<2x800128xi32, #tpu.memory_space<hbm>> -> memref<1x128xi32, #tpu.memory_space<hbm>>
        %dma_start3A_69 = tpu.memref_squeeze %dma_start3A : memref<1x128xi32, #tpu.memory_space<hbm>> -> memref<128xi32, #tpu.memory_space<hbm>>
        %dma_start3A_70 = tpu.memref_slice %arg2[%run_scoped3A_59, %mul3A_58] : memref<2x800128xi32, #tpu.memory_space<hbm>> -> memref<1x128xi32, #tpu.memory_space<hbm>>
        %dma_start3A_71 = tpu.memref_squeeze %dma_start3A_70 : memref<1x128xi32, #tpu.memory_space<hbm>> -> memref<128xi32, #tpu.memory_space<hbm>>
        tpu.enqueue_dma source(%dma_start3A_71 : memref<128xi32, #tpu.memory_space<hbm>>) target(%arg7 : memref<128xi32, #tpu.memory_space<vmem>>) target_semaphore(%run_scoped3A_68 : memref<!tpu.dma_semaphore, #tpu.memory_space<semaphore_mem>>)
        %dma_wait3A = tpu.memref_slice %arg2[%run_scoped3A_59, %mul3A_58] : memref<2x800128xi32, #tpu.memory_space<hbm>> -> memref<1x128xi32, #tpu.memory_space<hbm>>
        %dma_wait3A_72 = tpu.memref_squeeze %dma_wait3A : memref<1x128xi32, #tpu.memory_space<hbm>> -> memref<128xi32, #tpu.memory_space<hbm>>
        %dma_wait3A_73 = tpu.memref_slice %arg2[%run_scoped3A_59, %mul3A_58] : memref<2x800128xi32, #tpu.memory_space<hbm>> -> memref<1x128xi32, #tpu.memory_space<hbm>>
        %dma_wait3A_74 = tpu.memref_squeeze %dma_wait3A_73 : memref<1x128xi32, #tpu.memory_space<hbm>> -> memref<128xi32, #tpu.memory_space<hbm>>
        tpu.wait_dma2 semaphore(%run_scoped3A_68 : memref<!tpu.dma_semaphore, #tpu.memory_space<semaphore_mem>>) src(%dma_wait3A_74 : memref<128xi32, #tpu.memory_space<hbm>>) dst(%arg7 : memref<128xi32, #tpu.memory_space<vmem>>)
        tpu.yield
      }) : () -> ()
      "tpu.region"() ({
        %run_scoped3A_68 = tpu.sem_alloc : memref<!tpu.dma_semaphore, #tpu.memory_space<semaphore_mem>>
        %dma_start3A = arith.constant 0 : i32
        %dma_start3A_69 = arith.constant 0 : i32
        %dma_start3A_70 = tpu.memref_slice %arg3[%dma_start3A, %dma_start3A_69] : memref<50176x32xf32, #tpu.memory_space<hbm>> -> memref<50176x32xf32, #tpu.memory_space<hbm>>
        tpu.enqueue_indirect_dma source(%dma_start3A_70 : memref<50176x32xf32, #tpu.memory_space<hbm>>) target(%arg8 : memref<128x32xf32, #tpu.memory_space<vmem>>) offsets(%arg6 : memref<128xi32, #tpu.memory_space<vmem>>) semaphore(%run_scoped3A_68 : memref<!tpu.dma_semaphore, #tpu.memory_space<semaphore_mem>>)
        %dma_wait3A = arith.constant 0 : i32
        %dma_wait3A_71 = arith.constant 0 : i32
        %dma_wait3A_72 = tpu.memref_slice %arg3[%dma_wait3A, %dma_wait3A_71] : memref<50176x32xf32, #tpu.memory_space<hbm>> -> memref<50176x32xf32, #tpu.memory_space<hbm>>
        tpu.wait_indirect_dma semaphore(%run_scoped3A_68 : memref<!tpu.dma_semaphore, #tpu.memory_space<semaphore_mem>>) src(%dma_wait3A_72 : memref<50176x32xf32, #tpu.memory_space<hbm>>) dst(%arg8 : memref<128x32xf32, #tpu.memory_space<vmem>>)
        tpu.yield
      }) : () -> ()
      "tpu.region"() ({
        %run_scoped3A_68 = tpu.sem_alloc : memref<!tpu.dma_semaphore, #tpu.memory_space<semaphore_mem>>
        %dma_start3A = arith.constant 0 : i32
        %dma_start3A_69 = tpu.memref_slice %arg4[%mul3A_58, %dma_start3A] : memref<800128x16xf32, #tpu.memory_space<hbm>> -> memref<128x16xf32, #tpu.memory_space<hbm>>
        %dma_start3A_70 = arith.constant 0 : i32
        %dma_start3A_71 = tpu.memref_slice %arg4[%mul3A_58, %dma_start3A_70] : memref<800128x16xf32, #tpu.memory_space<hbm>> -> memref<128x16xf32, #tpu.memory_space<hbm>>
        tpu.enqueue_dma source(%dma_start3A_71 : memref<128x16xf32, #tpu.memory_space<hbm>>) target(%arg9 : memref<128x16xf32, #tpu.memory_space<vmem>>) target_semaphore(%run_scoped3A_68 : memref<!tpu.dma_semaphore, #tpu.memory_space<semaphore_mem>>)
        %dma_wait3A = arith.constant 0 : i32
        %dma_wait3A_72 = tpu.memref_slice %arg4[%mul3A_58, %dma_wait3A] : memref<800128x16xf32, #tpu.memory_space<hbm>> -> memref<128x16xf32, #tpu.memory_space<hbm>>
        %dma_wait3A_73 = arith.constant 0 : i32
        %dma_wait3A_74 = tpu.memref_slice %arg4[%mul3A_58, %dma_wait3A_73] : memref<800128x16xf32, #tpu.memory_space<hbm>> -> memref<128x16xf32, #tpu.memory_space<hbm>>
        tpu.wait_dma2 semaphore(%run_scoped3A_68 : memref<!tpu.dma_semaphore, #tpu.memory_space<semaphore_mem>>) src(%dma_wait3A_74 : memref<128x16xf32, #tpu.memory_space<hbm>>) dst(%arg9 : memref<128x16xf32, #tpu.memory_space<vmem>>)
        tpu.yield
      }) : () -> ()
      %scan3A_60 = arith.constant 0 : i32
      %scan3A_61 = arith.constant 0 : i32
      %scan3A_62 = arith.constant 128 : i32
      %scan3A_63 = arith.addi %scan3A_61, %scan3A_62 : i32
      %scan3A_64 = arith.constant 1 : i32
      %scan3A_65 = scf.for %scan3A_68 = %scan3A_61 to %scan3A_63 step %scan3A_64 iter_args(%scan3A_69 = %scan3A_60) -> (i32)  : i32 {
        %get3A = arith.index_cast %scan3A_68 : i32 to index
        %get3A_70 = arith.constant 0 : index
        %get3A_71 = tpu.vector_load %arg9[%get3A, %get3A_70] {strides = array<i32>} : memref<128x16xf32, #tpu.memory_space<vmem>>, vector<1x16xf32>,
        %get3A_72 = vector.shape_cast %get3A_71 : vector<1x16xf32> to vector<16xf32>
        %slice3A = vector.extract_strided_slice %get3A_72 {offsets = [2], sizes = [1], strides = [1]} : vector<16xf32> to vector<1xf32>
        %squeeze3A = vector.extract %slice3A[0] : f32 from vector<1xf32>
        %broadcast_in_dim3A = vector.broadcast %squeeze3A : f32 to vector<16xf32>
        %slice3A_73 = vector.extract_strided_slice %get3A_72 {offsets = [3], sizes = [1], strides = [1]} : vector<16xf32> to vector<1xf32>
        %squeeze3A_74 = vector.extract %slice3A_73[0] : f32 from vector<1xf32>
        %broadcast_in_dim3A_75 = vector.broadcast %squeeze3A_74 : f32 to vector<16xf32>
        %get3A_76 = arith.index_cast %scan3A_68 : i32 to index
        %get3A_77 = arith.constant 0 : index
        %get3A_78 = tpu.vector_load %arg8[%get3A_76, %get3A_77] {strides = array<i32>} : memref<128x32xf32, #tpu.memory_space<vmem>>, vector<1x16xf32>,
        %get3A_79 = vector.shape_cast %get3A_78 : vector<1x16xf32> to vector<16xf32>
        %mul3A_80 = arith.mulf %get3A_79, %broadcast_in_dim3A : vector<16xf32>
        %swap3A = arith.index_cast %scan3A_68 : i32 to index
        %swap3A_81 = arith.constant 0 : index
        %swap3A_82 = tpu.vector_load %arg10[%swap3A, %swap3A_81] {strides = array<i32>} : memref<128x32xf32, #tpu.memory_space<vmem>>, vector<1x16xf32>,
        %swap3A_83 = vector.shape_cast %swap3A_82 : vector<1x16xf32> to vector<16xf32>
        %swap3A_84 = vector.shape_cast %mul3A_80 : vector<16xf32> to vector<1x16xf32>
        tpu.vector_store %arg10[%swap3A, %swap3A_81], %swap3A_84 {strides = array<i32>} : memref<128x32xf32, #tpu.memory_space<vmem>>, vector<1x16xf32>,
        %get3A_85 = arith.index_cast %scan3A_68 : i32 to index
        %get3A_86 = arith.constant 16 : index
        %get3A_87 = tpu.vector_load %arg8[%get3A_85, %get3A_86] {strides = array<i32>} : memref<128x32xf32, #tpu.memory_space<vmem>>, vector<1x16xf32>,
        %get3A_88 = vector.shape_cast %get3A_87 : vector<1x16xf32> to vector<16xf32>
        %mul3A_89 = arith.mulf %get3A_88, %broadcast_in_dim3A_75 : vector<16xf32>
        %swap3A_90 = arith.index_cast %scan3A_68 : i32 to index
        %swap3A_91 = arith.constant 16 : index
        %swap3A_92 = tpu.vector_load %arg10[%swap3A_90, %swap3A_91] {strides = array<i32>} : memref<128x32xf32, #tpu.memory_space<vmem>>, vector<1x16xf32>,
        %swap3A_93 = vector.shape_cast %swap3A_92 : vector<1x16xf32> to vector<16xf32>
        %swap3A_94 = vector.shape_cast %mul3A_89 : vector<16xf32> to vector<1x16xf32>
        tpu.vector_store %arg10[%swap3A_90, %swap3A_91], %swap3A_94 {strides = array<i32>} : memref<128x32xf32, #tpu.memory_space<vmem>>, vector<1x16xf32>,
        %scan3A_95 = arith.constant 0 : i32
        scf.yield %scan3A_95 : i32
      }
      %scan3A_66 = arith.constant 128 : i32
      "tpu.region"() ({
        %run_scoped3A_68 = tpu.sem_alloc : memref<!tpu.dma_semaphore, #tpu.memory_space<semaphore_mem>>
        %dma_start3A = arith.constant 0 : i32
        %dma_start3A_69 = arith.constant 0 : i32
        %dma_start3A_70 = tpu.memref_slice %arg12[%dma_start3A, %dma_start3A_69] : memref<50176x32xf32, #tpu.memory_space<vmem_shared>> -> memref<50176x32xf32, #tpu.memory_space<vmem_shared>>
        tpu.enqueue_indirect_dma source(%arg10 : memref<128x32xf32, #tpu.memory_space<vmem>>) target(%dma_start3A_70 : memref<50176x32xf32, #tpu.memory_space<vmem_shared>>) offsets(%arg7 : memref<128xi32, #tpu.memory_space<vmem>>) semaphore(%run_scoped3A_68 : memref<!tpu.dma_semaphore, #tpu.memory_space<semaphore_mem>>) {add = true}
        %dma_wait3A = arith.constant 0 : i32
        %dma_wait3A_71 = arith.constant 0 : i32
        %dma_wait3A_72 = tpu.memref_slice %arg12[%dma_wait3A, %dma_wait3A_71] : memref<50176x32xf32, #tpu.memory_space<vmem_shared>> -> memref<50176x32xf32, #tpu.memory_space<vmem_shared>>
        tpu.wait_indirect_dma semaphore(%run_scoped3A_68 : memref<!tpu.dma_semaphore, #tpu.memory_space<semaphore_mem>>) src(%arg10 : memref<128x32xf32, #tpu.memory_space<vmem>>) dst(%dma_wait3A_72 : memref<50176x32xf32, #tpu.memory_space<vmem_shared>>)
        tpu.yield
      }) : () -> ()
      %while3A_67 = arith.constant 0 : i32
      scf.yield %while3A_67 : i32
    }
    %while3A_45 = arith.constant 1 : i32
    %while3A_46 = scf.for %while3A_52 = %while3A_42 to %while3A_38 step %while3A_45 iter_args(%while3A_53 = %while3A_44) -> (i32)  : i32 {
      %mul3A_54 = arith.constant 32 : i32
      %mul3A_55 = arith.muli %mul3A_54, %while3A_52 : i32
      %add3A_56 = arith.addi %add3A, %mul3A_55 : i32
      %mul3A_57 = arith.constant 128 : i32
      %mul3A_58 = arith.muli %add3A_56, %mul3A_57 : i32
      %run_scoped3A = arith.constant 0 : i32
      "tpu.region"() ({
        %run_scoped3A_68 = tpu.sem_alloc : memref<!tpu.dma_semaphore, #tpu.memory_space<semaphore_mem>>
        %dma_start3A = tpu.memref_slice %arg2[%run_scoped3A, %mul3A_58] : memref<2x800128xi32, #tpu.memory_space<hbm>> -> memref<1x128xi32, #tpu.memory_space<hbm>>
        %dma_start3A_69 = tpu.memref_squeeze %dma_start3A : memref<1x128xi32, #tpu.memory_space<hbm>> -> memref<128xi32, #tpu.memory_space<hbm>>
        %dma_start3A_70 = tpu.memref_slice %arg2[%run_scoped3A, %mul3A_58] : memref<2x800128xi32, #tpu.memory_space<hbm>> -> memref<1x128xi32, #tpu.memory_space<hbm>>
        %dma_start3A_71 = tpu.memref_squeeze %dma_start3A_70 : memref<1x128xi32, #tpu.memory_space<hbm>> -> memref<128xi32, #tpu.memory_space<hbm>>
        tpu.enqueue_dma source(%dma_start3A_71 : memref<128xi32, #tpu.memory_space<hbm>>) target(%arg6 : memref<128xi32, #tpu.memory_space<vmem>>) target_semaphore(%run_scoped3A_68 : memref<!tpu.dma_semaphore, #tpu.memory_space<semaphore_mem>>)
        %dma_wait3A = tpu.memref_slice %arg2[%run_scoped3A, %mul3A_58] : memref<2x800128xi32, #tpu.memory_space<hbm>> -> memref<1x128xi32, #tpu.memory_space<hbm>>
        %dma_wait3A_72 = tpu.memref_squeeze %dma_wait3A : memref<1x128xi32, #tpu.memory_space<hbm>> -> memref<128xi32, #tpu.memory_space<hbm>>
        %dma_wait3A_73 = tpu.memref_slice %arg2[%run_scoped3A, %mul3A_58] : memref<2x800128xi32, #tpu.memory_space<hbm>> -> memref<1x128xi32, #tpu.memory_space<hbm>>
        %dma_wait3A_74 = tpu.memref_squeeze %dma_wait3A_73 : memref<1x128xi32, #tpu.memory_space<hbm>> -> memref<128xi32, #tpu.memory_space<hbm>>
        tpu.wait_dma2 semaphore(%run_scoped3A_68 : memref<!tpu.dma_semaphore, #tpu.memory_space<semaphore_mem>>) src(%dma_wait3A_74 : memref<128xi32, #tpu.memory_space<hbm>>) dst(%arg6 : memref<128xi32, #tpu.memory_space<vmem>>)
        tpu.yield
      }) : () -> ()
      %run_scoped3A_59 = arith.constant 1 : i32
      "tpu.region"() ({
        %run_scoped3A_68 = tpu.sem_alloc : memref<!tpu.dma_semaphore, #tpu.memory_space<semaphore_mem>>
        %dma_start3A = tpu.memref_slice %arg2[%run_scoped3A_59, %mul3A_58] : memref<2x800128xi32, #tpu.memory_space<hbm>> -> memref<1x128xi32, #tpu.memory_space<hbm>>
        %dma_start3A_69 = tpu.memref_squeeze %dma_start3A : memref<1x128xi32, #tpu.memory_space<hbm>> -> memref<128xi32, #tpu.memory_space<hbm>>
        %dma_start3A_70 = tpu.memref_slice %arg2[%run_scoped3A_59, %mul3A_58] : memref<2x800128xi32, #tpu.memory_space<hbm>> -> memref<1x128xi32, #tpu.memory_space<hbm>>
        %dma_start3A_71 = tpu.memref_squeeze %dma_start3A_70 : memref<1x128xi32, #tpu.memory_space<hbm>> -> memref<128xi32, #tpu.memory_space<hbm>>
        tpu.enqueue_dma source(%dma_start3A_71 : memref<128xi32, #tpu.memory_space<hbm>>) target(%arg7 : memref<128xi32, #tpu.memory_space<vmem>>) target_semaphore(%run_scoped3A_68 : memref<!tpu.dma_semaphore, #tpu.memory_space<semaphore_mem>>)
        %dma_wait3A = tpu.memref_slice %arg2[%run_scoped3A_59, %mul3A_58] : memref<2x800128xi32, #tpu.memory_space<hbm>> -> memref<1x128xi32, #tpu.memory_space<hbm>>
        %dma_wait3A_72 = tpu.memref_squeeze %dma_wait3A : memref<1x128xi32, #tpu.memory_space<hbm>> -> memref<128xi32, #tpu.memory_space<hbm>>
        %dma_wait3A_73 = tpu.memref_slice %arg2[%run_scoped3A_59, %mul3A_58] : memref<2x800128xi32, #tpu.memory_space<hbm>> -> memref<1x128xi32, #tpu.memory_space<hbm>>
        %dma_wait3A_74 = tpu.memref_squeeze %dma_wait3A_73 : memref<1x128xi32, #tpu.memory_space<hbm>> -> memref<128xi32, #tpu.memory_space<hbm>>
        tpu.wait_dma2 semaphore(%run_scoped3A_68 : memref<!tpu.dma_semaphore, #tpu.memory_space<semaphore_mem>>) src(%dma_wait3A_74 : memref<128xi32, #tpu.memory_space<hbm>>) dst(%arg7 : memref<128xi32, #tpu.memory_space<vmem>>)
        tpu.yield
      }) : () -> ()
      "tpu.region"() ({
        %run_scoped3A_68 = tpu.sem_alloc : memref<!tpu.dma_semaphore, #tpu.memory_space<semaphore_mem>>
        %dma_start3A = arith.constant 0 : i32
        %dma_start3A_69 = arith.constant 0 : i32
        %dma_start3A_70 = tpu.memref_slice %arg3[%dma_start3A, %dma_start3A_69] : memref<50176x32xf32, #tpu.memory_space<hbm>> -> memref<50176x32xf32, #tpu.memory_space<hbm>>
        tpu.enqueue_indirect_dma source(%dma_start3A_70 : memref<50176x32xf32, #tpu.memory_space<hbm>>) target(%arg8 : memref<128x32xf32, #tpu.memory_space<vmem>>) offsets(%arg6 : memref<128xi32, #tpu.memory_space<vmem>>) semaphore(%run_scoped3A_68 : memref<!tpu.dma_semaphore, #tpu.memory_space<semaphore_mem>>)
        %dma_wait3A = arith.constant 0 : i32
        %dma_wait3A_71 = arith.constant 0 : i32
        %dma_wait3A_72 = tpu.memref_slice %arg3[%dma_wait3A, %dma_wait3A_71] : memref<50176x32xf32, #tpu.memory_space<hbm>> -> memref<50176x32xf32, #tpu.memory_space<hbm>>
        tpu.wait_indirect_dma semaphore(%run_scoped3A_68 : memref<!tpu.dma_semaphore, #tpu.memory_space<semaphore_mem>>) src(%dma_wait3A_72 : memref<50176x32xf32, #tpu.memory_space<hbm>>) dst(%arg8 : memref<128x32xf32, #tpu.memory_space<vmem>>)
        tpu.yield
      }) : () -> ()
      "tpu.region"() ({
        %run_scoped3A_68 = tpu.sem_alloc : memref<!tpu.dma_semaphore, #tpu.memory_space<semaphore_mem>>
        %dma_start3A = arith.constant 0 : i32
        %dma_start3A_69 = tpu.memref_slice %arg4[%mul3A_58, %dma_start3A] : memref<800128x16xf32, #tpu.memory_space<hbm>> -> memref<128x16xf32, #tpu.memory_space<hbm>>
        %dma_start3A_70 = arith.constant 0 : i32
        %dma_start3A_71 = tpu.memref_slice %arg4[%mul3A_58, %dma_start3A_70] : memref<800128x16xf32, #tpu.memory_space<hbm>> -> memref<128x16xf32, #tpu.memory_space<hbm>>
        tpu.enqueue_dma source(%dma_start3A_71 : memref<128x16xf32, #tpu.memory_space<hbm>>) target(%arg9 : memref<128x16xf32, #tpu.memory_space<vmem>>) target_semaphore(%run_scoped3A_68 : memref<!tpu.dma_semaphore, #tpu.memory_space<semaphore_mem>>)
        %dma_wait3A = arith.constant 0 : i32
        %dma_wait3A_72 = tpu.memref_slice %arg4[%mul3A_58, %dma_wait3A] : memref<800128x16xf32, #tpu.memory_space<hbm>> -> memref<128x16xf32, #tpu.memory_space<hbm>>
        %dma_wait3A_73 = arith.constant 0 : i32
        %dma_wait3A_74 = tpu.memref_slice %arg4[%mul3A_58, %dma_wait3A_73] : memref<800128x16xf32, #tpu.memory_space<hbm>> -> memref<128x16xf32, #tpu.memory_space<hbm>>
        tpu.wait_dma2 semaphore(%run_scoped3A_68 : memref<!tpu.dma_semaphore, #tpu.memory_space<semaphore_mem>>) src(%dma_wait3A_74 : memref<128x16xf32, #tpu.memory_space<hbm>>) dst(%arg9 : memref<128x16xf32, #tpu.memory_space<vmem>>)
        tpu.yield
      }) : () -> ()
      %scan3A_60 = arith.constant 0 : i32
      %scan3A_61 = arith.constant 0 : i32
      %scan3A_62 = arith.constant 128 : i32
      %scan3A_63 = arith.addi %scan3A_61, %scan3A_62 : i32
      %scan3A_64 = arith.constant 1 : i32
      %scan3A_65 = scf.for %scan3A_68 = %scan3A_61 to %scan3A_63 step %scan3A_64 iter_args(%scan3A_69 = %scan3A_60) -> (i32)  : i32 {
        %get3A = arith.index_cast %scan3A_68 : i32 to index
        %get3A_70 = arith.constant 0 : index
        %get3A_71 = tpu.vector_load %arg9[%get3A, %get3A_70] {strides = array<i32>} : memref<128x16xf32, #tpu.memory_space<vmem>>, vector<1x16xf32>,
        %get3A_72 = vector.shape_cast %get3A_71 : vector<1x16xf32> to vector<16xf32>
        %slice3A = vector.extract_strided_slice %get3A_72 {offsets = [2], sizes = [1], strides = [1]} : vector<16xf32> to vector<1xf32>
        %squeeze3A = vector.extract %slice3A[0] : f32 from vector<1xf32>
        %broadcast_in_dim3A = vector.broadcast %squeeze3A : f32 to vector<16xf32>
        %slice3A_73 = vector.extract_strided_slice %get3A_72 {offsets = [3], sizes = [1], strides = [1]} : vector<16xf32> to vector<1xf32>
        %squeeze3A_74 = vector.extract %slice3A_73[0] : f32 from vector<1xf32>
        %broadcast_in_dim3A_75 = vector.broadcast %squeeze3A_74 : f32 to vector<16xf32>
        %get3A_76 = arith.index_cast %scan3A_68 : i32 to index
        %get3A_77 = arith.constant 0 : index
        %get3A_78 = tpu.vector_load %arg8[%get3A_76, %get3A_77] {strides = array<i32>} : memref<128x32xf32, #tpu.memory_space<vmem>>, vector<1x16xf32>,
        %get3A_79 = vector.shape_cast %get3A_78 : vector<1x16xf32> to vector<16xf32>
        %mul3A_80 = arith.mulf %get3A_79, %broadcast_in_dim3A : vector<16xf32>
        %swap3A = arith.index_cast %scan3A_68 : i32 to index
        %swap3A_81 = arith.constant 0 : index
        %swap3A_82 = tpu.vector_load %arg10[%swap3A, %swap3A_81] {strides = array<i32>} : memref<128x32xf32, #tpu.memory_space<vmem>>, vector<1x16xf32>,
        %swap3A_83 = vector.shape_cast %swap3A_82 : vector<1x16xf32> to vector<16xf32>
        %swap3A_84 = vector.shape_cast %mul3A_80 : vector<16xf32> to vector<1x16xf32>
        tpu.vector_store %arg10[%swap3A, %swap3A_81], %swap3A_84 {strides = array<i32>} : memref<128x32xf32, #tpu.memory_space<vmem>>, vector<1x16xf32>,
        %get3A_85 = arith.index_cast %scan3A_68 : i32 to index
        %get3A_86 = arith.constant 16 : index
        %get3A_87 = tpu.vector_load %arg8[%get3A_85, %get3A_86] {strides = array<i32>} : memref<128x32xf32, #tpu.memory_space<vmem>>, vector<1x16xf32>,
        %get3A_88 = vector.shape_cast %get3A_87 : vector<1x16xf32> to vector<16xf32>
        %mul3A_89 = arith.mulf %get3A_88, %broadcast_in_dim3A_75 : vector<16xf32>
        %swap3A_90 = arith.index_cast %scan3A_68 : i32 to index
        %swap3A_91 = arith.constant 16 : index
        %swap3A_92 = tpu.vector_load %arg10[%swap3A_90, %swap3A_91] {strides = array<i32>} : memref<128x32xf32, #tpu.memory_space<vmem>>, vector<1x16xf32>,
        %swap3A_93 = vector.shape_cast %swap3A_92 : vector<1x16xf32> to vector<16xf32>
        %swap3A_94 = vector.shape_cast %mul3A_89 : vector<16xf32> to vector<1x16xf32>
        tpu.vector_store %arg10[%swap3A_90, %swap3A_91], %swap3A_94 {strides = array<i32>} : memref<128x32xf32, #tpu.memory_space<vmem>>, vector<1x16xf32>,
        %scan3A_95 = arith.constant 0 : i32
        scf.yield %scan3A_95 : i32
      }
      %scan3A_66 = arith.constant 128 : i32
      "tpu.region"() ({
        %run_scoped3A_68 = tpu.sem_alloc : memref<!tpu.dma_semaphore, #tpu.memory_space<semaphore_mem>>
        %dma_start3A = arith.constant 0 : i32
        %dma_start3A_69 = arith.constant 0 : i32
        %dma_start3A_70 = tpu.memref_slice %arg12[%dma_start3A, %dma_start3A_69] : memref<50176x32xf32, #tpu.memory_space<vmem_shared>> -> memref<50176x32xf32, #tpu.memory_space<vmem_shared>>
        tpu.enqueue_indirect_dma source(%arg10 : memref<128x32xf32, #tpu.memory_space<vmem>>) target(%dma_start3A_70 : memref<50176x32xf32, #tpu.memory_space<vmem_shared>>) offsets(%arg7 : memref<128xi32, #tpu.memory_space<vmem>>) semaphore(%run_scoped3A_68 : memref<!tpu.dma_semaphore, #tpu.memory_space<semaphore_mem>>) {add = true}
        %dma_wait3A = arith.constant 0 : i32
        %dma_wait3A_71 = arith.constant 0 : i32
        %dma_wait3A_72 = tpu.memref_slice %arg12[%dma_wait3A, %dma_wait3A_71] : memref<50176x32xf32, #tpu.memory_space<vmem_shared>> -> memref<50176x32xf32, #tpu.memory_space<vmem_shared>>
        tpu.wait_indirect_dma semaphore(%run_scoped3A_68 : memref<!tpu.dma_semaphore, #tpu.memory_space<semaphore_mem>>) src(%arg10 : memref<128x32xf32, #tpu.memory_space<vmem>>) dst(%dma_wait3A_72 : memref<50176x32xf32, #tpu.memory_space<vmem_shared>>)
        tpu.yield
      }) : () -> ()
      %while3A_67 = arith.constant 0 : i32
      scf.yield %while3A_67 : i32
    }
    %barrier3A_47 = arith.constant 0 : index
    tpu.barrier barrier_id(%barrier3A_47)
    %mul3A_48 = arith.constant 3136 : i32
    %mul3A_49 = arith.muli %arg1, %mul3A_48 : i32
    %mul3A_50 = arith.constant 3136 : i32
    %mul3A_51 = arith.muli %arg1, %mul3A_50 : i32
    "tpu.region"() ({
      %run_scoped3A = tpu.sem_alloc : memref<!tpu.dma_semaphore, #tpu.memory_space<semaphore_mem>>
      %dma_start3A = arith.constant 0 : i32
      %dma_start3A_52 = tpu.memref_slice %arg5[%arg0, %mul3A_51, %dma_start3A] : memref<2x50176x32xf32, #tpu.memory_space<hbm>> -> memref<1x3136x32xf32, #tpu.memory_space<hbm>>
      %dma_start3A_53 = tpu.memref_squeeze %dma_start3A_52 : memref<1x3136x32xf32, #tpu.memory_space<hbm>> -> memref<3136x32xf32, #tpu.memory_space<hbm>>
      %dma_start3A_54 = arith.constant 0 : i32
      %dma_start3A_55 = tpu.memref_slice %arg12[%mul3A_49, %dma_start3A_54] : memref<50176x32xf32, #tpu.memory_space<vmem_shared>> -> memref<3136x32xf32, #tpu.memory_space<vmem_shared>>
      tpu.enqueue_dma source(%dma_start3A_55 : memref<3136x32xf32, #tpu.memory_space<vmem_shared>>) target(%dma_start3A_53 : memref<3136x32xf32, #tpu.memory_space<hbm>>) target_semaphore(%run_scoped3A : memref<!tpu.dma_semaphore, #tpu.memory_space<semaphore_mem>>)
      %dma_wait3A = arith.constant 0 : i32
      %dma_wait3A_56 = tpu.memref_slice %arg5[%arg0, %mul3A_51, %dma_wait3A] : memref<2x50176x32xf32, #tpu.memory_space<hbm>> -> memref<1x3136x32xf32, #tpu.memory_space<hbm>>
      %dma_wait3A_57 = tpu.memref_squeeze %dma_wait3A_56 : memref<1x3136x32xf32, #tpu.memory_space<hbm>> -> memref<3136x32xf32, #tpu.memory_space<hbm>>
      %dma_wait3A_58 = arith.constant 0 : i32
      %dma_wait3A_59 = tpu.memref_slice %arg12[%mul3A_49, %dma_wait3A_58] : memref<50176x32xf32, #tpu.memory_space<vmem_shared>> -> memref<3136x32xf32, #tpu.memory_space<vmem_shared>>
      tpu.wait_dma2 semaphore(%run_scoped3A : memref<!tpu.dma_semaphore, #tpu.memory_space<semaphore_mem>>) src(%dma_wait3A_59 : memref<3136x32xf32, #tpu.memory_space<vmem_shared>>) dst(%dma_wait3A_57 : memref<3136x32xf32, #tpu.memory_space<hbm>>)
      tpu.yield
    }) : () -> ()
    return
  }
}

#map = affine_map<(d0, d1) -> (0, 0)>
#map1 = affine_map<(d0, d1) -> (0, 0, 0)>
module attributes {stable_mosaic.version = 14 : i64} {
  func.func @_feature_body(%arg0: i32, %arg1: i32, %arg2: memref<2x800128xi32, #tpu.memory_space<hbm>>, %arg3: memref<50176x32xf32, #tpu.memory_space<hbm>>, %arg4: memref<800128x16xf32, #tpu.memory_space<hbm>>, %arg5: memref<2x50176x32xf32, #tpu.memory_space<hbm>>, %arg6: memref<128xi32, #tpu.memory_space<vmem>>, %arg7: memref<128xi32, #tpu.memory_space<vmem>>, %arg8: memref<128x32xf32, #tpu.memory_space<vmem>>, %arg9: memref<128x16xf32, #tpu.memory_space<vmem>>, %arg10: memref<128x32xf32, #tpu.memory_space<vmem>>, %arg11: memref<448x32xf32, #tpu.memory_space<vmem>>, %arg12: memref<50176x32xf32, #tpu.memory_space<vmem_shared>>) attributes {dimension_semantics = [#tpu.dimension_semantics<core_parallel>, #tpu.dimension_semantics<subcore_parallel>], iteration_bounds = array<i64: 2, 16>, scalar_prefetch = 0 : i64, scratch_operands = 7 : i64, tpu.core_type = #tpu.core_type<sc_vector_subcore>, window_params = [{transform_indices = #map}, {transform_indices = #map}, {transform_indices = #map}, {transform_indices = #map1}]} {
    %mul3A = arith.constant 2 : i32
    %mul3A_0 = arith.muli %arg1, %mul3A : i32
    %add3A = arith.addi %mul3A_0, %arg0 : i32
    %scan3A = arith.constant 0 : i32
    %scan3A_1 = arith.constant 0 : i32
    %scan3A_2 = arith.constant 448 : i32
    %scan3A_3 = arith.addi %scan3A_1, %scan3A_2 : i32
    %scan3A_4 = arith.constant 1 : i32
    %scan3A_5 = scf.for %scan3A_52 = %scan3A_1 to %scan3A_3 step %scan3A_4 iter_args(%scan3A_53 = %scan3A) -> (i32)  : i32 {
      %broadcast_in_dim3A = arith.constant 0.000000e+00 : f32
      %broadcast_in_dim3A_54 = vector.broadcast %broadcast_in_dim3A : f32 to vector<16xf32>
      %swap3A = arith.index_cast %scan3A_52 : i32 to index
      %swap3A_55 = arith.constant 0 : index
      %swap3A_56 = tpu.vector_load %arg11[%swap3A, %swap3A_55] {strides = array<i32>} : memref<448x32xf32, #tpu.memory_space<vmem>>, vector<1x16xf32>,
      %swap3A_57 = vector.shape_cast %swap3A_56 : vector<1x16xf32> to vector<16xf32>
      %swap3A_58 = vector.shape_cast %broadcast_in_dim3A_54 : vector<16xf32> to vector<1x16xf32>
      tpu.vector_store %arg11[%swap3A, %swap3A_55], %swap3A_58 {strides = array<i32>} : memref<448x32xf32, #tpu.memory_space<vmem>>, vector<1x16xf32>,
      %broadcast_in_dim3A_59 = arith.constant 0.000000e+00 : f32
      %broadcast_in_dim3A_60 = vector.broadcast %broadcast_in_dim3A_59 : f32 to vector<16xf32>
      %swap3A_61 = arith.index_cast %scan3A_52 : i32 to index
      %swap3A_62 = arith.constant 16 : index
      %swap3A_63 = tpu.vector_load %arg11[%swap3A_61, %swap3A_62] {strides = array<i32>} : memref<448x32xf32, #tpu.memory_space<vmem>>, vector<1x16xf32>,
      %swap3A_64 = vector.shape_cast %swap3A_63 : vector<1x16xf32> to vector<16xf32>
      %swap3A_65 = vector.shape_cast %broadcast_in_dim3A_60 : vector<16xf32> to vector<1x16xf32>
      tpu.vector_store %arg11[%swap3A_61, %swap3A_62], %swap3A_65 {strides = array<i32>} : memref<448x32xf32, #tpu.memory_space<vmem>>, vector<1x16xf32>,
      %scan3A_66 = arith.constant 0 : i32
      scf.yield %scan3A_66 : i32
    }
    %scan3A_6 = arith.constant 448 : i32
    %scan3A_7 = arith.constant 0 : i32
    %scan3A_8 = arith.constant 0 : i32
    %scan3A_9 = arith.constant 7 : i32
    %scan3A_10 = arith.addi %scan3A_8, %scan3A_9 : i32
    %scan3A_11 = arith.constant 1 : i32
    %scan3A_12 = scf.for %scan3A_52 = %scan3A_8 to %scan3A_10 step %scan3A_11 iter_args(%scan3A_53 = %scan3A_7) -> (i32)  : i32 {
      %mul3A_54 = arith.constant 3136 : i32
      %mul3A_55 = arith.muli %arg1, %mul3A_54 : i32
      %mul3A_56 = arith.constant 448 : i32
      %mul3A_57 = arith.muli %scan3A_52, %mul3A_56 : i32
      %add3A_58 = arith.addi %mul3A_55, %mul3A_57 : i32
      "tpu.region"() ({
        %run_scoped3A = tpu.sem_alloc : memref<!tpu.dma_semaphore, #tpu.memory_space<semaphore_mem>>
        %dma_start3A = arith.constant 0 : i32
        %dma_start3A_60 = tpu.memref_slice %arg12[%add3A_58, %dma_start3A] : memref<50176x32xf32, #tpu.memory_space<vmem_shared>> -> memref<448x32xf32, #tpu.memory_space<vmem_shared>>
        %dma_start3A_61 = arith.constant 0 : i32
        %dma_start3A_62 = tpu.memref_slice %arg12[%add3A_58, %dma_start3A_61] : memref<50176x32xf32, #tpu.memory_space<vmem_shared>> -> memref<448x32xf32, #tpu.memory_space<vmem_shared>>
        tpu.enqueue_dma source(%arg11 : memref<448x32xf32, #tpu.memory_space<vmem>>) target(%dma_start3A_62 : memref<448x32xf32, #tpu.memory_space<vmem_shared>>) target_semaphore(%run_scoped3A : memref<!tpu.dma_semaphore, #tpu.memory_space<semaphore_mem>>)
        %dma_wait3A = arith.constant 0 : i32
        %dma_wait3A_63 = tpu.memref_slice %arg12[%add3A_58, %dma_wait3A] : memref<50176x32xf32, #tpu.memory_space<vmem_shared>> -> memref<448x32xf32, #tpu.memory_space<vmem_shared>>
        %dma_wait3A_64 = arith.constant 0 : i32
        %dma_wait3A_65 = tpu.memref_slice %arg12[%add3A_58, %dma_wait3A_64] : memref<50176x32xf32, #tpu.memory_space<vmem_shared>> -> memref<448x32xf32, #tpu.memory_space<vmem_shared>>
        tpu.wait_dma2 semaphore(%run_scoped3A : memref<!tpu.dma_semaphore, #tpu.memory_space<semaphore_mem>>) src(%arg11 : memref<448x32xf32, #tpu.memory_space<vmem>>) dst(%dma_wait3A_65 : memref<448x32xf32, #tpu.memory_space<vmem_shared>>)
        tpu.yield
      }) : () -> ()
      %scan3A_59 = arith.constant 0 : i32
      scf.yield %scan3A_59 : i32
    }
    %scan3A_13 = arith.constant 7 : i32
    %barrier3A = arith.constant 0 : index
    tpu.barrier barrier_id(%barrier3A)
    %sub3A = arith.constant 6251 : i32
    %sub3A_14 = arith.subi %sub3A, %add3A : i32
    %add3A_15 = arith.constant 32 : i32
    %add3A_16 = arith.addi %sub3A_14, %add3A_15 : i32
    %sub3A_17 = arith.constant 1 : i32
    %sub3A_18 = arith.subi %add3A_16, %sub3A_17 : i32
    %jit3A = arith.constant 32 : i32
    %div3A = arith.divsi %sub3A_18, %jit3A : i32
    %sign3A = arith.constant 0 : i32
    %sign3A_19 = arith.cmpi sgt, %sub3A_18, %sign3A : i32
    %sign3A_20 = arith.extui %sign3A_19 : i1 to i32
    %sign3A_21 = arith.constant 0 : i32
    %sign3A_22 = arith.cmpi slt, %sub3A_18, %sign3A_21 : i32
    %sign3A_23 = arith.extui %sign3A_22 : i1 to i32
    %sign3A_24 = arith.subi %sign3A_20, %sign3A_23 : i32
    %sign3A_25 = arith.constant 0 : i32
    %sign3A_26 = arith.cmpi sgt, %jit3A, %sign3A_25 : i32
    %sign3A_27 = arith.extui %sign3A_26 : i1 to i32
    %sign3A_28 = arith.constant 0 : i32
    %sign3A_29 = arith.cmpi slt, %jit3A, %sign3A_28 : i32
    %sign3A_30 = arith.extui %sign3A_29 : i1 to i32
    %sign3A_31 = arith.subi %sign3A_27, %sign3A_30 : i32
    %ne3A = arith.cmpi ne, %sign3A_24, %sign3A_31 : i32
    %rem3A = arith.remsi %sub3A_18, %jit3A : i32
    %ne3A_32 = arith.constant 0 : i32
    %ne3A_33 = arith.cmpi ne, %rem3A, %ne3A_32 : i32
    %and3A = arith.andi %ne3A, %ne3A_33 : i1
    %sub3A_34 = arith.constant 1 : i32
    %sub3A_35 = arith.subi %div3A, %sub3A_34 : i32
    %select_n3A = arith.select %and3A, %sub3A_35, %div3A : i32
    %while3A = arith.constant 0 : i32
    %while3A_36 = arith.constant 0 : i32
    %while3A_37 = arith.subi %select_n3A, %while3A : i32
    %while3A_38 = arith.addi %while3A, %while3A_37 : i32
    %while3A_39 = arith.constant 1 : i32
    %while3A_40 = arith.divsi %while3A_37, %while3A_39 : i32
    %while3A_41 = arith.muli %while3A_40, %while3A_39 : i32
    %while3A_42 = arith.addi %while3A, %while3A_41 : i32
    %while3A_43 = arith.constant 1 : i32
    %while3A_44 = scf.for %while3A_52 = %while3A to %while3A_42 step %while3A_43 iter_args(%while3A_53 = %while3A_36) -> (i32)  : i32 {
      %mul3A_54 = arith.constant 32 : i32
      %mul3A_55 = arith.muli %mul3A_54, %while3A_52 : i32
      %add3A_56 = arith.addi %add3A, %mul3A_55 : i32
      %mul3A_57 = arith.constant 128 : i32
      %mul3A_58 = arith.muli %add3A_56, %mul3A_57 : i32
      %run_scoped3A = arith.constant 0 : i32
      "tpu.region"() ({
        %run_scoped3A_68 = tpu.sem_alloc : memref<!tpu.dma_semaphore, #tpu.memory_space<semaphore_mem>>
        %dma_start3A = tpu.memref_slice %arg2[%run_scoped3A, %mul3A_58] : memref<2x800128xi32, #tpu.memory_space<hbm>> -> memref<1x128xi32, #tpu.memory_space<hbm>>
        %dma_start3A_69 = tpu.memref_squeeze %dma_start3A : memref<1x128xi32, #tpu.memory_space<hbm>> -> memref<128xi32, #tpu.memory_space<hbm>>
        %dma_start3A_70 = tpu.memref_slice %arg2[%run_scoped3A, %mul3A_58] : memref<2x800128xi32, #tpu.memory_space<hbm>> -> memref<1x128xi32, #tpu.memory_space<hbm>>
        %dma_start3A_71 = tpu.memref_squeeze %dma_start3A_70 : memref<1x128xi32, #tpu.memory_space<hbm>> -> memref<128xi32, #tpu.memory_space<hbm>>
        tpu.enqueue_dma source(%dma_start3A_71 : memref<128xi32, #tpu.memory_space<hbm>>) target(%arg6 : memref<128xi32, #tpu.memory_space<vmem>>) target_semaphore(%run_scoped3A_68 : memref<!tpu.dma_semaphore, #tpu.memory_space<semaphore_mem>>)
        %dma_wait3A = tpu.memref_slice %arg2[%run_scoped3A, %mul3A_58] : memref<2x800128xi32, #tpu.memory_space<hbm>> -> memref<1x128xi32, #tpu.memory_space<hbm>>
        %dma_wait3A_72 = tpu.memref_squeeze %dma_wait3A : memref<1x128xi32, #tpu.memory_space<hbm>> -> memref<128xi32, #tpu.memory_space<hbm>>
        %dma_wait3A_73 = tpu.memref_slice %arg2[%run_scoped3A, %mul3A_58] : memref<2x800128xi32, #tpu.memory_space<hbm>> -> memref<1x128xi32, #tpu.memory_space<hbm>>
        %dma_wait3A_74 = tpu.memref_squeeze %dma_wait3A_73 : memref<1x128xi32, #tpu.memory_space<hbm>> -> memref<128xi32, #tpu.memory_space<hbm>>
        tpu.wait_dma2 semaphore(%run_scoped3A_68 : memref<!tpu.dma_semaphore, #tpu.memory_space<semaphore_mem>>) src(%dma_wait3A_74 : memref<128xi32, #tpu.memory_space<hbm>>) dst(%arg6 : memref<128xi32, #tpu.memory_space<vmem>>)
        tpu.yield
      }) : () -> ()
      %run_scoped3A_59 = arith.constant 1 : i32
      "tpu.region"() ({
        %run_scoped3A_68 = tpu.sem_alloc : memref<!tpu.dma_semaphore, #tpu.memory_space<semaphore_mem>>
        %dma_start3A = tpu.memref_slice %arg2[%run_scoped3A_59, %mul3A_58] : memref<2x800128xi32, #tpu.memory_space<hbm>> -> memref<1x128xi32, #tpu.memory_space<hbm>>
        %dma_start3A_69 = tpu.memref_squeeze %dma_start3A : memref<1x128xi32, #tpu.memory_space<hbm>> -> memref<128xi32, #tpu.memory_space<hbm>>
        %dma_start3A_70 = tpu.memref_slice %arg2[%run_scoped3A_59, %mul3A_58] : memref<2x800128xi32, #tpu.memory_space<hbm>> -> memref<1x128xi32, #tpu.memory_space<hbm>>
        %dma_start3A_71 = tpu.memref_squeeze %dma_start3A_70 : memref<1x128xi32, #tpu.memory_space<hbm>> -> memref<128xi32, #tpu.memory_space<hbm>>
        tpu.enqueue_dma source(%dma_start3A_71 : memref<128xi32, #tpu.memory_space<hbm>>) target(%arg7 : memref<128xi32, #tpu.memory_space<vmem>>) target_semaphore(%run_scoped3A_68 : memref<!tpu.dma_semaphore, #tpu.memory_space<semaphore_mem>>)
        %dma_wait3A = tpu.memref_slice %arg2[%run_scoped3A_59, %mul3A_58] : memref<2x800128xi32, #tpu.memory_space<hbm>> -> memref<1x128xi32, #tpu.memory_space<hbm>>
        %dma_wait3A_72 = tpu.memref_squeeze %dma_wait3A : memref<1x128xi32, #tpu.memory_space<hbm>> -> memref<128xi32, #tpu.memory_space<hbm>>
        %dma_wait3A_73 = tpu.memref_slice %arg2[%run_scoped3A_59, %mul3A_58] : memref<2x800128xi32, #tpu.memory_space<hbm>> -> memref<1x128xi32, #tpu.memory_space<hbm>>
        %dma_wait3A_74 = tpu.memref_squeeze %dma_wait3A_73 : memref<1x128xi32, #tpu.memory_space<hbm>> -> memref<128xi32, #tpu.memory_space<hbm>>
        tpu.wait_dma2 semaphore(%run_scoped3A_68 : memref<!tpu.dma_semaphore, #tpu.memory_space<semaphore_mem>>) src(%dma_wait3A_74 : memref<128xi32, #tpu.memory_space<hbm>>) dst(%arg7 : memref<128xi32, #tpu.memory_space<vmem>>)
        tpu.yield
      }) : () -> ()
      "tpu.region"() ({
        %run_scoped3A_68 = tpu.sem_alloc : memref<!tpu.dma_semaphore, #tpu.memory_space<semaphore_mem>>
        %dma_start3A = arith.constant 0 : i32
        %dma_start3A_69 = arith.constant 0 : i32
        %dma_start3A_70 = tpu.memref_slice %arg3[%dma_start3A, %dma_start3A_69] : memref<50176x32xf32, #tpu.memory_space<hbm>> -> memref<50176x32xf32, #tpu.memory_space<hbm>>
        tpu.enqueue_indirect_dma source(%dma_start3A_70 : memref<50176x32xf32, #tpu.memory_space<hbm>>) target(%arg8 : memref<128x32xf32, #tpu.memory_space<vmem>>) offsets(%arg6 : memref<128xi32, #tpu.memory_space<vmem>>) semaphore(%run_scoped3A_68 : memref<!tpu.dma_semaphore, #tpu.memory_space<semaphore_mem>>)
        %dma_wait3A = arith.constant 0 : i32
        %dma_wait3A_71 = arith.constant 0 : i32
        %dma_wait3A_72 = tpu.memref_slice %arg3[%dma_wait3A, %dma_wait3A_71] : memref<50176x32xf32, #tpu.memory_space<hbm>> -> memref<50176x32xf32, #tpu.memory_space<hbm>>
        tpu.wait_indirect_dma semaphore(%run_scoped3A_68 : memref<!tpu.dma_semaphore, #tpu.memory_space<semaphore_mem>>) src(%dma_wait3A_72 : memref<50176x32xf32, #tpu.memory_space<hbm>>) dst(%arg8 : memref<128x32xf32, #tpu.memory_space<vmem>>)
        tpu.yield
      }) : () -> ()
      "tpu.region"() ({
        %run_scoped3A_68 = tpu.sem_alloc : memref<!tpu.dma_semaphore, #tpu.memory_space<semaphore_mem>>
        %dma_start3A = arith.constant 0 : i32
        %dma_start3A_69 = tpu.memref_slice %arg4[%mul3A_58, %dma_start3A] : memref<800128x16xf32, #tpu.memory_space<hbm>> -> memref<128x16xf32, #tpu.memory_space<hbm>>
        %dma_start3A_70 = arith.constant 0 : i32
        %dma_start3A_71 = tpu.memref_slice %arg4[%mul3A_58, %dma_start3A_70] : memref<800128x16xf32, #tpu.memory_space<hbm>> -> memref<128x16xf32, #tpu.memory_space<hbm>>
        tpu.enqueue_dma source(%dma_start3A_71 : memref<128x16xf32, #tpu.memory_space<hbm>>) target(%arg9 : memref<128x16xf32, #tpu.memory_space<vmem>>) target_semaphore(%run_scoped3A_68 : memref<!tpu.dma_semaphore, #tpu.memory_space<semaphore_mem>>)
        %dma_wait3A = arith.constant 0 : i32
        %dma_wait3A_72 = tpu.memref_slice %arg4[%mul3A_58, %dma_wait3A] : memref<800128x16xf32, #tpu.memory_space<hbm>> -> memref<128x16xf32, #tpu.memory_space<hbm>>
        %dma_wait3A_73 = arith.constant 0 : i32
        %dma_wait3A_74 = tpu.memref_slice %arg4[%mul3A_58, %dma_wait3A_73] : memref<800128x16xf32, #tpu.memory_space<hbm>> -> memref<128x16xf32, #tpu.memory_space<hbm>>
        tpu.wait_dma2 semaphore(%run_scoped3A_68 : memref<!tpu.dma_semaphore, #tpu.memory_space<semaphore_mem>>) src(%dma_wait3A_74 : memref<128x16xf32, #tpu.memory_space<hbm>>) dst(%arg9 : memref<128x16xf32, #tpu.memory_space<vmem>>)
        tpu.yield
      }) : () -> ()
      %scan3A_60 = arith.constant 0 : i32
      %scan3A_61 = arith.constant 0 : i32
      %scan3A_62 = arith.constant 128 : i32
      %scan3A_63 = arith.addi %scan3A_61, %scan3A_62 : i32
      %scan3A_64 = arith.constant 1 : i32
      %scan3A_65 = scf.for %scan3A_68 = %scan3A_61 to %scan3A_63 step %scan3A_64 iter_args(%scan3A_69 = %scan3A_60) -> (i32)  : i32 {
        %get3A = arith.index_cast %scan3A_68 : i32 to index
        %get3A_70 = arith.constant 0 : index
        %get3A_71 = tpu.vector_load %arg9[%get3A, %get3A_70] {strides = array<i32>} : memref<128x16xf32, #tpu.memory_space<vmem>>, vector<1x16xf32>,
        %get3A_72 = vector.shape_cast %get3A_71 : vector<1x16xf32> to vector<16xf32>
        %slice3A = vector.extract_strided_slice %get3A_72 {offsets = [0], sizes = [1], strides = [1]} : vector<16xf32> to vector<1xf32>
        %squeeze3A = vector.extract %slice3A[0] : f32 from vector<1xf32>
        %broadcast_in_dim3A = vector.broadcast %squeeze3A : f32 to vector<16xf32>
        %slice3A_73 = vector.extract_strided_slice %get3A_72 {offsets = [1], sizes = [1], strides = [1]} : vector<16xf32> to vector<1xf32>
        %squeeze3A_74 = vector.extract %slice3A_73[0] : f32 from vector<1xf32>
        %broadcast_in_dim3A_75 = vector.broadcast %squeeze3A_74 : f32 to vector<16xf32>
        %get3A_76 = arith.index_cast %scan3A_68 : i32 to index
        %get3A_77 = arith.constant 0 : index
        %get3A_78 = tpu.vector_load %arg8[%get3A_76, %get3A_77] {strides = array<i32>} : memref<128x32xf32, #tpu.memory_space<vmem>>, vector<1x16xf32>,
        %get3A_79 = vector.shape_cast %get3A_78 : vector<1x16xf32> to vector<16xf32>
        %mul3A_80 = arith.mulf %get3A_79, %broadcast_in_dim3A : vector<16xf32>
        %swap3A = arith.index_cast %scan3A_68 : i32 to index
        %swap3A_81 = arith.constant 0 : index
        %swap3A_82 = tpu.vector_load %arg10[%swap3A, %swap3A_81] {strides = array<i32>} : memref<128x32xf32, #tpu.memory_space<vmem>>, vector<1x16xf32>,
        %swap3A_83 = vector.shape_cast %swap3A_82 : vector<1x16xf32> to vector<16xf32>
        %swap3A_84 = vector.shape_cast %mul3A_80 : vector<16xf32> to vector<1x16xf32>
        tpu.vector_store %arg10[%swap3A, %swap3A_81], %swap3A_84 {strides = array<i32>} : memref<128x32xf32, #tpu.memory_space<vmem>>, vector<1x16xf32>,
        %get3A_85 = arith.index_cast %scan3A_68 : i32 to index
        %get3A_86 = arith.constant 16 : index
        %get3A_87 = tpu.vector_load %arg8[%get3A_85, %get3A_86] {strides = array<i32>} : memref<128x32xf32, #tpu.memory_space<vmem>>, vector<1x16xf32>,
        %get3A_88 = vector.shape_cast %get3A_87 : vector<1x16xf32> to vector<16xf32>
        %mul3A_89 = arith.mulf %get3A_88, %broadcast_in_dim3A_75 : vector<16xf32>
        %swap3A_90 = arith.index_cast %scan3A_68 : i32 to index
        %swap3A_91 = arith.constant 16 : index
        %swap3A_92 = tpu.vector_load %arg10[%swap3A_90, %swap3A_91] {strides = array<i32>} : memref<128x32xf32, #tpu.memory_space<vmem>>, vector<1x16xf32>,
        %swap3A_93 = vector.shape_cast %swap3A_92 : vector<1x16xf32> to vector<16xf32>
        %swap3A_94 = vector.shape_cast %mul3A_89 : vector<16xf32> to vector<1x16xf32>
        tpu.vector_store %arg10[%swap3A_90, %swap3A_91], %swap3A_94 {strides = array<i32>} : memref<128x32xf32, #tpu.memory_space<vmem>>, vector<1x16xf32>,
        %scan3A_95 = arith.constant 0 : i32
        scf.yield %scan3A_95 : i32
      }
      %scan3A_66 = arith.constant 128 : i32
      "tpu.region"() ({
        %run_scoped3A_68 = tpu.sem_alloc : memref<!tpu.dma_semaphore, #tpu.memory_space<semaphore_mem>>
        %dma_start3A = arith.constant 0 : i32
        %dma_start3A_69 = arith.constant 0 : i32
        %dma_start3A_70 = tpu.memref_slice %arg12[%dma_start3A, %dma_start3A_69] : memref<50176x32xf32, #tpu.memory_space<vmem_shared>> -> memref<50176x32xf32, #tpu.memory_space<vmem_shared>>
        tpu.enqueue_indirect_dma source(%arg10 : memref<128x32xf32, #tpu.memory_space<vmem>>) target(%dma_start3A_70 : memref<50176x32xf32, #tpu.memory_space<vmem_shared>>) offsets(%arg7 : memref<128xi32, #tpu.memory_space<vmem>>) semaphore(%run_scoped3A_68 : memref<!tpu.dma_semaphore, #tpu.memory_space<semaphore_mem>>) {add = true}
        %dma_wait3A = arith.constant 0 : i32
        %dma_wait3A_71 = arith.constant 0 : i32
        %dma_wait3A_72 = tpu.memref_slice %arg12[%dma_wait3A, %dma_wait3A_71] : memref<50176x32xf32, #tpu.memory_space<vmem_shared>> -> memref<50176x32xf32, #tpu.memory_space<vmem_shared>>
        tpu.wait_indirect_dma semaphore(%run_scoped3A_68 : memref<!tpu.dma_semaphore, #tpu.memory_space<semaphore_mem>>) src(%arg10 : memref<128x32xf32, #tpu.memory_space<vmem>>) dst(%dma_wait3A_72 : memref<50176x32xf32, #tpu.memory_space<vmem_shared>>)
        tpu.yield
      }) : () -> ()
      %while3A_67 = arith.constant 0 : i32
      scf.yield %while3A_67 : i32
    }
    %while3A_45 = arith.constant 1 : i32
    %while3A_46 = scf.for %while3A_52 = %while3A_42 to %while3A_38 step %while3A_45 iter_args(%while3A_53 = %while3A_44) -> (i32)  : i32 {
      %mul3A_54 = arith.constant 32 : i32
      %mul3A_55 = arith.muli %mul3A_54, %while3A_52 : i32
      %add3A_56 = arith.addi %add3A, %mul3A_55 : i32
      %mul3A_57 = arith.constant 128 : i32
      %mul3A_58 = arith.muli %add3A_56, %mul3A_57 : i32
      %run_scoped3A = arith.constant 0 : i32
      "tpu.region"() ({
        %run_scoped3A_68 = tpu.sem_alloc : memref<!tpu.dma_semaphore, #tpu.memory_space<semaphore_mem>>
        %dma_start3A = tpu.memref_slice %arg2[%run_scoped3A, %mul3A_58] : memref<2x800128xi32, #tpu.memory_space<hbm>> -> memref<1x128xi32, #tpu.memory_space<hbm>>
        %dma_start3A_69 = tpu.memref_squeeze %dma_start3A : memref<1x128xi32, #tpu.memory_space<hbm>> -> memref<128xi32, #tpu.memory_space<hbm>>
        %dma_start3A_70 = tpu.memref_slice %arg2[%run_scoped3A, %mul3A_58] : memref<2x800128xi32, #tpu.memory_space<hbm>> -> memref<1x128xi32, #tpu.memory_space<hbm>>
        %dma_start3A_71 = tpu.memref_squeeze %dma_start3A_70 : memref<1x128xi32, #tpu.memory_space<hbm>> -> memref<128xi32, #tpu.memory_space<hbm>>
        tpu.enqueue_dma source(%dma_start3A_71 : memref<128xi32, #tpu.memory_space<hbm>>) target(%arg6 : memref<128xi32, #tpu.memory_space<vmem>>) target_semaphore(%run_scoped3A_68 : memref<!tpu.dma_semaphore, #tpu.memory_space<semaphore_mem>>)
        %dma_wait3A = tpu.memref_slice %arg2[%run_scoped3A, %mul3A_58] : memref<2x800128xi32, #tpu.memory_space<hbm>> -> memref<1x128xi32, #tpu.memory_space<hbm>>
        %dma_wait3A_72 = tpu.memref_squeeze %dma_wait3A : memref<1x128xi32, #tpu.memory_space<hbm>> -> memref<128xi32, #tpu.memory_space<hbm>>
        %dma_wait3A_73 = tpu.memref_slice %arg2[%run_scoped3A, %mul3A_58] : memref<2x800128xi32, #tpu.memory_space<hbm>> -> memref<1x128xi32, #tpu.memory_space<hbm>>
        %dma_wait3A_74 = tpu.memref_squeeze %dma_wait3A_73 : memref<1x128xi32, #tpu.memory_space<hbm>> -> memref<128xi32, #tpu.memory_space<hbm>>
        tpu.wait_dma2 semaphore(%run_scoped3A_68 : memref<!tpu.dma_semaphore, #tpu.memory_space<semaphore_mem>>) src(%dma_wait3A_74 : memref<128xi32, #tpu.memory_space<hbm>>) dst(%arg6 : memref<128xi32, #tpu.memory_space<vmem>>)
        tpu.yield
      }) : () -> ()
      %run_scoped3A_59 = arith.constant 1 : i32
      "tpu.region"() ({
        %run_scoped3A_68 = tpu.sem_alloc : memref<!tpu.dma_semaphore, #tpu.memory_space<semaphore_mem>>
        %dma_start3A = tpu.memref_slice %arg2[%run_scoped3A_59, %mul3A_58] : memref<2x800128xi32, #tpu.memory_space<hbm>> -> memref<1x128xi32, #tpu.memory_space<hbm>>
        %dma_start3A_69 = tpu.memref_squeeze %dma_start3A : memref<1x128xi32, #tpu.memory_space<hbm>> -> memref<128xi32, #tpu.memory_space<hbm>>
        %dma_start3A_70 = tpu.memref_slice %arg2[%run_scoped3A_59, %mul3A_58] : memref<2x800128xi32, #tpu.memory_space<hbm>> -> memref<1x128xi32, #tpu.memory_space<hbm>>
        %dma_start3A_71 = tpu.memref_squeeze %dma_start3A_70 : memref<1x128xi32, #tpu.memory_space<hbm>> -> memref<128xi32, #tpu.memory_space<hbm>>
        tpu.enqueue_dma source(%dma_start3A_71 : memref<128xi32, #tpu.memory_space<hbm>>) target(%arg7 : memref<128xi32, #tpu.memory_space<vmem>>) target_semaphore(%run_scoped3A_68 : memref<!tpu.dma_semaphore, #tpu.memory_space<semaphore_mem>>)
        %dma_wait3A = tpu.memref_slice %arg2[%run_scoped3A_59, %mul3A_58] : memref<2x800128xi32, #tpu.memory_space<hbm>> -> memref<1x128xi32, #tpu.memory_space<hbm>>
        %dma_wait3A_72 = tpu.memref_squeeze %dma_wait3A : memref<1x128xi32, #tpu.memory_space<hbm>> -> memref<128xi32, #tpu.memory_space<hbm>>
        %dma_wait3A_73 = tpu.memref_slice %arg2[%run_scoped3A_59, %mul3A_58] : memref<2x800128xi32, #tpu.memory_space<hbm>> -> memref<1x128xi32, #tpu.memory_space<hbm>>
        %dma_wait3A_74 = tpu.memref_squeeze %dma_wait3A_73 : memref<1x128xi32, #tpu.memory_space<hbm>> -> memref<128xi32, #tpu.memory_space<hbm>>
        tpu.wait_dma2 semaphore(%run_scoped3A_68 : memref<!tpu.dma_semaphore, #tpu.memory_space<semaphore_mem>>) src(%dma_wait3A_74 : memref<128xi32, #tpu.memory_space<hbm>>) dst(%arg7 : memref<128xi32, #tpu.memory_space<vmem>>)
        tpu.yield
      }) : () -> ()
      "tpu.region"() ({
        %run_scoped3A_68 = tpu.sem_alloc : memref<!tpu.dma_semaphore, #tpu.memory_space<semaphore_mem>>
        %dma_start3A = arith.constant 0 : i32
        %dma_start3A_69 = arith.constant 0 : i32
        %dma_start3A_70 = tpu.memref_slice %arg3[%dma_start3A, %dma_start3A_69] : memref<50176x32xf32, #tpu.memory_space<hbm>> -> memref<50176x32xf32, #tpu.memory_space<hbm>>
        tpu.enqueue_indirect_dma source(%dma_start3A_70 : memref<50176x32xf32, #tpu.memory_space<hbm>>) target(%arg8 : memref<128x32xf32, #tpu.memory_space<vmem>>) offsets(%arg6 : memref<128xi32, #tpu.memory_space<vmem>>) semaphore(%run_scoped3A_68 : memref<!tpu.dma_semaphore, #tpu.memory_space<semaphore_mem>>)
        %dma_wait3A = arith.constant 0 : i32
        %dma_wait3A_71 = arith.constant 0 : i32
        %dma_wait3A_72 = tpu.memref_slice %arg3[%dma_wait3A, %dma_wait3A_71] : memref<50176x32xf32, #tpu.memory_space<hbm>> -> memref<50176x32xf32, #tpu.memory_space<hbm>>
        tpu.wait_indirect_dma semaphore(%run_scoped3A_68 : memref<!tpu.dma_semaphore, #tpu.memory_space<semaphore_mem>>) src(%dma_wait3A_72 : memref<50176x32xf32, #tpu.memory_space<hbm>>) dst(%arg8 : memref<128x32xf32, #tpu.memory_space<vmem>>)
        tpu.yield
      }) : () -> ()
      "tpu.region"() ({
        %run_scoped3A_68 = tpu.sem_alloc : memref<!tpu.dma_semaphore, #tpu.memory_space<semaphore_mem>>
        %dma_start3A = arith.constant 0 : i32
        %dma_start3A_69 = tpu.memref_slice %arg4[%mul3A_58, %dma_start3A] : memref<800128x16xf32, #tpu.memory_space<hbm>> -> memref<128x16xf32, #tpu.memory_space<hbm>>
        %dma_start3A_70 = arith.constant 0 : i32
        %dma_start3A_71 = tpu.memref_slice %arg4[%mul3A_58, %dma_start3A_70] : memref<800128x16xf32, #tpu.memory_space<hbm>> -> memref<128x16xf32, #tpu.memory_space<hbm>>
        tpu.enqueue_dma source(%dma_start3A_71 : memref<128x16xf32, #tpu.memory_space<hbm>>) target(%arg9 : memref<128x16xf32, #tpu.memory_space<vmem>>) target_semaphore(%run_scoped3A_68 : memref<!tpu.dma_semaphore, #tpu.memory_space<semaphore_mem>>)
        %dma_wait3A = arith.constant 0 : i32
        %dma_wait3A_72 = tpu.memref_slice %arg4[%mul3A_58, %dma_wait3A] : memref<800128x16xf32, #tpu.memory_space<hbm>> -> memref<128x16xf32, #tpu.memory_space<hbm>>
        %dma_wait3A_73 = arith.constant 0 : i32
        %dma_wait3A_74 = tpu.memref_slice %arg4[%mul3A_58, %dma_wait3A_73] : memref<800128x16xf32, #tpu.memory_space<hbm>> -> memref<128x16xf32, #tpu.memory_space<hbm>>
        tpu.wait_dma2 semaphore(%run_scoped3A_68 : memref<!tpu.dma_semaphore, #tpu.memory_space<semaphore_mem>>) src(%dma_wait3A_74 : memref<128x16xf32, #tpu.memory_space<hbm>>) dst(%arg9 : memref<128x16xf32, #tpu.memory_space<vmem>>)
        tpu.yield
      }) : () -> ()
      %scan3A_60 = arith.constant 0 : i32
      %scan3A_61 = arith.constant 0 : i32
      %scan3A_62 = arith.constant 128 : i32
      %scan3A_63 = arith.addi %scan3A_61, %scan3A_62 : i32
      %scan3A_64 = arith.constant 1 : i32
      %scan3A_65 = scf.for %scan3A_68 = %scan3A_61 to %scan3A_63 step %scan3A_64 iter_args(%scan3A_69 = %scan3A_60) -> (i32)  : i32 {
        %get3A = arith.index_cast %scan3A_68 : i32 to index
        %get3A_70 = arith.constant 0 : index
        %get3A_71 = tpu.vector_load %arg9[%get3A, %get3A_70] {strides = array<i32>} : memref<128x16xf32, #tpu.memory_space<vmem>>, vector<1x16xf32>,
        %get3A_72 = vector.shape_cast %get3A_71 : vector<1x16xf32> to vector<16xf32>
        %slice3A = vector.extract_strided_slice %get3A_72 {offsets = [0], sizes = [1], strides = [1]} : vector<16xf32> to vector<1xf32>
        %squeeze3A = vector.extract %slice3A[0] : f32 from vector<1xf32>
        %broadcast_in_dim3A = vector.broadcast %squeeze3A : f32 to vector<16xf32>
        %slice3A_73 = vector.extract_strided_slice %get3A_72 {offsets = [1], sizes = [1], strides = [1]} : vector<16xf32> to vector<1xf32>
        %squeeze3A_74 = vector.extract %slice3A_73[0] : f32 from vector<1xf32>
        %broadcast_in_dim3A_75 = vector.broadcast %squeeze3A_74 : f32 to vector<16xf32>
        %get3A_76 = arith.index_cast %scan3A_68 : i32 to index
        %get3A_77 = arith.constant 0 : index
        %get3A_78 = tpu.vector_load %arg8[%get3A_76, %get3A_77] {strides = array<i32>} : memref<128x32xf32, #tpu.memory_space<vmem>>, vector<1x16xf32>,
        %get3A_79 = vector.shape_cast %get3A_78 : vector<1x16xf32> to vector<16xf32>
        %mul3A_80 = arith.mulf %get3A_79, %broadcast_in_dim3A : vector<16xf32>
        %swap3A = arith.index_cast %scan3A_68 : i32 to index
        %swap3A_81 = arith.constant 0 : index
        %swap3A_82 = tpu.vector_load %arg10[%swap3A, %swap3A_81] {strides = array<i32>} : memref<128x32xf32, #tpu.memory_space<vmem>>, vector<1x16xf32>,
        %swap3A_83 = vector.shape_cast %swap3A_82 : vector<1x16xf32> to vector<16xf32>
        %swap3A_84 = vector.shape_cast %mul3A_80 : vector<16xf32> to vector<1x16xf32>
        tpu.vector_store %arg10[%swap3A, %swap3A_81], %swap3A_84 {strides = array<i32>} : memref<128x32xf32, #tpu.memory_space<vmem>>, vector<1x16xf32>,
        %get3A_85 = arith.index_cast %scan3A_68 : i32 to index
        %get3A_86 = arith.constant 16 : index
        %get3A_87 = tpu.vector_load %arg8[%get3A_85, %get3A_86] {strides = array<i32>} : memref<128x32xf32, #tpu.memory_space<vmem>>, vector<1x16xf32>,
        %get3A_88 = vector.shape_cast %get3A_87 : vector<1x16xf32> to vector<16xf32>
        %mul3A_89 = arith.mulf %get3A_88, %broadcast_in_dim3A_75 : vector<16xf32>
        %swap3A_90 = arith.index_cast %scan3A_68 : i32 to index
        %swap3A_91 = arith.constant 16 : index
        %swap3A_92 = tpu.vector_load %arg10[%swap3A_90, %swap3A_91] {strides = array<i32>} : memref<128x32xf32, #tpu.memory_space<vmem>>, vector<1x16xf32>,
        %swap3A_93 = vector.shape_cast %swap3A_92 : vector<1x16xf32> to vector<16xf32>
        %swap3A_94 = vector.shape_cast %mul3A_89 : vector<16xf32> to vector<1x16xf32>
        tpu.vector_store %arg10[%swap3A_90, %swap3A_91], %swap3A_94 {strides = array<i32>} : memref<128x32xf32, #tpu.memory_space<vmem>>, vector<1x16xf32>,
        %scan3A_95 = arith.constant 0 : i32
        scf.yield %scan3A_95 : i32
      }
      %scan3A_66 = arith.constant 128 : i32
      "tpu.region"() ({
        %run_scoped3A_68 = tpu.sem_alloc : memref<!tpu.dma_semaphore, #tpu.memory_space<semaphore_mem>>
        %dma_start3A = arith.constant 0 : i32
        %dma_start3A_69 = arith.constant 0 : i32
        %dma_start3A_70 = tpu.memref_slice %arg12[%dma_start3A, %dma_start3A_69] : memref<50176x32xf32, #tpu.memory_space<vmem_shared>> -> memref<50176x32xf32, #tpu.memory_space<vmem_shared>>
        tpu.enqueue_indirect_dma source(%arg10 : memref<128x32xf32, #tpu.memory_space<vmem>>) target(%dma_start3A_70 : memref<50176x32xf32, #tpu.memory_space<vmem_shared>>) offsets(%arg7 : memref<128xi32, #tpu.memory_space<vmem>>) semaphore(%run_scoped3A_68 : memref<!tpu.dma_semaphore, #tpu.memory_space<semaphore_mem>>) {add = true}
        %dma_wait3A = arith.constant 0 : i32
        %dma_wait3A_71 = arith.constant 0 : i32
        %dma_wait3A_72 = tpu.memref_slice %arg12[%dma_wait3A, %dma_wait3A_71] : memref<50176x32xf32, #tpu.memory_space<vmem_shared>> -> memref<50176x32xf32, #tpu.memory_space<vmem_shared>>
        tpu.wait_indirect_dma semaphore(%run_scoped3A_68 : memref<!tpu.dma_semaphore, #tpu.memory_space<semaphore_mem>>) src(%arg10 : memref<128x32xf32, #tpu.memory_space<vmem>>) dst(%dma_wait3A_72 : memref<50176x32xf32, #tpu.memory_space<vmem_shared>>)
        tpu.yield
      }) : () -> ()
      %while3A_67 = arith.constant 0 : i32
      scf.yield %while3A_67 : i32
    }
    %barrier3A_47 = arith.constant 0 : index
    tpu.barrier barrier_id(%barrier3A_47)
    %mul3A_48 = arith.constant 3136 : i32
    %mul3A_49 = arith.muli %arg1, %mul3A_48 : i32
    %mul3A_50 = arith.constant 3136 : i32
    %mul3A_51 = arith.muli %arg1, %mul3A_50 : i32
    "tpu.region"() ({
      %run_scoped3A = tpu.sem_alloc : memref<!tpu.dma_semaphore, #tpu.memory_space<semaphore_mem>>
      %dma_start3A = arith.constant 0 : i32
      %dma_start3A_52 = tpu.memref_slice %arg5[%arg0, %mul3A_51, %dma_start3A] : memref<2x50176x32xf32, #tpu.memory_space<hbm>> -> memref<1x3136x32xf32, #tpu.memory_space<hbm>>
      %dma_start3A_53 = tpu.memref_squeeze %dma_start3A_52 : memref<1x3136x32xf32, #tpu.memory_space<hbm>> -> memref<3136x32xf32, #tpu.memory_space<hbm>>
      %dma_start3A_54 = arith.constant 0 : i32
      %dma_start3A_55 = tpu.memref_slice %arg12[%mul3A_49, %dma_start3A_54] : memref<50176x32xf32, #tpu.memory_space<vmem_shared>> -> memref<3136x32xf32, #tpu.memory_space<vmem_shared>>
      tpu.enqueue_dma source(%dma_start3A_55 : memref<3136x32xf32, #tpu.memory_space<vmem_shared>>) target(%dma_start3A_53 : memref<3136x32xf32, #tpu.memory_space<hbm>>) target_semaphore(%run_scoped3A : memref<!tpu.dma_semaphore, #tpu.memory_space<semaphore_mem>>)
      %dma_wait3A = arith.constant 0 : i32
      %dma_wait3A_56 = tpu.memref_slice %arg5[%arg0, %mul3A_51, %dma_wait3A] : memref<2x50176x32xf32, #tpu.memory_space<hbm>> -> memref<1x3136x32xf32, #tpu.memory_space<hbm>>
      %dma_wait3A_57 = tpu.memref_squeeze %dma_wait3A_56 : memref<1x3136x32xf32, #tpu.memory_space<hbm>> -> memref<3136x32xf32, #tpu.memory_space<hbm>>
      %dma_wait3A_58 = arith.constant 0 : i32
      %dma_wait3A_59 = tpu.memref_slice %arg12[%mul3A_49, %dma_wait3A_58] : memref<50176x32xf32, #tpu.memory_space<vmem_shared>> -> memref<3136x32xf32, #tpu.memory_space<vmem_shared>>
      tpu.wait_dma2 semaphore(%run_scoped3A : memref<!tpu.dma_semaphore, #tpu.memory_space<semaphore_mem>>) src(%dma_wait3A_59 : memref<3136x32xf32, #tpu.memory_space<vmem_shared>>) dst(%dma_wait3A_57 : memref<3136x32xf32, #tpu.memory_space<hbm>>)
      tpu.yield
    }) : () -> ()
    return
  }
}

module attributes {stable_mosaic.version = 14 : i64} {
  func.func @_prep_body(%arg0: i32, %arg1: memref<512x64xf32, #tpu.memory_space<vmem>>, %arg2: memref<64x96xf32, #tpu.memory_space<vmem>>, %arg3: memref<96x1xf32, #tpu.memory_space<vmem>>, %arg4: memref<96x1xf32, #tpu.memory_space<vmem>>, %arg5: memref<512x32xf32, #tpu.memory_space<vmem>>, %arg6: memref<512x32xf32, #tpu.memory_space<vmem>>, %arg7: memref<512x32xf32, #tpu.memory_space<vmem>>, %arg8: memref<512x16xf32, #tpu.memory_space<vmem>>, %arg9: memref<512x16xf32, #tpu.memory_space<vmem>>) attributes {dimension_semantics = [#tpu.dimension_semantics<arbitrary>], iteration_bounds = array<i64: 98>, scalar_prefetch = 0 : i64, scratch_operands = 0 : i64, tpu.core_type = #tpu.core_type<tc>, window_params = [{transform_indices = @transform_0, window_bounds = array<i64: 512, 64>}, {pipeline_mode = #tpu.pipeline_mode<synchronous>, transform_indices = @transform_1, window_bounds = array<i64: 64, 96>}, {pipeline_mode = #tpu.pipeline_mode<synchronous>, transform_indices = @transform_2, window_bounds = array<i64: 96, 1>}, {pipeline_mode = #tpu.pipeline_mode<synchronous>, transform_indices = @transform_3, window_bounds = array<i64: 96, 1>}, {transform_indices = @transform_4, window_bounds = array<i64: 512, 32>}, {transform_indices = @transform_5, window_bounds = array<i64: 512, 32>}, {transform_indices = @transform_6, window_bounds = array<i64: 512, 32>}, {transform_indices = @transform_7, window_bounds = array<i64: 512, 16>}, {transform_indices = @transform_8, window_bounds = array<i64: 512, 16>}]} {
    %get3A = arith.constant 0 : index
    %get3A_0 = arith.constant 0 : index
    %get3A_1 = vector.load %arg1[%get3A, %get3A_0] : memref<512x64xf32, #tpu.memory_space<vmem>>, vector<512x64xf32>
    %get3A_2 = arith.constant 0 : index
    %get3A_3 = arith.constant 0 : index
    %get3A_4 = vector.load %arg2[%get3A_2, %get3A_3] : memref<64x96xf32, #tpu.memory_space<vmem>>, vector<64x96xf32>
    %dot_general3A = arith.constant dense<0.000000e+00> : vector<512x96xf32>
    %dot_general3A_5 = tpu.matmul %get3A_1, %get3A_4, %dot_general3A {dimension_numbers = #tpu.dot_dimension_numbers<[1], [0], [0], [1], [0, 0, 1, 1], [], []>, precision = #tpu.contract_precision<fp32>, transpose_lhs_hint = false} : vector<512x64xf32>, vector<64x96xf32>, vector<512x96xf32> -> vector<512x96xf32>
    %iota3A = tpu.iota {dimensions = array<i32: 0>} : vector<96x16xi32>
    %jit3A = arith.constant 16 : i32
    %div3A = vector.broadcast %jit3A : i32 to vector<96x16xi32>
    %div3A_6 = arith.divsi %iota3A, %div3A : vector<96x16xi32>
    %sign3A = arith.constant 0 : i32
    %sign3A_7 = vector.broadcast %sign3A : i32 to vector<96x16xi32>
    %sign3A_8 = arith.cmpi sgt, %iota3A, %sign3A_7 : vector<96x16xi32>
    %sign3A_9 = arith.extui %sign3A_8 : vector<96x16xi1> to vector<96x16xi32>
    %sign3A_10 = arith.constant 0 : i32
    %sign3A_11 = vector.broadcast %sign3A_10 : i32 to vector<96x16xi32>
    %sign3A_12 = arith.cmpi slt, %iota3A, %sign3A_11 : vector<96x16xi32>
    %sign3A_13 = arith.extui %sign3A_12 : vector<96x16xi1> to vector<96x16xi32>
    %sign3A_14 = arith.subi %sign3A_9, %sign3A_13 : vector<96x16xi32>
    %sign3A_15 = arith.constant 0 : i32
    %sign3A_16 = arith.cmpi sgt, %jit3A, %sign3A_15 : i32
    %sign3A_17 = arith.extui %sign3A_16 : i1 to i32
    %sign3A_18 = arith.constant 0 : i32
    %sign3A_19 = arith.cmpi slt, %jit3A, %sign3A_18 : i32
    %sign3A_20 = arith.extui %sign3A_19 : i1 to i32
    %sign3A_21 = arith.subi %sign3A_17, %sign3A_20 : i32
    %ne3A = vector.broadcast %sign3A_21 : i32 to vector<96x16xi32>
    %ne3A_22 = arith.cmpi ne, %sign3A_14, %ne3A : vector<96x16xi32>
    %rem3A = vector.broadcast %jit3A : i32 to vector<96x16xi32>
    %rem3A_23 = arith.remsi %iota3A, %rem3A : vector<96x16xi32>
    %ne3A_24 = arith.constant 0 : i32
    %ne3A_25 = vector.broadcast %ne3A_24 : i32 to vector<96x16xi32>
    %ne3A_26 = arith.cmpi ne, %rem3A_23, %ne3A_25 : vector<96x16xi32>
    %and3A = arith.andi %ne3A_22, %ne3A_26 : vector<96x16xi1>
    %sub3A = arith.constant 1 : i32
    %sub3A_27 = vector.broadcast %sub3A : i32 to vector<96x16xi32>
    %sub3A_28 = arith.subi %div3A_6, %sub3A_27 : vector<96x16xi32>
    %select_n3A = arith.select %and3A, %sub3A_28, %div3A_6 : vector<96x16xi1>, vector<96x16xi32>
    %iota3A_29 = tpu.iota {dimensions = array<i32: 1>} : vector<96x16xi32>
    %eq3A = arith.cmpi eq, %select_n3A, %iota3A_29 : vector<96x16xi32>
    %convert_element_type3A = arith.extui %eq3A : vector<96x16xi1> to vector<96x16xi32>
    %convert_element_type3A_30 = arith.sitofp %convert_element_type3A : vector<96x16xi32> to vector<96x16xf32>
    %get3A_31 = arith.constant 0 : index
    %get3A_32 = arith.constant 0 : index
    %get3A_33 = vector.load %arg3[%get3A_31, %get3A_32] : memref<96x1xf32, #tpu.memory_space<vmem>>, vector<96x1xf32>
    %mul3A = vector.broadcast %get3A_33 : vector<96x1xf32> to vector<96x16xf32>
    %mul3A_34 = arith.mulf %convert_element_type3A_30, %mul3A : vector<96x16xf32>
    %dot_general3A_35 = arith.constant dense<0.000000e+00> : vector<512x16xf32>
    %dot_general3A_36 = tpu.matmul %dot_general3A_5, %mul3A_34, %dot_general3A_35 {dimension_numbers = #tpu.dot_dimension_numbers<[1], [0], [0], [1], [0, 0, 1, 1], [], []>, precision = #tpu.contract_precision<fp32>, transpose_lhs_hint = false} : vector<512x96xf32>, vector<96x16xf32>, vector<512x16xf32> -> vector<512x16xf32>
    %swap3A = arith.constant 0 : index
    %swap3A_37 = arith.constant 0 : index
    %swap3A_38 = vector.load %arg8[%swap3A, %swap3A_37] : memref<512x16xf32, #tpu.memory_space<vmem>>, vector<512x16xf32>
    tpu.vector_store %arg8[%swap3A, %swap3A_37], %dot_general3A_36 {strides = array<i32>} : memref<512x16xf32, #tpu.memory_space<vmem>>, vector<512x16xf32>,
    %get3A_39 = arith.constant 0 : index
    %get3A_40 = arith.constant 0 : index
    %get3A_41 = vector.load %arg4[%get3A_39, %get3A_40] : memref<96x1xf32, #tpu.memory_space<vmem>>, vector<96x1xf32>
    %mul3A_42 = vector.broadcast %get3A_41 : vector<96x1xf32> to vector<96x16xf32>
    %mul3A_43 = arith.mulf %convert_element_type3A_30, %mul3A_42 : vector<96x16xf32>
    %dot_general3A_44 = arith.constant dense<0.000000e+00> : vector<512x16xf32>
    %dot_general3A_45 = tpu.matmul %dot_general3A_5, %mul3A_43, %dot_general3A_44 {dimension_numbers = #tpu.dot_dimension_numbers<[1], [0], [0], [1], [0, 0, 1, 1], [], []>, precision = #tpu.contract_precision<fp32>, transpose_lhs_hint = false} : vector<512x96xf32>, vector<96x16xf32>, vector<512x16xf32> -> vector<512x16xf32>
    %swap3A_46 = arith.constant 0 : index
    %swap3A_47 = arith.constant 0 : index
    %swap3A_48 = vector.load %arg9[%swap3A_46, %swap3A_47] : memref<512x16xf32, #tpu.memory_space<vmem>>, vector<512x16xf32>
    tpu.vector_store %arg9[%swap3A_46, %swap3A_47], %dot_general3A_45 {strides = array<i32>} : memref<512x16xf32, #tpu.memory_space<vmem>>, vector<512x16xf32>,
    %slice3A = vector.extract_strided_slice %dot_general3A_5 {offsets = [0, 0], sizes = [512, 32], strides = [1, 1]} : vector<512x96xf32> to vector<512x32xf32>
    %swap3A_49 = arith.constant 0 : index
    %swap3A_50 = arith.constant 0 : index
    %swap3A_51 = vector.load %arg5[%swap3A_49, %swap3A_50] : memref<512x32xf32, #tpu.memory_space<vmem>>, vector<512x32xf32>
    tpu.vector_store %arg5[%swap3A_49, %swap3A_50], %slice3A {strides = array<i32>} : memref<512x32xf32, #tpu.memory_space<vmem>>, vector<512x32xf32>,
    %slice3A_52 = vector.extract_strided_slice %dot_general3A_5 {offsets = [0, 32], sizes = [512, 32], strides = [1, 1]} : vector<512x96xf32> to vector<512x32xf32>
    %swap3A_53 = arith.constant 0 : index
    %swap3A_54 = arith.constant 0 : index
    %swap3A_55 = vector.load %arg6[%swap3A_53, %swap3A_54] : memref<512x32xf32, #tpu.memory_space<vmem>>, vector<512x32xf32>
    tpu.vector_store %arg6[%swap3A_53, %swap3A_54], %slice3A_52 {strides = array<i32>} : memref<512x32xf32, #tpu.memory_space<vmem>>, vector<512x32xf32>,
    %slice3A_56 = vector.extract_strided_slice %dot_general3A_5 {offsets = [0, 64], sizes = [512, 32], strides = [1, 1]} : vector<512x96xf32> to vector<512x32xf32>
    %swap3A_57 = arith.constant 0 : index
    %swap3A_58 = arith.constant 0 : index
    %swap3A_59 = vector.load %arg7[%swap3A_57, %swap3A_58] : memref<512x32xf32, #tpu.memory_space<vmem>>, vector<512x32xf32>
    tpu.vector_store %arg7[%swap3A_57, %swap3A_58], %slice3A_56 {strides = array<i32>} : memref<512x32xf32, #tpu.memory_space<vmem>>, vector<512x32xf32>,
    return
  }
  func.func @transform_0(%arg0: i32) -> (i32, i32) {
    %c0_i32 = arith.constant 0 : i32
    %c0_i32_0 = arith.constant 0 : i32
    return %arg0, %c0_i32 : i32, i32
  }
  func.func @transform_1(%arg0: i32) -> (i32, i32) {
    %c0_i32 = arith.constant 0 : i32
    %c0_i32_0 = arith.constant 0 : i32
    %c0_i32_1 = arith.constant 0 : i32
    return %c0_i32, %c0_i32_0 : i32, i32
  }
  func.func @transform_2(%arg0: i32) -> (i32, i32) {
    %c0_i32 = arith.constant 0 : i32
    %c0_i32_0 = arith.constant 0 : i32
    %c0_i32_1 = arith.constant 0 : i32
    return %c0_i32, %c0_i32_0 : i32, i32
  }
  func.func @transform_3(%arg0: i32) -> (i32, i32) {
    %c0_i32 = arith.constant 0 : i32
    %c0_i32_0 = arith.constant 0 : i32
    %c0_i32_1 = arith.constant 0 : i32
    return %c0_i32, %c0_i32_0 : i32, i32
  }
  func.func @transform_4(%arg0: i32) -> (i32, i32) {
    %c0_i32 = arith.constant 0 : i32
    %c0_i32_0 = arith.constant 0 : i32
    return %arg0, %c0_i32 : i32, i32
  }
  func.func @transform_5(%arg0: i32) -> (i32, i32) {
    %c0_i32 = arith.constant 0 : i32
    %c0_i32_0 = arith.constant 0 : i32
    return %arg0, %c0_i32 : i32, i32
  }
  func.func @transform_6(%arg0: i32) -> (i32, i32) {
    %c0_i32 = arith.constant 0 : i32
    %c0_i32_0 = arith.constant 0 : i32
    return %arg0, %c0_i32 : i32, i32
  }
  func.func @transform_7(%arg0: i32) -> (i32, i32) {
    %c0_i32 = arith.constant 0 : i32
    %c0_i32_0 = arith.constant 0 : i32
    return %arg0, %c0_i32 : i32, i32
  }
  func.func @transform_8(%arg0: i32) -> (i32, i32) {
    %c0_i32 = arith.constant 0 : i32
    %c0_i32_0 = arith.constant 0 : i32
    return %arg0, %c0_i32 : i32, i32
  }
}

module attributes {stable_mosaic.version = 14 : i64} {
  func.func @_combine_body(%arg0: i32, %arg1: memref<2x512x32xf32, #tpu.memory_space<vmem>>, %arg2: memref<2x512x32xf32, #tpu.memory_space<vmem>>, %arg3: memref<2x512x32xf32, #tpu.memory_space<vmem>>, %arg4: memref<2x512x16xf32, #tpu.memory_space<vmem>>, %arg5: memref<1x96xf32, #tpu.memory_space<vmem>>, %arg6: memref<512x96xf32, #tpu.memory_space<vmem>>, %arg7: memref<2x96xf32, #tpu.memory_space<vmem>>) attributes {dimension_semantics = [#tpu.dimension_semantics<arbitrary>], iteration_bounds = array<i64: 98>, scalar_prefetch = 0 : i64, scratch_operands = 0 : i64, tpu.core_type = #tpu.core_type<tc>, window_params = [{transform_indices = @transform_0, window_bounds = array<i64: 2, 512, 32>}, {transform_indices = @transform_1, window_bounds = array<i64: 2, 512, 32>}, {transform_indices = @transform_2, window_bounds = array<i64: 2, 512, 32>}, {transform_indices = @transform_3, window_bounds = array<i64: 2, 512, 16>}, {pipeline_mode = #tpu.pipeline_mode<synchronous>, transform_indices = @transform_4, window_bounds = array<i64: 1, 96>}, {transform_indices = @transform_5, window_bounds = array<i64: 512, 96>}, {pipeline_mode = #tpu.pipeline_mode<synchronous>, transform_indices = @transform_6, window_bounds = array<i64: 2, 96>}]} {
    %get3A = arith.constant 0 : index
    %get3A_0 = arith.constant 0 : index
    %get3A_1 = arith.constant 0 : index
    %get3A_2 = vector.load %arg1[%get3A, %get3A_0, %get3A_1] : memref<2x512x32xf32, #tpu.memory_space<vmem>>, vector<1x512x32xf32>
    %get3A_3 = vector.shape_cast %get3A_2 : vector<1x512x32xf32> to vector<512x32xf32>
    %get3A_4 = arith.constant 1 : index
    %get3A_5 = arith.constant 0 : index
    %get3A_6 = arith.constant 0 : index
    %get3A_7 = vector.load %arg1[%get3A_4, %get3A_5, %get3A_6] : memref<2x512x32xf32, #tpu.memory_space<vmem>>, vector<1x512x32xf32>
    %get3A_8 = vector.shape_cast %get3A_7 : vector<1x512x32xf32> to vector<512x32xf32>
    %add3A = arith.addf %get3A_3, %get3A_8 : vector<512x32xf32>
    %get3A_9 = arith.constant 0 : index
    %get3A_10 = arith.constant 0 : index
    %get3A_11 = arith.constant 0 : index
    %get3A_12 = vector.load %arg2[%get3A_9, %get3A_10, %get3A_11] : memref<2x512x32xf32, #tpu.memory_space<vmem>>, vector<1x512x32xf32>
    %get3A_13 = vector.shape_cast %get3A_12 : vector<1x512x32xf32> to vector<512x32xf32>
    %get3A_14 = arith.constant 1 : index
    %get3A_15 = arith.constant 0 : index
    %get3A_16 = arith.constant 0 : index
    %get3A_17 = vector.load %arg2[%get3A_14, %get3A_15, %get3A_16] : memref<2x512x32xf32, #tpu.memory_space<vmem>>, vector<1x512x32xf32>
    %get3A_18 = vector.shape_cast %get3A_17 : vector<1x512x32xf32> to vector<512x32xf32>
    %add3A_19 = arith.addf %get3A_13, %get3A_18 : vector<512x32xf32>
    %get3A_20 = arith.constant 0 : index
    %get3A_21 = arith.constant 0 : index
    %get3A_22 = arith.constant 0 : index
    %get3A_23 = vector.load %arg3[%get3A_20, %get3A_21, %get3A_22] : memref<2x512x32xf32, #tpu.memory_space<vmem>>, vector<1x512x32xf32>
    %get3A_24 = vector.shape_cast %get3A_23 : vector<1x512x32xf32> to vector<512x32xf32>
    %get3A_25 = arith.constant 1 : index
    %get3A_26 = arith.constant 0 : index
    %get3A_27 = arith.constant 0 : index
    %get3A_28 = vector.load %arg3[%get3A_25, %get3A_26, %get3A_27] : memref<2x512x32xf32, #tpu.memory_space<vmem>>, vector<1x512x32xf32>
    %get3A_29 = vector.shape_cast %get3A_28 : vector<1x512x32xf32> to vector<512x32xf32>
    %add3A_30 = arith.addf %get3A_24, %get3A_29 : vector<512x32xf32>
    %concatenate3A = tpu.concatenate %add3A, %add3A_19, %add3A_30 in 1 : vector<512x32xf32>, vector<512x32xf32>, vector<512x32xf32> -> vector<512x96xf32>
    %get3A_31 = arith.constant 0 : index
    %get3A_32 = arith.constant 0 : index
    %get3A_33 = arith.constant 0 : index
    %get3A_34 = vector.load %arg4[%get3A_31, %get3A_32, %get3A_33] : memref<2x512x16xf32, #tpu.memory_space<vmem>>, vector<1x512x16xf32>
    %get3A_35 = vector.shape_cast %get3A_34 : vector<1x512x16xf32> to vector<512x16xf32>
    %get3A_36 = arith.constant 1 : index
    %get3A_37 = arith.constant 0 : index
    %get3A_38 = arith.constant 0 : index
    %get3A_39 = vector.load %arg4[%get3A_36, %get3A_37, %get3A_38] : memref<2x512x16xf32, #tpu.memory_space<vmem>>, vector<1x512x16xf32>
    %get3A_40 = vector.shape_cast %get3A_39 : vector<1x512x16xf32> to vector<512x16xf32>
    %add3A_41 = arith.addf %get3A_35, %get3A_40 : vector<512x16xf32>
    %eq3A = arith.constant 0.000000e+00 : f32
    %eq3A_42 = vector.broadcast %eq3A : f32 to vector<512x16xf32>
    %eq3A_43 = arith.cmpf oeq, %add3A_41, %eq3A_42 : vector<512x16xf32>
    %jit3A = arith.constant 1.000000e+00 : f32
    %broadcast_in_dim3A = vector.broadcast %jit3A : f32 to vector<512x16xf32>
    %select_n3A = arith.select %eq3A_43, %broadcast_in_dim3A, %add3A_41 : vector<512x16xi1>, vector<512x16xf32>
    %iota3A = tpu.iota {dimensions = array<i32: 0>} : vector<16x96xi32>
    %iota3A_44 = tpu.iota {dimensions = array<i32: 1>} : vector<16x96xi32>
    %jit3A_45 = arith.constant 16 : i32
    %div3A = vector.broadcast %jit3A_45 : i32 to vector<16x96xi32>
    %div3A_46 = arith.divsi %iota3A_44, %div3A : vector<16x96xi32>
    %sign3A = arith.constant 0 : i32
    %sign3A_47 = vector.broadcast %sign3A : i32 to vector<16x96xi32>
    %sign3A_48 = arith.cmpi sgt, %iota3A_44, %sign3A_47 : vector<16x96xi32>
    %sign3A_49 = arith.extui %sign3A_48 : vector<16x96xi1> to vector<16x96xi32>
    %sign3A_50 = arith.constant 0 : i32
    %sign3A_51 = vector.broadcast %sign3A_50 : i32 to vector<16x96xi32>
    %sign3A_52 = arith.cmpi slt, %iota3A_44, %sign3A_51 : vector<16x96xi32>
    %sign3A_53 = arith.extui %sign3A_52 : vector<16x96xi1> to vector<16x96xi32>
    %sign3A_54 = arith.subi %sign3A_49, %sign3A_53 : vector<16x96xi32>
    %sign3A_55 = arith.constant 0 : i32
    %sign3A_56 = arith.cmpi sgt, %jit3A_45, %sign3A_55 : i32
    %sign3A_57 = arith.extui %sign3A_56 : i1 to i32
    %sign3A_58 = arith.constant 0 : i32
    %sign3A_59 = arith.cmpi slt, %jit3A_45, %sign3A_58 : i32
    %sign3A_60 = arith.extui %sign3A_59 : i1 to i32
    %sign3A_61 = arith.subi %sign3A_57, %sign3A_60 : i32
    %ne3A = vector.broadcast %sign3A_61 : i32 to vector<16x96xi32>
    %ne3A_62 = arith.cmpi ne, %sign3A_54, %ne3A : vector<16x96xi32>
    %rem3A = vector.broadcast %jit3A_45 : i32 to vector<16x96xi32>
    %rem3A_63 = arith.remsi %iota3A_44, %rem3A : vector<16x96xi32>
    %ne3A_64 = arith.constant 0 : i32
    %ne3A_65 = vector.broadcast %ne3A_64 : i32 to vector<16x96xi32>
    %ne3A_66 = arith.cmpi ne, %rem3A_63, %ne3A_65 : vector<16x96xi32>
    %and3A = arith.andi %ne3A_62, %ne3A_66 : vector<16x96xi1>
    %sub3A = arith.constant 1 : i32
    %sub3A_67 = vector.broadcast %sub3A : i32 to vector<16x96xi32>
    %sub3A_68 = arith.subi %div3A_46, %sub3A_67 : vector<16x96xi32>
    %select_n3A_69 = arith.select %and3A, %sub3A_68, %div3A_46 : vector<16x96xi1>, vector<16x96xi32>
    %eq3A_70 = arith.cmpi eq, %iota3A, %select_n3A_69 : vector<16x96xi32>
    %convert_element_type3A = arith.extui %eq3A_70 : vector<16x96xi1> to vector<16x96xi32>
    %convert_element_type3A_71 = arith.sitofp %convert_element_type3A : vector<16x96xi32> to vector<16x96xf32>
    %dot_general3A = arith.constant dense<0.000000e+00> : vector<512x96xf32>
    %dot_general3A_72 = tpu.matmul %select_n3A, %convert_element_type3A_71, %dot_general3A {dimension_numbers = #tpu.dot_dimension_numbers<[1], [0], [0], [1], [0, 0, 1, 1], [], []>, precision = #tpu.contract_precision<fp32>, transpose_lhs_hint = false} : vector<512x16xf32>, vector<16x96xf32>, vector<512x96xf32> -> vector<512x96xf32>
    %div3A_73 = arith.divf %concatenate3A, %dot_general3A_72 : vector<512x96xf32>
    %get3A_74 = arith.constant 0 : index
    %get3A_75 = arith.constant 0 : index
    %get3A_76 = vector.load %arg5[%get3A_74, %get3A_75] : memref<1x96xf32, #tpu.memory_space<vmem>>, vector<1x96xf32>
    %add3A_77 = vector.broadcast %get3A_76 : vector<1x96xf32> to vector<512x96xf32>
    %add3A_78 = arith.addf %div3A_73, %add3A_77 : vector<512x96xf32>
    %gt3A = arith.constant 0.000000e+00 : f32
    %gt3A_79 = vector.broadcast %gt3A : f32 to vector<512x96xf32>
    %gt3A_80 = arith.cmpf ogt, %add3A_78, %gt3A_79 : vector<512x96xf32>
    %exp3A = math.exp %add3A_78 : vector<512x96xf32>
    %sub3A_81 = arith.constant 1.000000e+00 : f32
    %sub3A_82 = vector.broadcast %sub3A_81 : f32 to vector<512x96xf32>
    %sub3A_83 = arith.subf %exp3A, %sub3A_82 : vector<512x96xf32>
    %select_n3A_84 = arith.select %gt3A_80, %add3A_78, %sub3A_83 : vector<512x96xi1>, vector<512x96xf32>
    %mul3A = arith.constant 512 : i32
    %mul3A_85 = arith.muli %mul3A, %arg0 : i32
    %iota3A_86 = tpu.iota {dimensions = array<i32: 0>} : vector<512x1xi32>
    %add3A_87 = vector.broadcast %mul3A_85 : i32 to vector<512x1xi32>
    %add3A_88 = arith.addi %add3A_87, %iota3A_86 : vector<512x1xi32>
    %lt3A = arith.constant 50008 : i32
    %lt3A_89 = vector.broadcast %lt3A : i32 to vector<512x1xi32>
    %lt3A_90 = arith.cmpi slt, %add3A_88, %lt3A_89 : vector<512x1xi32>
    %jit3A_91 = arith.constant 0.000000e+00 : f32
    %broadcast_in_dim3A_92 = vector.shape_cast %lt3A_90 : vector<512x1xi1> to vector<512x1xi1>
    %broadcast_in_dim3A_93 = vector.broadcast %broadcast_in_dim3A_92 : vector<512x1xi1> to vector<512x96xi1>
    %broadcast_in_dim3A_94 = vector.broadcast %jit3A_91 : f32 to vector<512x96xf32>
    %select_n3A_95 = arith.select %broadcast_in_dim3A_93, %select_n3A_84, %broadcast_in_dim3A_94 : vector<512x96xi1>, vector<512x96xf32>
    %swap3A = arith.constant 0 : index
    %swap3A_96 = arith.constant 0 : index
    %swap3A_97 = vector.load %arg6[%swap3A, %swap3A_96] : memref<512x96xf32, #tpu.memory_space<vmem>>, vector<512x96xf32>
    tpu.vector_store %arg6[%swap3A, %swap3A_96], %select_n3A_95 {strides = array<i32>} : memref<512x96xf32, #tpu.memory_space<vmem>>, vector<512x96xf32>,
    %eq3A_98 = arith.constant 0 : i32
    %eq3A_99 = arith.cmpi eq, %arg0, %eq3A_98 : i32
    %convert_element_type3A_100 = arith.extui %eq3A_99 : i1 to i32
    %cond3A = arith.constant 0 : i32
    %cond3A_101 = arith.cmpi ne, %convert_element_type3A_100, %cond3A : i32
    scf.if %cond3A_101 {
      %broadcast_in_dim3A_122 = arith.constant 0.000000e+00 : f32
      %broadcast_in_dim3A_123 = vector.broadcast %broadcast_in_dim3A_122 : f32 to vector<2x96xf32>
      %swap3A_124 = arith.constant 0 : index
      %swap3A_125 = arith.constant 0 : index
      %swap3A_126 = vector.load %arg7[%swap3A_124, %swap3A_125] : memref<2x96xf32, #tpu.memory_space<vmem>>, vector<2x96xf32>
      tpu.vector_store %arg7[%swap3A_124, %swap3A_125], %broadcast_in_dim3A_123 {strides = array<i32>} : memref<2x96xf32, #tpu.memory_space<vmem>>, vector<2x96xf32>,
    } else {
    }
    %get3A_102 = arith.constant 0 : index
    %get3A_103 = arith.constant 0 : index
    %get3A_104 = vector.load %arg7[%get3A_102, %get3A_103] : memref<2x96xf32, #tpu.memory_space<vmem>>, vector<1x96xf32>
    %reduce_sum3A = arith.constant dense<0.000000e+00> : vector<96xf32>
    %reduce_sum3A_105 = vector.multi_reduction <add>, %select_n3A_95, %reduce_sum3A [0] : vector<512x96xf32> to vector<96xf32>
    %broadcast_in_dim3A_106 = vector.shape_cast %reduce_sum3A_105 : vector<96xf32> to vector<1x96xf32>
    %add3A_107 = arith.addf %get3A_104, %broadcast_in_dim3A_106 : vector<1x96xf32>
    %swap3A_108 = arith.constant 0 : index
    %swap3A_109 = arith.constant 0 : index
    %swap3A_110 = vector.load %arg7[%swap3A_108, %swap3A_109] : memref<2x96xf32, #tpu.memory_space<vmem>>, vector<1x96xf32>
    tpu.vector_store %arg7[%swap3A_108, %swap3A_109], %add3A_107 {strides = array<i32>} : memref<2x96xf32, #tpu.memory_space<vmem>>, vector<1x96xf32>,
    %get3A_111 = arith.constant 1 : index
    %get3A_112 = arith.constant 0 : index
    %get3A_113 = vector.load %arg7[%get3A_111, %get3A_112] : memref<2x96xf32, #tpu.memory_space<vmem>>, vector<1x96xf32>
    %mul3A_114 = arith.mulf %select_n3A_95, %select_n3A_95 : vector<512x96xf32>
    %reduce_sum3A_115 = arith.constant dense<0.000000e+00> : vector<96xf32>
    %reduce_sum3A_116 = vector.multi_reduction <add>, %mul3A_114, %reduce_sum3A_115 [0] : vector<512x96xf32> to vector<96xf32>
    %broadcast_in_dim3A_117 = vector.shape_cast %reduce_sum3A_116 : vector<96xf32> to vector<1x96xf32>
    %add3A_118 = arith.addf %get3A_113, %broadcast_in_dim3A_117 : vector<1x96xf32>
    %swap3A_119 = arith.constant 1 : index
    %swap3A_120 = arith.constant 0 : index
    %swap3A_121 = vector.load %arg7[%swap3A_119, %swap3A_120] : memref<2x96xf32, #tpu.memory_space<vmem>>, vector<1x96xf32>
    tpu.vector_store %arg7[%swap3A_119, %swap3A_120], %add3A_118 {strides = array<i32>} : memref<2x96xf32, #tpu.memory_space<vmem>>, vector<1x96xf32>,
    return
  }
  func.func @transform_0(%arg0: i32) -> (i32, i32, i32) {
    %c0_i32 = arith.constant 0 : i32
    %c0_i32_0 = arith.constant 0 : i32
    %c0_i32_1 = arith.constant 0 : i32
    return %c0_i32, %arg0, %c0_i32_0 : i32, i32, i32
  }
  func.func @transform_1(%arg0: i32) -> (i32, i32, i32) {
    %c0_i32 = arith.constant 0 : i32
    %c0_i32_0 = arith.constant 0 : i32
    %c0_i32_1 = arith.constant 0 : i32
    return %c0_i32, %arg0, %c0_i32_0 : i32, i32, i32
  }
  func.func @transform_2(%arg0: i32) -> (i32, i32, i32) {
    %c0_i32 = arith.constant 0 : i32
    %c0_i32_0 = arith.constant 0 : i32
    %c0_i32_1 = arith.constant 0 : i32
    return %c0_i32, %arg0, %c0_i32_0 : i32, i32, i32
  }
  func.func @transform_3(%arg0: i32) -> (i32, i32, i32) {
    %c0_i32 = arith.constant 0 : i32
    %c0_i32_0 = arith.constant 0 : i32
    %c0_i32_1 = arith.constant 0 : i32
    return %c0_i32, %arg0, %c0_i32_0 : i32, i32, i32
  }
  func.func @transform_4(%arg0: i32) -> (i32, i32) {
    %c0_i32 = arith.constant 0 : i32
    %c0_i32_0 = arith.constant 0 : i32
    %c0_i32_1 = arith.constant 0 : i32
    return %c0_i32, %c0_i32_0 : i32, i32
  }
  func.func @transform_5(%arg0: i32) -> (i32, i32) {
    %c0_i32 = arith.constant 0 : i32
    %c0_i32_0 = arith.constant 0 : i32
    return %arg0, %c0_i32 : i32, i32
  }
  func.func @transform_6(%arg0: i32) -> (i32, i32) {
    %c0_i32 = arith.constant 0 : i32
    %c0_i32_0 = arith.constant 0 : i32
    %c0_i32_1 = arith.constant 0 : i32
    return %c0_i32, %c0_i32_0 : i32, i32
  }
}

module attributes {stable_mosaic.version = 14 : i64} {
  func.func @_norm_prep_body(%arg0: i32, %arg1: memref<512x96xf32, #tpu.memory_space<vmem>>, %arg2: memref<2x96xf32, #tpu.memory_space<vmem>>, %arg3: memref<1x96xf32, #tpu.memory_space<vmem>>, %arg4: memref<1x96xf32, #tpu.memory_space<vmem>>, %arg5: memref<1x96xf32, #tpu.memory_space<vmem>>, %arg6: memref<96x96xf32, #tpu.memory_space<vmem>>, %arg7: memref<96x1xf32, #tpu.memory_space<vmem>>, %arg8: memref<96x1xf32, #tpu.memory_space<vmem>>, %arg9: memref<512x32xf32, #tpu.memory_space<vmem>>, %arg10: memref<512x32xf32, #tpu.memory_space<vmem>>, %arg11: memref<512x32xf32, #tpu.memory_space<vmem>>, %arg12: memref<512x16xf32, #tpu.memory_space<vmem>>, %arg13: memref<512x16xf32, #tpu.memory_space<vmem>>) attributes {dimension_semantics = [#tpu.dimension_semantics<arbitrary>], iteration_bounds = array<i64: 98>, scalar_prefetch = 0 : i64, scratch_operands = 0 : i64, tpu.core_type = #tpu.core_type<tc>, window_params = [{transform_indices = @transform_0, window_bounds = array<i64: 512, 96>}, {pipeline_mode = #tpu.pipeline_mode<synchronous>, transform_indices = @transform_1, window_bounds = array<i64: 2, 96>}, {pipeline_mode = #tpu.pipeline_mode<synchronous>, transform_indices = @transform_2, window_bounds = array<i64: 1, 96>}, {pipeline_mode = #tpu.pipeline_mode<synchronous>, transform_indices = @transform_3, window_bounds = array<i64: 1, 96>}, {pipeline_mode = #tpu.pipeline_mode<synchronous>, transform_indices = @transform_4, window_bounds = array<i64: 1, 96>}, {pipeline_mode = #tpu.pipeline_mode<synchronous>, transform_indices = @transform_5, window_bounds = array<i64: 96, 96>}, {pipeline_mode = #tpu.pipeline_mode<synchronous>, transform_indices = @transform_6, window_bounds = array<i64: 96, 1>}, {pipeline_mode = #tpu.pipeline_mode<synchronous>, transform_indices = @transform_7, window_bounds = array<i64: 96, 1>}, {transform_indices = @transform_8, window_bounds = array<i64: 512, 32>}, {transform_indices = @transform_9, window_bounds = array<i64: 512, 32>}, {transform_indices = @transform_10, window_bounds = array<i64: 512, 32>}, {transform_indices = @transform_11, window_bounds = array<i64: 512, 16>}, {transform_indices = @transform_12, window_bounds = array<i64: 512, 16>}]} {
    %get3A = arith.constant 0 : index
    %get3A_0 = arith.constant 0 : index
    %get3A_1 = vector.load %arg2[%get3A, %get3A_0] : memref<2x96xf32, #tpu.memory_space<vmem>>, vector<1x96xf32>
    %div3A = arith.constant 5.000800e+04 : f32
    %div3A_2 = vector.broadcast %div3A : f32 to vector<1x96xf32>
    %div3A_3 = arith.divf %get3A_1, %div3A_2 : vector<1x96xf32>
    %get3A_4 = arith.constant 1 : index
    %get3A_5 = arith.constant 0 : index
    %get3A_6 = vector.load %arg2[%get3A_4, %get3A_5] : memref<2x96xf32, #tpu.memory_space<vmem>>, vector<1x96xf32>
    %div3A_7 = arith.constant 5.000800e+04 : f32
    %div3A_8 = vector.broadcast %div3A_7 : f32 to vector<1x96xf32>
    %div3A_9 = arith.divf %get3A_6, %div3A_8 : vector<1x96xf32>
    %get3A_10 = arith.constant 0 : index
    %get3A_11 = arith.constant 0 : index
    %get3A_12 = vector.load %arg5[%get3A_10, %get3A_11] : memref<1x96xf32, #tpu.memory_space<vmem>>, vector<1x96xf32>
    %mul3A = arith.constant 2.000000e+00 : f32
    %mul3A_13 = vector.broadcast %mul3A : f32 to vector<1x96xf32>
    %mul3A_14 = arith.mulf %mul3A_13, %get3A_12 : vector<1x96xf32>
    %mul3A_15 = arith.mulf %get3A_12, %get3A_12 : vector<1x96xf32>
    %sub3A = arith.subf %mul3A_14, %mul3A_15 : vector<1x96xf32>
    %mul3A_16 = arith.mulf %sub3A, %div3A_3 : vector<1x96xf32>
    %mul3A_17 = arith.mulf %mul3A_16, %div3A_3 : vector<1x96xf32>
    %sub3A_18 = arith.subf %div3A_9, %mul3A_17 : vector<1x96xf32>
    %add3A = arith.constant 9.99999974E-6 : f32
    %add3A_19 = vector.broadcast %add3A : f32 to vector<1x96xf32>
    %add3A_20 = arith.addf %sub3A_18, %add3A_19 : vector<1x96xf32>
    %rsqrt3A = math.rsqrt %add3A_20 : vector<1x96xf32>
    %get3A_21 = arith.constant 0 : index
    %get3A_22 = arith.constant 0 : index
    %get3A_23 = vector.load %arg3[%get3A_21, %get3A_22] : memref<1x96xf32, #tpu.memory_space<vmem>>, vector<1x96xf32>
    %mul3A_24 = arith.mulf %get3A_23, %rsqrt3A : vector<1x96xf32>
    %get3A_25 = arith.constant 0 : index
    %get3A_26 = arith.constant 0 : index
    %get3A_27 = vector.load %arg4[%get3A_25, %get3A_26] : memref<1x96xf32, #tpu.memory_space<vmem>>, vector<1x96xf32>
    %get3A_28 = arith.constant 0 : index
    %get3A_29 = arith.constant 0 : index
    %get3A_30 = vector.load %arg3[%get3A_28, %get3A_29] : memref<1x96xf32, #tpu.memory_space<vmem>>, vector<1x96xf32>
    %mul3A_31 = arith.mulf %get3A_30, %get3A_12 : vector<1x96xf32>
    %mul3A_32 = arith.mulf %mul3A_31, %div3A_3 : vector<1x96xf32>
    %mul3A_33 = arith.mulf %mul3A_32, %rsqrt3A : vector<1x96xf32>
    %sub3A_34 = arith.subf %get3A_27, %mul3A_33 : vector<1x96xf32>
    %get3A_35 = arith.constant 0 : index
    %get3A_36 = arith.constant 0 : index
    %get3A_37 = vector.load %arg1[%get3A_35, %get3A_36] : memref<512x96xf32, #tpu.memory_space<vmem>>, vector<512x96xf32>
    %mul3A_38 = vector.broadcast %mul3A_24 : vector<1x96xf32> to vector<512x96xf32>
    %mul3A_39 = arith.mulf %mul3A_38, %get3A_37 : vector<512x96xf32>
    %add3A_40 = vector.broadcast %sub3A_34 : vector<1x96xf32> to vector<512x96xf32>
    %add3A_41 = arith.addf %mul3A_39, %add3A_40 : vector<512x96xf32>
    %get3A_42 = arith.constant 0 : index
    %get3A_43 = arith.constant 0 : index
    %get3A_44 = vector.load %arg6[%get3A_42, %get3A_43] : memref<96x96xf32, #tpu.memory_space<vmem>>, vector<96x96xf32>
    %dot_general3A = arith.constant dense<0.000000e+00> : vector<512x96xf32>
    %dot_general3A_45 = tpu.matmul %add3A_41, %get3A_44, %dot_general3A {dimension_numbers = #tpu.dot_dimension_numbers<[1], [0], [0], [1], [0, 0, 1, 1], [], []>, precision = #tpu.contract_precision<fp32>, transpose_lhs_hint = false} : vector<512x96xf32>, vector<96x96xf32>, vector<512x96xf32> -> vector<512x96xf32>
    %iota3A = tpu.iota {dimensions = array<i32: 0>} : vector<96x16xi32>
    %jit3A = arith.constant 16 : i32
    %div3A_46 = vector.broadcast %jit3A : i32 to vector<96x16xi32>
    %div3A_47 = arith.divsi %iota3A, %div3A_46 : vector<96x16xi32>
    %sign3A = arith.constant 0 : i32
    %sign3A_48 = vector.broadcast %sign3A : i32 to vector<96x16xi32>
    %sign3A_49 = arith.cmpi sgt, %iota3A, %sign3A_48 : vector<96x16xi32>
    %sign3A_50 = arith.extui %sign3A_49 : vector<96x16xi1> to vector<96x16xi32>
    %sign3A_51 = arith.constant 0 : i32
    %sign3A_52 = vector.broadcast %sign3A_51 : i32 to vector<96x16xi32>
    %sign3A_53 = arith.cmpi slt, %iota3A, %sign3A_52 : vector<96x16xi32>
    %sign3A_54 = arith.extui %sign3A_53 : vector<96x16xi1> to vector<96x16xi32>
    %sign3A_55 = arith.subi %sign3A_50, %sign3A_54 : vector<96x16xi32>
    %sign3A_56 = arith.constant 0 : i32
    %sign3A_57 = arith.cmpi sgt, %jit3A, %sign3A_56 : i32
    %sign3A_58 = arith.extui %sign3A_57 : i1 to i32
    %sign3A_59 = arith.constant 0 : i32
    %sign3A_60 = arith.cmpi slt, %jit3A, %sign3A_59 : i32
    %sign3A_61 = arith.extui %sign3A_60 : i1 to i32
    %sign3A_62 = arith.subi %sign3A_58, %sign3A_61 : i32
    %ne3A = vector.broadcast %sign3A_62 : i32 to vector<96x16xi32>
    %ne3A_63 = arith.cmpi ne, %sign3A_55, %ne3A : vector<96x16xi32>
    %rem3A = vector.broadcast %jit3A : i32 to vector<96x16xi32>
    %rem3A_64 = arith.remsi %iota3A, %rem3A : vector<96x16xi32>
    %ne3A_65 = arith.constant 0 : i32
    %ne3A_66 = vector.broadcast %ne3A_65 : i32 to vector<96x16xi32>
    %ne3A_67 = arith.cmpi ne, %rem3A_64, %ne3A_66 : vector<96x16xi32>
    %and3A = arith.andi %ne3A_63, %ne3A_67 : vector<96x16xi1>
    %sub3A_68 = arith.constant 1 : i32
    %sub3A_69 = vector.broadcast %sub3A_68 : i32 to vector<96x16xi32>
    %sub3A_70 = arith.subi %div3A_47, %sub3A_69 : vector<96x16xi32>
    %select_n3A = arith.select %and3A, %sub3A_70, %div3A_47 : vector<96x16xi1>, vector<96x16xi32>
    %iota3A_71 = tpu.iota {dimensions = array<i32: 1>} : vector<96x16xi32>
    %eq3A = arith.cmpi eq, %select_n3A, %iota3A_71 : vector<96x16xi32>
    %convert_element_type3A = arith.extui %eq3A : vector<96x16xi1> to vector<96x16xi32>
    %convert_element_type3A_72 = arith.sitofp %convert_element_type3A : vector<96x16xi32> to vector<96x16xf32>
    %get3A_73 = arith.constant 0 : index
    %get3A_74 = arith.constant 0 : index
    %get3A_75 = vector.load %arg7[%get3A_73, %get3A_74] : memref<96x1xf32, #tpu.memory_space<vmem>>, vector<96x1xf32>
    %mul3A_76 = vector.broadcast %get3A_75 : vector<96x1xf32> to vector<96x16xf32>
    %mul3A_77 = arith.mulf %convert_element_type3A_72, %mul3A_76 : vector<96x16xf32>
    %dot_general3A_78 = arith.constant dense<0.000000e+00> : vector<512x16xf32>
    %dot_general3A_79 = tpu.matmul %dot_general3A_45, %mul3A_77, %dot_general3A_78 {dimension_numbers = #tpu.dot_dimension_numbers<[1], [0], [0], [1], [0, 0, 1, 1], [], []>, precision = #tpu.contract_precision<fp32>, transpose_lhs_hint = false} : vector<512x96xf32>, vector<96x16xf32>, vector<512x16xf32> -> vector<512x16xf32>
    %swap3A = arith.constant 0 : index
    %swap3A_80 = arith.constant 0 : index
    %swap3A_81 = vector.load %arg12[%swap3A, %swap3A_80] : memref<512x16xf32, #tpu.memory_space<vmem>>, vector<512x16xf32>
    tpu.vector_store %arg12[%swap3A, %swap3A_80], %dot_general3A_79 {strides = array<i32>} : memref<512x16xf32, #tpu.memory_space<vmem>>, vector<512x16xf32>,
    %get3A_82 = arith.constant 0 : index
    %get3A_83 = arith.constant 0 : index
    %get3A_84 = vector.load %arg8[%get3A_82, %get3A_83] : memref<96x1xf32, #tpu.memory_space<vmem>>, vector<96x1xf32>
    %mul3A_85 = vector.broadcast %get3A_84 : vector<96x1xf32> to vector<96x16xf32>
    %mul3A_86 = arith.mulf %convert_element_type3A_72, %mul3A_85 : vector<96x16xf32>
    %dot_general3A_87 = arith.constant dense<0.000000e+00> : vector<512x16xf32>
    %dot_general3A_88 = tpu.matmul %dot_general3A_45, %mul3A_86, %dot_general3A_87 {dimension_numbers = #tpu.dot_dimension_numbers<[1], [0], [0], [1], [0, 0, 1, 1], [], []>, precision = #tpu.contract_precision<fp32>, transpose_lhs_hint = false} : vector<512x96xf32>, vector<96x16xf32>, vector<512x16xf32> -> vector<512x16xf32>
    %swap3A_89 = arith.constant 0 : index
    %swap3A_90 = arith.constant 0 : index
    %swap3A_91 = vector.load %arg13[%swap3A_89, %swap3A_90] : memref<512x16xf32, #tpu.memory_space<vmem>>, vector<512x16xf32>
    tpu.vector_store %arg13[%swap3A_89, %swap3A_90], %dot_general3A_88 {strides = array<i32>} : memref<512x16xf32, #tpu.memory_space<vmem>>, vector<512x16xf32>,
    %slice3A = vector.extract_strided_slice %dot_general3A_45 {offsets = [0, 0], sizes = [512, 32], strides = [1, 1]} : vector<512x96xf32> to vector<512x32xf32>
    %swap3A_92 = arith.constant 0 : index
    %swap3A_93 = arith.constant 0 : index
    %swap3A_94 = vector.load %arg9[%swap3A_92, %swap3A_93] : memref<512x32xf32, #tpu.memory_space<vmem>>, vector<512x32xf32>
    tpu.vector_store %arg9[%swap3A_92, %swap3A_93], %slice3A {strides = array<i32>} : memref<512x32xf32, #tpu.memory_space<vmem>>, vector<512x32xf32>,
    %slice3A_95 = vector.extract_strided_slice %dot_general3A_45 {offsets = [0, 32], sizes = [512, 32], strides = [1, 1]} : vector<512x96xf32> to vector<512x32xf32>
    %swap3A_96 = arith.constant 0 : index
    %swap3A_97 = arith.constant 0 : index
    %swap3A_98 = vector.load %arg10[%swap3A_96, %swap3A_97] : memref<512x32xf32, #tpu.memory_space<vmem>>, vector<512x32xf32>
    tpu.vector_store %arg10[%swap3A_96, %swap3A_97], %slice3A_95 {strides = array<i32>} : memref<512x32xf32, #tpu.memory_space<vmem>>, vector<512x32xf32>,
    %slice3A_99 = vector.extract_strided_slice %dot_general3A_45 {offsets = [0, 64], sizes = [512, 32], strides = [1, 1]} : vector<512x96xf32> to vector<512x32xf32>
    %swap3A_100 = arith.constant 0 : index
    %swap3A_101 = arith.constant 0 : index
    %swap3A_102 = vector.load %arg11[%swap3A_100, %swap3A_101] : memref<512x32xf32, #tpu.memory_space<vmem>>, vector<512x32xf32>
    tpu.vector_store %arg11[%swap3A_100, %swap3A_101], %slice3A_99 {strides = array<i32>} : memref<512x32xf32, #tpu.memory_space<vmem>>, vector<512x32xf32>,
    return
  }
  func.func @transform_0(%arg0: i32) -> (i32, i32) {
    %c0_i32 = arith.constant 0 : i32
    %c0_i32_0 = arith.constant 0 : i32
    return %arg0, %c0_i32 : i32, i32
  }
  func.func @transform_1(%arg0: i32) -> (i32, i32) {
    %c0_i32 = arith.constant 0 : i32
    %c0_i32_0 = arith.constant 0 : i32
    %c0_i32_1 = arith.constant 0 : i32
    return %c0_i32, %c0_i32_0 : i32, i32
  }
  func.func @transform_2(%arg0: i32) -> (i32, i32) {
    %c0_i32 = arith.constant 0 : i32
    %c0_i32_0 = arith.constant 0 : i32
    %c0_i32_1 = arith.constant 0 : i32
    return %c0_i32, %c0_i32_0 : i32, i32
  }
  func.func @transform_3(%arg0: i32) -> (i32, i32) {
    %c0_i32 = arith.constant 0 : i32
    %c0_i32_0 = arith.constant 0 : i32
    %c0_i32_1 = arith.constant 0 : i32
    return %c0_i32, %c0_i32_0 : i32, i32
  }
  func.func @transform_4(%arg0: i32) -> (i32, i32) {
    %c0_i32 = arith.constant 0 : i32
    %c0_i32_0 = arith.constant 0 : i32
    %c0_i32_1 = arith.constant 0 : i32
    return %c0_i32, %c0_i32_0 : i32, i32
  }
  func.func @transform_5(%arg0: i32) -> (i32, i32) {
    %c0_i32 = arith.constant 0 : i32
    %c0_i32_0 = arith.constant 0 : i32
    %c0_i32_1 = arith.constant 0 : i32
    return %c0_i32, %c0_i32_0 : i32, i32
  }
  func.func @transform_6(%arg0: i32) -> (i32, i32) {
    %c0_i32 = arith.constant 0 : i32
    %c0_i32_0 = arith.constant 0 : i32
    %c0_i32_1 = arith.constant 0 : i32
    return %c0_i32, %c0_i32_0 : i32, i32
  }
  func.func @transform_7(%arg0: i32) -> (i32, i32) {
    %c0_i32 = arith.constant 0 : i32
    %c0_i32_0 = arith.constant 0 : i32
    %c0_i32_1 = arith.constant 0 : i32
    return %c0_i32, %c0_i32_0 : i32, i32
  }
  func.func @transform_8(%arg0: i32) -> (i32, i32) {
    %c0_i32 = arith.constant 0 : i32
    %c0_i32_0 = arith.constant 0 : i32
    return %arg0, %c0_i32 : i32, i32
  }
  func.func @transform_9(%arg0: i32) -> (i32, i32) {
    %c0_i32 = arith.constant 0 : i32
    %c0_i32_0 = arith.constant 0 : i32
    return %arg0, %c0_i32 : i32, i32
  }
  func.func @transform_10(%arg0: i32) -> (i32, i32) {
    %c0_i32 = arith.constant 0 : i32
    %c0_i32_0 = arith.constant 0 : i32
    return %arg0, %c0_i32 : i32, i32
  }
  func.func @transform_11(%arg0: i32) -> (i32, i32) {
    %c0_i32 = arith.constant 0 : i32
    %c0_i32_0 = arith.constant 0 : i32
    return %arg0, %c0_i32 : i32, i32
  }
  func.func @transform_12(%arg0: i32) -> (i32, i32) {
    %c0_i32 = arith.constant 0 : i32
    %c0_i32_0 = arith.constant 0 : i32
    return %arg0, %c0_i32 : i32, i32
  }
}

module attributes {stable_mosaic.version = 14 : i64} {
  func.func @_final_norm_body(%arg0: i32, %arg1: memref<512x96xf32, #tpu.memory_space<vmem>>, %arg2: memref<2x96xf32, #tpu.memory_space<vmem>>, %arg3: memref<1x96xf32, #tpu.memory_space<vmem>>, %arg4: memref<1x96xf32, #tpu.memory_space<vmem>>, %arg5: memref<1x96xf32, #tpu.memory_space<vmem>>, %arg6: memref<512x96xf32, #tpu.memory_space<vmem>>) attributes {dimension_semantics = [#tpu.dimension_semantics<arbitrary>], iteration_bounds = array<i64: 98>, scalar_prefetch = 0 : i64, scratch_operands = 0 : i64, tpu.core_type = #tpu.core_type<tc>, window_params = [{transform_indices = @transform_0, window_bounds = array<i64: 512, 96>}, {pipeline_mode = #tpu.pipeline_mode<synchronous>, transform_indices = @transform_1, window_bounds = array<i64: 2, 96>}, {pipeline_mode = #tpu.pipeline_mode<synchronous>, transform_indices = @transform_2, window_bounds = array<i64: 1, 96>}, {pipeline_mode = #tpu.pipeline_mode<synchronous>, transform_indices = @transform_3, window_bounds = array<i64: 1, 96>}, {pipeline_mode = #tpu.pipeline_mode<synchronous>, transform_indices = @transform_4, window_bounds = array<i64: 1, 96>}, {transform_indices = @transform_5, window_bounds = array<i64: 512, 96>}]} {
    %get3A = arith.constant 0 : index
    %get3A_0 = arith.constant 0 : index
    %get3A_1 = vector.load %arg2[%get3A, %get3A_0] : memref<2x96xf32, #tpu.memory_space<vmem>>, vector<1x96xf32>
    %div3A = arith.constant 5.000800e+04 : f32
    %div3A_2 = vector.broadcast %div3A : f32 to vector<1x96xf32>
    %div3A_3 = arith.divf %get3A_1, %div3A_2 : vector<1x96xf32>
    %get3A_4 = arith.constant 1 : index
    %get3A_5 = arith.constant 0 : index
    %get3A_6 = vector.load %arg2[%get3A_4, %get3A_5] : memref<2x96xf32, #tpu.memory_space<vmem>>, vector<1x96xf32>
    %div3A_7 = arith.constant 5.000800e+04 : f32
    %div3A_8 = vector.broadcast %div3A_7 : f32 to vector<1x96xf32>
    %div3A_9 = arith.divf %get3A_6, %div3A_8 : vector<1x96xf32>
    %get3A_10 = arith.constant 0 : index
    %get3A_11 = arith.constant 0 : index
    %get3A_12 = vector.load %arg5[%get3A_10, %get3A_11] : memref<1x96xf32, #tpu.memory_space<vmem>>, vector<1x96xf32>
    %mul3A = arith.constant 2.000000e+00 : f32
    %mul3A_13 = vector.broadcast %mul3A : f32 to vector<1x96xf32>
    %mul3A_14 = arith.mulf %mul3A_13, %get3A_12 : vector<1x96xf32>
    %mul3A_15 = arith.mulf %get3A_12, %get3A_12 : vector<1x96xf32>
    %sub3A = arith.subf %mul3A_14, %mul3A_15 : vector<1x96xf32>
    %mul3A_16 = arith.mulf %sub3A, %div3A_3 : vector<1x96xf32>
    %mul3A_17 = arith.mulf %mul3A_16, %div3A_3 : vector<1x96xf32>
    %sub3A_18 = arith.subf %div3A_9, %mul3A_17 : vector<1x96xf32>
    %add3A = arith.constant 9.99999974E-6 : f32
    %add3A_19 = vector.broadcast %add3A : f32 to vector<1x96xf32>
    %add3A_20 = arith.addf %sub3A_18, %add3A_19 : vector<1x96xf32>
    %rsqrt3A = math.rsqrt %add3A_20 : vector<1x96xf32>
    %get3A_21 = arith.constant 0 : index
    %get3A_22 = arith.constant 0 : index
    %get3A_23 = vector.load %arg3[%get3A_21, %get3A_22] : memref<1x96xf32, #tpu.memory_space<vmem>>, vector<1x96xf32>
    %mul3A_24 = arith.mulf %get3A_23, %rsqrt3A : vector<1x96xf32>
    %get3A_25 = arith.constant 0 : index
    %get3A_26 = arith.constant 0 : index
    %get3A_27 = vector.load %arg1[%get3A_25, %get3A_26] : memref<512x96xf32, #tpu.memory_space<vmem>>, vector<512x96xf32>
    %mul3A_28 = vector.broadcast %mul3A_24 : vector<1x96xf32> to vector<512x96xf32>
    %mul3A_29 = arith.mulf %mul3A_28, %get3A_27 : vector<512x96xf32>
    %get3A_30 = arith.constant 0 : index
    %get3A_31 = arith.constant 0 : index
    %get3A_32 = vector.load %arg4[%get3A_30, %get3A_31] : memref<1x96xf32, #tpu.memory_space<vmem>>, vector<1x96xf32>
    %get3A_33 = arith.constant 0 : index
    %get3A_34 = arith.constant 0 : index
    %get3A_35 = vector.load %arg3[%get3A_33, %get3A_34] : memref<1x96xf32, #tpu.memory_space<vmem>>, vector<1x96xf32>
    %mul3A_36 = arith.mulf %get3A_35, %get3A_12 : vector<1x96xf32>
    %mul3A_37 = arith.mulf %mul3A_36, %div3A_3 : vector<1x96xf32>
    %mul3A_38 = arith.mulf %mul3A_37, %rsqrt3A : vector<1x96xf32>
    %sub3A_39 = arith.subf %get3A_32, %mul3A_38 : vector<1x96xf32>
    %add3A_40 = vector.broadcast %sub3A_39 : vector<1x96xf32> to vector<512x96xf32>
    %add3A_41 = arith.addf %mul3A_29, %add3A_40 : vector<512x96xf32>
    %swap3A = arith.constant 0 : index
    %swap3A_42 = arith.constant 0 : index
    %swap3A_43 = vector.load %arg6[%swap3A, %swap3A_42] : memref<512x96xf32, #tpu.memory_space<vmem>>, vector<512x96xf32>
    tpu.vector_store %arg6[%swap3A, %swap3A_42], %add3A_41 {strides = array<i32>} : memref<512x96xf32, #tpu.memory_space<vmem>>, vector<512x96xf32>,
    return
  }
  func.func @transform_0(%arg0: i32) -> (i32, i32) {
    %c0_i32 = arith.constant 0 : i32
    %c0_i32_0 = arith.constant 0 : i32
    return %arg0, %c0_i32 : i32, i32
  }
  func.func @transform_1(%arg0: i32) -> (i32, i32) {
    %c0_i32 = arith.constant 0 : i32
    %c0_i32_0 = arith.constant 0 : i32
    %c0_i32_1 = arith.constant 0 : i32
    return %c0_i32, %c0_i32_0 : i32, i32
  }
  func.func @transform_2(%arg0: i32) -> (i32, i32) {
    %c0_i32 = arith.constant 0 : i32
    %c0_i32_0 = arith.constant 0 : i32
    %c0_i32_1 = arith.constant 0 : i32
    return %c0_i32, %c0_i32_0 : i32, i32
  }
  func.func @transform_3(%arg0: i32) -> (i32, i32) {
    %c0_i32 = arith.constant 0 : i32
    %c0_i32_0 = arith.constant 0 : i32
    %c0_i32_1 = arith.constant 0 : i32
    return %c0_i32, %c0_i32_0 : i32, i32
  }
  func.func @transform_4(%arg0: i32) -> (i32, i32) {
    %c0_i32 = arith.constant 0 : i32
    %c0_i32_0 = arith.constant 0 : i32
    %c0_i32_1 = arith.constant 0 : i32
    return %c0_i32, %c0_i32_0 : i32, i32
  }
  func.func @transform_5(%arg0: i32) -> (i32, i32) {
    %c0_i32 = arith.constant 0 : i32
    %c0_i32_0 = arith.constant 0 : i32
    return %arg0, %c0_i32 : i32, i32
  }
}

</mosaic_0001>

<sc_bundles>
// kernel: kernel.15.cloned.1.call-start
scs
__scs_entry_jumppad:
0x0: {  	(pc) =	sbr.rel $0x88, $3  }
0x1: {  	(tag) =	ssettag $0x0;
	lr =	simm.s32 $0x1  }
0x2: {  	[smem:$0x3F91] =	sst lr;
	_ =	strace $0xD0000000  }
0x3: {  	_ = 	snop  }
0x4: {  	_ = 	snop  }
0x5: {  	_ = 	snop  }
0x6: {  	_ = 	snop  }
0x7: {  	_ = 	snop  }
__scs_overlays_trampoline_lowered:
0x8: {  	[smem:$0x3FA0] =	sst s0  }
0x9: {  	[smem:$0x3FA1] =	sst s1  }
0xa: {  	[smem:$0x3FA2] =	sst s2  }
0xb: {  	[smem:$0x3FA3] =	sst s3  }
0xc: {  	[smem:$0x3FA4] =	sst s4  }
0xd: {  	[smem:$0x3FA5] =	sst s5  }
0xe: {  	[smem:$0x3FA6] =	sst s6  }
0xf: {  	[smem:$0x3FA7] =	sst s7  }
0x10: {  	[smem:$0x3FA8] =	sst s8  }
0x11: {  	[smem:$0x3FA9] =	sst s9;
	s0 =	simm.s32 @!p0 $0x0  }
0x12: {  	s1 =	sld [smem:$0x3F8F];
	s0 =	simm.s32 @p0 $0x1  }
0x13: {  	[smem:$0x3FAA] =	sst s0;
	s0 =	simm.s32 @!p1 $0x0  }
0x14: {  	s2 =	sld [smem:$0x3F8E];
	s0 =	simm.s32 @p1 $0x1  }
0x15: {  	[smem:$0x3FAB] =	sst s0;
	s0 =	simm.s32 @!p2 $0x0  }
0x16: {  	s3 =	sld [smem:$0x3FDB];
	s0 =	simm.s32 @p2 $0x1  }
0x17: {  	s4 =	simm.s32 $0x1BF5;
	[smem:$0x3FAD] =	sst s0  }
0x18: {  	s0 =	sld [smem:$0x3F90];
	_ =	swait.ge [sflag:s4], $0x0  }
0x19: {  	s7 =	sld [smem:$0x3F91]  }
0x1a: {  	s8 =	sadd.s32 $0xFFFFE003, lr  }
0x1b: {  	s9 =	sadd.s32 $0xFFFFFEF7, lr;
	s5 =	simm.s32 $0xFFFFFFFF;
	p2 =	slt.u32 s8, $0xFFFFF086  }
0x1c: {  	p1 =	slt.u32 s9, $0xF7A;
	s5 =	simm.s32 @!p2 $0x0  }
0x1d: {  	s5 =	simm.s32 @p1 $0x1;
	p0 =	seq.s32 s7, s2  }
0x1e: {  	s7 =	smul.u32 @!p0 $0xF7A, s2;
	p2 =	seq.s32 @!p0 s5, $0x0  }
0x1f: {  	s9 =	smul.u32 $0xF7A, s1;
	s8 =	simm.s32 @!p0 $0x1BF5;
	p2 =	por !p2, p0  }
0x20: {  	[sflag:s8] =	ssyncset.s32 @!p0 $0xFFFFF086;
	s6 =	sadd.s32 @!p0 s3, s7;
	s7 =	simm.s32 @!p0 $0x108  }
0x21: {  	s3 =	sadd.s32 s3, s9;
	s6 =	sadd.s32 @!p0 $0x88, s6;
	s7 =	simm.s32 @p2 $0x1082  }
0x22: {  	[simem:s7], [sflag:s8] =	dma.local @!p0 [hbm:s6], $0xF7A  }
0x23: {  	s9 =	sor.u32 $0xD0000000, s2;
	s6 =	simm.s32 $0x108;
	_ =	swait.ge @!p0 [sflag:s8], $0x0  }
0x24: {  	s3 =	sadd.s32 $0x88, s3;
	s6 =	simm.s32 @!p1 $0x1082;
	[sflag:s4] =	ssyncset.s32 $0xFFFFF086  }
0x25: {  	[simem:s6], [sflag:s4] =	dma.local [hbm:s3], $0xF7A  }
0x26: {  	[smem:$0x3F91] =	sst s1;
	(tag) =	ssettag s2;
	_ =	strace s9  }
0x27: {  	s1 =	sld [smem:$0x3FA1]  }
0x28: {  	s2 =	sld [smem:$0x3FA2]  }
0x29: {  	s4 =	sld [smem:$0x3FA4]  }
0x2a: {  	p0 =	seq.s32 s5, $0x0;
	s5 =	sld [smem:$0x3FA5]  }
0x2b: {  	s6 =	sld [smem:$0x3FA6]  }
0x2c: {  	s7 =	sld [smem:$0x3FA7]  }
0x2d: {  	s3 =	simm.s32 $0x108;
	s8 =	sld [smem:$0x3FA8]  }
0x2e: {  	s3 =	simm.s32 @!p0 $0x1082;
	s9 =	sld [smem:$0x3FA9]  }
0x2f: {  	lr =	sadd.s32 s0, s3;
	s0 =	sld [smem:$0x3FA0]  }
0x30: {  	s3 =	sld [smem:$0x3FA3]  }
0x31: {  	[smem:$0x3FAC] =	sst s10  }
0x32: {  	s10 =	sld [smem:$0x3FAA];
	_ =	sdelay $0x3  }
0x33: {  	p0 =	seq.s32 s10, $0x1;
	s10 =	sld [smem:$0x3FAC];
	_ =	sdelay $0x3  }
0x34: {  	[smem:$0x3FAC] =	sst s10  }
0x35: {  	s10 =	sld [smem:$0x3FAB];
	_ =	sdelay $0x3  }
0x36: {  	p1 =	seq.s32 s10, $0x1;
	s10 =	sld [smem:$0x3FAC];
	_ =	sdelay $0x3  }
0x37: {  	[smem:$0x3FAC] =	sst s10  }
0x38: {  	s10 =	sld [smem:$0x3FAD]  }
0x39: {  	_ = 	snop;
	(pc) =	sbr.ind lr, $3  }
0x3a: {  	_ = 	snop  }
0x3b: {  	_ = 	snop  }
0x3c: {  	p2 =	seq.s32 s10, $0x1;
	s10 =	sld [smem:$0x3FAC]  }
0x3d: {  	_ =	shalt  }
0x3e: {  	_ =	shalt  }
0x3f: {  	_ =	shalt  }
0x40: {  	_ =	shalt  }
0x41: {  	_ =	shalt  }
0x42: {  	_ =	shalt  }
0x43: {  	_ =	shalt  }
0x44: {  	_ =	shalt  }
0x45: {  	_ =	shalt  }
0x46: {  	_ =	shalt  }
0x47: {  	_ =	shalt  }
0x48: {  	_ =	shalt  }
0x49: {  	_ =	shalt  }
0x4a: {  	_ =	shalt  }
0x4b: {  	_ =	shalt  }
0x4c: {  	_ =	shalt  }
0x4d: {  	_ =	shalt  }
0x4e: {  	_ =	shalt  }
0x4f: {  	_ =	shalt  }
0x50: {  	_ =	shalt  }
0x51: {  	_ =	shalt  }
0x52: {  	_ =	shalt  }
0x53: {  	_ =	shalt  }
0x54: {  	_ =	shalt  }
0x55: {  	_ =	shalt  }
0x56: {  	_ =	shalt  }
0x57: {  	_ =	shalt  }
0x58: {  	_ =	shalt  }
0x59: {  	_ =	shalt  }
0x5a: {  	_ =	shalt  }
0x5b: {  	_ =	shalt  }
0x5c: {  	_ =	shalt  }
0x5d: {  	_ =	shalt  }
0x5e: {  	_ =	shalt  }
0x5f: {  	_ =	shalt  }
0x60: {  	_ =	shalt  }
0x61: {  	_ =	shalt  }
0x62: {  	_ =	shalt  }
0x63: {  	_ =	shalt  }
0x64: {  	_ =	shalt  }
0x65: {  	_ =	shalt  }
0x66: {  	_ =	shalt  }
0x67: {  	_ =	shalt  }
0x68: {  	_ =	shalt  }
0x69: {  	_ =	shalt  }
0x6a: {  	_ =	shalt  }
0x6b: {  	_ =	shalt  }
0x6c: {  	_ =	shalt  }
0x6d: {  	_ =	shalt  }
0x6e: {  	_ =	shalt  }
0x6f: {  	_ =	shalt  }
0x70: {  	_ =	shalt  }
0x71: {  	_ =	shalt  }
0x72: {  	_ =	shalt  }
0x73: {  	_ =	shalt  }
0x74: {  	_ =	shalt  }
0x75: {  	_ =	shalt  }
0x76: {  	_ =	shalt  }
0x77: {  	_ =	shalt  }
0x78: {  	_ =	shalt  }
0x79: {  	_ =	shalt  }
0x7a: {  	_ =	shalt  }
0x7b: {  	_ =	shalt  }
0x7c: {  	_ =	shalt  }
0x7d: {  	_ =	shalt  }
0x7e: {  	_ =	shalt  }
0x7f: {  	_ =	shalt  }
0x80: {  	_ =	shalt  }
0x81: {  	_ =	shalt  }
0x82: {  	_ =	shalt  }
0x83: {  	_ =	shalt  }
0x84: {  	_ =	shalt  }
0x85: {  	_ =	shalt  }
0x86: {  	_ =	shalt  }
0x87: {  	_ =	shalt  }
.Lfunc_end0:
.L_simem_size_0:
called_computation_lowered:
.L_overlay_start_0:
0x88: {  	s2 =	sld [smem:$0x3FD9]  }
0x89: {  	s3 =	sld [smem:$0x3FFE];
	_ =	sdelay $0x1  }
0x8a: {  	s1 =	srdreg.scid  }
0x8b: {  	s0 =	sand.u32 $0x1, s1  }
0x8c: {  	s14 =	sshll.u32 s0, $0xA;
	s2 =	sadd.s32 s3, s2  }
0x8d: {  	s2 =	sadd.s32 s2, s14  }
0x8e: {  	[smem:$0x3FB8] =	sst s2  }
0x8f: {  	_ = 	snop  }
0x90: {  	s2 =	sld [smem:$0x3FD0];
	_ =	sdelay $0x2  }
0x91: {  	s15 =	simm.s32 $0xC;
	s4 =	simm.s32 $0x10  }
0x92: {  	[smem:s4], [sflag:s15] =	dma.local [hbm:s2], $0x1  }
0x93: {  	_ =	swait.eq [sflag:s15], $0x1  }
0x94: {  	[sflag:s15] =	ssyncset.done $0x0  }
0x95: {  	s16 =	sld [smem:$0x10];
	[sflag:s15] =	ssyncadd.s32 $0xFFFFFFFF  }
0x96: {  	s17 =	sld [smem:$0x11];
	(tm) =	ssettm $0x1  }
0x97: {  	s18 =	sld [smem:$0x3FFB];
	_ =	sdelay $0x3  }
0x98: {  	_ =	strace s18  }
0x99: {  	s4 =	sld [smem:$0x3FFC];
	_ =	sdelay $0x3  }
0x9a: {  	_ =	strace s4  }
0x9b: {  	s4 =	sld [smem:$0x3FFD];
	_ =	sdelay $0x3  }
0x9c: {  	_ =	strace s4  }
0x9d: {  	_ =	strace $0x8FFFFFFF  }
0x9e: {  	s19 =	sld [smem:$0x3FDB];
	_ =	sdelay $0x1  }
0x9f: {  	s5 =	simm.s32 $_scs_section_size  }
0xa0: {  	s6 =	simm.s32 $_size__tile_overlayer_lowered;
	s7 =	simm.s32 $_tile_overlayer_lowered  }
0xa1: {  	s22 =	simm.s32 $0x1BFF;
	s21 =	sshll.u32 s7, $0x1;
	s4 =	sadd.s32 s5, s19  }
0xa2: {  	s8 =	simm.s32 $0x0;
	s20 =	sshll.u32 s6, $0x1;
	s6 =	sadd.s32 s21, s4  }
0xa3: {  	[timem:s8], [sflag:s22] =	dma.local [hbm:s6], s20  }
0xa4: {  	_ =	swait.ge [sflag:s22], s20  }
0xa5: {  	s5 =	ssub.s32 $0x0, s20;
	[sflag:s22] =	ssyncset.done $0x0  }
0xa6: {  	[sflag:s22] =	ssyncadd.s32 s5;
	_ =	sdelay $0x1  }
0xa7: {  	s23 =	simm.s32 $0x1B8B  }
0xa8: {  	_ =	swait.ge [sflag:s23], $0x1  }
0xa9: {  	[sflag:s23] =	ssyncset.done $0x0  }
0xaa: {  	s25 =	simm.s32 $0x1B8E;
	s24 =	sld [smem:$0x3FFE];
	[sflag:s23] =	ssyncadd.s32 $0xFFFFFFFF  }
0xab: {  	s26 =	simm.s32 $execute0_lowered;
	[smem:$0x3FD2] =	sst s25  }
0xac: {  	s6 =	sshll.u32 s26, $0x1;
	_ =	strace $0x80000046;
	[dreg:$0x1] =	wrdreg $0xFFFFFFFF  }
0xad: {  	s28 =	simm.s32 $_size_execute0_lowered;
	s4 =	sadd.s32 s4, s6;
	[dreg:$0x0] =	wrdreg $0x0  }
0xae: {  	s6 =	sshll.u32 s28, $0x1;
	[dreg:$0x2] =	wrdreg s4  }
0xaf: {  	[dreg:$0x3] =	wrdreg s6  }
0xb0: {  	[dreg:$0x4] =	wrdreg $0xC0  }
0xb1: {  	_ =	task [dreg:s8], $0x5FFFF  }
0xb2: {  	[dreg:$0x1] =	wrdreg $0xFFFFFFFF  }
0xb3: {  	[dreg:$0x0] =	wrdreg $0x60  }
0xb4: {  	[dreg:$0x2] =	wrdreg s24  }
0xb5: {  	[dreg:$0x3] =	wrdreg s17  }
0xb6: {  	[dreg:$0x4] =	wrdreg s16  }
0xb7: {  	[dreg:$0x5] =	wrdreg $0x35000  }
0xb8: {  	[dreg:$0x6] =	wrdreg $0x9  }
0xb9: {  	_ =	task.clear_ibuf [dreg:s8], $0x7FFFF;
	_ =	strace $0x90000046  }
0xba: {  	s29 =	simm.s32 $0x9;
	_ =	strace $0x80000048  }
0xbb: {  	_ =	swait.ge [sflag:s29], $0x1  }
0xbc: {  	[sflag:s29] =	ssyncadd.s32 $0xFFFFFFFF  }
0xbd: {  	_ =	strace $0x90000048  }
0xbe: {  	_ =	sfence  }
0xbf: {  	s30 =	sld [smem:$0x0];
	_ =	sdelay $0x2  }
0xc0: {  	s31 =	sshll.u32 s1, $0xD;
	s1 =	sshrl.u32 s1, $0x2  }
0xc1: {  	s3 =	sand.u32 $0x4000, s31;
	s1 =	sadd.s32 s1, s30  }
0xc2: {  	s0 =	sor.u32 s3, s0;
	s1 =	sshll.u32 s1, $0x11  }
0xc3: {  	s0 =	sor.u32 s1, s0  }
0xc4: {  	s0 =	sadd.s32 $0x8F2B, s0  }
0xc5: {  	[sflag:s0] =	ssyncadd.remote.s32 $0x1  }
0xc6: {  	_ =	sfence.sel $0xFFFF  }
0xc7: {  	[dreg:$0x0] =	wrdreg $0xFFFFFFFF;
	(pc) =	sbr.abs _section_cstart, $3  }
0xc8: {  	[dreg:$0x1] =	wrdreg $0xFFFFFFFF  }
0xc9: {  	_ =	task.clear_ibuf [dreg:s8], $0x2FFFF;
	_ =	strace $0x9FFFFFFF  }
0xca: {  	(tm) =	ssettm $0x7FFFFFFF  }
0xcb: {  	_ =	shalt  }
tec
execute0_lowered:
.L_overlay_start_1:
0x0: {  	(tag) =	ssettag $0x1  }
0x1: {  	s0 =	rddreg [dreg:$0x0]  }
0x2: {  	s1 =	rddreg [dreg:$0x1]  }
0x3: {  	s2 =	rddreg [dreg:$0x2]  }
0x4: {  	s3 =	rddreg [dreg:$0x3]  }
0x5: {  	s4 =	srdreg.scid;
	s5 =	simm.s32 $0x0;
	s13 =	stileid.u32  }
0x6: {  	s19 =	simm.s32 $0x1900;
	s20 =	simm.s32 $0x1;
	s21 =	simm.s32 $0x80  }
0x7: {  	s22 =	simm.s32 $0x100;
	s23 =	simm.s32 $0x900;
	s24 =	simm.s32 $0x1100  }
0x8: {  	s28 =	simm.s32 $0x0;
	s4 =	sand.u32 $0x1, s4;
	s9 =	smul.u32 $0xC400, s13  }
0x9: {  	[smem:$0x7FF] =	sst s5;
	s6 =	sadd.s32 $0xFA00, s0;
	s25 =	smul.u32 $0x31000, s13  }
0xa: {  	s7 =	sadd.s32 $0x71800, s0;
	s11 =	sshll.u32 s13, $0x1;
	s8 =	smul.u32 $0xC4000, s4  }
0xb: {  	_ =	strace $0x80000047;
	s10 =	ssub.s32 $0x2, s4;
	s4 =	sor.u32 s4, s11  }
0xc: {  	s12 =	sshrl.u32 s10, $0x1;
	s26 =	ssub.s32 $0x188A, s4;
	s29 =	sshrl.u32 s25, $0x2  }
0xd: {  	s8 =	sadd.s32 s9, s8;
	s12 =	ssub.s32 s10, s12;
	s9 =	sadd.s32 s9, s3  }
0xe: {  	s10 =	sshrl.u32 s26, $0x5;
	s11 =	sadd.s32 s29, s3;
	s26 =	simm.s32 $0x0  }
0xf: {  	s8 =	sshrl.u32 s8, $0x3;
	s30 =	smax.u32 s12, $0x1;
	s31 =	sadd.s32 $0x1C00, s11  }
0x10: {  	s14 =	sadd.s32 $0x3800, s11;
	s15 =	sadd.s32 $0x5400, s11;
	s16 =	sadd.s32 $0x7000, s11  }
0x11: {  	s17 =	sadd.s32 $0x8C00, s11;
	s0 =	sadd.s32 s8, s0;
	[dreg:$0x6] =	wrdreg s30  }
0x12: {  	s18 =	sadd.s32 $0xA800, s11;
	[dreg:$0x7] =	wrdreg s31;
	s0 =	sadd.s32 $0x40800, s0  }
0x13: {  	v0 =	vimm.f32 $0.0e+00;
	s25 =	sshrl.u32 s9, $0x3;
	s8 =	sshll.u32 s4, $0x7;
	[dreg:$0x5] =	wrdreg s0  }
.LBB2_1:
0x14: {  	s0 =	simm.s32 $0x40;
	s4 =	simm.s32 $0x0  }
.LBB2_2:
0x15: {  	p0 =	sne.s32 s0, $0x6FC0;
	[tilespmem:s4+$0x1900] =	vst v0;
	s4 =	smov.u32 s0;
	s0 =	sadd.s32 $0x40, s0  }
.Ltmp0:
0x16: {  	(pc) =	sbr.rel @p0 .LBB2_2-.Ltmp0, $2  }
0x17: {  	_ =	sdelay $0x2  }
0x18: {  	s4 =	sshra.s32 s4, $0x2  }
0x19: {  	[tilespmem:s4+$0x1900] =	vst v0  }
0x1a: {  	[spmem:s11] =	stream.linear.scatter [tilespmem:s19], [sflag:$0x1], $0x1C00, $0x38;
	[tilespmem:$0xF900] =	vst v63  }
0x1b: {  	_ =	swait.ge [sflag:s20], $0x1C00  }
0x1c: {  	[sflag:s20] =	ssyncset.done $0x0  }
0x1d: {  	s0 =	rddreg [dreg:$0x7];
	[sflag:s20] =	ssyncadd.s32 $0xFFFFE400  }
0x1e: {  	[spmem:s0] =	stream.linear.scatter [tilespmem:s19], [sflag:$0x1], $0x1C00, $0x38;
	[tilespmem:$0xF900] =	vst v63  }
0x1f: {  	_ =	swait.ge [sflag:s20], $0x1C00  }
0x20: {  	[sflag:s20] =	ssyncset.done $0x0  }
0x21: {  	[sflag:s20] =	ssyncadd.s32 $0xFFFFE400  }
0x22: {  	[spmem:s14] =	stream.linear.scatter [tilespmem:s19], [sflag:$0x1], $0x1C00, $0x38;
	[tilespmem:$0xF900] =	vst v63  }
0x23: {  	_ =	swait.ge [sflag:s20], $0x1C00  }
0x24: {  	[sflag:s20] =	ssyncset.done $0x0  }
0x25: {  	[sflag:s20] =	ssyncadd.s32 $0xFFFFE400  }
0x26: {  	[spmem:s15] =	stream.linear.scatter [tilespmem:s19], [sflag:$0x1], $0x1C00, $0x38;
	[tilespmem:$0xF900] =	vst v63  }
0x27: {  	_ =	swait.ge [sflag:s20], $0x1C00  }
0x28: {  	[sflag:s20] =	ssyncset.done $0x0  }
0x29: {  	[sflag:s20] =	ssyncadd.s32 $0xFFFFE400  }
0x2a: {  	[spmem:s16] =	stream.linear.scatter [tilespmem:s19], [sflag:$0x1], $0x1C00, $0x38;
	[tilespmem:$0xF900] =	vst v63  }
0x2b: {  	_ =	swait.ge [sflag:s20], $0x1C00  }
0x2c: {  	[sflag:s20] =	ssyncset.done $0x0  }
0x2d: {  	[sflag:s20] =	ssyncadd.s32 $0xFFFFE400  }
0x2e: {  	[spmem:s17] =	stream.linear.scatter [tilespmem:s19], [sflag:$0x1], $0x1C00, $0x38;
	[tilespmem:$0xF900] =	vst v63  }
0x2f: {  	_ =	swait.ge [sflag:s20], $0x1C00  }
0x30: {  	[sflag:s20] =	ssyncset.done $0x0  }
0x31: {  	[sflag:s20] =	ssyncadd.s32 $0xFFFFE400  }
0x32: {  	[spmem:s18] =	stream.linear.scatter [tilespmem:s19], [sflag:$0x1], $0x1C00, $0x38;
	[tilespmem:$0xF900] =	vst v63  }
0x33: {  	_ =	swait.ge [sflag:s20], $0x1C00  }
0x34: {  	[sflag:s20] =	ssyncset.done $0x0  }
0x35: {  	[sflag:s20] =	ssyncadd.s32 $0xFFFFE400  }
0x36: {  	s29 =	simm.s32 $0x0;
	[bflag:$0x0] =	sbarrier.arrive $0xFFFF  }
.LBB2_4:
0x37: {  	s0 =	sshll.u32 s29, $0xC  }
0x38: {  	s30 =	sor.u32 s8, s0  }
0x39: {  	s0 =	sshrl.u32 s30, $0x3  }
0x3a: {  	s0 =	sadd.s32 s6, s0  }
0x3b: {  	[tilespmem:s28], [sflag:$0x1] =	stream.linear.gather [hbm4b:s0+s28], $0x80, $0x38;
	[tilespmem:$0xF900] =	vst v63  }
0x3c: {  	s13 =	sadd.s32 $0xC3580, s30;
	_ =	swait.ge [sflag:s20], $0x80  }
0x3d: {  	s0 =	sshrl.u32 s13, $0x3;
	[sflag:s20] =	ssyncset.done $0x0  }
0x3e: {  	s0 =	sadd.s32 s6, s0;
	[sflag:s20] =	ssyncadd.s32 $0xFFFFFF80  }
0x3f: {  	[tilespmem:s21], [sflag:$0x1] =	stream.linear.gather [hbm4b:s0+s28], $0x80, $0x38;
	[tilespmem:$0xF900] =	vst v63  }
0x40: {  	_ =	swait.ge [sflag:s20], $0x80  }
0x41: {  	[sflag:s20] =	ssyncset.done $0x0  }
0x42: {  	[sflag:s20] =	ssyncadd.s32 $0xFFFFFF80  }
0x43: {  	[tilespmem:s22], [sflag:$0x1] =	stream.indirect.gather [hbm4b:s1+s21], $0x10, s28, s21, $0xb8;
	[tilespmem:$0xF900] =	vst v63  }
0x44: {  	_ =	swait.ge [sflag:s20], $0x800  }
0x45: {  	[sflag:s20] =	ssyncset.done $0x0  }
0x46: {  	[sflag:s20] =	ssyncadd.s32 $0xFFFFF800  }
0x47: {  	[tilespmem:s23], [sflag:$0x1] =	stream.indirect.gather [hbm4b:s2+s21], $0x10, s21, s21, $0xb8;
	[tilespmem:$0xF900] =	vst v63  }
0x48: {  	_ =	swait.ge [sflag:s20], $0x800  }
0x49: {  	[sflag:s20] =	ssyncset.done $0x0  }
0x4a: {  	s31 =	simm.s32 $0x0;
	[sflag:s20] =	ssyncadd.s32 $0xFFFFF800  }
0x4b: {  	v1 =	vld [tilespmem:s31+$0x100]  }
0x4c: {  	v2 =	vld [tilespmem:s31+$0x900];
	_ =	sdelay $0x4  }
0x4d: {  	v1 =	vadd.f32 v2, v1;
	_ =	sdelay $0x1  }
0x4e: {  	s0 =	simm.s32 $0x10;
	v2 =	vmul.f32 $2.000000030e-01, v1  }
0x4f: {  	v3 =	vld [tilespmem:s0+$0x100];
	vm0 =	vgt.f32 v1, $0.0e+00  }
0x50: {  	v4 =	vld [tilespmem:s0+$0x900];
	v1 =	vsel vm0, v1, v2  }
0x51: {  	s9 =	simm.s32 $0x20;
	v1 =	vmul.f32 $1.442695020e+00, v1  }
0x52: {  	v2 =	vld [tilespmem:s9+$0x100]  }
0x53: {  	(erf) = vpow2.f32 v1;
	v1 =	vld [tilespmem:s9+$0x900];
	_ =	sdelay $0x1  }
0x54: {  	v3 =	vadd.f32 v4, v3;
	_ =	sdelay $0x1  }
0x55: {  	v4 =	vmul.f32 $2.000000030e-01, v3  }
0x56: {  	vm14 =	vgt.f32 v3, $0.0e+00;
	v5 =	vadd.f32 v1, v2  }
0x57: {  	v1 =	vsel vm14, v3, v4  }
0x58: {  	s4 =	simm.s32 $0x30;
	v2 =	vmul.f32 $1.442695020e+00, v1;
	v3 =	vmul.f32 $2.000000030e-01, v5  }
0x59: {  	v1 =	vld [tilespmem:s4+$0x100]  }
0x5a: {  	(erf) = vpow2.f32 v2;
	v2 =	vld [tilespmem:s4+$0x900]  }
0x5b: {  	vm15 =	vgt.f32 v5, $0.0e+00  }
0x5c: {  	s12 =	simm.s32 $0x100;
	v4 =	vsel vm15, v5, v3;
	v3 =	vpop (erf)  }
.LBB2_5:
0x5d: {  	s13 =	sshra.s32 s12, $0x2  }
0x5e: {  	v4 =	vmul.f32 $1.442695020e+00, v4;
	[tilespmem:s31+$0x1100] =	vst v3;
	s31 =	smov.u32 s0;
	s0 =	smov.u32 s9;
	p0 =	sne.s32 s12, $0x1FC0  }
.Ltmp1:
0x5f: {  	s12 =	sadd.s32 $0x40, s12;
	v3 =	vadd.f32 v2, v1;
	v1 =	vld [tilespmem:s13+$0x100];
	(pc) =	sbr.rel @p0 .LBB2_5-.Ltmp1, $4  }
0x60: {  	s9 =	smov.u32 s4;
	s4 =	smov.u32 s13;
	v2 =	vld [tilespmem:s13+$0x900];
	(erf) = vpow2.f32 v4  }
0x61: {  	v4 =	vmul.f32 $2.000000030e-01, v3  }
0x62: {  	vm0 =	vgt.f32 v3, $0.0e+00  }
0x63: {  	v4 =	vsel vm0, v3, v4;
	v3 =	vpop (erf)  }
0x64: {  	_ = 	snop  }
0x65: {  	v1 =	vadd.f32 v2, v1;
	_ =	sdelay $0x1  }
0x66: {  	v2 =	vmul.f32 $2.000000030e-01, v1  }
0x67: {  	vm0 =	vgt.f32 v1, $0.0e+00  }
0x68: {  	v1 =	vsel vm0, v1, v2;
	v2 =	vmul.f32 $1.442695020e+00, v4  }
0x69: {  	v1 =	vmul.f32 $1.442695020e+00, v1  }
0x6a: {  	(erf) = vpow2.f32 v2  }
0x6b: {  	(erf) = vpow2.f32 v1;
	_ =	sdelay $0x6  }
0x6c: {  	[tilespmem:s31+$0x1100] =	vst v3;
	v1 =	vpop (erf)  }
0x6d: {  	s31 =	sshll.u32 s30, $0x1;
	[tilespmem:s0+$0x1100] =	vst v1;
	v1 =	vpop (erf)  }
0x6e: {  	s0 =	sand.u32 $0x1FFFFF00, s31;
	[tilespmem:s9+$0x1100] =	vst v1;
	v1 =	vpop (erf)  }
0x6f: {  	s0 =	sadd.s32 s7, s0;
	[tilespmem:s4+$0x1100] =	vst v1  }
0x70: {  	[hbm4b:s0+s5] =	stream.linear.scatter [tilespmem:s24], [sflag:$0x1], $0x800, $0x38;
	[tilespmem:$0xF900] =	vst v63  }
0x71: {  	s29 =	sadd.s32 $0x1, s29;
	_ =	swait.ge [sflag:s20], $0x800  }
0x72: {  	p0 =	sne.s32 s29, s10;
	[sflag:s20] =	ssyncset.done $0x0  }
.Ltmp2:
0x73: {  	[sflag:s20] =	ssyncadd.s32 $0xFFFFF800;
	(pc) =	sbr.rel @p0 .LBB2_4-.Ltmp2, $4  }
0x74: {  	[spmem:s3] =	stream.indirect.scatter.add.f32 [tilespmem:s24], [sflag:$0x1], $0x10, s21, s21, $0xb8;
	[tilespmem:$0xF900] =	vst v63  }
0x75: {  	_ =	swait.ge [sflag:s20], $0x800  }
0x76: {  	[sflag:s20] =	ssyncset.done $0x0  }
0x77: {  	[sflag:s20] =	ssyncadd.s32 $0xFFFFF800  }
0x78: {  	s0 =	stileid.u32  }
0x79: {  	[bflag:$0x0] =	sbarrier.arrive $0xFFFF;
	s0 =	sshll.u32 s0, $0x6  }
0x7a: {  	s4 =	rddreg [dreg:$0x5];
	s0 =	sor.u32 $0x1C01, s0  }
0x7b: {  	[hbm:s4], [sflag:s0] =	dma.local [spmem:s25], $0x1880  }
0x7c: {  	_ =	swait.ge [sflag:s20], $0x1880  }
0x7d: {  	s26 =	sadd.s32 $0x1, s26;
	s31 =	rddreg [dreg:$0x6]  }
0x7e: {  	p0 =	sne.s32 s26, s31  }
.Ltmp3:
0x7f: {  	_ = 	snop;
	(pc) =	sbr.rel @p0 .LBB2_1-.Ltmp3, $3  }
0x80: {  	_ =	sdelay $0x1  }
0x81: {  	[sflag:s20] =	ssyncset.done $0x0  }
0x82: {  	[sflag:s20] =	ssyncadd.s32 $0xFFFFE780  }
0x83: {  	_ =	sfence.sel $0x180000  }
0x84: {  	[bflag:$0x0] =	sbarrier.arrive $0xFFFF  }
0x85: {  	_ =	strace $0x90000047  }
0x86: {  	s0 =	stileid.u32;
	[bflag:$0x2] =	sbarrier.arrive $0xFFFF  }
0x87: {  	p0 =	sne.s32 s0, $0x0;
	s0 =	rddreg [dreg:$0x4]  }
0x88: {  	s0 =	sadd.s32 @!p0 $0x100000, s0  }
0x89: {  	[sflag:s0] =	ssyncadd.tile.s32 @!p0 $0x1;
	_ =	shalt  }
.Lfunc_end2:
_tile_overlayer_lowered:
.L_overlay_start_2:
0x8a: {  	(tag) =	ssettag $0x2  }
0x8b: {  	s0 =	rddreg [dreg:$0x0];
	s2 =	stileid.u32  }
0x8c: {  	s1 =	rddreg [dreg:$0x1];
	p0 =	sne.s32 s2, $0x0  }
0x8d: {  	s3 =	rddreg [dreg:$0x2];
	[bflag:$0x3] =	sbarrier.arrive $0xFFFF;
	s2 =	simm.s32 @!p0 $0x1C01  }
0x8e: {  	[timem:s3], [sflag:s2] =	dma.local @!p0 [hbm:s0], s1  }
0x8f: {  	s0 =	simm.s32 @!p0 $0x1  }
0x90: {  	_ =	swait.ge @!p0 [sflag:s0], s1  }
0x91: {  	s1 =	ssub.s32 @!p0 $0x0, s1;
	[sflag:s0] =	ssyncset.done @!p0 $0x0  }
0x92: {  	[sflag:s0] =	ssyncadd.s32 @!p0 s1  }
0x93: {  	[bflag:$0x3] =	sbarrier.arrive $0xFFFF  }
0x94: {  	_ =	shalt  }

// kernel: kernel.18.cloned.1.call-start
scs
__scs_entry_jumppad:
0x0: {  	(pc) =	sbr.rel $0x88, $3  }
0x1: {  	(tag) =	ssettag $0x0;
	lr =	simm.s32 $0x1  }
0x2: {  	[smem:$0x3F91] =	sst lr;
	_ =	strace $0xD0000000  }
0x3: {  	_ = 	snop  }
0x4: {  	_ = 	snop  }
0x5: {  	_ = 	snop  }
0x6: {  	_ = 	snop  }
0x7: {  	_ = 	snop  }
__scs_overlays_trampoline_lowered:
0x8: {  	[smem:$0x3FA0] =	sst s0  }
0x9: {  	[smem:$0x3FA1] =	sst s1  }
0xa: {  	[smem:$0x3FA2] =	sst s2  }
0xb: {  	[smem:$0x3FA3] =	sst s3  }
0xc: {  	[smem:$0x3FA4] =	sst s4  }
0xd: {  	[smem:$0x3FA5] =	sst s5  }
0xe: {  	[smem:$0x3FA6] =	sst s6  }
0xf: {  	[smem:$0x3FA7] =	sst s7  }
0x10: {  	[smem:$0x3FA8] =	sst s8  }
0x11: {  	[smem:$0x3FA9] =	sst s9;
	s0 =	simm.s32 @!p0 $0x0  }
0x12: {  	s1 =	sld [smem:$0x3F8F];
	s0 =	simm.s32 @p0 $0x1  }
0x13: {  	[smem:$0x3FAA] =	sst s0;
	s0 =	simm.s32 @!p1 $0x0  }
0x14: {  	s2 =	sld [smem:$0x3F8E];
	s0 =	simm.s32 @p1 $0x1  }
0x15: {  	[smem:$0x3FAB] =	sst s0;
	s0 =	simm.s32 @!p2 $0x0  }
0x16: {  	s3 =	sld [smem:$0x3FDB];
	s0 =	simm.s32 @p2 $0x1  }
0x17: {  	s4 =	simm.s32 $0x1BF5;
	[smem:$0x3FAD] =	sst s0  }
0x18: {  	s0 =	sld [smem:$0x3F90];
	_ =	swait.ge [sflag:s4], $0x0  }
0x19: {  	s7 =	sld [smem:$0x3F91]  }
0x1a: {  	s8 =	sadd.s32 $0xFFFFE003, lr  }
0x1b: {  	s9 =	sadd.s32 $0xFFFFFEF7, lr;
	s5 =	simm.s32 $0xFFFFFFFF;
	p2 =	slt.u32 s8, $0xFFFFF086  }
0x1c: {  	p1 =	slt.u32 s9, $0xF7A;
	s5 =	simm.s32 @!p2 $0x0  }
0x1d: {  	s5 =	simm.s32 @p1 $0x1;
	p0 =	seq.s32 s7, s2  }
0x1e: {  	s7 =	smul.u32 @!p0 $0xF7A, s2;
	p2 =	seq.s32 @!p0 s5, $0x0  }
0x1f: {  	s9 =	smul.u32 $0xF7A, s1;
	s8 =	simm.s32 @!p0 $0x1BF5;
	p2 =	por !p2, p0  }
0x20: {  	[sflag:s8] =	ssyncset.s32 @!p0 $0xFFFFF086;
	s6 =	sadd.s32 @!p0 s3, s7;
	s7 =	simm.s32 @!p0 $0x108  }
0x21: {  	s3 =	sadd.s32 s3, s9;
	s6 =	sadd.s32 @!p0 $0x88, s6;
	s7 =	simm.s32 @p2 $0x1082  }
0x22: {  	[simem:s7], [sflag:s8] =	dma.local @!p0 [hbm:s6], $0xF7A  }
0x23: {  	s9 =	sor.u32 $0xD0000000, s2;
	s6 =	simm.s32 $0x108;
	_ =	swait.ge @!p0 [sflag:s8], $0x0  }
0x24: {  	s3 =	sadd.s32 $0x88, s3;
	s6 =	simm.s32 @!p1 $0x1082;
	[sflag:s4] =	ssyncset.s32 $0xFFFFF086  }
0x25: {  	[simem:s6], [sflag:s4] =	dma.local [hbm:s3], $0xF7A  }
0x26: {  	[smem:$0x3F91] =	sst s1;
	(tag) =	ssettag s2;
	_ =	strace s9  }
0x27: {  	s1 =	sld [smem:$0x3FA1]  }
0x28: {  	s2 =	sld [smem:$0x3FA2]  }
0x29: {  	s4 =	sld [smem:$0x3FA4]  }
0x2a: {  	p0 =	seq.s32 s5, $0x0;
	s5 =	sld [smem:$0x3FA5]  }
0x2b: {  	s6 =	sld [smem:$0x3FA6]  }
0x2c: {  	s7 =	sld [smem:$0x3FA7]  }
0x2d: {  	s3 =	simm.s32 $0x108;
	s8 =	sld [smem:$0x3FA8]  }
0x2e: {  	s3 =	simm.s32 @!p0 $0x1082;
	s9 =	sld [smem:$0x3FA9]  }
0x2f: {  	lr =	sadd.s32 s0, s3;
	s0 =	sld [smem:$0x3FA0]  }
0x30: {  	s3 =	sld [smem:$0x3FA3]  }
0x31: {  	[smem:$0x3FAC] =	sst s10  }
0x32: {  	s10 =	sld [smem:$0x3FAA];
	_ =	sdelay $0x3  }
0x33: {  	p0 =	seq.s32 s10, $0x1;
	s10 =	sld [smem:$0x3FAC];
	_ =	sdelay $0x3  }
0x34: {  	[smem:$0x3FAC] =	sst s10  }
0x35: {  	s10 =	sld [smem:$0x3FAB];
	_ =	sdelay $0x3  }
0x36: {  	p1 =	seq.s32 s10, $0x1;
	s10 =	sld [smem:$0x3FAC];
	_ =	sdelay $0x3  }
0x37: {  	[smem:$0x3FAC] =	sst s10  }
0x38: {  	s10 =	sld [smem:$0x3FAD]  }
0x39: {  	_ = 	snop;
	(pc) =	sbr.ind lr, $3  }
0x3a: {  	_ = 	snop  }
0x3b: {  	_ = 	snop  }
0x3c: {  	p2 =	seq.s32 s10, $0x1;
	s10 =	sld [smem:$0x3FAC]  }
0x3d: {  	_ =	shalt  }
0x3e: {  	_ =	shalt  }
0x3f: {  	_ =	shalt  }
0x40: {  	_ =	shalt  }
0x41: {  	_ =	shalt  }
0x42: {  	_ =	shalt  }
0x43: {  	_ =	shalt  }
0x44: {  	_ =	shalt  }
0x45: {  	_ =	shalt  }
0x46: {  	_ =	shalt  }
0x47: {  	_ =	shalt  }
0x48: {  	_ =	shalt  }
0x49: {  	_ =	shalt  }
0x4a: {  	_ =	shalt  }
0x4b: {  	_ =	shalt  }
0x4c: {  	_ =	shalt  }
0x4d: {  	_ =	shalt  }
0x4e: {  	_ =	shalt  }
0x4f: {  	_ =	shalt  }
0x50: {  	_ =	shalt  }
0x51: {  	_ =	shalt  }
0x52: {  	_ =	shalt  }
0x53: {  	_ =	shalt  }
0x54: {  	_ =	shalt  }
0x55: {  	_ =	shalt  }
0x56: {  	_ =	shalt  }
0x57: {  	_ =	shalt  }
0x58: {  	_ =	shalt  }
0x59: {  	_ =	shalt  }
0x5a: {  	_ =	shalt  }
0x5b: {  	_ =	shalt  }
0x5c: {  	_ =	shalt  }
0x5d: {  	_ =	shalt  }
0x5e: {  	_ =	shalt  }
0x5f: {  	_ =	shalt  }
0x60: {  	_ =	shalt  }
0x61: {  	_ =	shalt  }
0x62: {  	_ =	shalt  }
0x63: {  	_ =	shalt  }
0x64: {  	_ =	shalt  }
0x65: {  	_ =	shalt  }
0x66: {  	_ =	shalt  }
0x67: {  	_ =	shalt  }
0x68: {  	_ =	shalt  }
0x69: {  	_ =	shalt  }
0x6a: {  	_ =	shalt  }
0x6b: {  	_ =	shalt  }
0x6c: {  	_ =	shalt  }
0x6d: {  	_ =	shalt  }
0x6e: {  	_ =	shalt  }
0x6f: {  	_ =	shalt  }
0x70: {  	_ =	shalt  }
0x71: {  	_ =	shalt  }
0x72: {  	_ =	shalt  }
0x73: {  	_ =	shalt  }
0x74: {  	_ =	shalt  }
0x75: {  	_ =	shalt  }
0x76: {  	_ =	shalt  }
0x77: {  	_ =	shalt  }
0x78: {  	_ =	shalt  }
0x79: {  	_ =	shalt  }
0x7a: {  	_ =	shalt  }
0x7b: {  	_ =	shalt  }
0x7c: {  	_ =	shalt  }
0x7d: {  	_ =	shalt  }
0x7e: {  	_ =	shalt  }
0x7f: {  	_ =	shalt  }
0x80: {  	_ =	shalt  }
0x81: {  	_ =	shalt  }
0x82: {  	_ =	shalt  }
0x83: {  	_ =	shalt  }
0x84: {  	_ =	shalt  }
0x85: {  	_ =	shalt  }
0x86: {  	_ =	shalt  }
0x87: {  	_ =	shalt  }
.Lfunc_end0:
.L_simem_size_0:
called_computation.1_lowered:
.L_overlay_start_0:
0x88: {  	s2 =	sld [smem:$0x3FD9]  }
0x89: {  	s3 =	sld [smem:$0x3FFE];
	_ =	sdelay $0x1  }
0x8a: {  	s1 =	srdreg.scid  }
0x8b: {  	s0 =	sand.u32 $0x1, s1  }
0x8c: {  	s15 =	sshll.u32 s0, $0xA;
	s2 =	sadd.s32 s3, s2  }
0x8d: {  	s2 =	sadd.s32 s2, s15  }
0x8e: {  	[smem:$0x3FB8] =	sst s2  }
0x8f: {  	_ = 	snop  }
0x90: {  	s2 =	sld [smem:$0x3FD0];
	_ =	sdelay $0x2  }
0x91: {  	s16 =	simm.s32 $0xC;
	s4 =	simm.s32 $0x10  }
0x92: {  	[smem:s4], [sflag:s16] =	dma.local [hbm:s2], $0x1  }
0x93: {  	_ =	swait.eq [sflag:s16], $0x1  }
0x94: {  	[sflag:s16] =	ssyncset.done $0x0  }
0x95: {  	[sflag:s16] =	ssyncadd.s32 $0xFFFFFFFF  }
0x96: {  	s17 =	sld [smem:$0x11];
	(tm) =	ssettm $0x1  }
0x97: {  	s18 =	sld [smem:$0x3FFB];
	_ =	sdelay $0x3  }
0x98: {  	_ =	strace s18  }
0x99: {  	s2 =	sld [smem:$0x3FFC];
	_ =	sdelay $0x3  }
0x9a: {  	_ =	strace s2  }
0x9b: {  	s2 =	sld [smem:$0x3FFD];
	_ =	sdelay $0x3  }
0x9c: {  	_ =	strace s2  }
0x9d: {  	_ =	strace $0x8FFFFFFF  }
0x9e: {  	s19 =	sld [smem:$0x3FDB];
	_ =	sdelay $0x1  }
0x9f: {  	s20 =	simm.s32 $_scs_section_size  }
0xa0: {  	s5 =	simm.s32 $_size__tile_overlayer_lowered;
	s6 =	simm.s32 $_tile_overlayer_lowered  }
0xa1: {  	s7 =	simm.s32 $0x1BFF;
	s21 =	sshll.u32 s6, $0x1;
	s4 =	sadd.s32 s20, s19  }
0xa2: {  	s22 =	simm.s32 $0x0;
	s5 =	sshll.u32 s5, $0x1;
	s6 =	sadd.s32 s21, s4  }
0xa3: {  	[timem:s22], [sflag:s7] =	dma.local [hbm:s6], s5  }
0xa4: {  	_ =	swait.ge [sflag:s7], s5  }
0xa5: {  	s5 =	ssub.s32 $0x0, s5;
	[sflag:s7] =	ssyncset.done $0x0  }
0xa6: {  	[sflag:s7] =	ssyncadd.s32 s5;
	_ =	sdelay $0x1  }
0xa7: {  	s23 =	simm.s32 $0x1B8B  }
0xa8: {  	_ =	swait.ge [sflag:s23], $0x1  }
0xa9: {  	[sflag:s23] =	ssyncset.done $0x0  }
0xaa: {  	[sflag:s23] =	ssyncadd.s32 $0xFFFFFFFF  }
0xab: {  	s5 =	sld [smem:$0x0]  }
0xac: {  	s6 =	sand.u32 $0xFFFFFFFE, s1  }
0xad: {  	p0 =	sne.s32 s1, s6  }
0xae: {  	s6 =	sshll.u32 @p0 s6, $0xE  }
0xaf: {  	s6 =	sadd.s32 @p0 $0x11B8D, s6;
	s7 =	sshll.u32 @p0 s5, $0x11  }
0xb0: {  	s6 =	sor.u32 @p0 s7, s6  }
0xb1: {  	[sflag:s6] =	ssyncadd.remote.s32 @p0 $0x1;
	_ =	sdelay $0x1  }
0xb2: {  	s6 =	simm.s32 @p0 $0x1B8D  }
0xb3: {  	_ =	swait.eq @p0 [sflag:s6], $0x1  }
0xb4: {  	[sflag:s6] =	ssyncadd.s32 @p0 $0xFFFFFFFF  }
0xb5: {  	s7 =	sshll.u32 @!p0 s1, $0xE  }
0xb6: {  	s7 =	sor.u32 @!p0 $0x4000, s7;
	s6 =	simm.s32 @!p0 $0x1B8D  }
0xb7: {  	s5 =	sshll.u32 @!p0 s5, $0x11;
	s7 =	sadd.s32 @!p0 $0x11B8D, s7;
	_ =	swait.eq @!p0 [sflag:s6], $0x1  }
0xb8: {  	s5 =	sor.u32 @!p0 s5, s7;
	[sflag:s6] =	ssyncadd.s32 @!p0 $0xFFFFFFFF  }
0xb9: {  	s25 =	simm.s32 $0x1B8E;
	s24 =	sld [smem:$0x3FFE];
	[sflag:s5] =	ssyncadd.remote.s32 @!p0 $0x1  }
0xba: {  	s26 =	simm.s32 $execute0_lowered;
	[smem:$0x3FD2] =	sst s25  }
0xbb: {  	s6 =	sshll.u32 s26, $0x1;
	_ =	strace $0x8000004F;
	[dreg:$0x1] =	wrdreg $0xFFFFFFFF  }
0xbc: {  	s28 =	simm.s32 $_size_execute0_lowered;
	s4 =	sadd.s32 s4, s6;
	[dreg:$0x0] =	wrdreg $0x0  }
0xbd: {  	s6 =	sshll.u32 s28, $0x1;
	[dreg:$0x2] =	wrdreg s4  }
0xbe: {  	[dreg:$0x3] =	wrdreg s6  }
0xbf: {  	[dreg:$0x4] =	wrdreg $0xC0  }
0xc0: {  	_ =	task [dreg:s22], $0x5FFFF  }
0xc1: {  	[dreg:$0x1] =	wrdreg $0xFFFFFFFF  }
0xc2: {  	[dreg:$0x0] =	wrdreg $0x60  }
0xc3: {  	[dreg:$0x2] =	wrdreg s24  }
0xc4: {  	[dreg:$0x3] =	wrdreg s17  }
0xc5: {  	[dreg:$0x4] =	wrdreg $0x61000  }
0xc6: {  	[dreg:$0x5] =	wrdreg $0x9  }
0xc7: {  	_ =	task.clear_ibuf [dreg:s22], $0x6FFFF;
	_ =	strace $0x9000004F  }
0xc8: {  	s29 =	simm.s32 $0x9;
	_ =	strace $0x80000051  }
0xc9: {  	_ =	swait.ge [sflag:s29], $0x1  }
0xca: {  	[sflag:s29] =	ssyncadd.s32 $0xFFFFFFFF  }
0xcb: {  	_ =	strace $0x90000051  }
0xcc: {  	_ =	sfence  }
0xcd: {  	s30 =	sld [smem:$0x0];
	_ =	sdelay $0x2  }
0xce: {  	s31 =	sshll.u32 s1, $0xD;
	s1 =	sshrl.u32 s1, $0x2  }
0xcf: {  	s4 =	sand.u32 $0x4000, s31;
	s1 =	sadd.s32 s1, s30  }
0xd0: {  	s0 =	sor.u32 s4, s0;
	s1 =	sshll.u32 s1, $0x11  }
0xd1: {  	s0 =	sor.u32 s1, s0  }
0xd2: {  	s0 =	sadd.s32 $0x8F2B, s0  }
0xd3: {  	[sflag:s0] =	ssyncadd.remote.s32 $0x1  }
0xd4: {  	_ =	sfence.sel $0xFFFF  }
0xd5: {  	[dreg:$0x0] =	wrdreg $0xFFFFFFFF;
	(pc) =	sbr.abs _section_cstart, $3  }
0xd6: {  	[dreg:$0x1] =	wrdreg $0xFFFFFFFF  }
0xd7: {  	_ =	task.clear_ibuf [dreg:s22], $0x2FFFF;
	_ =	strace $0x9FFFFFFF  }
0xd8: {  	(tm) =	ssettm $0x7FFFFFFF  }
0xd9: {  	_ =	shalt  }
tec
execute0_lowered:
.L_overlay_start_1:
0x0: {  	(tag) =	ssettag $0x1  }
0x1: {  	s6 =	rddreg [dreg:$0x0]  }
0x2: {  	s8 =	rddreg [dreg:$0x1]  }
0x3: {  	s1 =	rddreg [dreg:$0x2]  }
0x4: {  	s0 =	rddreg [dreg:$0x3]  }
0x5: {  	s3 =	simm.s32 $0x0;
	s2 =	srdreg.scid;
	s18 =	simm.s32 $0x2900  }
0x6: {  	s19 =	simm.s32 $0x1;
	s20 =	simm.s32 $0x80;
	s21 =	simm.s32 $0x100  }
0x7: {  	s22 =	simm.s32 $0x1900;
	[smem:$0x7FF] =	sst s3;
	s7 =	sand.u32 $0x1, s2  }
0x8: {  	s2 =	stileid.u32;
	s4 =	sadd.s32 $0xFA00, s6;
	s5 =	sadd.s32 $0x2BC400, s6  }
0x9: {  	s6 =	sadd.s32 $0x71800, s6;
	s9 =	smul.u32 $0x188000, s7;
	_ =	strace $0x80000050  }
0xa: {  	s10 =	smul.u32 $0x18800, s2;
	s11 =	ssub.s32 $0x2, s7;
	s13 =	sshll.u32 s2, $0x1  }
0xb: {  	s14 =	smul.u32 $0x62000, s2;
	s12 =	sshrl.u32 s11, $0x1;
	s13 =	sor.u32 s7, s13  }
0xc: {  	s9 =	sadd.s32 s10, s9;
	s11 =	ssub.s32 s11, s12;
	s7 =	sshll.u32 s13, $0x7  }
0xd: {  	s23 =	sadd.s32 s10, s1;
	s30 =	ssub.s32 $0x188A, s13;
	s31 =	sshrl.u32 s14, $0x2  }
0xe: {  	s9 =	sshrl.u32 s9, $0x3;
	s10 =	smax.u32 s11, $0x1;
	s11 =	sadd.s32 s31, s1  }
0xf: {  	s23 =	sshrl.u32 s23, $0x3;
	s8 =	sadd.s32 s8, s9;
	s9 =	sshrl.u32 s30, $0x5  }
0x10: {  	s12 =	sadd.s32 $0x3800, s11;
	s13 =	sadd.s32 $0x7000, s11;
	s14 =	sadd.s32 $0xA800, s11  }
0x11: {  	v0 =	vimm.f32 $0.0e+00;
	s15 =	sadd.s32 $0xE000, s11;
	s16 =	sadd.s32 $0x11800, s11;
	s17 =	sadd.s32 $0x15000, s11  }
.LBB2_1:
0x12: {  	s24 =	simm.s32 $0x80;
	s25 =	simm.s32 $0x0  }
.LBB2_2:
0x13: {  	p0 =	sne.s32 s24, $0xDF80;
	[tilespmem:s25+$0x2900] =	vst v0;
	s26 =	smov.u32 s24;
	s24 =	sadd.s32 $0x80, s24  }
.Ltmp0:
0x14: {  	[tilespmem:s25+$0x2910] =	vst v0;
	(pc) =	sbr.rel @p0 .LBB2_2-.Ltmp0, $2  }
0x15: {  	_ =	sdelay $0x2  }
0x16: {  	s25 =	sshra.s32 s26, $0x2  }
0x17: {  	[tilespmem:s25+$0x2900] =	vst v0  }
0x18: {  	[tilespmem:s25+$0x2910] =	vst v0  }
0x19: {  	[spmem:s11] =	stream.linear.scatter [tilespmem:s18], [sflag:$0x1], $0x3800, $0x38;
	[tilespmem:$0x1E900] =	vst v63  }
0x1a: {  	_ =	swait.ge [sflag:s19], $0x3800  }
0x1b: {  	[sflag:s19] =	ssyncset.done $0x0  }
0x1c: {  	[sflag:s19] =	ssyncadd.s32 $0xFFFFC800  }
0x1d: {  	[spmem:s12] =	stream.linear.scatter [tilespmem:s18], [sflag:$0x1], $0x3800, $0x38;
	[tilespmem:$0x1E900] =	vst v63  }
0x1e: {  	_ =	swait.ge [sflag:s19], $0x3800  }
0x1f: {  	[sflag:s19] =	ssyncset.done $0x0  }
0x20: {  	[sflag:s19] =	ssyncadd.s32 $0xFFFFC800  }
0x21: {  	[spmem:s13] =	stream.linear.scatter [tilespmem:s18], [sflag:$0x1], $0x3800, $0x38;
	[tilespmem:$0x1E900] =	vst v63  }
0x22: {  	_ =	swait.ge [sflag:s19], $0x3800  }
0x23: {  	[sflag:s19] =	ssyncset.done $0x0  }
0x24: {  	[sflag:s19] =	ssyncadd.s32 $0xFFFFC800  }
0x25: {  	[spmem:s14] =	stream.linear.scatter [tilespmem:s18], [sflag:$0x1], $0x3800, $0x38;
	[tilespmem:$0x1E900] =	vst v63  }
0x26: {  	_ =	swait.ge [sflag:s19], $0x3800  }
0x27: {  	[sflag:s19] =	ssyncset.done $0x0  }
0x28: {  	[sflag:s19] =	ssyncadd.s32 $0xFFFFC800  }
0x29: {  	[spmem:s15] =	stream.linear.scatter [tilespmem:s18], [sflag:$0x1], $0x3800, $0x38;
	[tilespmem:$0x1E900] =	vst v63  }
0x2a: {  	_ =	swait.ge [sflag:s19], $0x3800  }
0x2b: {  	[sflag:s19] =	ssyncset.done $0x0  }
0x2c: {  	[sflag:s19] =	ssyncadd.s32 $0xFFFFC800  }
0x2d: {  	[spmem:s16] =	stream.linear.scatter [tilespmem:s18], [sflag:$0x1], $0x3800, $0x38;
	[tilespmem:$0x1E900] =	vst v63  }
0x2e: {  	_ =	swait.ge [sflag:s19], $0x3800  }
0x2f: {  	[sflag:s19] =	ssyncset.done $0x0  }
0x30: {  	[sflag:s19] =	ssyncadd.s32 $0xFFFFC800  }
0x31: {  	[spmem:s17] =	stream.linear.scatter [tilespmem:s18], [sflag:$0x1], $0x3800, $0x38;
	[tilespmem:$0x1E900] =	vst v63  }
0x32: {  	_ =	swait.ge [sflag:s19], $0x3800  }
0x33: {  	[sflag:s19] =	ssyncset.done $0x0  }
0x34: {  	[sflag:s19] =	ssyncadd.s32 $0xFFFFC800  }
0x35: {  	s24 =	simm.s32 $0x0;
	s25 =	simm.s32 $0x0;
	[bflag:$0x0] =	sbarrier.arrive $0xFFFF  }
.LBB2_4:
0x36: {  	s26 =	sshll.u32 s25, $0xC  }
0x37: {  	s26 =	sor.u32 s7, s26  }
0x38: {  	s28 =	sshrl.u32 s26, $0x3  }
0x39: {  	s28 =	sadd.s32 s4, s28  }
0x3a: {  	[tilespmem:s24], [sflag:$0x1] =	stream.linear.gather [hbm4b:s28+s24], $0x80, $0x38;
	[tilespmem:$0x1E900] =	vst v63  }
0x3b: {  	s28 =	sadd.s32 $0xC3580, s26;
	_ =	swait.ge [sflag:s19], $0x80  }
0x3c: {  	s28 =	sshrl.u32 s28, $0x3;
	[sflag:s19] =	ssyncset.done $0x0  }
0x3d: {  	s28 =	sadd.s32 s4, s28;
	[sflag:s19] =	ssyncadd.s32 $0xFFFFFF80  }
0x3e: {  	[tilespmem:s20], [sflag:$0x1] =	stream.linear.gather [hbm4b:s28+s24], $0x80, $0x38;
	[tilespmem:$0x1E900] =	vst v63  }
0x3f: {  	_ =	swait.ge [sflag:s19], $0x80  }
0x40: {  	[sflag:s19] =	ssyncset.done $0x0  }
0x41: {  	[sflag:s19] =	ssyncadd.s32 $0xFFFFFF80  }
0x42: {  	[tilespmem:s21], [sflag:$0x1] =	stream.indirect.gather [hbm4b:s5+s20], $0x20, s24, s20, $0xb8;
	[tilespmem:$0x1E900] =	vst v63  }
0x43: {  	s26 =	sshll.u32 s26, $0x1;
	_ =	swait.ge [sflag:s19], $0x1000  }
0x44: {  	s26 =	sand.u32 $0x1FFFFF00, s26;
	[sflag:s19] =	ssyncset.done $0x0  }
0x45: {  	s28 =	sadd.s32 s6, s26;
	s26 =	simm.s32 $0x1100;
	[sflag:s19] =	ssyncadd.s32 $0xFFFFF000  }
0x46: {  	[tilespmem:s26], [sflag:$0x1] =	stream.linear.gather [hbm4b:s28+s24], $0x800, $0x38;
	[tilespmem:$0x1E900] =	vst v63  }
0x47: {  	_ =	swait.ge [sflag:s19], $0x800  }
0x48: {  	[sflag:s19] =	ssyncset.done $0x0  }
0x49: {  	[sflag:s19] =	ssyncadd.s32 $0xFFFFF800  }
0x4a: {  	s29 =	simm.s32 $0x80;
	s28 =	simm.s32 $0x0;
	v1 =	vld [tilespmem:s26+$0x0]  }
.LBB2_5:
0x4b: {  	p0 =	sne.s32 s29, $0x3F80;
	v2 =	vld [tilespmem:s28+$0x100]  }
0x4c: {  	v3 =	vld [tilespmem:s28+$0x110];
	_ =	sdelay $0x2  }
0x4d: {  	v4 =	vbroadcast v1, $0x0;
	v1 =	vbroadcast v1, $0x1;
	_ =	sdelay $0x1  }
.Ltmp1:
0x4e: {  	v2 =	vmul.f32 v4, v2;
	v1 =	vmul.f32 v3, v1;
	(pc) =	sbr.rel @p0 .LBB2_5-.Ltmp1, $4  }
0x4f: {  	_ = 	snop  }
0x50: {  	[tilespmem:s28+$0x1900] =	vst v2  }
0x51: {  	s26 =	sadd.s32 $0x10, s26;
	[tilespmem:s28+$0x1910] =	vst v1  }
0x52: {  	s28 =	sshra.s32 s29, $0x2;
	s29 =	sadd.s32 $0x80, s29;
	v1 =	vld [tilespmem:s26+$0x0]  }
0x53: {  	_ = 	snop  }
0x54: {  	v2 =	vld [tilespmem:s28+$0x100]  }
0x55: {  	v3 =	vld [tilespmem:s28+$0x110];
	_ =	sdelay $0x1  }
0x56: {  	v4 =	vbroadcast v1, $0x0  }
0x57: {  	v1 =	vbroadcast v1, $0x1  }
0x58: {  	v2 =	vmul.f32 v4, v2  }
0x59: {  	s25 =	sadd.s32 $0x1, s25;
	v1 =	vmul.f32 v3, v1  }
0x5a: {  	p0 =	sne.s32 s25, s9;
	[tilespmem:s28+$0x1900] =	vst v2  }
.Ltmp2:
0x5b: {  	[tilespmem:s28+$0x1910] =	vst v1;
	(pc) =	sbr.rel @p0 .LBB2_4-.Ltmp2, $4  }
0x5c: {  	[spmem:s1] =	stream.indirect.scatter.add.f32 [tilespmem:s22], [sflag:$0x1], $0x20, s20, s20, $0xb8;
	[tilespmem:$0x1E900] =	vst v63  }
0x5d: {  	_ =	swait.ge [sflag:s19], $0x1000  }
0x5e: {  	[sflag:s19] =	ssyncset.done $0x0  }
0x5f: {  	[sflag:s19] =	ssyncadd.s32 $0xFFFFF000  }
0x60: {  	s3 =	sadd.s32 $0x1, s3  }
0x61: {  	s24 =	sshll.u32 s2, $0x6;
	p0 =	sne.s32 s3, s10  }
.Ltmp3:
0x62: {  	[bflag:$0x0] =	sbarrier.arrive $0xFFFF;
	s24 =	sor.u32 $0x1C01, s24;
	(pc) =	sbr.rel @p0 .LBB2_1-.Ltmp3, $4  }
0x63: {  	[hbm:s8], [sflag:s24] =	dma.local [spmem:s23], $0x3100  }
0x64: {  	_ =	swait.ge [sflag:s19], $0x3100  }
0x65: {  	[sflag:s19] =	ssyncset.done $0x0  }
0x66: {  	[sflag:s19] =	ssyncadd.s32 $0xFFFFCF00  }
0x67: {  	_ =	sfence.sel $0x180000  }
0x68: {  	[bflag:$0x0] =	sbarrier.arrive $0xFFFF  }
0x69: {  	p0 =	sne.s32 s2, $0x0;
	_ =	strace $0x90000050  }
0x6a: {  	s0 =	sadd.s32 @!p0 $0x100000, s0;
	[bflag:$0x2] =	sbarrier.arrive $0xFFFF  }
0x6b: {  	[sflag:s0] =	ssyncadd.tile.s32 @!p0 $0x1;
	_ =	shalt  }
.Lfunc_end2:
_tile_overlayer_lowered:
.L_overlay_start_2:
0x6c: {  	(tag) =	ssettag $0x2  }
0x6d: {  	s0 =	rddreg [dreg:$0x0];
	s2 =	stileid.u32  }
0x6e: {  	s1 =	rddreg [dreg:$0x1];
	p0 =	sne.s32 s2, $0x0  }
0x6f: {  	s3 =	rddreg [dreg:$0x2];
	[bflag:$0x3] =	sbarrier.arrive $0xFFFF;
	s2 =	simm.s32 @!p0 $0x1C01  }
0x70: {  	[timem:s3], [sflag:s2] =	dma.local @!p0 [hbm:s0], s1  }
0x71: {  	s0 =	simm.s32 @!p0 $0x1  }
0x72: {  	_ =	swait.ge @!p0 [sflag:s0], s1  }
0x73: {  	s1 =	ssub.s32 @!p0 $0x0, s1;
	[sflag:s0] =	ssyncset.done @!p0 $0x0  }
0x74: {  	[sflag:s0] =	ssyncadd.s32 @!p0 s1  }
0x75: {  	[bflag:$0x3] =	sbarrier.arrive $0xFFFF  }
0x76: {  	_ =	shalt  }

// kernel: kernel.21.cloned.1.call-start
scs
__scs_entry_jumppad:
0x0: {  	(pc) =	sbr.rel $0x88, $3  }
0x1: {  	(tag) =	ssettag $0x0;
	lr =	simm.s32 $0x1  }
0x2: {  	[smem:$0x3F91] =	sst lr;
	_ =	strace $0xD0000000  }
0x3: {  	_ = 	snop  }
0x4: {  	_ = 	snop  }
0x5: {  	_ = 	snop  }
0x6: {  	_ = 	snop  }
0x7: {  	_ = 	snop  }
__scs_overlays_trampoline_lowered:
0x8: {  	[smem:$0x3FA0] =	sst s0  }
0x9: {  	[smem:$0x3FA1] =	sst s1  }
0xa: {  	[smem:$0x3FA2] =	sst s2  }
0xb: {  	[smem:$0x3FA3] =	sst s3  }
0xc: {  	[smem:$0x3FA4] =	sst s4  }
0xd: {  	[smem:$0x3FA5] =	sst s5  }
0xe: {  	[smem:$0x3FA6] =	sst s6  }
0xf: {  	[smem:$0x3FA7] =	sst s7  }
0x10: {  	[smem:$0x3FA8] =	sst s8  }
0x11: {  	[smem:$0x3FA9] =	sst s9;
	s0 =	simm.s32 @!p0 $0x0  }
0x12: {  	s1 =	sld [smem:$0x3F8F];
	s0 =	simm.s32 @p0 $0x1  }
0x13: {  	[smem:$0x3FAA] =	sst s0;
	s0 =	simm.s32 @!p1 $0x0  }
0x14: {  	s2 =	sld [smem:$0x3F8E];
	s0 =	simm.s32 @p1 $0x1  }
0x15: {  	[smem:$0x3FAB] =	sst s0;
	s0 =	simm.s32 @!p2 $0x0  }
0x16: {  	s3 =	sld [smem:$0x3FDB];
	s0 =	simm.s32 @p2 $0x1  }
0x17: {  	s4 =	simm.s32 $0x1BF5;
	[smem:$0x3FAD] =	sst s0  }
0x18: {  	s0 =	sld [smem:$0x3F90];
	_ =	swait.ge [sflag:s4], $0x0  }
0x19: {  	s7 =	sld [smem:$0x3F91]  }
0x1a: {  	s8 =	sadd.s32 $0xFFFFE003, lr  }
0x1b: {  	s9 =	sadd.s32 $0xFFFFFEF7, lr;
	s5 =	simm.s32 $0xFFFFFFFF;
	p2 =	slt.u32 s8, $0xFFFFF086  }
0x1c: {  	p1 =	slt.u32 s9, $0xF7A;
	s5 =	simm.s32 @!p2 $0x0  }
0x1d: {  	s5 =	simm.s32 @p1 $0x1;
	p0 =	seq.s32 s7, s2  }
0x1e: {  	s7 =	smul.u32 @!p0 $0xF7A, s2;
	p2 =	seq.s32 @!p0 s5, $0x0  }
0x1f: {  	s9 =	smul.u32 $0xF7A, s1;
	s8 =	simm.s32 @!p0 $0x1BF5;
	p2 =	por !p2, p0  }
0x20: {  	[sflag:s8] =	ssyncset.s32 @!p0 $0xFFFFF086;
	s6 =	sadd.s32 @!p0 s3, s7;
	s7 =	simm.s32 @!p0 $0x108  }
0x21: {  	s3 =	sadd.s32 s3, s9;
	s6 =	sadd.s32 @!p0 $0x88, s6;
	s7 =	simm.s32 @p2 $0x1082  }
0x22: {  	[simem:s7], [sflag:s8] =	dma.local @!p0 [hbm:s6], $0xF7A  }
0x23: {  	s9 =	sor.u32 $0xD0000000, s2;
	s6 =	simm.s32 $0x108;
	_ =	swait.ge @!p0 [sflag:s8], $0x0  }
0x24: {  	s3 =	sadd.s32 $0x88, s3;
	s6 =	simm.s32 @!p1 $0x1082;
	[sflag:s4] =	ssyncset.s32 $0xFFFFF086  }
0x25: {  	[simem:s6], [sflag:s4] =	dma.local [hbm:s3], $0xF7A  }
0x26: {  	[smem:$0x3F91] =	sst s1;
	(tag) =	ssettag s2;
	_ =	strace s9  }
0x27: {  	s1 =	sld [smem:$0x3FA1]  }
0x28: {  	s2 =	sld [smem:$0x3FA2]  }
0x29: {  	s4 =	sld [smem:$0x3FA4]  }
0x2a: {  	p0 =	seq.s32 s5, $0x0;
	s5 =	sld [smem:$0x3FA5]  }
0x2b: {  	s6 =	sld [smem:$0x3FA6]  }
0x2c: {  	s7 =	sld [smem:$0x3FA7]  }
0x2d: {  	s3 =	simm.s32 $0x108;
	s8 =	sld [smem:$0x3FA8]  }
0x2e: {  	s3 =	simm.s32 @!p0 $0x1082;
	s9 =	sld [smem:$0x3FA9]  }
0x2f: {  	lr =	sadd.s32 s0, s3;
	s0 =	sld [smem:$0x3FA0]  }
0x30: {  	s3 =	sld [smem:$0x3FA3]  }
0x31: {  	[smem:$0x3FAC] =	sst s10  }
0x32: {  	s10 =	sld [smem:$0x3FAA];
	_ =	sdelay $0x3  }
0x33: {  	p0 =	seq.s32 s10, $0x1;
	s10 =	sld [smem:$0x3FAC];
	_ =	sdelay $0x3  }
0x34: {  	[smem:$0x3FAC] =	sst s10  }
0x35: {  	s10 =	sld [smem:$0x3FAB];
	_ =	sdelay $0x3  }
0x36: {  	p1 =	seq.s32 s10, $0x1;
	s10 =	sld [smem:$0x3FAC];
	_ =	sdelay $0x3  }
0x37: {  	[smem:$0x3FAC] =	sst s10  }
0x38: {  	s10 =	sld [smem:$0x3FAD]  }
0x39: {  	_ = 	snop;
	(pc) =	sbr.ind lr, $3  }
0x3a: {  	_ = 	snop  }
0x3b: {  	_ = 	snop  }
0x3c: {  	p2 =	seq.s32 s10, $0x1;
	s10 =	sld [smem:$0x3FAC]  }
0x3d: {  	_ =	shalt  }
0x3e: {  	_ =	shalt  }
0x3f: {  	_ =	shalt  }
0x40: {  	_ =	shalt  }
0x41: {  	_ =	shalt  }
0x42: {  	_ =	shalt  }
0x43: {  	_ =	shalt  }
0x44: {  	_ =	shalt  }
0x45: {  	_ =	shalt  }
0x46: {  	_ =	shalt  }
0x47: {  	_ =	shalt  }
0x48: {  	_ =	shalt  }
0x49: {  	_ =	shalt  }
0x4a: {  	_ =	shalt  }
0x4b: {  	_ =	shalt  }
0x4c: {  	_ =	shalt  }
0x4d: {  	_ =	shalt  }
0x4e: {  	_ =	shalt  }
0x4f: {  	_ =	shalt  }
0x50: {  	_ =	shalt  }
0x51: {  	_ =	shalt  }
0x52: {  	_ =	shalt  }
0x53: {  	_ =	shalt  }
0x54: {  	_ =	shalt  }
0x55: {  	_ =	shalt  }
0x56: {  	_ =	shalt  }
0x57: {  	_ =	shalt  }
0x58: {  	_ =	shalt  }
0x59: {  	_ =	shalt  }
0x5a: {  	_ =	shalt  }
0x5b: {  	_ =	shalt  }
0x5c: {  	_ =	shalt  }
0x5d: {  	_ =	shalt  }
0x5e: {  	_ =	shalt  }
0x5f: {  	_ =	shalt  }
0x60: {  	_ =	shalt  }
0x61: {  	_ =	shalt  }
0x62: {  	_ =	shalt  }
0x63: {  	_ =	shalt  }
0x64: {  	_ =	shalt  }
0x65: {  	_ =	shalt  }
0x66: {  	_ =	shalt  }
0x67: {  	_ =	shalt  }
0x68: {  	_ =	shalt  }
0x69: {  	_ =	shalt  }
0x6a: {  	_ =	shalt  }
0x6b: {  	_ =	shalt  }
0x6c: {  	_ =	shalt  }
0x6d: {  	_ =	shalt  }
0x6e: {  	_ =	shalt  }
0x6f: {  	_ =	shalt  }
0x70: {  	_ =	shalt  }
0x71: {  	_ =	shalt  }
0x72: {  	_ =	shalt  }
0x73: {  	_ =	shalt  }
0x74: {  	_ =	shalt  }
0x75: {  	_ =	shalt  }
0x76: {  	_ =	shalt  }
0x77: {  	_ =	shalt  }
0x78: {  	_ =	shalt  }
0x79: {  	_ =	shalt  }
0x7a: {  	_ =	shalt  }
0x7b: {  	_ =	shalt  }
0x7c: {  	_ =	shalt  }
0x7d: {  	_ =	shalt  }
0x7e: {  	_ =	shalt  }
0x7f: {  	_ =	shalt  }
0x80: {  	_ =	shalt  }
0x81: {  	_ =	shalt  }
0x82: {  	_ =	shalt  }
0x83: {  	_ =	shalt  }
0x84: {  	_ =	shalt  }
0x85: {  	_ =	shalt  }
0x86: {  	_ =	shalt  }
0x87: {  	_ =	shalt  }
.Lfunc_end0:
.L_simem_size_0:
called_computation.2_lowered:
.L_overlay_start_0:
0x88: {  	s2 =	sld [smem:$0x3FD9]  }
0x89: {  	s3 =	sld [smem:$0x3FFE];
	_ =	sdelay $0x1  }
0x8a: {  	s1 =	srdreg.scid  }
0x8b: {  	s0 =	sand.u32 $0x1, s1  }
0x8c: {  	s15 =	sshll.u32 s0, $0xA;
	s2 =	sadd.s32 s3, s2  }
0x8d: {  	s2 =	sadd.s32 s2, s15  }
0x8e: {  	[smem:$0x3FB8] =	sst s2  }
0x8f: {  	_ = 	snop  }
0x90: {  	s2 =	sld [smem:$0x3FD0];
	_ =	sdelay $0x2  }
0x91: {  	s16 =	simm.s32 $0xC;
	s4 =	simm.s32 $0x10  }
0x92: {  	[smem:s4], [sflag:s16] =	dma.local [hbm:s2], $0x1  }
0x93: {  	_ =	swait.eq [sflag:s16], $0x1  }
0x94: {  	[sflag:s16] =	ssyncset.done $0x0  }
0x95: {  	[sflag:s16] =	ssyncadd.s32 $0xFFFFFFFF  }
0x96: {  	s17 =	sld [smem:$0x10];
	(tm) =	ssettm $0x1  }
0x97: {  	s18 =	sld [smem:$0x3FFB];
	_ =	sdelay $0x3  }
0x98: {  	_ =	strace s18  }
0x99: {  	s2 =	sld [smem:$0x3FFC];
	_ =	sdelay $0x3  }
0x9a: {  	_ =	strace s2  }
0x9b: {  	s2 =	sld [smem:$0x3FFD];
	_ =	sdelay $0x3  }
0x9c: {  	_ =	strace s2  }
0x9d: {  	_ =	strace $0x8FFFFFFF  }
0x9e: {  	s19 =	sld [smem:$0x3FDB];
	_ =	sdelay $0x1  }
0x9f: {  	s20 =	simm.s32 $_scs_section_size  }
0xa0: {  	s5 =	simm.s32 $_size__tile_overlayer_lowered;
	s6 =	simm.s32 $_tile_overlayer_lowered  }
0xa1: {  	s7 =	simm.s32 $0x1BFF;
	s21 =	sshll.u32 s6, $0x1;
	s4 =	sadd.s32 s20, s19  }
0xa2: {  	s22 =	simm.s32 $0x0;
	s5 =	sshll.u32 s5, $0x1;
	s6 =	sadd.s32 s21, s4  }
0xa3: {  	[timem:s22], [sflag:s7] =	dma.local [hbm:s6], s5  }
0xa4: {  	_ =	swait.ge [sflag:s7], s5  }
0xa5: {  	s5 =	ssub.s32 $0x0, s5;
	[sflag:s7] =	ssyncset.done $0x0  }
0xa6: {  	[sflag:s7] =	ssyncadd.s32 s5;
	_ =	sdelay $0x1  }
0xa7: {  	s23 =	simm.s32 $0x1B8B  }
0xa8: {  	_ =	swait.ge [sflag:s23], $0x1  }
0xa9: {  	[sflag:s23] =	ssyncset.done $0x0  }
0xaa: {  	[sflag:s23] =	ssyncadd.s32 $0xFFFFFFFF  }
0xab: {  	s5 =	sld [smem:$0x0]  }
0xac: {  	s6 =	sand.u32 $0xFFFFFFFE, s1  }
0xad: {  	p0 =	sne.s32 s1, s6  }
0xae: {  	s6 =	sshll.u32 @p0 s6, $0xE  }
0xaf: {  	s6 =	sadd.s32 @p0 $0x11B8D, s6;
	s7 =	sshll.u32 @p0 s5, $0x11  }
0xb0: {  	s6 =	sor.u32 @p0 s7, s6  }
0xb1: {  	[sflag:s6] =	ssyncadd.remote.s32 @p0 $0x1;
	_ =	sdelay $0x1  }
0xb2: {  	s6 =	simm.s32 @p0 $0x1B8D  }
0xb3: {  	_ =	swait.eq @p0 [sflag:s6], $0x1  }
0xb4: {  	[sflag:s6] =	ssyncadd.s32 @p0 $0xFFFFFFFF  }
0xb5: {  	s7 =	sshll.u32 @!p0 s1, $0xE  }
0xb6: {  	s7 =	sor.u32 @!p0 $0x4000, s7;
	s6 =	simm.s32 @!p0 $0x1B8D  }
0xb7: {  	s5 =	sshll.u32 @!p0 s5, $0x11;
	s7 =	sadd.s32 @!p0 $0x11B8D, s7;
	_ =	swait.eq @!p0 [sflag:s6], $0x1  }
0xb8: {  	s5 =	sor.u32 @!p0 s5, s7;
	[sflag:s6] =	ssyncadd.s32 @!p0 $0xFFFFFFFF  }
0xb9: {  	s25 =	simm.s32 $0x1B8E;
	s24 =	sld [smem:$0x3FFE];
	[sflag:s5] =	ssyncadd.remote.s32 @!p0 $0x1  }
0xba: {  	s26 =	simm.s32 $execute0_lowered;
	[smem:$0x3FD2] =	sst s25  }
0xbb: {  	s6 =	sshll.u32 s26, $0x1;
	_ =	strace $0x8000004C;
	[dreg:$0x1] =	wrdreg $0xFFFFFFFF  }
0xbc: {  	s28 =	simm.s32 $_size_execute0_lowered;
	s4 =	sadd.s32 s4, s6;
	[dreg:$0x0] =	wrdreg $0x0  }
0xbd: {  	s6 =	sshll.u32 s28, $0x1;
	[dreg:$0x2] =	wrdreg s4  }
0xbe: {  	[dreg:$0x3] =	wrdreg s6  }
0xbf: {  	[dreg:$0x4] =	wrdreg $0xC0  }
0xc0: {  	_ =	task [dreg:s22], $0x5FFFF  }
0xc1: {  	[dreg:$0x1] =	wrdreg $0xFFFFFFFF  }
0xc2: {  	[dreg:$0x0] =	wrdreg $0x60  }
0xc3: {  	[dreg:$0x2] =	wrdreg s24  }
0xc4: {  	[dreg:$0x3] =	wrdreg s17  }
0xc5: {  	[dreg:$0x4] =	wrdreg $0x61000  }
0xc6: {  	[dreg:$0x5] =	wrdreg $0xA  }
0xc7: {  	_ =	task.clear_ibuf [dreg:s22], $0x6FFFF;
	_ =	strace $0x9000004C  }
0xc8: {  	s29 =	simm.s32 $0xA;
	_ =	strace $0x8000004E  }
0xc9: {  	_ =	swait.ge [sflag:s29], $0x1  }
0xca: {  	[sflag:s29] =	ssyncadd.s32 $0xFFFFFFFF  }
0xcb: {  	_ =	strace $0x9000004E  }
0xcc: {  	_ =	sfence  }
0xcd: {  	s30 =	sld [smem:$0x0];
	_ =	sdelay $0x2  }
0xce: {  	s31 =	sshll.u32 s1, $0xD;
	s1 =	sshrl.u32 s1, $0x2  }
0xcf: {  	s4 =	sand.u32 $0x4000, s31;
	s1 =	sadd.s32 s1, s30  }
0xd0: {  	s0 =	sor.u32 s4, s0;
	s1 =	sshll.u32 s1, $0x11  }
0xd1: {  	s0 =	sor.u32 s1, s0  }
0xd2: {  	s0 =	sadd.s32 $0x8F2B, s0  }
0xd3: {  	[sflag:s0] =	ssyncadd.remote.s32 $0x1  }
0xd4: {  	_ =	sfence.sel $0xFFFF  }
0xd5: {  	[dreg:$0x0] =	wrdreg $0xFFFFFFFF;
	(pc) =	sbr.abs _section_cstart, $3  }
0xd6: {  	[dreg:$0x1] =	wrdreg $0xFFFFFFFF  }
0xd7: {  	_ =	task.clear_ibuf [dreg:s22], $0x2FFFF;
	_ =	strace $0x9FFFFFFF  }
0xd8: {  	(tm) =	ssettm $0x7FFFFFFF  }
0xd9: {  	_ =	shalt  }
tec
execute0_lowered:
.L_overlay_start_1:
0x0: {  	(tag) =	ssettag $0x1  }
0x1: {  	s6 =	rddreg [dreg:$0x0]  }
0x2: {  	s8 =	rddreg [dreg:$0x1]  }
0x3: {  	s1 =	rddreg [dreg:$0x2]  }
0x4: {  	s0 =	rddreg [dreg:$0x3]  }
0x5: {  	s3 =	simm.s32 $0x0;
	s2 =	srdreg.scid;
	s18 =	simm.s32 $0x2900  }
0x6: {  	s19 =	simm.s32 $0x1;
	s20 =	simm.s32 $0x80;
	s21 =	simm.s32 $0x100  }
0x7: {  	s22 =	simm.s32 $0x1900;
	[smem:$0x7FF] =	sst s3;
	s7 =	sand.u32 $0x1, s2  }
0x8: {  	s2 =	stileid.u32;
	s4 =	sadd.s32 $0xFA00, s6;
	s5 =	sadd.s32 $0x28B400, s6  }
0x9: {  	s6 =	sadd.s32 $0x71800, s6;
	s9 =	smul.u32 $0x188000, s7;
	_ =	strace $0x8000004D  }
0xa: {  	s10 =	smul.u32 $0x18800, s2;
	s11 =	ssub.s32 $0x2, s7;
	s13 =	sshll.u32 s2, $0x1  }
0xb: {  	s14 =	smul.u32 $0x62000, s2;
	s12 =	sshrl.u32 s11, $0x1;
	s13 =	sor.u32 s7, s13  }
0xc: {  	s9 =	sadd.s32 s10, s9;
	s11 =	ssub.s32 s11, s12;
	s7 =	sshll.u32 s13, $0x7  }
0xd: {  	s23 =	sadd.s32 s10, s1;
	s30 =	ssub.s32 $0x188A, s13;
	s31 =	sshrl.u32 s14, $0x2  }
0xe: {  	s9 =	sshrl.u32 s9, $0x3;
	s10 =	smax.u32 s11, $0x1;
	s11 =	sadd.s32 s31, s1  }
0xf: {  	s23 =	sshrl.u32 s23, $0x3;
	s8 =	sadd.s32 s8, s9;
	s9 =	sshrl.u32 s30, $0x5  }
0x10: {  	s12 =	sadd.s32 $0x3800, s11;
	s13 =	sadd.s32 $0x7000, s11;
	s14 =	sadd.s32 $0xA800, s11  }
0x11: {  	v0 =	vimm.f32 $0.0e+00;
	s15 =	sadd.s32 $0xE000, s11;
	s16 =	sadd.s32 $0x11800, s11;
	s17 =	sadd.s32 $0x15000, s11  }
.LBB2_1:
0x12: {  	s24 =	simm.s32 $0x80;
	s25 =	simm.s32 $0x0  }
.LBB2_2:
0x13: {  	p0 =	sne.s32 s24, $0xDF80;
	[tilespmem:s25+$0x2900] =	vst v0;
	s26 =	smov.u32 s24;
	s24 =	sadd.s32 $0x80, s24  }
.Ltmp0:
0x14: {  	[tilespmem:s25+$0x2910] =	vst v0;
	(pc) =	sbr.rel @p0 .LBB2_2-.Ltmp0, $2  }
0x15: {  	_ =	sdelay $0x2  }
0x16: {  	s25 =	sshra.s32 s26, $0x2  }
0x17: {  	[tilespmem:s25+$0x2900] =	vst v0  }
0x18: {  	[tilespmem:s25+$0x2910] =	vst v0  }
0x19: {  	[spmem:s11] =	stream.linear.scatter [tilespmem:s18], [sflag:$0x1], $0x3800, $0x38;
	[tilespmem:$0x1E900] =	vst v63  }
0x1a: {  	_ =	swait.ge [sflag:s19], $0x3800  }
0x1b: {  	[sflag:s19] =	ssyncset.done $0x0  }
0x1c: {  	[sflag:s19] =	ssyncadd.s32 $0xFFFFC800  }
0x1d: {  	[spmem:s12] =	stream.linear.scatter [tilespmem:s18], [sflag:$0x1], $0x3800, $0x38;
	[tilespmem:$0x1E900] =	vst v63  }
0x1e: {  	_ =	swait.ge [sflag:s19], $0x3800  }
0x1f: {  	[sflag:s19] =	ssyncset.done $0x0  }
0x20: {  	[sflag:s19] =	ssyncadd.s32 $0xFFFFC800  }
0x21: {  	[spmem:s13] =	stream.linear.scatter [tilespmem:s18], [sflag:$0x1], $0x3800, $0x38;
	[tilespmem:$0x1E900] =	vst v63  }
0x22: {  	_ =	swait.ge [sflag:s19], $0x3800  }
0x23: {  	[sflag:s19] =	ssyncset.done $0x0  }
0x24: {  	[sflag:s19] =	ssyncadd.s32 $0xFFFFC800  }
0x25: {  	[spmem:s14] =	stream.linear.scatter [tilespmem:s18], [sflag:$0x1], $0x3800, $0x38;
	[tilespmem:$0x1E900] =	vst v63  }
0x26: {  	_ =	swait.ge [sflag:s19], $0x3800  }
0x27: {  	[sflag:s19] =	ssyncset.done $0x0  }
0x28: {  	[sflag:s19] =	ssyncadd.s32 $0xFFFFC800  }
0x29: {  	[spmem:s15] =	stream.linear.scatter [tilespmem:s18], [sflag:$0x1], $0x3800, $0x38;
	[tilespmem:$0x1E900] =	vst v63  }
0x2a: {  	_ =	swait.ge [sflag:s19], $0x3800  }
0x2b: {  	[sflag:s19] =	ssyncset.done $0x0  }
0x2c: {  	[sflag:s19] =	ssyncadd.s32 $0xFFFFC800  }
0x2d: {  	[spmem:s16] =	stream.linear.scatter [tilespmem:s18], [sflag:$0x1], $0x3800, $0x38;
	[tilespmem:$0x1E900] =	vst v63  }
0x2e: {  	_ =	swait.ge [sflag:s19], $0x3800  }
0x2f: {  	[sflag:s19] =	ssyncset.done $0x0  }
0x30: {  	[sflag:s19] =	ssyncadd.s32 $0xFFFFC800  }
0x31: {  	[spmem:s17] =	stream.linear.scatter [tilespmem:s18], [sflag:$0x1], $0x3800, $0x38;
	[tilespmem:$0x1E900] =	vst v63  }
0x32: {  	_ =	swait.ge [sflag:s19], $0x3800  }
0x33: {  	[sflag:s19] =	ssyncset.done $0x0  }
0x34: {  	[sflag:s19] =	ssyncadd.s32 $0xFFFFC800  }
0x35: {  	s24 =	simm.s32 $0x0;
	s25 =	simm.s32 $0x0;
	[bflag:$0x0] =	sbarrier.arrive $0xFFFF  }
.LBB2_4:
0x36: {  	s26 =	sshll.u32 s25, $0xC  }
0x37: {  	s26 =	sor.u32 s7, s26  }
0x38: {  	s28 =	sshrl.u32 s26, $0x3  }
0x39: {  	s28 =	sadd.s32 s4, s28  }
0x3a: {  	[tilespmem:s24], [sflag:$0x1] =	stream.linear.gather [hbm4b:s28+s24], $0x80, $0x38;
	[tilespmem:$0x1E900] =	vst v63  }
0x3b: {  	s28 =	sadd.s32 $0xC3580, s26;
	_ =	swait.ge [sflag:s19], $0x80  }
0x3c: {  	s28 =	sshrl.u32 s28, $0x3;
	[sflag:s19] =	ssyncset.done $0x0  }
0x3d: {  	s28 =	sadd.s32 s4, s28;
	[sflag:s19] =	ssyncadd.s32 $0xFFFFFF80  }
0x3e: {  	[tilespmem:s20], [sflag:$0x1] =	stream.linear.gather [hbm4b:s28+s24], $0x80, $0x38;
	[tilespmem:$0x1E900] =	vst v63  }
0x3f: {  	_ =	swait.ge [sflag:s19], $0x80  }
0x40: {  	[sflag:s19] =	ssyncset.done $0x0  }
0x41: {  	[sflag:s19] =	ssyncadd.s32 $0xFFFFFF80  }
0x42: {  	[tilespmem:s21], [sflag:$0x1] =	stream.indirect.gather [hbm4b:s5+s20], $0x20, s24, s20, $0xb8;
	[tilespmem:$0x1E900] =	vst v63  }
0x43: {  	s26 =	sshll.u32 s26, $0x1;
	_ =	swait.ge [sflag:s19], $0x1000  }
0x44: {  	s26 =	sand.u32 $0x1FFFFF00, s26;
	[sflag:s19] =	ssyncset.done $0x0  }
0x45: {  	s28 =	sadd.s32 s6, s26;
	s26 =	simm.s32 $0x1100;
	[sflag:s19] =	ssyncadd.s32 $0xFFFFF000  }
0x46: {  	[tilespmem:s26], [sflag:$0x1] =	stream.linear.gather [hbm4b:s28+s24], $0x800, $0x38;
	[tilespmem:$0x1E900] =	vst v63  }
0x47: {  	_ =	swait.ge [sflag:s19], $0x800  }
0x48: {  	[sflag:s19] =	ssyncset.done $0x0  }
0x49: {  	[sflag:s19] =	ssyncadd.s32 $0xFFFFF800  }
0x4a: {  	s29 =	simm.s32 $0x80;
	s28 =	simm.s32 $0x0;
	v1 =	vld [tilespmem:s26+$0x0]  }
.LBB2_5:
0x4b: {  	p0 =	sne.s32 s29, $0x3F80;
	v2 =	vld [tilespmem:s28+$0x100]  }
0x4c: {  	v3 =	vld [tilespmem:s28+$0x110];
	_ =	sdelay $0x2  }
0x4d: {  	v4 =	vbroadcast v1, $0x2;
	v1 =	vbroadcast v1, $0x3;
	_ =	sdelay $0x1  }
.Ltmp1:
0x4e: {  	v2 =	vmul.f32 v4, v2;
	v1 =	vmul.f32 v3, v1;
	(pc) =	sbr.rel @p0 .LBB2_5-.Ltmp1, $4  }
0x4f: {  	_ = 	snop  }
0x50: {  	[tilespmem:s28+$0x1900] =	vst v2  }
0x51: {  	s26 =	sadd.s32 $0x10, s26;
	[tilespmem:s28+$0x1910] =	vst v1  }
0x52: {  	s28 =	sshra.s32 s29, $0x2;
	s29 =	sadd.s32 $0x80, s29;
	v1 =	vld [tilespmem:s26+$0x0]  }
0x53: {  	_ = 	snop  }
0x54: {  	v2 =	vld [tilespmem:s28+$0x100]  }
0x55: {  	v3 =	vld [tilespmem:s28+$0x110];
	_ =	sdelay $0x1  }
0x56: {  	v4 =	vbroadcast v1, $0x2  }
0x57: {  	v1 =	vbroadcast v1, $0x3  }
0x58: {  	v2 =	vmul.f32 v4, v2  }
0x59: {  	s25 =	sadd.s32 $0x1, s25;
	v1 =	vmul.f32 v3, v1  }
0x5a: {  	p0 =	sne.s32 s25, s9;
	[tilespmem:s28+$0x1900] =	vst v2  }
.Ltmp2:
0x5b: {  	[tilespmem:s28+$0x1910] =	vst v1;
	(pc) =	sbr.rel @p0 .LBB2_4-.Ltmp2, $4  }
0x5c: {  	[spmem:s1] =	stream.indirect.scatter.add.f32 [tilespmem:s22], [sflag:$0x1], $0x20, s20, s20, $0xb8;
	[tilespmem:$0x1E900] =	vst v63  }
0x5d: {  	_ =	swait.ge [sflag:s19], $0x1000  }
0x5e: {  	[sflag:s19] =	ssyncset.done $0x0  }
0x5f: {  	[sflag:s19] =	ssyncadd.s32 $0xFFFFF000  }
0x60: {  	s3 =	sadd.s32 $0x1, s3  }
0x61: {  	s24 =	sshll.u32 s2, $0x6;
	p0 =	sne.s32 s3, s10  }
.Ltmp3:
0x62: {  	[bflag:$0x0] =	sbarrier.arrive $0xFFFF;
	s24 =	sor.u32 $0x1C01, s24;
	(pc) =	sbr.rel @p0 .LBB2_1-.Ltmp3, $4  }
0x63: {  	[hbm:s8], [sflag:s24] =	dma.local [spmem:s23], $0x3100  }
0x64: {  	_ =	swait.ge [sflag:s19], $0x3100  }
0x65: {  	[sflag:s19] =	ssyncset.done $0x0  }
0x66: {  	[sflag:s19] =	ssyncadd.s32 $0xFFFFCF00  }
0x67: {  	_ =	sfence.sel $0x180000  }
0x68: {  	[bflag:$0x0] =	sbarrier.arrive $0xFFFF  }
0x69: {  	p0 =	sne.s32 s2, $0x0;
	_ =	strace $0x9000004D  }
0x6a: {  	s0 =	sadd.s32 @!p0 $0x100000, s0;
	[bflag:$0x2] =	sbarrier.arrive $0xFFFF  }
0x6b: {  	[sflag:s0] =	ssyncadd.tile.s32 @!p0 $0x1;
	_ =	shalt  }
.Lfunc_end2:
_tile_overlayer_lowered:
.L_overlay_start_2:
0x6c: {  	(tag) =	ssettag $0x2  }
0x6d: {  	s0 =	rddreg [dreg:$0x0];
	s2 =	stileid.u32  }
0x6e: {  	s1 =	rddreg [dreg:$0x1];
	p0 =	sne.s32 s2, $0x0  }
0x6f: {  	s3 =	rddreg [dreg:$0x2];
	[bflag:$0x3] =	sbarrier.arrive $0xFFFF;
	s2 =	simm.s32 @!p0 $0x1C01  }
0x70: {  	[timem:s3], [sflag:s2] =	dma.local @!p0 [hbm:s0], s1  }
0x71: {  	s0 =	simm.s32 @!p0 $0x1  }
0x72: {  	_ =	swait.ge @!p0 [sflag:s0], s1  }
0x73: {  	s1 =	ssub.s32 @!p0 $0x0, s1;
	[sflag:s0] =	ssyncset.done @!p0 $0x0  }
0x74: {  	[sflag:s0] =	ssyncadd.s32 @!p0 s1  }
0x75: {  	[bflag:$0x3] =	sbarrier.arrive $0xFFFF  }
0x76: {  	_ =	shalt  }

// kernel: kernel.24.cloned.1.call-start
scs
__scs_entry_jumppad:
0x0: {  	(pc) =	sbr.rel $0x88, $3  }
0x1: {  	(tag) =	ssettag $0x0;
	lr =	simm.s32 $0x1  }
0x2: {  	[smem:$0x3F91] =	sst lr;
	_ =	strace $0xD0000000  }
0x3: {  	_ = 	snop  }
0x4: {  	_ = 	snop  }
0x5: {  	_ = 	snop  }
0x6: {  	_ = 	snop  }
0x7: {  	_ = 	snop  }
__scs_overlays_trampoline_lowered:
0x8: {  	[smem:$0x3FA0] =	sst s0  }
0x9: {  	[smem:$0x3FA1] =	sst s1  }
0xa: {  	[smem:$0x3FA2] =	sst s2  }
0xb: {  	[smem:$0x3FA3] =	sst s3  }
0xc: {  	[smem:$0x3FA4] =	sst s4  }
0xd: {  	[smem:$0x3FA5] =	sst s5  }
0xe: {  	[smem:$0x3FA6] =	sst s6  }
0xf: {  	[smem:$0x3FA7] =	sst s7  }
0x10: {  	[smem:$0x3FA8] =	sst s8  }
0x11: {  	[smem:$0x3FA9] =	sst s9;
	s0 =	simm.s32 @!p0 $0x0  }
0x12: {  	s1 =	sld [smem:$0x3F8F];
	s0 =	simm.s32 @p0 $0x1  }
0x13: {  	[smem:$0x3FAA] =	sst s0;
	s0 =	simm.s32 @!p1 $0x0  }
0x14: {  	s2 =	sld [smem:$0x3F8E];
	s0 =	simm.s32 @p1 $0x1  }
0x15: {  	[smem:$0x3FAB] =	sst s0;
	s0 =	simm.s32 @!p2 $0x0  }
0x16: {  	s3 =	sld [smem:$0x3FDB];
	s0 =	simm.s32 @p2 $0x1  }
0x17: {  	s4 =	simm.s32 $0x1BF5;
	[smem:$0x3FAD] =	sst s0  }
0x18: {  	s0 =	sld [smem:$0x3F90];
	_ =	swait.ge [sflag:s4], $0x0  }
0x19: {  	s7 =	sld [smem:$0x3F91]  }
0x1a: {  	s8 =	sadd.s32 $0xFFFFE003, lr  }
0x1b: {  	s9 =	sadd.s32 $0xFFFFFEF7, lr;
	s5 =	simm.s32 $0xFFFFFFFF;
	p2 =	slt.u32 s8, $0xFFFFF086  }
0x1c: {  	p1 =	slt.u32 s9, $0xF7A;
	s5 =	simm.s32 @!p2 $0x0  }
0x1d: {  	s5 =	simm.s32 @p1 $0x1;
	p0 =	seq.s32 s7, s2  }
0x1e: {  	s7 =	smul.u32 @!p0 $0xF7A, s2;
	p2 =	seq.s32 @!p0 s5, $0x0  }
0x1f: {  	s9 =	smul.u32 $0xF7A, s1;
	s8 =	simm.s32 @!p0 $0x1BF5;
	p2 =	por !p2, p0  }
0x20: {  	[sflag:s8] =	ssyncset.s32 @!p0 $0xFFFFF086;
	s6 =	sadd.s32 @!p0 s3, s7;
	s7 =	simm.s32 @!p0 $0x108  }
0x21: {  	s3 =	sadd.s32 s3, s9;
	s6 =	sadd.s32 @!p0 $0x88, s6;
	s7 =	simm.s32 @p2 $0x1082  }
0x22: {  	[simem:s7], [sflag:s8] =	dma.local @!p0 [hbm:s6], $0xF7A  }
0x23: {  	s9 =	sor.u32 $0xD0000000, s2;
	s6 =	simm.s32 $0x108;
	_ =	swait.ge @!p0 [sflag:s8], $0x0  }
0x24: {  	s3 =	sadd.s32 $0x88, s3;
	s6 =	simm.s32 @!p1 $0x1082;
	[sflag:s4] =	ssyncset.s32 $0xFFFFF086  }
0x25: {  	[simem:s6], [sflag:s4] =	dma.local [hbm:s3], $0xF7A  }
0x26: {  	[smem:$0x3F91] =	sst s1;
	(tag) =	ssettag s2;
	_ =	strace s9  }
0x27: {  	s1 =	sld [smem:$0x3FA1]  }
0x28: {  	s2 =	sld [smem:$0x3FA2]  }
0x29: {  	s4 =	sld [smem:$0x3FA4]  }
0x2a: {  	p0 =	seq.s32 s5, $0x0;
	s5 =	sld [smem:$0x3FA5]  }
0x2b: {  	s6 =	sld [smem:$0x3FA6]  }
0x2c: {  	s7 =	sld [smem:$0x3FA7]  }
0x2d: {  	s3 =	simm.s32 $0x108;
	s8 =	sld [smem:$0x3FA8]  }
0x2e: {  	s3 =	simm.s32 @!p0 $0x1082;
	s9 =	sld [smem:$0x3FA9]  }
0x2f: {  	lr =	sadd.s32 s0, s3;
	s0 =	sld [smem:$0x3FA0]  }
0x30: {  	s3 =	sld [smem:$0x3FA3]  }
0x31: {  	[smem:$0x3FAC] =	sst s10  }
0x32: {  	s10 =	sld [smem:$0x3FAA];
	_ =	sdelay $0x3  }
0x33: {  	p0 =	seq.s32 s10, $0x1;
	s10 =	sld [smem:$0x3FAC];
	_ =	sdelay $0x3  }
0x34: {  	[smem:$0x3FAC] =	sst s10  }
0x35: {  	s10 =	sld [smem:$0x3FAB];
	_ =	sdelay $0x3  }
0x36: {  	p1 =	seq.s32 s10, $0x1;
	s10 =	sld [smem:$0x3FAC];
	_ =	sdelay $0x3  }
0x37: {  	[smem:$0x3FAC] =	sst s10  }
0x38: {  	s10 =	sld [smem:$0x3FAD]  }
0x39: {  	_ = 	snop;
	(pc) =	sbr.ind lr, $3  }
0x3a: {  	_ = 	snop  }
0x3b: {  	_ = 	snop  }
0x3c: {  	p2 =	seq.s32 s10, $0x1;
	s10 =	sld [smem:$0x3FAC]  }
0x3d: {  	_ =	shalt  }
0x3e: {  	_ =	shalt  }
0x3f: {  	_ =	shalt  }
0x40: {  	_ =	shalt  }
0x41: {  	_ =	shalt  }
0x42: {  	_ =	shalt  }
0x43: {  	_ =	shalt  }
0x44: {  	_ =	shalt  }
0x45: {  	_ =	shalt  }
0x46: {  	_ =	shalt  }
0x47: {  	_ =	shalt  }
0x48: {  	_ =	shalt  }
0x49: {  	_ =	shalt  }
0x4a: {  	_ =	shalt  }
0x4b: {  	_ =	shalt  }
0x4c: {  	_ =	shalt  }
0x4d: {  	_ =	shalt  }
0x4e: {  	_ =	shalt  }
0x4f: {  	_ =	shalt  }
0x50: {  	_ =	shalt  }
0x51: {  	_ =	shalt  }
0x52: {  	_ =	shalt  }
0x53: {  	_ =	shalt  }
0x54: {  	_ =	shalt  }
0x55: {  	_ =	shalt  }
0x56: {  	_ =	shalt  }
0x57: {  	_ =	shalt  }
0x58: {  	_ =	shalt  }
0x59: {  	_ =	shalt  }
0x5a: {  	_ =	shalt  }
0x5b: {  	_ =	shalt  }
0x5c: {  	_ =	shalt  }
0x5d: {  	_ =	shalt  }
0x5e: {  	_ =	shalt  }
0x5f: {  	_ =	shalt  }
0x60: {  	_ =	shalt  }
0x61: {  	_ =	shalt  }
0x62: {  	_ =	shalt  }
0x63: {  	_ =	shalt  }
0x64: {  	_ =	shalt  }
0x65: {  	_ =	shalt  }
0x66: {  	_ =	shalt  }
0x67: {  	_ =	shalt  }
0x68: {  	_ =	shalt  }
0x69: {  	_ =	shalt  }
0x6a: {  	_ =	shalt  }
0x6b: {  	_ =	shalt  }
0x6c: {  	_ =	shalt  }
0x6d: {  	_ =	shalt  }
0x6e: {  	_ =	shalt  }
0x6f: {  	_ =	shalt  }
0x70: {  	_ =	shalt  }
0x71: {  	_ =	shalt  }
0x72: {  	_ =	shalt  }
0x73: {  	_ =	shalt  }
0x74: {  	_ =	shalt  }
0x75: {  	_ =	shalt  }
0x76: {  	_ =	shalt  }
0x77: {  	_ =	shalt  }
0x78: {  	_ =	shalt  }
0x79: {  	_ =	shalt  }
0x7a: {  	_ =	shalt  }
0x7b: {  	_ =	shalt  }
0x7c: {  	_ =	shalt  }
0x7d: {  	_ =	shalt  }
0x7e: {  	_ =	shalt  }
0x7f: {  	_ =	shalt  }
0x80: {  	_ =	shalt  }
0x81: {  	_ =	shalt  }
0x82: {  	_ =	shalt  }
0x83: {  	_ =	shalt  }
0x84: {  	_ =	shalt  }
0x85: {  	_ =	shalt  }
0x86: {  	_ =	shalt  }
0x87: {  	_ =	shalt  }
.Lfunc_end0:
.L_simem_size_0:
called_computation.3_lowered:
.L_overlay_start_0:
0x88: {  	s2 =	sld [smem:$0x3FD9]  }
0x89: {  	s3 =	sld [smem:$0x3FFE];
	_ =	sdelay $0x1  }
0x8a: {  	s1 =	srdreg.scid  }
0x8b: {  	s0 =	sand.u32 $0x1, s1  }
0x8c: {  	s16 =	sshll.u32 s0, $0xA;
	s2 =	sadd.s32 s3, s2  }
0x8d: {  	s2 =	sadd.s32 s2, s16  }
0x8e: {  	[smem:$0x3FB8] =	sst s2  }
0x8f: {  	_ = 	snop  }
0x90: {  	(tm) =	ssettm $0x1  }
0x91: {  	s17 =	sld [smem:$0x3FFB];
	_ =	sdelay $0x3  }
0x92: {  	_ =	strace s17  }
0x93: {  	s2 =	sld [smem:$0x3FFC];
	_ =	sdelay $0x3  }
0x94: {  	_ =	strace s2  }
0x95: {  	s2 =	sld [smem:$0x3FFD];
	_ =	sdelay $0x3  }
0x96: {  	_ =	strace s2  }
0x97: {  	_ =	strace $0x8FFFFFFF  }
0x98: {  	s18 =	sld [smem:$0x3FDB];
	_ =	sdelay $0x1  }
0x99: {  	s19 =	simm.s32 $_scs_section_size  }
0x9a: {  	s4 =	simm.s32 $_size__tile_overlayer_lowered;
	s5 =	simm.s32 $_tile_overlayer_lowered  }
0x9b: {  	s22 =	simm.s32 $0x1BFF;
	s21 =	sshll.u32 s5, $0x1;
	s2 =	sadd.s32 s19, s18  }
0x9c: {  	s6 =	simm.s32 $0x0;
	s20 =	sshll.u32 s4, $0x1;
	s4 =	sadd.s32 s21, s2  }
0x9d: {  	[timem:s6], [sflag:s22] =	dma.local [hbm:s4], s20  }
0x9e: {  	_ =	swait.ge [sflag:s22], s20  }
0x9f: {  	s3 =	ssub.s32 $0x0, s20;
	[sflag:s22] =	ssyncset.done $0x0  }
0xa0: {  	[sflag:s22] =	ssyncadd.s32 s3;
	_ =	sdelay $0x1  }
0xa1: {  	s23 =	simm.s32 $0x1B8B  }
0xa2: {  	_ =	swait.ge [sflag:s23], $0x1  }
0xa3: {  	[sflag:s23] =	ssyncset.done $0x0  }
0xa4: {  	s25 =	simm.s32 $0x1B8E;
	s24 =	sld [smem:$0x3FFE];
	[sflag:s23] =	ssyncadd.s32 $0xFFFFFFFF  }
0xa5: {  	s26 =	simm.s32 $execute0_lowered;
	[smem:$0x3FD2] =	sst s25  }
0xa6: {  	s4 =	sshll.u32 s26, $0x1;
	_ =	strace $0x80000049;
	[dreg:$0x1] =	wrdreg $0xFFFFFFFF  }
0xa7: {  	s28 =	simm.s32 $_size_execute0_lowered;
	s2 =	sadd.s32 s2, s4;
	[dreg:$0x0] =	wrdreg $0x0  }
0xa8: {  	s4 =	sshll.u32 s28, $0x1;
	[dreg:$0x2] =	wrdreg s2  }
0xa9: {  	[dreg:$0x3] =	wrdreg s4  }
0xaa: {  	[dreg:$0x4] =	wrdreg $0xC0  }
0xab: {  	_ =	task [dreg:s6], $0x5FFFF  }
0xac: {  	[dreg:$0x1] =	wrdreg $0xFFFFFFFF  }
0xad: {  	[dreg:$0x0] =	wrdreg $0x60  }
0xae: {  	[dreg:$0x2] =	wrdreg s24  }
0xaf: {  	[dreg:$0x3] =	wrdreg $0x61000  }
0xb0: {  	[dreg:$0x4] =	wrdreg $0xB  }
0xb1: {  	_ =	task.clear_ibuf [dreg:s6], $0x5FFFF;
	_ =	strace $0x90000049  }
0xb2: {  	s29 =	simm.s32 $0xB;
	_ =	strace $0x8000004B  }
0xb3: {  	_ =	swait.ge [sflag:s29], $0x1  }
0xb4: {  	[sflag:s29] =	ssyncadd.s32 $0xFFFFFFFF  }
0xb5: {  	_ =	strace $0x9000004B  }
0xb6: {  	_ =	sfence  }
0xb7: {  	s30 =	sld [smem:$0x0];
	_ =	sdelay $0x2  }
0xb8: {  	s31 =	sshll.u32 s1, $0xD;
	s1 =	sshrl.u32 s1, $0x2  }
0xb9: {  	s3 =	sand.u32 $0x4000, s31;
	s1 =	sadd.s32 s1, s30  }
0xba: {  	s0 =	sor.u32 s3, s0;
	s1 =	sshll.u32 s1, $0x11  }
0xbb: {  	s0 =	sor.u32 s1, s0  }
0xbc: {  	s0 =	sadd.s32 $0x8F2B, s0  }
0xbd: {  	[sflag:s0] =	ssyncadd.remote.s32 $0x1  }
0xbe: {  	_ =	sfence.sel $0xFFFF  }
0xbf: {  	[dreg:$0x0] =	wrdreg $0xFFFFFFFF;
	(pc) =	sbr.abs _section_cstart, $3  }
0xc0: {  	[dreg:$0x1] =	wrdreg $0xFFFFFFFF  }
0xc1: {  	_ =	task.clear_ibuf [dreg:s6], $0x2FFFF;
	_ =	strace $0x9FFFFFFF  }
0xc2: {  	(tm) =	ssettm $0x7FFFFFFF  }
0xc3: {  	_ =	shalt  }
tec
execute0_lowered:
.L_overlay_start_1:
0x0: {  	(tag) =	ssettag $0x1  }
0x1: {  	s7 =	rddreg [dreg:$0x0];
	s0 =	srdreg.scid  }
0x2: {  	s2 =	rddreg [dreg:$0x1];
	s1 =	stileid.u32  }
0x3: {  	s3 =	simm.s32 $0x0;
	s18 =	simm.s32 $0x2900;
	s19 =	simm.s32 $0x1  }
0x4: {  	s20 =	simm.s32 $0x80;
	s21 =	simm.s32 $0x100;
	s22 =	simm.s32 $0x1900  }
0x5: {  	s8 =	sand.u32 $0x1, s0;
	s0 =	rddreg [dreg:$0x2];
	s9 =	smul.u32 $0x18800, s1  }
0x6: {  	[smem:$0x7FF] =	sst s3;
	s4 =	sadd.s32 $0xFA00, s7;
	s13 =	smul.u32 $0x62000, s1  }
0x7: {  	s6 =	sadd.s32 $0x71800, s7;
	s11 =	sshll.u32 s1, $0x1;
	s5 =	smul.u32 $0x188000, s8  }
0x8: {  	_ =	strace $0x8000004A;
	s29 =	ssub.s32 $0x2, s8;
	s11 =	sor.u32 s8, s11  }
0x9: {  	s12 =	sshrl.u32 s29, $0x1;
	s23 =	sadd.s32 s9, s2;
	s30 =	ssub.s32 $0x188A, s11  }
0xa: {  	s31 =	sshrl.u32 s13, $0x2;
	s10 =	sadd.s32 s9, s5;
	s5 =	sadd.s32 $0x1F8400, s7  }
0xb: {  	s12 =	ssub.s32 s29, s12;
	s9 =	sshrl.u32 s30, $0x5;
	s10 =	sshrl.u32 s10, $0x3  }
0xc: {  	s23 =	sshrl.u32 s23, $0x3;
	s10 =	sadd.s32 s10, s7;
	s7 =	sshll.u32 s11, $0x7  }
0xd: {  	s11 =	sadd.s32 s31, s2;
	s8 =	sadd.s32 $0x229400, s10;
	s10 =	smax.u32 s12, $0x1  }
0xe: {  	s12 =	sadd.s32 $0x3800, s11;
	s13 =	sadd.s32 $0x7000, s11;
	s14 =	sadd.s32 $0xA800, s11  }
0xf: {  	v0 =	vimm.f32 $0.0e+00;
	s15 =	sadd.s32 $0xE000, s11;
	s16 =	sadd.s32 $0x11800, s11;
	s17 =	sadd.s32 $0x15000, s11  }
.LBB2_1:
0x10: {  	s24 =	simm.s32 $0x80;
	s25 =	simm.s32 $0x0  }
.LBB2_2:
0x11: {  	p0 =	sne.s32 s24, $0xDF80;
	[tilespmem:s25+$0x2900] =	vst v0;
	s26 =	smov.u32 s24;
	s24 =	sadd.s32 $0x80, s24  }
.Ltmp0:
0x12: {  	[tilespmem:s25+$0x2910] =	vst v0;
	(pc) =	sbr.rel @p0 .LBB2_2-.Ltmp0, $2  }
0x13: {  	_ =	sdelay $0x2  }
0x14: {  	s25 =	sshra.s32 s26, $0x2  }
0x15: {  	[tilespmem:s25+$0x2900] =	vst v0  }
0x16: {  	[tilespmem:s25+$0x2910] =	vst v0  }
0x17: {  	[spmem:s11] =	stream.linear.scatter [tilespmem:s18], [sflag:$0x1], $0x3800, $0x38;
	[tilespmem:$0x1E900] =	vst v63  }
0x18: {  	_ =	swait.ge [sflag:s19], $0x3800  }
0x19: {  	[sflag:s19] =	ssyncset.done $0x0  }
0x1a: {  	[sflag:s19] =	ssyncadd.s32 $0xFFFFC800  }
0x1b: {  	[spmem:s12] =	stream.linear.scatter [tilespmem:s18], [sflag:$0x1], $0x3800, $0x38;
	[tilespmem:$0x1E900] =	vst v63  }
0x1c: {  	_ =	swait.ge [sflag:s19], $0x3800  }
0x1d: {  	[sflag:s19] =	ssyncset.done $0x0  }
0x1e: {  	[sflag:s19] =	ssyncadd.s32 $0xFFFFC800  }
0x1f: {  	[spmem:s13] =	stream.linear.scatter [tilespmem:s18], [sflag:$0x1], $0x3800, $0x38;
	[tilespmem:$0x1E900] =	vst v63  }
0x20: {  	_ =	swait.ge [sflag:s19], $0x3800  }
0x21: {  	[sflag:s19] =	ssyncset.done $0x0  }
0x22: {  	[sflag:s19] =	ssyncadd.s32 $0xFFFFC800  }
0x23: {  	[spmem:s14] =	stream.linear.scatter [tilespmem:s18], [sflag:$0x1], $0x3800, $0x38;
	[tilespmem:$0x1E900] =	vst v63  }
0x24: {  	_ =	swait.ge [sflag:s19], $0x3800  }
0x25: {  	[sflag:s19] =	ssyncset.done $0x0  }
0x26: {  	[sflag:s19] =	ssyncadd.s32 $0xFFFFC800  }
0x27: {  	[spmem:s15] =	stream.linear.scatter [tilespmem:s18], [sflag:$0x1], $0x3800, $0x38;
	[tilespmem:$0x1E900] =	vst v63  }
0x28: {  	_ =	swait.ge [sflag:s19], $0x3800  }
0x29: {  	[sflag:s19] =	ssyncset.done $0x0  }
0x2a: {  	[sflag:s19] =	ssyncadd.s32 $0xFFFFC800  }
0x2b: {  	[spmem:s16] =	stream.linear.scatter [tilespmem:s18], [sflag:$0x1], $0x3800, $0x38;
	[tilespmem:$0x1E900] =	vst v63  }
0x2c: {  	_ =	swait.ge [sflag:s19], $0x3800  }
0x2d: {  	[sflag:s19] =	ssyncset.done $0x0  }
0x2e: {  	[sflag:s19] =	ssyncadd.s32 $0xFFFFC800  }
0x2f: {  	[spmem:s17] =	stream.linear.scatter [tilespmem:s18], [sflag:$0x1], $0x3800, $0x38;
	[tilespmem:$0x1E900] =	vst v63  }
0x30: {  	_ =	swait.ge [sflag:s19], $0x3800  }
0x31: {  	[sflag:s19] =	ssyncset.done $0x0  }
0x32: {  	[sflag:s19] =	ssyncadd.s32 $0xFFFFC800  }
0x33: {  	s24 =	simm.s32 $0x0;
	s25 =	simm.s32 $0x0;
	[bflag:$0x0] =	sbarrier.arrive $0xFFFF  }
.LBB2_4:
0x34: {  	s26 =	sshll.u32 s25, $0xC  }
0x35: {  	s26 =	sor.u32 s7, s26  }
0x36: {  	s28 =	sshrl.u32 s26, $0x3  }
0x37: {  	s28 =	sadd.s32 s4, s28  }
0x38: {  	[tilespmem:s24], [sflag:$0x1] =	stream.linear.gather [hbm4b:s28+s24], $0x80, $0x38;
	[tilespmem:$0x1E900] =	vst v63  }
0x39: {  	s28 =	sadd.s32 $0xC3580, s26;
	_ =	swait.ge [sflag:s19], $0x80  }
0x3a: {  	s28 =	sshrl.u32 s28, $0x3;
	[sflag:s19] =	ssyncset.done $0x0  }
0x3b: {  	s28 =	sadd.s32 s4, s28;
	[sflag:s19] =	ssyncadd.s32 $0xFFFFFF80  }
0x3c: {  	[tilespmem:s20], [sflag:$0x1] =	stream.linear.gather [hbm4b:s28+s24], $0x80, $0x38;
	[tilespmem:$0x1E900] =	vst v63  }
0x3d: {  	_ =	swait.ge [sflag:s19], $0x80  }
0x3e: {  	[sflag:s19] =	ssyncset.done $0x0  }
0x3f: {  	[sflag:s19] =	ssyncadd.s32 $0xFFFFFF80  }
0x40: {  	[tilespmem:s21], [sflag:$0x1] =	stream.indirect.gather [hbm4b:s5+s20], $0x20, s24, s20, $0xb8;
	[tilespmem:$0x1E900] =	vst v63  }
0x41: {  	s26 =	sshll.u32 s26, $0x1;
	_ =	swait.ge [sflag:s19], $0x1000  }
0x42: {  	s26 =	sand.u32 $0x1FFFFF00, s26;
	[sflag:s19] =	ssyncset.done $0x0  }
0x43: {  	s28 =	sadd.s32 s6, s26;
	s26 =	simm.s32 $0x1100;
	[sflag:s19] =	ssyncadd.s32 $0xFFFFF000  }
0x44: {  	[tilespmem:s26], [sflag:$0x1] =	stream.linear.gather [hbm4b:s28+s24], $0x800, $0x38;
	[tilespmem:$0x1E900] =	vst v63  }
0x45: {  	_ =	swait.ge [sflag:s19], $0x800  }
0x46: {  	[sflag:s19] =	ssyncset.done $0x0  }
0x47: {  	[sflag:s19] =	ssyncadd.s32 $0xFFFFF800  }
0x48: {  	s29 =	simm.s32 $0x80;
	s28 =	simm.s32 $0x0;
	v1 =	vld [tilespmem:s26+$0x0]  }
.LBB2_5:
0x49: {  	p0 =	sne.s32 s29, $0x3F80;
	v2 =	vld [tilespmem:s28+$0x100]  }
0x4a: {  	v3 =	vld [tilespmem:s28+$0x110];
	_ =	sdelay $0x2  }
0x4b: {  	v4 =	vbroadcast v1, $0x4;
	v1 =	vbroadcast v1, $0x5;
	_ =	sdelay $0x1  }
.Ltmp1:
0x4c: {  	v2 =	vmul.f32 v4, v2;
	v1 =	vmul.f32 v3, v1;
	(pc) =	sbr.rel @p0 .LBB2_5-.Ltmp1, $4  }
0x4d: {  	_ = 	snop  }
0x4e: {  	[tilespmem:s28+$0x1900] =	vst v2  }
0x4f: {  	s26 =	sadd.s32 $0x10, s26;
	[tilespmem:s28+$0x1910] =	vst v1  }
0x50: {  	s28 =	sshra.s32 s29, $0x2;
	s29 =	sadd.s32 $0x80, s29;
	v1 =	vld [tilespmem:s26+$0x0]  }
0x51: {  	_ = 	snop  }
0x52: {  	v2 =	vld [tilespmem:s28+$0x100]  }
0x53: {  	v3 =	vld [tilespmem:s28+$0x110];
	_ =	sdelay $0x1  }
0x54: {  	v4 =	vbroadcast v1, $0x4  }
0x55: {  	v1 =	vbroadcast v1, $0x5  }
0x56: {  	v2 =	vmul.f32 v4, v2  }
0x57: {  	s25 =	sadd.s32 $0x1, s25;
	v1 =	vmul.f32 v3, v1  }
0x58: {  	p0 =	sne.s32 s25, s9;
	[tilespmem:s28+$0x1900] =	vst v2  }
.Ltmp2:
0x59: {  	[tilespmem:s28+$0x1910] =	vst v1;
	(pc) =	sbr.rel @p0 .LBB2_4-.Ltmp2, $4  }
0x5a: {  	[spmem:s2] =	stream.indirect.scatter.add.f32 [tilespmem:s22], [sflag:$0x1], $0x20, s20, s20, $0xb8;
	[tilespmem:$0x1E900] =	vst v63  }
0x5b: {  	_ =	swait.ge [sflag:s19], $0x1000  }
0x5c: {  	[sflag:s19] =	ssyncset.done $0x0  }
0x5d: {  	[sflag:s19] =	ssyncadd.s32 $0xFFFFF000  }
0x5e: {  	s3 =	sadd.s32 $0x1, s3  }
0x5f: {  	s24 =	sshll.u32 s1, $0x6;
	p0 =	sne.s32 s3, s10  }
.Ltmp3:
0x60: {  	[bflag:$0x0] =	sbarrier.arrive $0xFFFF;
	s24 =	sor.u32 $0x1C01, s24;
	(pc) =	sbr.rel @p0 .LBB2_1-.Ltmp3, $4  }
0x61: {  	[hbm:s8], [sflag:s24] =	dma.local [spmem:s23], $0x3100  }
0x62: {  	_ =	swait.ge [sflag:s19], $0x3100  }
0x63: {  	[sflag:s19] =	ssyncset.done $0x0  }
0x64: {  	[sflag:s19] =	ssyncadd.s32 $0xFFFFCF00  }
0x65: {  	_ =	sfence.sel $0x180000  }
0x66: {  	[bflag:$0x0] =	sbarrier.arrive $0xFFFF  }
0x67: {  	p0 =	sne.s32 s1, $0x0;
	_ =	strace $0x9000004A  }
0x68: {  	s0 =	sadd.s32 @!p0 $0x100000, s0;
	[bflag:$0x2] =	sbarrier.arrive $0xFFFF  }
0x69: {  	[sflag:s0] =	ssyncadd.tile.s32 @!p0 $0x1;
	_ =	shalt  }
.Lfunc_end2:
_tile_overlayer_lowered:
.L_overlay_start_2:
0x6a: {  	(tag) =	ssettag $0x2  }
0x6b: {  	s0 =	rddreg [dreg:$0x0];
	s2 =	stileid.u32  }
0x6c: {  	s1 =	rddreg [dreg:$0x1];
	p0 =	sne.s32 s2, $0x0  }
0x6d: {  	s3 =	rddreg [dreg:$0x2];
	[bflag:$0x3] =	sbarrier.arrive $0xFFFF;
	s2 =	simm.s32 @!p0 $0x1C01  }
0x6e: {  	[timem:s3], [sflag:s2] =	dma.local @!p0 [hbm:s0], s1  }
0x6f: {  	s0 =	simm.s32 @!p0 $0x1  }
0x70: {  	_ =	swait.ge @!p0 [sflag:s0], s1  }
0x71: {  	s1 =	ssub.s32 @!p0 $0x0, s1;
	[sflag:s0] =	ssyncset.done @!p0 $0x0  }
0x72: {  	[sflag:s0] =	ssyncadd.s32 @!p0 s1  }
0x73: {  	[bflag:$0x3] =	sbarrier.arrive $0xFFFF  }
0x74: {  	_ =	shalt  }

// kernel: kernel.27.cloned.1.call-start
scs
__scs_entry_jumppad:
0x0: {  	(pc) =	sbr.rel $0x88, $3  }
0x1: {  	(tag) =	ssettag $0x0;
	lr =	simm.s32 $0x1  }
0x2: {  	[smem:$0x3F91] =	sst lr;
	_ =	strace $0xD0000000  }
0x3: {  	_ = 	snop  }
0x4: {  	_ = 	snop  }
0x5: {  	_ = 	snop  }
0x6: {  	_ = 	snop  }
0x7: {  	_ = 	snop  }
__scs_overlays_trampoline_lowered:
0x8: {  	[smem:$0x3FA0] =	sst s0  }
0x9: {  	[smem:$0x3FA1] =	sst s1  }
0xa: {  	[smem:$0x3FA2] =	sst s2  }
0xb: {  	[smem:$0x3FA3] =	sst s3  }
0xc: {  	[smem:$0x3FA4] =	sst s4  }
0xd: {  	[smem:$0x3FA5] =	sst s5  }
0xe: {  	[smem:$0x3FA6] =	sst s6  }
0xf: {  	[smem:$0x3FA7] =	sst s7  }
0x10: {  	[smem:$0x3FA8] =	sst s8  }
0x11: {  	[smem:$0x3FA9] =	sst s9;
	s0 =	simm.s32 @!p0 $0x0  }
0x12: {  	s1 =	sld [smem:$0x3F8F];
	s0 =	simm.s32 @p0 $0x1  }
0x13: {  	[smem:$0x3FAA] =	sst s0;
	s0 =	simm.s32 @!p1 $0x0  }
0x14: {  	s2 =	sld [smem:$0x3F8E];
	s0 =	simm.s32 @p1 $0x1  }
0x15: {  	[smem:$0x3FAB] =	sst s0;
	s0 =	simm.s32 @!p2 $0x0  }
0x16: {  	s3 =	sld [smem:$0x3FDB];
	s0 =	simm.s32 @p2 $0x1  }
0x17: {  	s4 =	simm.s32 $0x1BF5;
	[smem:$0x3FAD] =	sst s0  }
0x18: {  	s0 =	sld [smem:$0x3F90];
	_ =	swait.ge [sflag:s4], $0x0  }
0x19: {  	s7 =	sld [smem:$0x3F91]  }
0x1a: {  	s8 =	sadd.s32 $0xFFFFE003, lr  }
0x1b: {  	s9 =	sadd.s32 $0xFFFFFEF7, lr;
	s5 =	simm.s32 $0xFFFFFFFF;
	p2 =	slt.u32 s8, $0xFFFFF086  }
0x1c: {  	p1 =	slt.u32 s9, $0xF7A;
	s5 =	simm.s32 @!p2 $0x0  }
0x1d: {  	s5 =	simm.s32 @p1 $0x1;
	p0 =	seq.s32 s7, s2  }
0x1e: {  	s7 =	smul.u32 @!p0 $0xF7A, s2;
	p2 =	seq.s32 @!p0 s5, $0x0  }
0x1f: {  	s9 =	smul.u32 $0xF7A, s1;
	s8 =	simm.s32 @!p0 $0x1BF5;
	p2 =	por !p2, p0  }
0x20: {  	[sflag:s8] =	ssyncset.s32 @!p0 $0xFFFFF086;
	s6 =	sadd.s32 @!p0 s3, s7;
	s7 =	simm.s32 @!p0 $0x108  }
0x21: {  	s3 =	sadd.s32 s3, s9;
	s6 =	sadd.s32 @!p0 $0x88, s6;
	s7 =	simm.s32 @p2 $0x1082  }
0x22: {  	[simem:s7], [sflag:s8] =	dma.local @!p0 [hbm:s6], $0xF7A  }
0x23: {  	s9 =	sor.u32 $0xD0000000, s2;
	s6 =	simm.s32 $0x108;
	_ =	swait.ge @!p0 [sflag:s8], $0x0  }
0x24: {  	s3 =	sadd.s32 $0x88, s3;
	s6 =	simm.s32 @!p1 $0x1082;
	[sflag:s4] =	ssyncset.s32 $0xFFFFF086  }
0x25: {  	[simem:s6], [sflag:s4] =	dma.local [hbm:s3], $0xF7A  }
0x26: {  	[smem:$0x3F91] =	sst s1;
	(tag) =	ssettag s2;
	_ =	strace s9  }
0x27: {  	s1 =	sld [smem:$0x3FA1]  }
0x28: {  	s2 =	sld [smem:$0x3FA2]  }
0x29: {  	s4 =	sld [smem:$0x3FA4]  }
0x2a: {  	p0 =	seq.s32 s5, $0x0;
	s5 =	sld [smem:$0x3FA5]  }
0x2b: {  	s6 =	sld [smem:$0x3FA6]  }
0x2c: {  	s7 =	sld [smem:$0x3FA7]  }
0x2d: {  	s3 =	simm.s32 $0x108;
	s8 =	sld [smem:$0x3FA8]  }
0x2e: {  	s3 =	simm.s32 @!p0 $0x1082;
	s9 =	sld [smem:$0x3FA9]  }
0x2f: {  	lr =	sadd.s32 s0, s3;
	s0 =	sld [smem:$0x3FA0]  }
0x30: {  	s3 =	sld [smem:$0x3FA3]  }
0x31: {  	[smem:$0x3FAC] =	sst s10  }
0x32: {  	s10 =	sld [smem:$0x3FAA];
	_ =	sdelay $0x3  }
0x33: {  	p0 =	seq.s32 s10, $0x1;
	s10 =	sld [smem:$0x3FAC];
	_ =	sdelay $0x3  }
0x34: {  	[smem:$0x3FAC] =	sst s10  }
0x35: {  	s10 =	sld [smem:$0x3FAB];
	_ =	sdelay $0x3  }
0x36: {  	p1 =	seq.s32 s10, $0x1;
	s10 =	sld [smem:$0x3FAC];
	_ =	sdelay $0x3  }
0x37: {  	[smem:$0x3FAC] =	sst s10  }
0x38: {  	s10 =	sld [smem:$0x3FAD]  }
0x39: {  	_ = 	snop;
	(pc) =	sbr.ind lr, $3  }
0x3a: {  	_ = 	snop  }
0x3b: {  	_ = 	snop  }
0x3c: {  	p2 =	seq.s32 s10, $0x1;
	s10 =	sld [smem:$0x3FAC]  }
0x3d: {  	_ =	shalt  }
0x3e: {  	_ =	shalt  }
0x3f: {  	_ =	shalt  }
0x40: {  	_ =	shalt  }
0x41: {  	_ =	shalt  }
0x42: {  	_ =	shalt  }
0x43: {  	_ =	shalt  }
0x44: {  	_ =	shalt  }
0x45: {  	_ =	shalt  }
0x46: {  	_ =	shalt  }
0x47: {  	_ =	shalt  }
0x48: {  	_ =	shalt  }
0x49: {  	_ =	shalt  }
0x4a: {  	_ =	shalt  }
0x4b: {  	_ =	shalt  }
0x4c: {  	_ =	shalt  }
0x4d: {  	_ =	shalt  }
0x4e: {  	_ =	shalt  }
0x4f: {  	_ =	shalt  }
0x50: {  	_ =	shalt  }
0x51: {  	_ =	shalt  }
0x52: {  	_ =	shalt  }
0x53: {  	_ =	shalt  }
0x54: {  	_ =	shalt  }
0x55: {  	_ =	shalt  }
0x56: {  	_ =	shalt  }
0x57: {  	_ =	shalt  }
0x58: {  	_ =	shalt  }
0x59: {  	_ =	shalt  }
0x5a: {  	_ =	shalt  }
0x5b: {  	_ =	shalt  }
0x5c: {  	_ =	shalt  }
0x5d: {  	_ =	shalt  }
0x5e: {  	_ =	shalt  }
0x5f: {  	_ =	shalt  }
0x60: {  	_ =	shalt  }
0x61: {  	_ =	shalt  }
0x62: {  	_ =	shalt  }
0x63: {  	_ =	shalt  }
0x64: {  	_ =	shalt  }
0x65: {  	_ =	shalt  }
0x66: {  	_ =	shalt  }
0x67: {  	_ =	shalt  }
0x68: {  	_ =	shalt  }
0x69: {  	_ =	shalt  }
0x6a: {  	_ =	shalt  }
0x6b: {  	_ =	shalt  }
0x6c: {  	_ =	shalt  }
0x6d: {  	_ =	shalt  }
0x6e: {  	_ =	shalt  }
0x6f: {  	_ =	shalt  }
0x70: {  	_ =	shalt  }
0x71: {  	_ =	shalt  }
0x72: {  	_ =	shalt  }
0x73: {  	_ =	shalt  }
0x74: {  	_ =	shalt  }
0x75: {  	_ =	shalt  }
0x76: {  	_ =	shalt  }
0x77: {  	_ =	shalt  }
0x78: {  	_ =	shalt  }
0x79: {  	_ =	shalt  }
0x7a: {  	_ =	shalt  }
0x7b: {  	_ =	shalt  }
0x7c: {  	_ =	shalt  }
0x7d: {  	_ =	shalt  }
0x7e: {  	_ =	shalt  }
0x7f: {  	_ =	shalt  }
0x80: {  	_ =	shalt  }
0x81: {  	_ =	shalt  }
0x82: {  	_ =	shalt  }
0x83: {  	_ =	shalt  }
0x84: {  	_ =	shalt  }
0x85: {  	_ =	shalt  }
0x86: {  	_ =	shalt  }
0x87: {  	_ =	shalt  }
.Lfunc_end0:
.L_simem_size_0:
called_computation.4_lowered:
.L_overlay_start_0:
0x88: {  	s2 =	sld [smem:$0x3FD9]  }
0x89: {  	s3 =	sld [smem:$0x3FFE];
	_ =	sdelay $0x1  }
0x8a: {  	s1 =	srdreg.scid  }
0x8b: {  	s0 =	sand.u32 $0x1, s1  }
0x8c: {  	s14 =	sshll.u32 s0, $0xA;
	s2 =	sadd.s32 s3, s2  }
0x8d: {  	s2 =	sadd.s32 s2, s14  }
0x8e: {  	[smem:$0x3FB8] =	sst s2  }
0x8f: {  	_ = 	snop  }
0x90: {  	s2 =	sld [smem:$0x3FD0];
	_ =	sdelay $0x2  }
0x91: {  	s15 =	simm.s32 $0xC;
	s4 =	simm.s32 $0x10  }
0x92: {  	[smem:s4], [sflag:s15] =	dma.local [hbm:s2], $0x1  }
0x93: {  	_ =	swait.eq [sflag:s15], $0x1  }
0x94: {  	[sflag:s15] =	ssyncset.done $0x0  }
0x95: {  	s16 =	sld [smem:$0x10];
	[sflag:s15] =	ssyncadd.s32 $0xFFFFFFFF  }
0x96: {  	s17 =	sld [smem:$0x11];
	(tm) =	ssettm $0x1  }
0x97: {  	s18 =	sld [smem:$0x3FFB];
	_ =	sdelay $0x3  }
0x98: {  	_ =	strace s18  }
0x99: {  	s4 =	sld [smem:$0x3FFC];
	_ =	sdelay $0x3  }
0x9a: {  	_ =	strace s4  }
0x9b: {  	s4 =	sld [smem:$0x3FFD];
	_ =	sdelay $0x3  }
0x9c: {  	_ =	strace s4  }
0x9d: {  	_ =	strace $0x8FFFFFFF  }
0x9e: {  	s19 =	sld [smem:$0x3FDB];
	_ =	sdelay $0x1  }
0x9f: {  	s5 =	simm.s32 $_scs_section_size  }
0xa0: {  	s6 =	simm.s32 $_size__tile_overlayer_lowered;
	s7 =	simm.s32 $_tile_overlayer_lowered  }
0xa1: {  	s22 =	simm.s32 $0x1BFF;
	s21 =	sshll.u32 s7, $0x1;
	s4 =	sadd.s32 s5, s19  }
0xa2: {  	s8 =	simm.s32 $0x0;
	s20 =	sshll.u32 s6, $0x1;
	s6 =	sadd.s32 s21, s4  }
0xa3: {  	[timem:s8], [sflag:s22] =	dma.local [hbm:s6], s20  }
0xa4: {  	_ =	swait.ge [sflag:s22], s20  }
0xa5: {  	s5 =	ssub.s32 $0x0, s20;
	[sflag:s22] =	ssyncset.done $0x0  }
0xa6: {  	[sflag:s22] =	ssyncadd.s32 s5;
	_ =	sdelay $0x1  }
0xa7: {  	s23 =	simm.s32 $0x1B8B  }
0xa8: {  	_ =	swait.ge [sflag:s23], $0x1  }
0xa9: {  	[sflag:s23] =	ssyncset.done $0x0  }
0xaa: {  	s25 =	simm.s32 $0x1B8E;
	s24 =	sld [smem:$0x3FFE];
	[sflag:s23] =	ssyncadd.s32 $0xFFFFFFFF  }
0xab: {  	s26 =	simm.s32 $execute0_lowered;
	[smem:$0x3FD2] =	sst s25  }
0xac: {  	s6 =	sshll.u32 s26, $0x1;
	_ =	strace $0x80000052;
	[dreg:$0x1] =	wrdreg $0xFFFFFFFF  }
0xad: {  	s28 =	simm.s32 $_size_execute0_lowered;
	s4 =	sadd.s32 s4, s6;
	[dreg:$0x0] =	wrdreg $0x0  }
0xae: {  	s6 =	sshll.u32 s28, $0x1;
	[dreg:$0x2] =	wrdreg s4  }
0xaf: {  	[dreg:$0x3] =	wrdreg s6  }
0xb0: {  	[dreg:$0x4] =	wrdreg $0xC0  }
0xb1: {  	_ =	task [dreg:s8], $0x5FFFF  }
0xb2: {  	[dreg:$0x1] =	wrdreg $0xFFFFFFFF  }
0xb3: {  	[dreg:$0x0] =	wrdreg $0x60  }
0xb4: {  	[dreg:$0x2] =	wrdreg s24  }
0xb5: {  	[dreg:$0x3] =	wrdreg s17  }
0xb6: {  	[dreg:$0x4] =	wrdreg s16  }
0xb7: {  	[dreg:$0x5] =	wrdreg $0x35000  }
0xb8: {  	[dreg:$0x6] =	wrdreg $0x9  }
0xb9: {  	_ =	task.clear_ibuf [dreg:s8], $0x7FFFF;
	_ =	strace $0x90000052  }
0xba: {  	s29 =	simm.s32 $0x9;
	_ =	strace $0x80000054  }
0xbb: {  	_ =	swait.ge [sflag:s29], $0x1  }
0xbc: {  	[sflag:s29] =	ssyncadd.s32 $0xFFFFFFFF  }
0xbd: {  	_ =	strace $0x90000054  }
0xbe: {  	_ =	sfence  }
0xbf: {  	s30 =	sld [smem:$0x0];
	_ =	sdelay $0x2  }
0xc0: {  	s31 =	sshll.u32 s1, $0xD;
	s1 =	sshrl.u32 s1, $0x2  }
0xc1: {  	s3 =	sand.u32 $0x4000, s31;
	s1 =	sadd.s32 s1, s30  }
0xc2: {  	s0 =	sor.u32 s3, s0;
	s1 =	sshll.u32 s1, $0x11  }
0xc3: {  	s0 =	sor.u32 s1, s0  }
0xc4: {  	s0 =	sadd.s32 $0x8F2B, s0  }
0xc5: {  	[sflag:s0] =	ssyncadd.remote.s32 $0x1  }
0xc6: {  	_ =	sfence.sel $0xFFFF  }
0xc7: {  	[dreg:$0x0] =	wrdreg $0xFFFFFFFF;
	(pc) =	sbr.abs _section_cstart, $3  }
0xc8: {  	[dreg:$0x1] =	wrdreg $0xFFFFFFFF  }
0xc9: {  	_ =	task.clear_ibuf [dreg:s8], $0x2FFFF;
	_ =	strace $0x9FFFFFFF  }
0xca: {  	(tm) =	ssettm $0x7FFFFFFF  }
0xcb: {  	_ =	shalt  }
tec
execute0_lowered:
.L_overlay_start_1:
0x0: {  	(tag) =	ssettag $0x1  }
0x1: {  	s0 =	rddreg [dreg:$0x0]  }
0x2: {  	s1 =	rddreg [dreg:$0x1]  }
0x3: {  	s2 =	rddreg [dreg:$0x2]  }
0x4: {  	s3 =	rddreg [dreg:$0x3]  }
0x5: {  	s4 =	srdreg.scid;
	s5 =	simm.s32 $0x0;
	s13 =	stileid.u32  }
0x6: {  	s19 =	simm.s32 $0x1900;
	s20 =	simm.s32 $0x1;
	s21 =	simm.s32 $0x80  }
0x7: {  	s22 =	simm.s32 $0x100;
	s23 =	simm.s32 $0x900;
	s24 =	simm.s32 $0x1100  }
0x8: {  	s28 =	simm.s32 $0x0;
	s4 =	sand.u32 $0x1, s4;
	s9 =	smul.u32 $0xC400, s13  }
0x9: {  	[smem:$0x7FF] =	sst s5;
	s6 =	sadd.s32 $0xFA00, s0;
	s25 =	smul.u32 $0x31000, s13  }
0xa: {  	s7 =	sadd.s32 $0x71800, s0;
	s11 =	sshll.u32 s13, $0x1;
	s8 =	smul.u32 $0xC4000, s4  }
0xb: {  	_ =	strace $0x80000053;
	s10 =	ssub.s32 $0x2, s4;
	s4 =	sor.u32 s4, s11  }
0xc: {  	s12 =	sshrl.u32 s10, $0x1;
	s26 =	ssub.s32 $0x188A, s4;
	s29 =	sshrl.u32 s25, $0x2  }
0xd: {  	s8 =	sadd.s32 s9, s8;
	s12 =	ssub.s32 s10, s12;
	s9 =	sadd.s32 s9, s3  }
0xe: {  	s10 =	sshrl.u32 s26, $0x5;
	s11 =	sadd.s32 s29, s3;
	s26 =	simm.s32 $0x0  }
0xf: {  	s8 =	sshrl.u32 s8, $0x3;
	s30 =	smax.u32 s12, $0x1;
	s31 =	sadd.s32 $0x1C00, s11  }
0x10: {  	s14 =	sadd.s32 $0x3800, s11;
	s15 =	sadd.s32 $0x5400, s11;
	s16 =	sadd.s32 $0x7000, s11  }
0x11: {  	s17 =	sadd.s32 $0x8C00, s11;
	s0 =	sadd.s32 s8, s0;
	[dreg:$0x6] =	wrdreg s30  }
0x12: {  	s18 =	sadd.s32 $0xA800, s11;
	[dreg:$0x7] =	wrdreg s31;
	s0 =	sadd.s32 $0x40800, s0  }
0x13: {  	v0 =	vimm.f32 $0.0e+00;
	s25 =	sshrl.u32 s9, $0x3;
	s8 =	sshll.u32 s4, $0x7;
	[dreg:$0x5] =	wrdreg s0  }
.LBB2_1:
0x14: {  	s0 =	simm.s32 $0x40;
	s4 =	simm.s32 $0x0  }
.LBB2_2:
0x15: {  	p0 =	sne.s32 s0, $0x6FC0;
	[tilespmem:s4+$0x1900] =	vst v0;
	s4 =	smov.u32 s0;
	s0 =	sadd.s32 $0x40, s0  }
.Ltmp0:
0x16: {  	(pc) =	sbr.rel @p0 .LBB2_2-.Ltmp0, $2  }
0x17: {  	_ =	sdelay $0x2  }
0x18: {  	s4 =	sshra.s32 s4, $0x2  }
0x19: {  	[tilespmem:s4+$0x1900] =	vst v0  }
0x1a: {  	[spmem:s11] =	stream.linear.scatter [tilespmem:s19], [sflag:$0x1], $0x1C00, $0x38;
	[tilespmem:$0xF900] =	vst v63  }
0x1b: {  	_ =	swait.ge [sflag:s20], $0x1C00  }
0x1c: {  	[sflag:s20] =	ssyncset.done $0x0  }
0x1d: {  	s0 =	rddreg [dreg:$0x7];
	[sflag:s20] =	ssyncadd.s32 $0xFFFFE400  }
0x1e: {  	[spmem:s0] =	stream.linear.scatter [tilespmem:s19], [sflag:$0x1], $0x1C00, $0x38;
	[tilespmem:$0xF900] =	vst v63  }
0x1f: {  	_ =	swait.ge [sflag:s20], $0x1C00  }
0x20: {  	[sflag:s20] =	ssyncset.done $0x0  }
0x21: {  	[sflag:s20] =	ssyncadd.s32 $0xFFFFE400  }
0x22: {  	[spmem:s14] =	stream.linear.scatter [tilespmem:s19], [sflag:$0x1], $0x1C00, $0x38;
	[tilespmem:$0xF900] =	vst v63  }
0x23: {  	_ =	swait.ge [sflag:s20], $0x1C00  }
0x24: {  	[sflag:s20] =	ssyncset.done $0x0  }
0x25: {  	[sflag:s20] =	ssyncadd.s32 $0xFFFFE400  }
0x26: {  	[spmem:s15] =	stream.linear.scatter [tilespmem:s19], [sflag:$0x1], $0x1C00, $0x38;
	[tilespmem:$0xF900] =	vst v63  }
0x27: {  	_ =	swait.ge [sflag:s20], $0x1C00  }
0x28: {  	[sflag:s20] =	ssyncset.done $0x0  }
0x29: {  	[sflag:s20] =	ssyncadd.s32 $0xFFFFE400  }
0x2a: {  	[spmem:s16] =	stream.linear.scatter [tilespmem:s19], [sflag:$0x1], $0x1C00, $0x38;
	[tilespmem:$0xF900] =	vst v63  }
0x2b: {  	_ =	swait.ge [sflag:s20], $0x1C00  }
0x2c: {  	[sflag:s20] =	ssyncset.done $0x0  }
0x2d: {  	[sflag:s20] =	ssyncadd.s32 $0xFFFFE400  }
0x2e: {  	[spmem:s17] =	stream.linear.scatter [tilespmem:s19], [sflag:$0x1], $0x1C00, $0x38;
	[tilespmem:$0xF900] =	vst v63  }
0x2f: {  	_ =	swait.ge [sflag:s20], $0x1C00  }
0x30: {  	[sflag:s20] =	ssyncset.done $0x0  }
0x31: {  	[sflag:s20] =	ssyncadd.s32 $0xFFFFE400  }
0x32: {  	[spmem:s18] =	stream.linear.scatter [tilespmem:s19], [sflag:$0x1], $0x1C00, $0x38;
	[tilespmem:$0xF900] =	vst v63  }
0x33: {  	_ =	swait.ge [sflag:s20], $0x1C00  }
0x34: {  	[sflag:s20] =	ssyncset.done $0x0  }
0x35: {  	[sflag:s20] =	ssyncadd.s32 $0xFFFFE400  }
0x36: {  	s29 =	simm.s32 $0x0;
	[bflag:$0x0] =	sbarrier.arrive $0xFFFF  }
.LBB2_4:
0x37: {  	s0 =	sshll.u32 s29, $0xC  }
0x38: {  	s30 =	sor.u32 s8, s0  }
0x39: {  	s0 =	sshrl.u32 s30, $0x3  }
0x3a: {  	s0 =	sadd.s32 s6, s0  }
0x3b: {  	[tilespmem:s28], [sflag:$0x1] =	stream.linear.gather [hbm4b:s0+s28], $0x80, $0x38;
	[tilespmem:$0xF900] =	vst v63  }
0x3c: {  	s13 =	sadd.s32 $0xC3580, s30;
	_ =	swait.ge [sflag:s20], $0x80  }
0x3d: {  	s0 =	sshrl.u32 s13, $0x3;
	[sflag:s20] =	ssyncset.done $0x0  }
0x3e: {  	s0 =	sadd.s32 s6, s0;
	[sflag:s20] =	ssyncadd.s32 $0xFFFFFF80  }
0x3f: {  	[tilespmem:s21], [sflag:$0x1] =	stream.linear.gather [hbm4b:s0+s28], $0x80, $0x38;
	[tilespmem:$0xF900] =	vst v63  }
0x40: {  	_ =	swait.ge [sflag:s20], $0x80  }
0x41: {  	[sflag:s20] =	ssyncset.done $0x0  }
0x42: {  	[sflag:s20] =	ssyncadd.s32 $0xFFFFFF80  }
0x43: {  	[tilespmem:s22], [sflag:$0x1] =	stream.indirect.gather [hbm4b:s1+s21], $0x10, s28, s21, $0xb8;
	[tilespmem:$0xF900] =	vst v63  }
0x44: {  	_ =	swait.ge [sflag:s20], $0x800  }
0x45: {  	[sflag:s20] =	ssyncset.done $0x0  }
0x46: {  	[sflag:s20] =	ssyncadd.s32 $0xFFFFF800  }
0x47: {  	[tilespmem:s23], [sflag:$0x1] =	stream.indirect.gather [hbm4b:s2+s21], $0x10, s21, s21, $0xb8;
	[tilespmem:$0xF900] =	vst v63  }
0x48: {  	_ =	swait.ge [sflag:s20], $0x800  }
0x49: {  	[sflag:s20] =	ssyncset.done $0x0  }
0x4a: {  	s31 =	simm.s32 $0x0;
	[sflag:s20] =	ssyncadd.s32 $0xFFFFF800  }
0x4b: {  	v1 =	vld [tilespmem:s31+$0x100]  }
0x4c: {  	v2 =	vld [tilespmem:s31+$0x900];
	_ =	sdelay $0x4  }
0x4d: {  	v1 =	vadd.f32 v2, v1;
	_ =	sdelay $0x1  }
0x4e: {  	s0 =	simm.s32 $0x10;
	v2 =	vmul.f32 $2.000000030e-01, v1  }
0x4f: {  	v3 =	vld [tilespmem:s0+$0x100];
	vm0 =	vgt.f32 v1, $0.0e+00  }
0x50: {  	v4 =	vld [tilespmem:s0+$0x900];
	v1 =	vsel vm0, v1, v2  }
0x51: {  	s9 =	simm.s32 $0x20;
	v1 =	vmul.f32 $1.442695020e+00, v1  }
0x52: {  	v2 =	vld [tilespmem:s9+$0x100]  }
0x53: {  	(erf) = vpow2.f32 v1;
	v1 =	vld [tilespmem:s9+$0x900];
	_ =	sdelay $0x1  }
0x54: {  	v3 =	vadd.f32 v4, v3;
	_ =	sdelay $0x1  }
0x55: {  	v4 =	vmul.f32 $2.000000030e-01, v3  }
0x56: {  	vm14 =	vgt.f32 v3, $0.0e+00;
	v5 =	vadd.f32 v1, v2  }
0x57: {  	v1 =	vsel vm14, v3, v4  }
0x58: {  	s4 =	simm.s32 $0x30;
	v2 =	vmul.f32 $1.442695020e+00, v1;
	v3 =	vmul.f32 $2.000000030e-01, v5  }
0x59: {  	v1 =	vld [tilespmem:s4+$0x100]  }
0x5a: {  	(erf) = vpow2.f32 v2;
	v2 =	vld [tilespmem:s4+$0x900]  }
0x5b: {  	vm15 =	vgt.f32 v5, $0.0e+00  }
0x5c: {  	s12 =	simm.s32 $0x100;
	v4 =	vsel vm15, v5, v3;
	v3 =	vpop (erf)  }
.LBB2_5:
0x5d: {  	s13 =	sshra.s32 s12, $0x2  }
0x5e: {  	v4 =	vmul.f32 $1.442695020e+00, v4;
	[tilespmem:s31+$0x1100] =	vst v3;
	s31 =	smov.u32 s0;
	s0 =	smov.u32 s9;
	p0 =	sne.s32 s12, $0x1FC0  }
.Ltmp1:
0x5f: {  	s12 =	sadd.s32 $0x40, s12;
	v3 =	vadd.f32 v2, v1;
	v1 =	vld [tilespmem:s13+$0x100];
	(pc) =	sbr.rel @p0 .LBB2_5-.Ltmp1, $4  }
0x60: {  	s9 =	smov.u32 s4;
	s4 =	smov.u32 s13;
	v2 =	vld [tilespmem:s13+$0x900];
	(erf) = vpow2.f32 v4  }
0x61: {  	v4 =	vmul.f32 $2.000000030e-01, v3  }
0x62: {  	vm0 =	vgt.f32 v3, $0.0e+00  }
0x63: {  	v4 =	vsel vm0, v3, v4;
	v3 =	vpop (erf)  }
0x64: {  	_ = 	snop  }
0x65: {  	v1 =	vadd.f32 v2, v1;
	_ =	sdelay $0x1  }
0x66: {  	v2 =	vmul.f32 $2.000000030e-01, v1  }
0x67: {  	vm0 =	vgt.f32 v1, $0.0e+00  }
0x68: {  	v1 =	vsel vm0, v1, v2;
	v2 =	vmul.f32 $1.442695020e+00, v4  }
0x69: {  	v1 =	vmul.f32 $1.442695020e+00, v1  }
0x6a: {  	(erf) = vpow2.f32 v2  }
0x6b: {  	(erf) = vpow2.f32 v1;
	_ =	sdelay $0x6  }
0x6c: {  	[tilespmem:s31+$0x1100] =	vst v3;
	v1 =	vpop (erf)  }
0x6d: {  	s31 =	sshll.u32 s30, $0x1;
	[tilespmem:s0+$0x1100] =	vst v1;
	v1 =	vpop (erf)  }
0x6e: {  	s0 =	sand.u32 $0x1FFFFF00, s31;
	[tilespmem:s9+$0x1100] =	vst v1;
	v1 =	vpop (erf)  }
0x6f: {  	s0 =	sadd.s32 s7, s0;
	[tilespmem:s4+$0x1100] =	vst v1  }
0x70: {  	[hbm4b:s0+s5] =	stream.linear.scatter [tilespmem:s24], [sflag:$0x1], $0x800, $0x38;
	[tilespmem:$0xF900] =	vst v63  }
0x71: {  	s29 =	sadd.s32 $0x1, s29;
	_ =	swait.ge [sflag:s20], $0x800  }
0x72: {  	p0 =	sne.s32 s29, s10;
	[sflag:s20] =	ssyncset.done $0x0  }
.Ltmp2:
0x73: {  	[sflag:s20] =	ssyncadd.s32 $0xFFFFF800;
	(pc) =	sbr.rel @p0 .LBB2_4-.Ltmp2, $4  }
0x74: {  	[spmem:s3] =	stream.indirect.scatter.add.f32 [tilespmem:s24], [sflag:$0x1], $0x10, s21, s21, $0xb8;
	[tilespmem:$0xF900] =	vst v63  }
0x75: {  	_ =	swait.ge [sflag:s20], $0x800  }
0x76: {  	[sflag:s20] =	ssyncset.done $0x0  }
0x77: {  	[sflag:s20] =	ssyncadd.s32 $0xFFFFF800  }
0x78: {  	s0 =	stileid.u32  }
0x79: {  	[bflag:$0x0] =	sbarrier.arrive $0xFFFF;
	s0 =	sshll.u32 s0, $0x6  }
0x7a: {  	s4 =	rddreg [dreg:$0x5];
	s0 =	sor.u32 $0x1C01, s0  }
0x7b: {  	[hbm:s4], [sflag:s0] =	dma.local [spmem:s25], $0x1880  }
0x7c: {  	_ =	swait.ge [sflag:s20], $0x1880  }
0x7d: {  	s26 =	sadd.s32 $0x1, s26;
	s31 =	rddreg [dreg:$0x6]  }
0x7e: {  	p0 =	sne.s32 s26, s31  }
.Ltmp3:
0x7f: {  	_ = 	snop;
	(pc) =	sbr.rel @p0 .LBB2_1-.Ltmp3, $3  }
0x80: {  	_ =	sdelay $0x1  }
0x81: {  	[sflag:s20] =	ssyncset.done $0x0  }
0x82: {  	[sflag:s20] =	ssyncadd.s32 $0xFFFFE780  }
0x83: {  	_ =	sfence.sel $0x180000  }
0x84: {  	[bflag:$0x0] =	sbarrier.arrive $0xFFFF  }
0x85: {  	_ =	strace $0x90000053  }
0x86: {  	s0 =	stileid.u32;
	[bflag:$0x2] =	sbarrier.arrive $0xFFFF  }
0x87: {  	p0 =	sne.s32 s0, $0x0;
	s0 =	rddreg [dreg:$0x4]  }
0x88: {  	s0 =	sadd.s32 @!p0 $0x100000, s0  }
0x89: {  	[sflag:s0] =	ssyncadd.tile.s32 @!p0 $0x1;
	_ =	shalt  }
.Lfunc_end2:
_tile_overlayer_lowered:
.L_overlay_start_2:
0x8a: {  	(tag) =	ssettag $0x2  }
0x8b: {  	s0 =	rddreg [dreg:$0x0];
	s2 =	stileid.u32  }
0x8c: {  	s1 =	rddreg [dreg:$0x1];
	p0 =	sne.s32 s2, $0x0  }
0x8d: {  	s3 =	rddreg [dreg:$0x2];
	[bflag:$0x3] =	sbarrier.arrive $0xFFFF;
	s2 =	simm.s32 @!p0 $0x1C01  }
0x8e: {  	[timem:s3], [sflag:s2] =	dma.local @!p0 [hbm:s0], s1  }
0x8f: {  	s0 =	simm.s32 @!p0 $0x1  }
0x90: {  	_ =	swait.ge @!p0 [sflag:s0], s1  }
0x91: {  	s1 =	ssub.s32 @!p0 $0x0, s1;
	[sflag:s0] =	ssyncset.done @!p0 $0x0  }
0x92: {  	[sflag:s0] =	ssyncadd.s32 @!p0 s1  }
0x93: {  	[bflag:$0x3] =	sbarrier.arrive $0xFFFF  }
0x94: {  	_ =	shalt  }

// kernel: kernel.30.cloned.1.call-start
scs
__scs_entry_jumppad:
0x0: {  	(pc) =	sbr.rel $0x88, $3  }
0x1: {  	(tag) =	ssettag $0x0;
	lr =	simm.s32 $0x1  }
0x2: {  	[smem:$0x3F91] =	sst lr;
	_ =	strace $0xD0000000  }
0x3: {  	_ = 	snop  }
0x4: {  	_ = 	snop  }
0x5: {  	_ = 	snop  }
0x6: {  	_ = 	snop  }
0x7: {  	_ = 	snop  }
__scs_overlays_trampoline_lowered:
0x8: {  	[smem:$0x3FA0] =	sst s0  }
0x9: {  	[smem:$0x3FA1] =	sst s1  }
0xa: {  	[smem:$0x3FA2] =	sst s2  }
0xb: {  	[smem:$0x3FA3] =	sst s3  }
0xc: {  	[smem:$0x3FA4] =	sst s4  }
0xd: {  	[smem:$0x3FA5] =	sst s5  }
0xe: {  	[smem:$0x3FA6] =	sst s6  }
0xf: {  	[smem:$0x3FA7] =	sst s7  }
0x10: {  	[smem:$0x3FA8] =	sst s8  }
0x11: {  	[smem:$0x3FA9] =	sst s9;
	s0 =	simm.s32 @!p0 $0x0  }
0x12: {  	s1 =	sld [smem:$0x3F8F];
	s0 =	simm.s32 @p0 $0x1  }
0x13: {  	[smem:$0x3FAA] =	sst s0;
	s0 =	simm.s32 @!p1 $0x0  }
0x14: {  	s2 =	sld [smem:$0x3F8E];
	s0 =	simm.s32 @p1 $0x1  }
0x15: {  	[smem:$0x3FAB] =	sst s0;
	s0 =	simm.s32 @!p2 $0x0  }
0x16: {  	s3 =	sld [smem:$0x3FDB];
	s0 =	simm.s32 @p2 $0x1  }
0x17: {  	s4 =	simm.s32 $0x1BF5;
	[smem:$0x3FAD] =	sst s0  }
0x18: {  	s0 =	sld [smem:$0x3F90];
	_ =	swait.ge [sflag:s4], $0x0  }
0x19: {  	s7 =	sld [smem:$0x3F91]  }
0x1a: {  	s8 =	sadd.s32 $0xFFFFE003, lr  }
0x1b: {  	s9 =	sadd.s32 $0xFFFFFEF7, lr;
	s5 =	simm.s32 $0xFFFFFFFF;
	p2 =	slt.u32 s8, $0xFFFFF086  }
0x1c: {  	p1 =	slt.u32 s9, $0xF7A;
	s5 =	simm.s32 @!p2 $0x0  }
0x1d: {  	s5 =	simm.s32 @p1 $0x1;
	p0 =	seq.s32 s7, s2  }
0x1e: {  	s7 =	smul.u32 @!p0 $0xF7A, s2;
	p2 =	seq.s32 @!p0 s5, $0x0  }
0x1f: {  	s9 =	smul.u32 $0xF7A, s1;
	s8 =	simm.s32 @!p0 $0x1BF5;
	p2 =	por !p2, p0  }
0x20: {  	[sflag:s8] =	ssyncset.s32 @!p0 $0xFFFFF086;
	s6 =	sadd.s32 @!p0 s3, s7;
	s7 =	simm.s32 @!p0 $0x108  }
0x21: {  	s3 =	sadd.s32 s3, s9;
	s6 =	sadd.s32 @!p0 $0x88, s6;
	s7 =	simm.s32 @p2 $0x1082  }
0x22: {  	[simem:s7], [sflag:s8] =	dma.local @!p0 [hbm:s6], $0xF7A  }
0x23: {  	s9 =	sor.u32 $0xD0000000, s2;
	s6 =	simm.s32 $0x108;
	_ =	swait.ge @!p0 [sflag:s8], $0x0  }
0x24: {  	s3 =	sadd.s32 $0x88, s3;
	s6 =	simm.s32 @!p1 $0x1082;
	[sflag:s4] =	ssyncset.s32 $0xFFFFF086  }
0x25: {  	[simem:s6], [sflag:s4] =	dma.local [hbm:s3], $0xF7A  }
0x26: {  	[smem:$0x3F91] =	sst s1;
	(tag) =	ssettag s2;
	_ =	strace s9  }
0x27: {  	s1 =	sld [smem:$0x3FA1]  }
0x28: {  	s2 =	sld [smem:$0x3FA2]  }
0x29: {  	s4 =	sld [smem:$0x3FA4]  }
0x2a: {  	p0 =	seq.s32 s5, $0x0;
	s5 =	sld [smem:$0x3FA5]  }
0x2b: {  	s6 =	sld [smem:$0x3FA6]  }
0x2c: {  	s7 =	sld [smem:$0x3FA7]  }
0x2d: {  	s3 =	simm.s32 $0x108;
	s8 =	sld [smem:$0x3FA8]  }
0x2e: {  	s3 =	simm.s32 @!p0 $0x1082;
	s9 =	sld [smem:$0x3FA9]  }
0x2f: {  	lr =	sadd.s32 s0, s3;
	s0 =	sld [smem:$0x3FA0]  }
0x30: {  	s3 =	sld [smem:$0x3FA3]  }
0x31: {  	[smem:$0x3FAC] =	sst s10  }
0x32: {  	s10 =	sld [smem:$0x3FAA];
	_ =	sdelay $0x3  }
0x33: {  	p0 =	seq.s32 s10, $0x1;
	s10 =	sld [smem:$0x3FAC];
	_ =	sdelay $0x3  }
0x34: {  	[smem:$0x3FAC] =	sst s10  }
0x35: {  	s10 =	sld [smem:$0x3FAB];
	_ =	sdelay $0x3  }
0x36: {  	p1 =	seq.s32 s10, $0x1;
	s10 =	sld [smem:$0x3FAC];
	_ =	sdelay $0x3  }
0x37: {  	[smem:$0x3FAC] =	sst s10  }
0x38: {  	s10 =	sld [smem:$0x3FAD]  }
0x39: {  	_ = 	snop;
	(pc) =	sbr.ind lr, $3  }
0x3a: {  	_ = 	snop  }
0x3b: {  	_ = 	snop  }
0x3c: {  	p2 =	seq.s32 s10, $0x1;
	s10 =	sld [smem:$0x3FAC]  }
0x3d: {  	_ =	shalt  }
0x3e: {  	_ =	shalt  }
0x3f: {  	_ =	shalt  }
0x40: {  	_ =	shalt  }
0x41: {  	_ =	shalt  }
0x42: {  	_ =	shalt  }
0x43: {  	_ =	shalt  }
0x44: {  	_ =	shalt  }
0x45: {  	_ =	shalt  }
0x46: {  	_ =	shalt  }
0x47: {  	_ =	shalt  }
0x48: {  	_ =	shalt  }
0x49: {  	_ =	shalt  }
0x4a: {  	_ =	shalt  }
0x4b: {  	_ =	shalt  }
0x4c: {  	_ =	shalt  }
0x4d: {  	_ =	shalt  }
0x4e: {  	_ =	shalt  }
0x4f: {  	_ =	shalt  }
0x50: {  	_ =	shalt  }
0x51: {  	_ =	shalt  }
0x52: {  	_ =	shalt  }
0x53: {  	_ =	shalt  }
0x54: {  	_ =	shalt  }
0x55: {  	_ =	shalt  }
0x56: {  	_ =	shalt  }
0x57: {  	_ =	shalt  }
0x58: {  	_ =	shalt  }
0x59: {  	_ =	shalt  }
0x5a: {  	_ =	shalt  }
0x5b: {  	_ =	shalt  }
0x5c: {  	_ =	shalt  }
0x5d: {  	_ =	shalt  }
0x5e: {  	_ =	shalt  }
0x5f: {  	_ =	shalt  }
0x60: {  	_ =	shalt  }
0x61: {  	_ =	shalt  }
0x62: {  	_ =	shalt  }
0x63: {  	_ =	shalt  }
0x64: {  	_ =	shalt  }
0x65: {  	_ =	shalt  }
0x66: {  	_ =	shalt  }
0x67: {  	_ =	shalt  }
0x68: {  	_ =	shalt  }
0x69: {  	_ =	shalt  }
0x6a: {  	_ =	shalt  }
0x6b: {  	_ =	shalt  }
0x6c: {  	_ =	shalt  }
0x6d: {  	_ =	shalt  }
0x6e: {  	_ =	shalt  }
0x6f: {  	_ =	shalt  }
0x70: {  	_ =	shalt  }
0x71: {  	_ =	shalt  }
0x72: {  	_ =	shalt  }
0x73: {  	_ =	shalt  }
0x74: {  	_ =	shalt  }
0x75: {  	_ =	shalt  }
0x76: {  	_ =	shalt  }
0x77: {  	_ =	shalt  }
0x78: {  	_ =	shalt  }
0x79: {  	_ =	shalt  }
0x7a: {  	_ =	shalt  }
0x7b: {  	_ =	shalt  }
0x7c: {  	_ =	shalt  }
0x7d: {  	_ =	shalt  }
0x7e: {  	_ =	shalt  }
0x7f: {  	_ =	shalt  }
0x80: {  	_ =	shalt  }
0x81: {  	_ =	shalt  }
0x82: {  	_ =	shalt  }
0x83: {  	_ =	shalt  }
0x84: {  	_ =	shalt  }
0x85: {  	_ =	shalt  }
0x86: {  	_ =	shalt  }
0x87: {  	_ =	shalt  }
.Lfunc_end0:
.L_simem_size_0:
called_computation.5_lowered:
.L_overlay_start_0:
0x88: {  	s2 =	sld [smem:$0x3FD9]  }
0x89: {  	s3 =	sld [smem:$0x3FFE];
	_ =	sdelay $0x1  }
0x8a: {  	s1 =	srdreg.scid  }
0x8b: {  	s0 =	sand.u32 $0x1, s1  }
0x8c: {  	s15 =	sshll.u32 s0, $0xA;
	s2 =	sadd.s32 s3, s2  }
0x8d: {  	s2 =	sadd.s32 s2, s15  }
0x8e: {  	[smem:$0x3FB8] =	sst s2  }
0x8f: {  	_ = 	snop  }
0x90: {  	s2 =	sld [smem:$0x3FD0];
	_ =	sdelay $0x2  }
0x91: {  	s16 =	simm.s32 $0xC;
	s4 =	simm.s32 $0x10  }
0x92: {  	[smem:s4], [sflag:s16] =	dma.local [hbm:s2], $0x1  }
0x93: {  	_ =	swait.eq [sflag:s16], $0x1  }
0x94: {  	[sflag:s16] =	ssyncset.done $0x0  }
0x95: {  	[sflag:s16] =	ssyncadd.s32 $0xFFFFFFFF  }
0x96: {  	s17 =	sld [smem:$0x11];
	(tm) =	ssettm $0x1  }
0x97: {  	s18 =	sld [smem:$0x3FFB];
	_ =	sdelay $0x3  }
0x98: {  	_ =	strace s18  }
0x99: {  	s2 =	sld [smem:$0x3FFC];
	_ =	sdelay $0x3  }
0x9a: {  	_ =	strace s2  }
0x9b: {  	s2 =	sld [smem:$0x3FFD];
	_ =	sdelay $0x3  }
0x9c: {  	_ =	strace s2  }
0x9d: {  	_ =	strace $0x8FFFFFFF  }
0x9e: {  	s19 =	sld [smem:$0x3FDB];
	_ =	sdelay $0x1  }
0x9f: {  	s20 =	simm.s32 $_scs_section_size  }
0xa0: {  	s5 =	simm.s32 $_size__tile_overlayer_lowered;
	s6 =	simm.s32 $_tile_overlayer_lowered  }
0xa1: {  	s7 =	simm.s32 $0x1BFF;
	s21 =	sshll.u32 s6, $0x1;
	s4 =	sadd.s32 s20, s19  }
0xa2: {  	s22 =	simm.s32 $0x0;
	s5 =	sshll.u32 s5, $0x1;
	s6 =	sadd.s32 s21, s4  }
0xa3: {  	[timem:s22], [sflag:s7] =	dma.local [hbm:s6], s5  }
0xa4: {  	_ =	swait.ge [sflag:s7], s5  }
0xa5: {  	s5 =	ssub.s32 $0x0, s5;
	[sflag:s7] =	ssyncset.done $0x0  }
0xa6: {  	[sflag:s7] =	ssyncadd.s32 s5;
	_ =	sdelay $0x1  }
0xa7: {  	s23 =	simm.s32 $0x1B8B  }
0xa8: {  	_ =	swait.ge [sflag:s23], $0x1  }
0xa9: {  	[sflag:s23] =	ssyncset.done $0x0  }
0xaa: {  	[sflag:s23] =	ssyncadd.s32 $0xFFFFFFFF  }
0xab: {  	s5 =	sld [smem:$0x0]  }
0xac: {  	s6 =	sand.u32 $0xFFFFFFFE, s1  }
0xad: {  	p0 =	sne.s32 s1, s6  }
0xae: {  	s6 =	sshll.u32 @p0 s6, $0xE  }
0xaf: {  	s6 =	sadd.s32 @p0 $0x11B8D, s6;
	s7 =	sshll.u32 @p0 s5, $0x11  }
0xb0: {  	s6 =	sor.u32 @p0 s7, s6  }
0xb1: {  	[sflag:s6] =	ssyncadd.remote.s32 @p0 $0x1;
	_ =	sdelay $0x1  }
0xb2: {  	s6 =	simm.s32 @p0 $0x1B8D  }
0xb3: {  	_ =	swait.eq @p0 [sflag:s6], $0x1  }
0xb4: {  	[sflag:s6] =	ssyncadd.s32 @p0 $0xFFFFFFFF  }
0xb5: {  	s7 =	sshll.u32 @!p0 s1, $0xE  }
0xb6: {  	s7 =	sor.u32 @!p0 $0x4000, s7;
	s6 =	simm.s32 @!p0 $0x1B8D  }
0xb7: {  	s5 =	sshll.u32 @!p0 s5, $0x11;
	s7 =	sadd.s32 @!p0 $0x11B8D, s7;
	_ =	swait.eq @!p0 [sflag:s6], $0x1  }
0xb8: {  	s5 =	sor.u32 @!p0 s5, s7;
	[sflag:s6] =	ssyncadd.s32 @!p0 $0xFFFFFFFF  }
0xb9: {  	s25 =	simm.s32 $0x1B8E;
	s24 =	sld [smem:$0x3FFE];
	[sflag:s5] =	ssyncadd.remote.s32 @!p0 $0x1  }
0xba: {  	s26 =	simm.s32 $execute0_lowered;
	[smem:$0x3FD2] =	sst s25  }
0xbb: {  	s6 =	sshll.u32 s26, $0x1;
	_ =	strace $0x8000005B;
	[dreg:$0x1] =	wrdreg $0xFFFFFFFF  }
0xbc: {  	s28 =	simm.s32 $_size_execute0_lowered;
	s4 =	sadd.s32 s4, s6;
	[dreg:$0x0] =	wrdreg $0x0  }
0xbd: {  	s6 =	sshll.u32 s28, $0x1;
	[dreg:$0x2] =	wrdreg s4  }
0xbe: {  	[dreg:$0x3] =	wrdreg s6  }
0xbf: {  	[dreg:$0x4] =	wrdreg $0xC0  }
0xc0: {  	_ =	task [dreg:s22], $0x5FFFF  }
0xc1: {  	[dreg:$0x1] =	wrdreg $0xFFFFFFFF  }
0xc2: {  	[dreg:$0x0] =	wrdreg $0x60  }
0xc3: {  	[dreg:$0x2] =	wrdreg s24  }
0xc4: {  	[dreg:$0x3] =	wrdreg s17  }
0xc5: {  	[dreg:$0x4] =	wrdreg $0x61000  }
0xc6: {  	[dreg:$0x5] =	wrdreg $0x9  }
0xc7: {  	_ =	task.clear_ibuf [dreg:s22], $0x6FFFF;
	_ =	strace $0x9000005B  }
0xc8: {  	s29 =	simm.s32 $0x9;
	_ =	strace $0x8000005D  }
0xc9: {  	_ =	swait.ge [sflag:s29], $0x1  }
0xca: {  	[sflag:s29] =	ssyncadd.s32 $0xFFFFFFFF  }
0xcb: {  	_ =	strace $0x9000005D  }
0xcc: {  	_ =	sfence  }
0xcd: {  	s30 =	sld [smem:$0x0];
	_ =	sdelay $0x2  }
0xce: {  	s31 =	sshll.u32 s1, $0xD;
	s1 =	sshrl.u32 s1, $0x2  }
0xcf: {  	s4 =	sand.u32 $0x4000, s31;
	s1 =	sadd.s32 s1, s30  }
0xd0: {  	s0 =	sor.u32 s4, s0;
	s1 =	sshll.u32 s1, $0x11  }
0xd1: {  	s0 =	sor.u32 s1, s0  }
0xd2: {  	s0 =	sadd.s32 $0x8F2B, s0  }
0xd3: {  	[sflag:s0] =	ssyncadd.remote.s32 $0x1  }
0xd4: {  	_ =	sfence.sel $0xFFFF  }
0xd5: {  	[dreg:$0x0] =	wrdreg $0xFFFFFFFF;
	(pc) =	sbr.abs _section_cstart, $3  }
0xd6: {  	[dreg:$0x1] =	wrdreg $0xFFFFFFFF  }
0xd7: {  	_ =	task.clear_ibuf [dreg:s22], $0x2FFFF;
	_ =	strace $0x9FFFFFFF  }
0xd8: {  	(tm) =	ssettm $0x7FFFFFFF  }
0xd9: {  	_ =	shalt  }
tec
execute0_lowered:
.L_overlay_start_1:
0x0: {  	(tag) =	ssettag $0x1  }
0x1: {  	s6 =	rddreg [dreg:$0x0]  }
0x2: {  	s8 =	rddreg [dreg:$0x1]  }
0x3: {  	s1 =	rddreg [dreg:$0x2]  }
0x4: {  	s0 =	rddreg [dreg:$0x3]  }
0x5: {  	s3 =	simm.s32 $0x0;
	s2 =	srdreg.scid;
	s18 =	simm.s32 $0x2900  }
0x6: {  	s19 =	simm.s32 $0x1;
	s20 =	simm.s32 $0x80;
	s21 =	simm.s32 $0x100  }
0x7: {  	s22 =	simm.s32 $0x1900;
	[smem:$0x7FF] =	sst s3;
	s7 =	sand.u32 $0x1, s2  }
0x8: {  	s2 =	stileid.u32;
	s4 =	sadd.s32 $0xFA00, s6;
	s5 =	sadd.s32 $0x2BC400, s6  }
0x9: {  	s6 =	sadd.s32 $0x71800, s6;
	s9 =	smul.u32 $0x188000, s7;
	_ =	strace $0x8000005C  }
0xa: {  	s10 =	smul.u32 $0x18800, s2;
	s11 =	ssub.s32 $0x2, s7;
	s13 =	sshll.u32 s2, $0x1  }
0xb: {  	s14 =	smul.u32 $0x62000, s2;
	s12 =	sshrl.u32 s11, $0x1;
	s13 =	sor.u32 s7, s13  }
0xc: {  	s9 =	sadd.s32 s10, s9;
	s11 =	ssub.s32 s11, s12;
	s7 =	sshll.u32 s13, $0x7  }
0xd: {  	s23 =	sadd.s32 s10, s1;
	s30 =	ssub.s32 $0x188A, s13;
	s31 =	sshrl.u32 s14, $0x2  }
0xe: {  	s9 =	sshrl.u32 s9, $0x3;
	s10 =	smax.u32 s11, $0x1;
	s11 =	sadd.s32 s31, s1  }
0xf: {  	s23 =	sshrl.u32 s23, $0x3;
	s8 =	sadd.s32 s8, s9;
	s9 =	sshrl.u32 s30, $0x5  }
0x10: {  	s12 =	sadd.s32 $0x3800, s11;
	s13 =	sadd.s32 $0x7000, s11;
	s14 =	sadd.s32 $0xA800, s11  }
0x11: {  	v0 =	vimm.f32 $0.0e+00;
	s15 =	sadd.s32 $0xE000, s11;
	s16 =	sadd.s32 $0x11800, s11;
	s17 =	sadd.s32 $0x15000, s11  }
.LBB2_1:
0x12: {  	s24 =	simm.s32 $0x80;
	s25 =	simm.s32 $0x0  }
.LBB2_2:
0x13: {  	p0 =	sne.s32 s24, $0xDF80;
	[tilespmem:s25+$0x2900] =	vst v0;
	s26 =	smov.u32 s24;
	s24 =	sadd.s32 $0x80, s24  }
.Ltmp0:
0x14: {  	[tilespmem:s25+$0x2910] =	vst v0;
	(pc) =	sbr.rel @p0 .LBB2_2-.Ltmp0, $2  }
0x15: {  	_ =	sdelay $0x2  }
0x16: {  	s25 =	sshra.s32 s26, $0x2  }
0x17: {  	[tilespmem:s25+$0x2900] =	vst v0  }
0x18: {  	[tilespmem:s25+$0x2910] =	vst v0  }
0x19: {  	[spmem:s11] =	stream.linear.scatter [tilespmem:s18], [sflag:$0x1], $0x3800, $0x38;
	[tilespmem:$0x1E900] =	vst v63  }
0x1a: {  	_ =	swait.ge [sflag:s19], $0x3800  }
0x1b: {  	[sflag:s19] =	ssyncset.done $0x0  }
0x1c: {  	[sflag:s19] =	ssyncadd.s32 $0xFFFFC800  }
0x1d: {  	[spmem:s12] =	stream.linear.scatter [tilespmem:s18], [sflag:$0x1], $0x3800, $0x38;
	[tilespmem:$0x1E900] =	vst v63  }
0x1e: {  	_ =	swait.ge [sflag:s19], $0x3800  }
0x1f: {  	[sflag:s19] =	ssyncset.done $0x0  }
0x20: {  	[sflag:s19] =	ssyncadd.s32 $0xFFFFC800  }
0x21: {  	[spmem:s13] =	stream.linear.scatter [tilespmem:s18], [sflag:$0x1], $0x3800, $0x38;
	[tilespmem:$0x1E900] =	vst v63  }
0x22: {  	_ =	swait.ge [sflag:s19], $0x3800  }
0x23: {  	[sflag:s19] =	ssyncset.done $0x0  }
0x24: {  	[sflag:s19] =	ssyncadd.s32 $0xFFFFC800  }
0x25: {  	[spmem:s14] =	stream.linear.scatter [tilespmem:s18], [sflag:$0x1], $0x3800, $0x38;
	[tilespmem:$0x1E900] =	vst v63  }
0x26: {  	_ =	swait.ge [sflag:s19], $0x3800  }
0x27: {  	[sflag:s19] =	ssyncset.done $0x0  }
0x28: {  	[sflag:s19] =	ssyncadd.s32 $0xFFFFC800  }
0x29: {  	[spmem:s15] =	stream.linear.scatter [tilespmem:s18], [sflag:$0x1], $0x3800, $0x38;
	[tilespmem:$0x1E900] =	vst v63  }
0x2a: {  	_ =	swait.ge [sflag:s19], $0x3800  }
0x2b: {  	[sflag:s19] =	ssyncset.done $0x0  }
0x2c: {  	[sflag:s19] =	ssyncadd.s32 $0xFFFFC800  }
0x2d: {  	[spmem:s16] =	stream.linear.scatter [tilespmem:s18], [sflag:$0x1], $0x3800, $0x38;
	[tilespmem:$0x1E900] =	vst v63  }
0x2e: {  	_ =	swait.ge [sflag:s19], $0x3800  }
0x2f: {  	[sflag:s19] =	ssyncset.done $0x0  }
0x30: {  	[sflag:s19] =	ssyncadd.s32 $0xFFFFC800  }
0x31: {  	[spmem:s17] =	stream.linear.scatter [tilespmem:s18], [sflag:$0x1], $0x3800, $0x38;
	[tilespmem:$0x1E900] =	vst v63  }
0x32: {  	_ =	swait.ge [sflag:s19], $0x3800  }
0x33: {  	[sflag:s19] =	ssyncset.done $0x0  }
0x34: {  	[sflag:s19] =	ssyncadd.s32 $0xFFFFC800  }
0x35: {  	s24 =	simm.s32 $0x0;
	s25 =	simm.s32 $0x0;
	[bflag:$0x0] =	sbarrier.arrive $0xFFFF  }
.LBB2_4:
0x36: {  	s26 =	sshll.u32 s25, $0xC  }
0x37: {  	s26 =	sor.u32 s7, s26  }
0x38: {  	s28 =	sshrl.u32 s26, $0x3  }
0x39: {  	s28 =	sadd.s32 s4, s28  }
0x3a: {  	[tilespmem:s24], [sflag:$0x1] =	stream.linear.gather [hbm4b:s28+s24], $0x80, $0x38;
	[tilespmem:$0x1E900] =	vst v63  }
0x3b: {  	s28 =	sadd.s32 $0xC3580, s26;
	_ =	swait.ge [sflag:s19], $0x80  }
0x3c: {  	s28 =	sshrl.u32 s28, $0x3;
	[sflag:s19] =	ssyncset.done $0x0  }
0x3d: {  	s28 =	sadd.s32 s4, s28;
	[sflag:s19] =	ssyncadd.s32 $0xFFFFFF80  }
0x3e: {  	[tilespmem:s20], [sflag:$0x1] =	stream.linear.gather [hbm4b:s28+s24], $0x80, $0x38;
	[tilespmem:$0x1E900] =	vst v63  }
0x3f: {  	_ =	swait.ge [sflag:s19], $0x80  }
0x40: {  	[sflag:s19] =	ssyncset.done $0x0  }
0x41: {  	[sflag:s19] =	ssyncadd.s32 $0xFFFFFF80  }
0x42: {  	[tilespmem:s21], [sflag:$0x1] =	stream.indirect.gather [hbm4b:s5+s20], $0x20, s24, s20, $0xb8;
	[tilespmem:$0x1E900] =	vst v63  }
0x43: {  	s26 =	sshll.u32 s26, $0x1;
	_ =	swait.ge [sflag:s19], $0x1000  }
0x44: {  	s26 =	sand.u32 $0x1FFFFF00, s26;
	[sflag:s19] =	ssyncset.done $0x0  }
0x45: {  	s28 =	sadd.s32 s6, s26;
	s26 =	simm.s32 $0x1100;
	[sflag:s19] =	ssyncadd.s32 $0xFFFFF000  }
0x46: {  	[tilespmem:s26], [sflag:$0x1] =	stream.linear.gather [hbm4b:s28+s24], $0x800, $0x38;
	[tilespmem:$0x1E900] =	vst v63  }
0x47: {  	_ =	swait.ge [sflag:s19], $0x800  }
0x48: {  	[sflag:s19] =	ssyncset.done $0x0  }
0x49: {  	[sflag:s19] =	ssyncadd.s32 $0xFFFFF800  }
0x4a: {  	s29 =	simm.s32 $0x80;
	s28 =	simm.s32 $0x0;
	v1 =	vld [tilespmem:s26+$0x0]  }
.LBB2_5:
0x4b: {  	p0 =	sne.s32 s29, $0x3F80;
	v2 =	vld [tilespmem:s28+$0x100]  }
0x4c: {  	v3 =	vld [tilespmem:s28+$0x110];
	_ =	sdelay $0x2  }
0x4d: {  	v4 =	vbroadcast v1, $0x0;
	v1 =	vbroadcast v1, $0x1;
	_ =	sdelay $0x1  }
.Ltmp1:
0x4e: {  	v2 =	vmul.f32 v4, v2;
	v1 =	vmul.f32 v3, v1;
	(pc) =	sbr.rel @p0 .LBB2_5-.Ltmp1, $4  }
0x4f: {  	_ = 	snop  }
0x50: {  	[tilespmem:s28+$0x1900] =	vst v2  }
0x51: {  	s26 =	sadd.s32 $0x10, s26;
	[tilespmem:s28+$0x1910] =	vst v1  }
0x52: {  	s28 =	sshra.s32 s29, $0x2;
	s29 =	sadd.s32 $0x80, s29;
	v1 =	vld [tilespmem:s26+$0x0]  }
0x53: {  	_ = 	snop  }
0x54: {  	v2 =	vld [tilespmem:s28+$0x100]  }
0x55: {  	v3 =	vld [tilespmem:s28+$0x110];
	_ =	sdelay $0x1  }
0x56: {  	v4 =	vbroadcast v1, $0x0  }
0x57: {  	v1 =	vbroadcast v1, $0x1  }
0x58: {  	v2 =	vmul.f32 v4, v2  }
0x59: {  	s25 =	sadd.s32 $0x1, s25;
	v1 =	vmul.f32 v3, v1  }
0x5a: {  	p0 =	sne.s32 s25, s9;
	[tilespmem:s28+$0x1900] =	vst v2  }
.Ltmp2:
0x5b: {  	[tilespmem:s28+$0x1910] =	vst v1;
	(pc) =	sbr.rel @p0 .LBB2_4-.Ltmp2, $4  }
0x5c: {  	[spmem:s1] =	stream.indirect.scatter.add.f32 [tilespmem:s22], [sflag:$0x1], $0x20, s20, s20, $0xb8;
	[tilespmem:$0x1E900] =	vst v63  }
0x5d: {  	_ =	swait.ge [sflag:s19], $0x1000  }
0x5e: {  	[sflag:s19] =	ssyncset.done $0x0  }
0x5f: {  	[sflag:s19] =	ssyncadd.s32 $0xFFFFF000  }
0x60: {  	s3 =	sadd.s32 $0x1, s3  }
0x61: {  	s24 =	sshll.u32 s2, $0x6;
	p0 =	sne.s32 s3, s10  }
.Ltmp3:
0x62: {  	[bflag:$0x0] =	sbarrier.arrive $0xFFFF;
	s24 =	sor.u32 $0x1C01, s24;
	(pc) =	sbr.rel @p0 .LBB2_1-.Ltmp3, $4  }
0x63: {  	[hbm:s8], [sflag:s24] =	dma.local [spmem:s23], $0x3100  }
0x64: {  	_ =	swait.ge [sflag:s19], $0x3100  }
0x65: {  	[sflag:s19] =	ssyncset.done $0x0  }
0x66: {  	[sflag:s19] =	ssyncadd.s32 $0xFFFFCF00  }
0x67: {  	_ =	sfence.sel $0x180000  }
0x68: {  	[bflag:$0x0] =	sbarrier.arrive $0xFFFF  }
0x69: {  	p0 =	sne.s32 s2, $0x0;
	_ =	strace $0x9000005C  }
0x6a: {  	s0 =	sadd.s32 @!p0 $0x100000, s0;
	[bflag:$0x2] =	sbarrier.arrive $0xFFFF  }
0x6b: {  	[sflag:s0] =	ssyncadd.tile.s32 @!p0 $0x1;
	_ =	shalt  }
.Lfunc_end2:
_tile_overlayer_lowered:
.L_overlay_start_2:
0x6c: {  	(tag) =	ssettag $0x2  }
0x6d: {  	s0 =	rddreg [dreg:$0x0];
	s2 =	stileid.u32  }
0x6e: {  	s1 =	rddreg [dreg:$0x1];
	p0 =	sne.s32 s2, $0x0  }
0x6f: {  	s3 =	rddreg [dreg:$0x2];
	[bflag:$0x3] =	sbarrier.arrive $0xFFFF;
	s2 =	simm.s32 @!p0 $0x1C01  }
0x70: {  	[timem:s3], [sflag:s2] =	dma.local @!p0 [hbm:s0], s1  }
0x71: {  	s0 =	simm.s32 @!p0 $0x1  }
0x72: {  	_ =	swait.ge @!p0 [sflag:s0], s1  }
0x73: {  	s1 =	ssub.s32 @!p0 $0x0, s1;
	[sflag:s0] =	ssyncset.done @!p0 $0x0  }
0x74: {  	[sflag:s0] =	ssyncadd.s32 @!p0 s1  }
0x75: {  	[bflag:$0x3] =	sbarrier.arrive $0xFFFF  }
0x76: {  	_ =	shalt  }

// kernel: kernel.33.cloned.1.call-start
scs
__scs_entry_jumppad:
0x0: {  	(pc) =	sbr.rel $0x88, $3  }
0x1: {  	(tag) =	ssettag $0x0;
	lr =	simm.s32 $0x1  }
0x2: {  	[smem:$0x3F91] =	sst lr;
	_ =	strace $0xD0000000  }
0x3: {  	_ = 	snop  }
0x4: {  	_ = 	snop  }
0x5: {  	_ = 	snop  }
0x6: {  	_ = 	snop  }
0x7: {  	_ = 	snop  }
__scs_overlays_trampoline_lowered:
0x8: {  	[smem:$0x3FA0] =	sst s0  }
0x9: {  	[smem:$0x3FA1] =	sst s1  }
0xa: {  	[smem:$0x3FA2] =	sst s2  }
0xb: {  	[smem:$0x3FA3] =	sst s3  }
0xc: {  	[smem:$0x3FA4] =	sst s4  }
0xd: {  	[smem:$0x3FA5] =	sst s5  }
0xe: {  	[smem:$0x3FA6] =	sst s6  }
0xf: {  	[smem:$0x3FA7] =	sst s7  }
0x10: {  	[smem:$0x3FA8] =	sst s8  }
0x11: {  	[smem:$0x3FA9] =	sst s9;
	s0 =	simm.s32 @!p0 $0x0  }
0x12: {  	s1 =	sld [smem:$0x3F8F];
	s0 =	simm.s32 @p0 $0x1  }
0x13: {  	[smem:$0x3FAA] =	sst s0;
	s0 =	simm.s32 @!p1 $0x0  }
0x14: {  	s2 =	sld [smem:$0x3F8E];
	s0 =	simm.s32 @p1 $0x1  }
0x15: {  	[smem:$0x3FAB] =	sst s0;
	s0 =	simm.s32 @!p2 $0x0  }
0x16: {  	s3 =	sld [smem:$0x3FDB];
	s0 =	simm.s32 @p2 $0x1  }
0x17: {  	s4 =	simm.s32 $0x1BF5;
	[smem:$0x3FAD] =	sst s0  }
0x18: {  	s0 =	sld [smem:$0x3F90];
	_ =	swait.ge [sflag:s4], $0x0  }
0x19: {  	s7 =	sld [smem:$0x3F91]  }
0x1a: {  	s8 =	sadd.s32 $0xFFFFE003, lr  }
0x1b: {  	s9 =	sadd.s32 $0xFFFFFEF7, lr;
	s5 =	simm.s32 $0xFFFFFFFF;
	p2 =	slt.u32 s8, $0xFFFFF086  }
0x1c: {  	p1 =	slt.u32 s9, $0xF7A;
	s5 =	simm.s32 @!p2 $0x0  }
0x1d: {  	s5 =	simm.s32 @p1 $0x1;
	p0 =	seq.s32 s7, s2  }
0x1e: {  	s7 =	smul.u32 @!p0 $0xF7A, s2;
	p2 =	seq.s32 @!p0 s5, $0x0  }
0x1f: {  	s9 =	smul.u32 $0xF7A, s1;
	s8 =	simm.s32 @!p0 $0x1BF5;
	p2 =	por !p2, p0  }
0x20: {  	[sflag:s8] =	ssyncset.s32 @!p0 $0xFFFFF086;
	s6 =	sadd.s32 @!p0 s3, s7;
	s7 =	simm.s32 @!p0 $0x108  }
0x21: {  	s3 =	sadd.s32 s3, s9;
	s6 =	sadd.s32 @!p0 $0x88, s6;
	s7 =	simm.s32 @p2 $0x1082  }
0x22: {  	[simem:s7], [sflag:s8] =	dma.local @!p0 [hbm:s6], $0xF7A  }
0x23: {  	s9 =	sor.u32 $0xD0000000, s2;
	s6 =	simm.s32 $0x108;
	_ =	swait.ge @!p0 [sflag:s8], $0x0  }
0x24: {  	s3 =	sadd.s32 $0x88, s3;
	s6 =	simm.s32 @!p1 $0x1082;
	[sflag:s4] =	ssyncset.s32 $0xFFFFF086  }
0x25: {  	[simem:s6], [sflag:s4] =	dma.local [hbm:s3], $0xF7A  }
0x26: {  	[smem:$0x3F91] =	sst s1;
	(tag) =	ssettag s2;
	_ =	strace s9  }
0x27: {  	s1 =	sld [smem:$0x3FA1]  }
0x28: {  	s2 =	sld [smem:$0x3FA2]  }
0x29: {  	s4 =	sld [smem:$0x3FA4]  }
0x2a: {  	p0 =	seq.s32 s5, $0x0;
	s5 =	sld [smem:$0x3FA5]  }
0x2b: {  	s6 =	sld [smem:$0x3FA6]  }
0x2c: {  	s7 =	sld [smem:$0x3FA7]  }
0x2d: {  	s3 =	simm.s32 $0x108;
	s8 =	sld [smem:$0x3FA8]  }
0x2e: {  	s3 =	simm.s32 @!p0 $0x1082;
	s9 =	sld [smem:$0x3FA9]  }
0x2f: {  	lr =	sadd.s32 s0, s3;
	s0 =	sld [smem:$0x3FA0]  }
0x30: {  	s3 =	sld [smem:$0x3FA3]  }
0x31: {  	[smem:$0x3FAC] =	sst s10  }
0x32: {  	s10 =	sld [smem:$0x3FAA];
	_ =	sdelay $0x3  }
0x33: {  	p0 =	seq.s32 s10, $0x1;
	s10 =	sld [smem:$0x3FAC];
	_ =	sdelay $0x3  }
0x34: {  	[smem:$0x3FAC] =	sst s10  }
0x35: {  	s10 =	sld [smem:$0x3FAB];
	_ =	sdelay $0x3  }
0x36: {  	p1 =	seq.s32 s10, $0x1;
	s10 =	sld [smem:$0x3FAC];
	_ =	sdelay $0x3  }
0x37: {  	[smem:$0x3FAC] =	sst s10  }
0x38: {  	s10 =	sld [smem:$0x3FAD]  }
0x39: {  	_ = 	snop;
	(pc) =	sbr.ind lr, $3  }
0x3a: {  	_ = 	snop  }
0x3b: {  	_ = 	snop  }
0x3c: {  	p2 =	seq.s32 s10, $0x1;
	s10 =	sld [smem:$0x3FAC]  }
0x3d: {  	_ =	shalt  }
0x3e: {  	_ =	shalt  }
0x3f: {  	_ =	shalt  }
0x40: {  	_ =	shalt  }
0x41: {  	_ =	shalt  }
0x42: {  	_ =	shalt  }
0x43: {  	_ =	shalt  }
0x44: {  	_ =	shalt  }
0x45: {  	_ =	shalt  }
0x46: {  	_ =	shalt  }
0x47: {  	_ =	shalt  }
0x48: {  	_ =	shalt  }
0x49: {  	_ =	shalt  }
0x4a: {  	_ =	shalt  }
0x4b: {  	_ =	shalt  }
0x4c: {  	_ =	shalt  }
0x4d: {  	_ =	shalt  }
0x4e: {  	_ =	shalt  }
0x4f: {  	_ =	shalt  }
0x50: {  	_ =	shalt  }
0x51: {  	_ =	shalt  }
0x52: {  	_ =	shalt  }
0x53: {  	_ =	shalt  }
0x54: {  	_ =	shalt  }
0x55: {  	_ =	shalt  }
0x56: {  	_ =	shalt  }
0x57: {  	_ =	shalt  }
0x58: {  	_ =	shalt  }
0x59: {  	_ =	shalt  }
0x5a: {  	_ =	shalt  }
0x5b: {  	_ =	shalt  }
0x5c: {  	_ =	shalt  }
0x5d: {  	_ =	shalt  }
0x5e: {  	_ =	shalt  }
0x5f: {  	_ =	shalt  }
0x60: {  	_ =	shalt  }
0x61: {  	_ =	shalt  }
0x62: {  	_ =	shalt  }
0x63: {  	_ =	shalt  }
0x64: {  	_ =	shalt  }
0x65: {  	_ =	shalt  }
0x66: {  	_ =	shalt  }
0x67: {  	_ =	shalt  }
0x68: {  	_ =	shalt  }
0x69: {  	_ =	shalt  }
0x6a: {  	_ =	shalt  }
0x6b: {  	_ =	shalt  }
0x6c: {  	_ =	shalt  }
0x6d: {  	_ =	shalt  }
0x6e: {  	_ =	shalt  }
0x6f: {  	_ =	shalt  }
0x70: {  	_ =	shalt  }
0x71: {  	_ =	shalt  }
0x72: {  	_ =	shalt  }
0x73: {  	_ =	shalt  }
0x74: {  	_ =	shalt  }
0x75: {  	_ =	shalt  }
0x76: {  	_ =	shalt  }
0x77: {  	_ =	shalt  }
0x78: {  	_ =	shalt  }
0x79: {  	_ =	shalt  }
0x7a: {  	_ =	shalt  }
0x7b: {  	_ =	shalt  }
0x7c: {  	_ =	shalt  }
0x7d: {  	_ =	shalt  }
0x7e: {  	_ =	shalt  }
0x7f: {  	_ =	shalt  }
0x80: {  	_ =	shalt  }
0x81: {  	_ =	shalt  }
0x82: {  	_ =	shalt  }
0x83: {  	_ =	shalt  }
0x84: {  	_ =	shalt  }
0x85: {  	_ =	shalt  }
0x86: {  	_ =	shalt  }
0x87: {  	_ =	shalt  }
.Lfunc_end0:
.L_simem_size_0:
called_computation.6_lowered:
.L_overlay_start_0:
0x88: {  	s2 =	sld [smem:$0x3FD9]  }
0x89: {  	s3 =	sld [smem:$0x3FFE];
	_ =	sdelay $0x1  }
0x8a: {  	s1 =	srdreg.scid  }
0x8b: {  	s0 =	sand.u32 $0x1, s1  }
0x8c: {  	s15 =	sshll.u32 s0, $0xA;
	s2 =	sadd.s32 s3, s2  }
0x8d: {  	s2 =	sadd.s32 s2, s15  }
0x8e: {  	[smem:$0x3FB8] =	sst s2  }
0x8f: {  	_ = 	snop  }
0x90: {  	s2 =	sld [smem:$0x3FD0];
	_ =	sdelay $0x2  }
0x91: {  	s16 =	simm.s32 $0xC;
	s4 =	simm.s32 $0x10  }
0x92: {  	[smem:s4], [sflag:s16] =	dma.local [hbm:s2], $0x1  }
0x93: {  	_ =	swait.eq [sflag:s16], $0x1  }
0x94: {  	[sflag:s16] =	ssyncset.done $0x0  }
0x95: {  	[sflag:s16] =	ssyncadd.s32 $0xFFFFFFFF  }
0x96: {  	s17 =	sld [smem:$0x10];
	(tm) =	ssettm $0x1  }
0x97: {  	s18 =	sld [smem:$0x3FFB];
	_ =	sdelay $0x3  }
0x98: {  	_ =	strace s18  }
0x99: {  	s2 =	sld [smem:$0x3FFC];
	_ =	sdelay $0x3  }
0x9a: {  	_ =	strace s2  }
0x9b: {  	s2 =	sld [smem:$0x3FFD];
	_ =	sdelay $0x3  }
0x9c: {  	_ =	strace s2  }
0x9d: {  	_ =	strace $0x8FFFFFFF  }
0x9e: {  	s19 =	sld [smem:$0x3FDB];
	_ =	sdelay $0x1  }
0x9f: {  	s20 =	simm.s32 $_scs_section_size  }
0xa0: {  	s5 =	simm.s32 $_size__tile_overlayer_lowered;
	s6 =	simm.s32 $_tile_overlayer_lowered  }
0xa1: {  	s7 =	simm.s32 $0x1BFF;
	s21 =	sshll.u32 s6, $0x1;
	s4 =	sadd.s32 s20, s19  }
0xa2: {  	s22 =	simm.s32 $0x0;
	s5 =	sshll.u32 s5, $0x1;
	s6 =	sadd.s32 s21, s4  }
0xa3: {  	[timem:s22], [sflag:s7] =	dma.local [hbm:s6], s5  }
0xa4: {  	_ =	swait.ge [sflag:s7], s5  }
0xa5: {  	s5 =	ssub.s32 $0x0, s5;
	[sflag:s7] =	ssyncset.done $0x0  }
0xa6: {  	[sflag:s7] =	ssyncadd.s32 s5;
	_ =	sdelay $0x1  }
0xa7: {  	s23 =	simm.s32 $0x1B8B  }
0xa8: {  	_ =	swait.ge [sflag:s23], $0x1  }
0xa9: {  	[sflag:s23] =	ssyncset.done $0x0  }
0xaa: {  	[sflag:s23] =	ssyncadd.s32 $0xFFFFFFFF  }
0xab: {  	s5 =	sld [smem:$0x0]  }
0xac: {  	s6 =	sand.u32 $0xFFFFFFFE, s1  }
0xad: {  	p0 =	sne.s32 s1, s6  }
0xae: {  	s6 =	sshll.u32 @p0 s6, $0xE  }
0xaf: {  	s6 =	sadd.s32 @p0 $0x11B8D, s6;
	s7 =	sshll.u32 @p0 s5, $0x11  }
0xb0: {  	s6 =	sor.u32 @p0 s7, s6  }
0xb1: {  	[sflag:s6] =	ssyncadd.remote.s32 @p0 $0x1;
	_ =	sdelay $0x1  }
0xb2: {  	s6 =	simm.s32 @p0 $0x1B8D  }
0xb3: {  	_ =	swait.eq @p0 [sflag:s6], $0x1  }
0xb4: {  	[sflag:s6] =	ssyncadd.s32 @p0 $0xFFFFFFFF  }
0xb5: {  	s7 =	sshll.u32 @!p0 s1, $0xE  }
0xb6: {  	s7 =	sor.u32 @!p0 $0x4000, s7;
	s6 =	simm.s32 @!p0 $0x1B8D  }
0xb7: {  	s5 =	sshll.u32 @!p0 s5, $0x11;
	s7 =	sadd.s32 @!p0 $0x11B8D, s7;
	_ =	swait.eq @!p0 [sflag:s6], $0x1  }
0xb8: {  	s5 =	sor.u32 @!p0 s5, s7;
	[sflag:s6] =	ssyncadd.s32 @!p0 $0xFFFFFFFF  }
0xb9: {  	s25 =	simm.s32 $0x1B8E;
	s24 =	sld [smem:$0x3FFE];
	[sflag:s5] =	ssyncadd.remote.s32 @!p0 $0x1  }
0xba: {  	s26 =	simm.s32 $execute0_lowered;
	[smem:$0x3FD2] =	sst s25  }
0xbb: {  	s6 =	sshll.u32 s26, $0x1;
	_ =	strace $0x80000058;
	[dreg:$0x1] =	wrdreg $0xFFFFFFFF  }
0xbc: {  	s28 =	simm.s32 $_size_execute0_lowered;
	s4 =	sadd.s32 s4, s6;
	[dreg:$0x0] =	wrdreg $0x0  }
0xbd: {  	s6 =	sshll.u32 s28, $0x1;
	[dreg:$0x2] =	wrdreg s4  }
0xbe: {  	[dreg:$0x3] =	wrdreg s6  }
0xbf: {  	[dreg:$0x4] =	wrdreg $0xC0  }
0xc0: {  	_ =	task [dreg:s22], $0x5FFFF  }
0xc1: {  	[dreg:$0x1] =	wrdreg $0xFFFFFFFF  }
0xc2: {  	[dreg:$0x0] =	wrdreg $0x60  }
0xc3: {  	[dreg:$0x2] =	wrdreg s24  }
0xc4: {  	[dreg:$0x3] =	wrdreg s17  }
0xc5: {  	[dreg:$0x4] =	wrdreg $0x61000  }
0xc6: {  	[dreg:$0x5] =	wrdreg $0xA  }
0xc7: {  	_ =	task.clear_ibuf [dreg:s22], $0x6FFFF;
	_ =	strace $0x90000058  }
0xc8: {  	s29 =	simm.s32 $0xA;
	_ =	strace $0x8000005A  }
0xc9: {  	_ =	swait.ge [sflag:s29], $0x1  }
0xca: {  	[sflag:s29] =	ssyncadd.s32 $0xFFFFFFFF  }
0xcb: {  	_ =	strace $0x9000005A  }
0xcc: {  	_ =	sfence  }
0xcd: {  	s30 =	sld [smem:$0x0];
	_ =	sdelay $0x2  }
0xce: {  	s31 =	sshll.u32 s1, $0xD;
	s1 =	sshrl.u32 s1, $0x2  }
0xcf: {  	s4 =	sand.u32 $0x4000, s31;
	s1 =	sadd.s32 s1, s30  }
0xd0: {  	s0 =	sor.u32 s4, s0;
	s1 =	sshll.u32 s1, $0x11  }
0xd1: {  	s0 =	sor.u32 s1, s0  }
0xd2: {  	s0 =	sadd.s32 $0x8F2B, s0  }
0xd3: {  	[sflag:s0] =	ssyncadd.remote.s32 $0x1  }
0xd4: {  	_ =	sfence.sel $0xFFFF  }
0xd5: {  	[dreg:$0x0] =	wrdreg $0xFFFFFFFF;
	(pc) =	sbr.abs _section_cstart, $3  }
0xd6: {  	[dreg:$0x1] =	wrdreg $0xFFFFFFFF  }
0xd7: {  	_ =	task.clear_ibuf [dreg:s22], $0x2FFFF;
	_ =	strace $0x9FFFFFFF  }
0xd8: {  	(tm) =	ssettm $0x7FFFFFFF  }
0xd9: {  	_ =	shalt  }
tec
execute0_lowered:
.L_overlay_start_1:
0x0: {  	(tag) =	ssettag $0x1  }
0x1: {  	s6 =	rddreg [dreg:$0x0]  }
0x2: {  	s8 =	rddreg [dreg:$0x1]  }
0x3: {  	s1 =	rddreg [dreg:$0x2]  }
0x4: {  	s0 =	rddreg [dreg:$0x3]  }
0x5: {  	s3 =	simm.s32 $0x0;
	s2 =	srdreg.scid;
	s18 =	simm.s32 $0x2900  }
0x6: {  	s19 =	simm.s32 $0x1;
	s20 =	simm.s32 $0x80;
	s21 =	simm.s32 $0x100  }
0x7: {  	s22 =	simm.s32 $0x1900;
	[smem:$0x7FF] =	sst s3;
	s7 =	sand.u32 $0x1, s2  }
0x8: {  	s2 =	stileid.u32;
	s4 =	sadd.s32 $0xFA00, s6;
	s5 =	sadd.s32 $0x28B400, s6  }
0x9: {  	s6 =	sadd.s32 $0x71800, s6;
	s9 =	smul.u32 $0x188000, s7;
	_ =	strace $0x80000059  }
0xa: {  	s10 =	smul.u32 $0x18800, s2;
	s11 =	ssub.s32 $0x2, s7;
	s13 =	sshll.u32 s2, $0x1  }
0xb: {  	s14 =	smul.u32 $0x62000, s2;
	s12 =	sshrl.u32 s11, $0x1;
	s13 =	sor.u32 s7, s13  }
0xc: {  	s9 =	sadd.s32 s10, s9;
	s11 =	ssub.s32 s11, s12;
	s7 =	sshll.u32 s13, $0x7  }
0xd: {  	s23 =	sadd.s32 s10, s1;
	s30 =	ssub.s32 $0x188A, s13;
	s31 =	sshrl.u32 s14, $0x2  }
0xe: {  	s9 =	sshrl.u32 s9, $0x3;
	s10 =	smax.u32 s11, $0x1;
	s11 =	sadd.s32 s31, s1  }
0xf: {  	s23 =	sshrl.u32 s23, $0x3;
	s8 =	sadd.s32 s8, s9;
	s9 =	sshrl.u32 s30, $0x5  }
0x10: {  	s12 =	sadd.s32 $0x3800, s11;
	s13 =	sadd.s32 $0x7000, s11;
	s14 =	sadd.s32 $0xA800, s11  }
0x11: {  	v0 =	vimm.f32 $0.0e+00;
	s15 =	sadd.s32 $0xE000, s11;
	s16 =	sadd.s32 $0x11800, s11;
	s17 =	sadd.s32 $0x15000, s11  }
.LBB2_1:
0x12: {  	s24 =	simm.s32 $0x80;
	s25 =	simm.s32 $0x0  }
.LBB2_2:
0x13: {  	p0 =	sne.s32 s24, $0xDF80;
	[tilespmem:s25+$0x2900] =	vst v0;
	s26 =	smov.u32 s24;
	s24 =	sadd.s32 $0x80, s24  }
.Ltmp0:
0x14: {  	[tilespmem:s25+$0x2910] =	vst v0;
	(pc) =	sbr.rel @p0 .LBB2_2-.Ltmp0, $2  }
0x15: {  	_ =	sdelay $0x2  }
0x16: {  	s25 =	sshra.s32 s26, $0x2  }
0x17: {  	[tilespmem:s25+$0x2900] =	vst v0  }
0x18: {  	[tilespmem:s25+$0x2910] =	vst v0  }
0x19: {  	[spmem:s11] =	stream.linear.scatter [tilespmem:s18], [sflag:$0x1], $0x3800, $0x38;
	[tilespmem:$0x1E900] =	vst v63  }
0x1a: {  	_ =	swait.ge [sflag:s19], $0x3800  }
0x1b: {  	[sflag:s19] =	ssyncset.done $0x0  }
0x1c: {  	[sflag:s19] =	ssyncadd.s32 $0xFFFFC800  }
0x1d: {  	[spmem:s12] =	stream.linear.scatter [tilespmem:s18], [sflag:$0x1], $0x3800, $0x38;
	[tilespmem:$0x1E900] =	vst v63  }
0x1e: {  	_ =	swait.ge [sflag:s19], $0x3800  }
0x1f: {  	[sflag:s19] =	ssyncset.done $0x0  }
0x20: {  	[sflag:s19] =	ssyncadd.s32 $0xFFFFC800  }
0x21: {  	[spmem:s13] =	stream.linear.scatter [tilespmem:s18], [sflag:$0x1], $0x3800, $0x38;
	[tilespmem:$0x1E900] =	vst v63  }
0x22: {  	_ =	swait.ge [sflag:s19], $0x3800  }
0x23: {  	[sflag:s19] =	ssyncset.done $0x0  }
0x24: {  	[sflag:s19] =	ssyncadd.s32 $0xFFFFC800  }
0x25: {  	[spmem:s14] =	stream.linear.scatter [tilespmem:s18], [sflag:$0x1], $0x3800, $0x38;
	[tilespmem:$0x1E900] =	vst v63  }
0x26: {  	_ =	swait.ge [sflag:s19], $0x3800  }
0x27: {  	[sflag:s19] =	ssyncset.done $0x0  }
0x28: {  	[sflag:s19] =	ssyncadd.s32 $0xFFFFC800  }
0x29: {  	[spmem:s15] =	stream.linear.scatter [tilespmem:s18], [sflag:$0x1], $0x3800, $0x38;
	[tilespmem:$0x1E900] =	vst v63  }
0x2a: {  	_ =	swait.ge [sflag:s19], $0x3800  }
0x2b: {  	[sflag:s19] =	ssyncset.done $0x0  }
0x2c: {  	[sflag:s19] =	ssyncadd.s32 $0xFFFFC800  }
0x2d: {  	[spmem:s16] =	stream.linear.scatter [tilespmem:s18], [sflag:$0x1], $0x3800, $0x38;
	[tilespmem:$0x1E900] =	vst v63  }
0x2e: {  	_ =	swait.ge [sflag:s19], $0x3800  }
0x2f: {  	[sflag:s19] =	ssyncset.done $0x0  }
0x30: {  	[sflag:s19] =	ssyncadd.s32 $0xFFFFC800  }
0x31: {  	[spmem:s17] =	stream.linear.scatter [tilespmem:s18], [sflag:$0x1], $0x3800, $0x38;
	[tilespmem:$0x1E900] =	vst v63  }
0x32: {  	_ =	swait.ge [sflag:s19], $0x3800  }
0x33: {  	[sflag:s19] =	ssyncset.done $0x0  }
0x34: {  	[sflag:s19] =	ssyncadd.s32 $0xFFFFC800  }
0x35: {  	s24 =	simm.s32 $0x0;
	s25 =	simm.s32 $0x0;
	[bflag:$0x0] =	sbarrier.arrive $0xFFFF  }
.LBB2_4:
0x36: {  	s26 =	sshll.u32 s25, $0xC  }
0x37: {  	s26 =	sor.u32 s7, s26  }
0x38: {  	s28 =	sshrl.u32 s26, $0x3  }
0x39: {  	s28 =	sadd.s32 s4, s28  }
0x3a: {  	[tilespmem:s24], [sflag:$0x1] =	stream.linear.gather [hbm4b:s28+s24], $0x80, $0x38;
	[tilespmem:$0x1E900] =	vst v63  }
0x3b: {  	s28 =	sadd.s32 $0xC3580, s26;
	_ =	swait.ge [sflag:s19], $0x80  }
0x3c: {  	s28 =	sshrl.u32 s28, $0x3;
	[sflag:s19] =	ssyncset.done $0x0  }
0x3d: {  	s28 =	sadd.s32 s4, s28;
	[sflag:s19] =	ssyncadd.s32 $0xFFFFFF80  }
0x3e: {  	[tilespmem:s20], [sflag:$0x1] =	stream.linear.gather [hbm4b:s28+s24], $0x80, $0x38;
	[tilespmem:$0x1E900] =	vst v63  }
0x3f: {  	_ =	swait.ge [sflag:s19], $0x80  }
0x40: {  	[sflag:s19] =	ssyncset.done $0x0  }
0x41: {  	[sflag:s19] =	ssyncadd.s32 $0xFFFFFF80  }
0x42: {  	[tilespmem:s21], [sflag:$0x1] =	stream.indirect.gather [hbm4b:s5+s20], $0x20, s24, s20, $0xb8;
	[tilespmem:$0x1E900] =	vst v63  }
0x43: {  	s26 =	sshll.u32 s26, $0x1;
	_ =	swait.ge [sflag:s19], $0x1000  }
0x44: {  	s26 =	sand.u32 $0x1FFFFF00, s26;
	[sflag:s19] =	ssyncset.done $0x0  }
0x45: {  	s28 =	sadd.s32 s6, s26;
	s26 =	simm.s32 $0x1100;
	[sflag:s19] =	ssyncadd.s32 $0xFFFFF000  }
0x46: {  	[tilespmem:s26], [sflag:$0x1] =	stream.linear.gather [hbm4b:s28+s24], $0x800, $0x38;
	[tilespmem:$0x1E900] =	vst v63  }
0x47: {  	_ =	swait.ge [sflag:s19], $0x800  }
0x48: {  	[sflag:s19] =	ssyncset.done $0x0  }
0x49: {  	[sflag:s19] =	ssyncadd.s32 $0xFFFFF800  }
0x4a: {  	s29 =	simm.s32 $0x80;
	s28 =	simm.s32 $0x0;
	v1 =	vld [tilespmem:s26+$0x0]  }
.LBB2_5:
0x4b: {  	p0 =	sne.s32 s29, $0x3F80;
	v2 =	vld [tilespmem:s28+$0x100]  }
0x4c: {  	v3 =	vld [tilespmem:s28+$0x110];
	_ =	sdelay $0x2  }
0x4d: {  	v4 =	vbroadcast v1, $0x2;
	v1 =	vbroadcast v1, $0x3;
	_ =	sdelay $0x1  }
.Ltmp1:
0x4e: {  	v2 =	vmul.f32 v4, v2;
	v1 =	vmul.f32 v3, v1;
	(pc) =	sbr.rel @p0 .LBB2_5-.Ltmp1, $4  }
0x4f: {  	_ = 	snop  }
0x50: {  	[tilespmem:s28+$0x1900] =	vst v2  }
0x51: {  	s26 =	sadd.s32 $0x10, s26;
	[tilespmem:s28+$0x1910] =	vst v1  }
0x52: {  	s28 =	sshra.s32 s29, $0x2;
	s29 =	sadd.s32 $0x80, s29;
	v1 =	vld [tilespmem:s26+$0x0]  }
0x53: {  	_ = 	snop  }
0x54: {  	v2 =	vld [tilespmem:s28+$0x100]  }
0x55: {  	v3 =	vld [tilespmem:s28+$0x110];
	_ =	sdelay $0x1  }
0x56: {  	v4 =	vbroadcast v1, $0x2  }
0x57: {  	v1 =	vbroadcast v1, $0x3  }
0x58: {  	v2 =	vmul.f32 v4, v2  }
0x59: {  	s25 =	sadd.s32 $0x1, s25;
	v1 =	vmul.f32 v3, v1  }
0x5a: {  	p0 =	sne.s32 s25, s9;
	[tilespmem:s28+$0x1900] =	vst v2  }
.Ltmp2:
0x5b: {  	[tilespmem:s28+$0x1910] =	vst v1;
	(pc) =	sbr.rel @p0 .LBB2_4-.Ltmp2, $4  }
0x5c: {  	[spmem:s1] =	stream.indirect.scatter.add.f32 [tilespmem:s22], [sflag:$0x1], $0x20, s20, s20, $0xb8;
	[tilespmem:$0x1E900] =	vst v63  }
0x5d: {  	_ =	swait.ge [sflag:s19], $0x1000  }
0x5e: {  	[sflag:s19] =	ssyncset.done $0x0  }
0x5f: {  	[sflag:s19] =	ssyncadd.s32 $0xFFFFF000  }
0x60: {  	s3 =	sadd.s32 $0x1, s3  }
0x61: {  	s24 =	sshll.u32 s2, $0x6;
	p0 =	sne.s32 s3, s10  }
.Ltmp3:
0x62: {  	[bflag:$0x0] =	sbarrier.arrive $0xFFFF;
	s24 =	sor.u32 $0x1C01, s24;
	(pc) =	sbr.rel @p0 .LBB2_1-.Ltmp3, $4  }
0x63: {  	[hbm:s8], [sflag:s24] =	dma.local [spmem:s23], $0x3100  }
0x64: {  	_ =	swait.ge [sflag:s19], $0x3100  }
0x65: {  	[sflag:s19] =	ssyncset.done $0x0  }
0x66: {  	[sflag:s19] =	ssyncadd.s32 $0xFFFFCF00  }
0x67: {  	_ =	sfence.sel $0x180000  }
0x68: {  	[bflag:$0x0] =	sbarrier.arrive $0xFFFF  }
0x69: {  	p0 =	sne.s32 s2, $0x0;
	_ =	strace $0x90000059  }
0x6a: {  	s0 =	sadd.s32 @!p0 $0x100000, s0;
	[bflag:$0x2] =	sbarrier.arrive $0xFFFF  }
0x6b: {  	[sflag:s0] =	ssyncadd.tile.s32 @!p0 $0x1;
	_ =	shalt  }
.Lfunc_end2:
_tile_overlayer_lowered:
.L_overlay_start_2:
0x6c: {  	(tag) =	ssettag $0x2  }
0x6d: {  	s0 =	rddreg [dreg:$0x0];
	s2 =	stileid.u32  }
0x6e: {  	s1 =	rddreg [dreg:$0x1];
	p0 =	sne.s32 s2, $0x0  }
0x6f: {  	s3 =	rddreg [dreg:$0x2];
	[bflag:$0x3] =	sbarrier.arrive $0xFFFF;
	s2 =	simm.s32 @!p0 $0x1C01  }
0x70: {  	[timem:s3], [sflag:s2] =	dma.local @!p0 [hbm:s0], s1  }
0x71: {  	s0 =	simm.s32 @!p0 $0x1  }
0x72: {  	_ =	swait.ge @!p0 [sflag:s0], s1  }
0x73: {  	s1 =	ssub.s32 @!p0 $0x0, s1;
	[sflag:s0] =	ssyncset.done @!p0 $0x0  }
0x74: {  	[sflag:s0] =	ssyncadd.s32 @!p0 s1  }
0x75: {  	[bflag:$0x3] =	sbarrier.arrive $0xFFFF  }
0x76: {  	_ =	shalt  }

// kernel: kernel.36.cloned.1.call-start
scs
__scs_entry_jumppad:
0x0: {  	(pc) =	sbr.rel $0x88, $3  }
0x1: {  	(tag) =	ssettag $0x0;
	lr =	simm.s32 $0x1  }
0x2: {  	[smem:$0x3F91] =	sst lr;
	_ =	strace $0xD0000000  }
0x3: {  	_ = 	snop  }
0x4: {  	_ = 	snop  }
0x5: {  	_ = 	snop  }
0x6: {  	_ = 	snop  }
0x7: {  	_ = 	snop  }
__scs_overlays_trampoline_lowered:
0x8: {  	[smem:$0x3FA0] =	sst s0  }
0x9: {  	[smem:$0x3FA1] =	sst s1  }
0xa: {  	[smem:$0x3FA2] =	sst s2  }
0xb: {  	[smem:$0x3FA3] =	sst s3  }
0xc: {  	[smem:$0x3FA4] =	sst s4  }
0xd: {  	[smem:$0x3FA5] =	sst s5  }
0xe: {  	[smem:$0x3FA6] =	sst s6  }
0xf: {  	[smem:$0x3FA7] =	sst s7  }
0x10: {  	[smem:$0x3FA8] =	sst s8  }
0x11: {  	[smem:$0x3FA9] =	sst s9;
	s0 =	simm.s32 @!p0 $0x0  }
0x12: {  	s1 =	sld [smem:$0x3F8F];
	s0 =	simm.s32 @p0 $0x1  }
0x13: {  	[smem:$0x3FAA] =	sst s0;
	s0 =	simm.s32 @!p1 $0x0  }
0x14: {  	s2 =	sld [smem:$0x3F8E];
	s0 =	simm.s32 @p1 $0x1  }
0x15: {  	[smem:$0x3FAB] =	sst s0;
	s0 =	simm.s32 @!p2 $0x0  }
0x16: {  	s3 =	sld [smem:$0x3FDB];
	s0 =	simm.s32 @p2 $0x1  }
0x17: {  	s4 =	simm.s32 $0x1BF5;
	[smem:$0x3FAD] =	sst s0  }
0x18: {  	s0 =	sld [smem:$0x3F90];
	_ =	swait.ge [sflag:s4], $0x0  }
0x19: {  	s7 =	sld [smem:$0x3F91]  }
0x1a: {  	s8 =	sadd.s32 $0xFFFFE003, lr  }
0x1b: {  	s9 =	sadd.s32 $0xFFFFFEF7, lr;
	s5 =	simm.s32 $0xFFFFFFFF;
	p2 =	slt.u32 s8, $0xFFFFF086  }
0x1c: {  	p1 =	slt.u32 s9, $0xF7A;
	s5 =	simm.s32 @!p2 $0x0  }
0x1d: {  	s5 =	simm.s32 @p1 $0x1;
	p0 =	seq.s32 s7, s2  }
0x1e: {  	s7 =	smul.u32 @!p0 $0xF7A, s2;
	p2 =	seq.s32 @!p0 s5, $0x0  }
0x1f: {  	s9 =	smul.u32 $0xF7A, s1;
	s8 =	simm.s32 @!p0 $0x1BF5;
	p2 =	por !p2, p0  }
0x20: {  	[sflag:s8] =	ssyncset.s32 @!p0 $0xFFFFF086;
	s6 =	sadd.s32 @!p0 s3, s7;
	s7 =	simm.s32 @!p0 $0x108  }
0x21: {  	s3 =	sadd.s32 s3, s9;
	s6 =	sadd.s32 @!p0 $0x88, s6;
	s7 =	simm.s32 @p2 $0x1082  }
0x22: {  	[simem:s7], [sflag:s8] =	dma.local @!p0 [hbm:s6], $0xF7A  }
0x23: {  	s9 =	sor.u32 $0xD0000000, s2;
	s6 =	simm.s32 $0x108;
	_ =	swait.ge @!p0 [sflag:s8], $0x0  }
0x24: {  	s3 =	sadd.s32 $0x88, s3;
	s6 =	simm.s32 @!p1 $0x1082;
	[sflag:s4] =	ssyncset.s32 $0xFFFFF086  }
0x25: {  	[simem:s6], [sflag:s4] =	dma.local [hbm:s3], $0xF7A  }
0x26: {  	[smem:$0x3F91] =	sst s1;
	(tag) =	ssettag s2;
	_ =	strace s9  }
0x27: {  	s1 =	sld [smem:$0x3FA1]  }
0x28: {  	s2 =	sld [smem:$0x3FA2]  }
0x29: {  	s4 =	sld [smem:$0x3FA4]  }
0x2a: {  	p0 =	seq.s32 s5, $0x0;
	s5 =	sld [smem:$0x3FA5]  }
0x2b: {  	s6 =	sld [smem:$0x3FA6]  }
0x2c: {  	s7 =	sld [smem:$0x3FA7]  }
0x2d: {  	s3 =	simm.s32 $0x108;
	s8 =	sld [smem:$0x3FA8]  }
0x2e: {  	s3 =	simm.s32 @!p0 $0x1082;
	s9 =	sld [smem:$0x3FA9]  }
0x2f: {  	lr =	sadd.s32 s0, s3;
	s0 =	sld [smem:$0x3FA0]  }
0x30: {  	s3 =	sld [smem:$0x3FA3]  }
0x31: {  	[smem:$0x3FAC] =	sst s10  }
0x32: {  	s10 =	sld [smem:$0x3FAA];
	_ =	sdelay $0x3  }
0x33: {  	p0 =	seq.s32 s10, $0x1;
	s10 =	sld [smem:$0x3FAC];
	_ =	sdelay $0x3  }
0x34: {  	[smem:$0x3FAC] =	sst s10  }
0x35: {  	s10 =	sld [smem:$0x3FAB];
	_ =	sdelay $0x3  }
0x36: {  	p1 =	seq.s32 s10, $0x1;
	s10 =	sld [smem:$0x3FAC];
	_ =	sdelay $0x3  }
0x37: {  	[smem:$0x3FAC] =	sst s10  }
0x38: {  	s10 =	sld [smem:$0x3FAD]  }
0x39: {  	_ = 	snop;
	(pc) =	sbr.ind lr, $3  }
0x3a: {  	_ = 	snop  }
0x3b: {  	_ = 	snop  }
0x3c: {  	p2 =	seq.s32 s10, $0x1;
	s10 =	sld [smem:$0x3FAC]  }
0x3d: {  	_ =	shalt  }
0x3e: {  	_ =	shalt  }
0x3f: {  	_ =	shalt  }
0x40: {  	_ =	shalt  }
0x41: {  	_ =	shalt  }
0x42: {  	_ =	shalt  }
0x43: {  	_ =	shalt  }
0x44: {  	_ =	shalt  }
0x45: {  	_ =	shalt  }
0x46: {  	_ =	shalt  }
0x47: {  	_ =	shalt  }
0x48: {  	_ =	shalt  }
0x49: {  	_ =	shalt  }
0x4a: {  	_ =	shalt  }
0x4b: {  	_ =	shalt  }
0x4c: {  	_ =	shalt  }
0x4d: {  	_ =	shalt  }
0x4e: {  	_ =	shalt  }
0x4f: {  	_ =	shalt  }
0x50: {  	_ =	shalt  }
0x51: {  	_ =	shalt  }
0x52: {  	_ =	shalt  }
0x53: {  	_ =	shalt  }
0x54: {  	_ =	shalt  }
0x55: {  	_ =	shalt  }
0x56: {  	_ =	shalt  }
0x57: {  	_ =	shalt  }
0x58: {  	_ =	shalt  }
0x59: {  	_ =	shalt  }
0x5a: {  	_ =	shalt  }
0x5b: {  	_ =	shalt  }
0x5c: {  	_ =	shalt  }
0x5d: {  	_ =	shalt  }
0x5e: {  	_ =	shalt  }
0x5f: {  	_ =	shalt  }
0x60: {  	_ =	shalt  }
0x61: {  	_ =	shalt  }
0x62: {  	_ =	shalt  }
0x63: {  	_ =	shalt  }
0x64: {  	_ =	shalt  }
0x65: {  	_ =	shalt  }
0x66: {  	_ =	shalt  }
0x67: {  	_ =	shalt  }
0x68: {  	_ =	shalt  }
0x69: {  	_ =	shalt  }
0x6a: {  	_ =	shalt  }
0x6b: {  	_ =	shalt  }
0x6c: {  	_ =	shalt  }
0x6d: {  	_ =	shalt  }
0x6e: {  	_ =	shalt  }
0x6f: {  	_ =	shalt  }
0x70: {  	_ =	shalt  }
0x71: {  	_ =	shalt  }
0x72: {  	_ =	shalt  }
0x73: {  	_ =	shalt  }
0x74: {  	_ =	shalt  }
0x75: {  	_ =	shalt  }
0x76: {  	_ =	shalt  }
0x77: {  	_ =	shalt  }
0x78: {  	_ =	shalt  }
0x79: {  	_ =	shalt  }
0x7a: {  	_ =	shalt  }
0x7b: {  	_ =	shalt  }
0x7c: {  	_ =	shalt  }
0x7d: {  	_ =	shalt  }
0x7e: {  	_ =	shalt  }
0x7f: {  	_ =	shalt  }
0x80: {  	_ =	shalt  }
0x81: {  	_ =	shalt  }
0x82: {  	_ =	shalt  }
0x83: {  	_ =	shalt  }
0x84: {  	_ =	shalt  }
0x85: {  	_ =	shalt  }
0x86: {  	_ =	shalt  }
0x87: {  	_ =	shalt  }
.Lfunc_end0:
.L_simem_size_0:
called_computation.7_lowered:
.L_overlay_start_0:
0x88: {  	s2 =	sld [smem:$0x3FD9]  }
0x89: {  	s3 =	sld [smem:$0x3FFE];
	_ =	sdelay $0x1  }
0x8a: {  	s1 =	srdreg.scid  }
0x8b: {  	s0 =	sand.u32 $0x1, s1  }
0x8c: {  	s16 =	sshll.u32 s0, $0xA;
	s2 =	sadd.s32 s3, s2  }
0x8d: {  	s2 =	sadd.s32 s2, s16  }
0x8e: {  	[smem:$0x3FB8] =	sst s2  }
0x8f: {  	_ = 	snop  }
0x90: {  	(tm) =	ssettm $0x1  }
0x91: {  	s17 =	sld [smem:$0x3FFB];
	_ =	sdelay $0x3  }
0x92: {  	_ =	strace s17  }
0x93: {  	s2 =	sld [smem:$0x3FFC];
	_ =	sdelay $0x3  }
0x94: {  	_ =	strace s2  }
0x95: {  	s2 =	sld [smem:$0x3FFD];
	_ =	sdelay $0x3  }
0x96: {  	_ =	strace s2  }
0x97: {  	_ =	strace $0x8FFFFFFF  }
0x98: {  	s18 =	sld [smem:$0x3FDB];
	_ =	sdelay $0x1  }
0x99: {  	s19 =	simm.s32 $_scs_section_size  }
0x9a: {  	s4 =	simm.s32 $_size__tile_overlayer_lowered;
	s5 =	simm.s32 $_tile_overlayer_lowered  }
0x9b: {  	s22 =	simm.s32 $0x1BFF;
	s21 =	sshll.u32 s5, $0x1;
	s2 =	sadd.s32 s19, s18  }
0x9c: {  	s6 =	simm.s32 $0x0;
	s20 =	sshll.u32 s4, $0x1;
	s4 =	sadd.s32 s21, s2  }
0x9d: {  	[timem:s6], [sflag:s22] =	dma.local [hbm:s4], s20  }
0x9e: {  	_ =	swait.ge [sflag:s22], s20  }
0x9f: {  	s3 =	ssub.s32 $0x0, s20;
	[sflag:s22] =	ssyncset.done $0x0  }
0xa0: {  	[sflag:s22] =	ssyncadd.s32 s3;
	_ =	sdelay $0x1  }
0xa1: {  	s23 =	simm.s32 $0x1B8B  }
0xa2: {  	_ =	swait.ge [sflag:s23], $0x1  }
0xa3: {  	[sflag:s23] =	ssyncset.done $0x0  }
0xa4: {  	s25 =	simm.s32 $0x1B8E;
	s24 =	sld [smem:$0x3FFE];
	[sflag:s23] =	ssyncadd.s32 $0xFFFFFFFF  }
0xa5: {  	s26 =	simm.s32 $execute0_lowered;
	[smem:$0x3FD2] =	sst s25  }
0xa6: {  	s4 =	sshll.u32 s26, $0x1;
	_ =	strace $0x80000055;
	[dreg:$0x1] =	wrdreg $0xFFFFFFFF  }
0xa7: {  	s28 =	simm.s32 $_size_execute0_lowered;
	s2 =	sadd.s32 s2, s4;
	[dreg:$0x0] =	wrdreg $0x0  }
0xa8: {  	s4 =	sshll.u32 s28, $0x1;
	[dreg:$0x2] =	wrdreg s2  }
0xa9: {  	[dreg:$0x3] =	wrdreg s4  }
0xaa: {  	[dreg:$0x4] =	wrdreg $0xC0  }
0xab: {  	_ =	task [dreg:s6], $0x5FFFF  }
0xac: {  	[dreg:$0x1] =	wrdreg $0xFFFFFFFF  }
0xad: {  	[dreg:$0x0] =	wrdreg $0x60  }
0xae: {  	[dreg:$0x2] =	wrdreg s24  }
0xaf: {  	[dreg:$0x3] =	wrdreg $0x61000  }
0xb0: {  	[dreg:$0x4] =	wrdreg $0xB  }
0xb1: {  	_ =	task.clear_ibuf [dreg:s6], $0x5FFFF;
	_ =	strace $0x90000055  }
0xb2: {  	s29 =	simm.s32 $0xB;
	_ =	strace $0x80000057  }
0xb3: {  	_ =	swait.ge [sflag:s29], $0x1  }
0xb4: {  	[sflag:s29] =	ssyncadd.s32 $0xFFFFFFFF  }
0xb5: {  	_ =	strace $0x90000057  }
0xb6: {  	_ =	sfence  }
0xb7: {  	s30 =	sld [smem:$0x0];
	_ =	sdelay $0x2  }
0xb8: {  	s31 =	sshll.u32 s1, $0xD;
	s1 =	sshrl.u32 s1, $0x2  }
0xb9: {  	s3 =	sand.u32 $0x4000, s31;
	s1 =	sadd.s32 s1, s30  }
0xba: {  	s0 =	sor.u32 s3, s0;
	s1 =	sshll.u32 s1, $0x11  }
0xbb: {  	s0 =	sor.u32 s1, s0  }
0xbc: {  	s0 =	sadd.s32 $0x8F2B, s0  }
0xbd: {  	[sflag:s0] =	ssyncadd.remote.s32 $0x1  }
0xbe: {  	_ =	sfence.sel $0xFFFF  }
0xbf: {  	[dreg:$0x0] =	wrdreg $0xFFFFFFFF;
	(pc) =	sbr.abs _section_cstart, $3  }
0xc0: {  	[dreg:$0x1] =	wrdreg $0xFFFFFFFF  }
0xc1: {  	_ =	task.clear_ibuf [dreg:s6], $0x2FFFF;
	_ =	strace $0x9FFFFFFF  }
0xc2: {  	(tm) =	ssettm $0x7FFFFFFF  }
0xc3: {  	_ =	shalt  }
tec
execute0_lowered:
.L_overlay_start_1:
0x0: {  	(tag) =	ssettag $0x1  }
0x1: {  	s7 =	rddreg [dreg:$0x0];
	s0 =	srdreg.scid  }
0x2: {  	s2 =	rddreg [dreg:$0x1];
	s1 =	stileid.u32  }
0x3: {  	s3 =	simm.s32 $0x0;
	s18 =	simm.s32 $0x2900;
	s19 =	simm.s32 $0x1  }
0x4: {  	s20 =	simm.s32 $0x80;
	s21 =	simm.s32 $0x100;
	s22 =	simm.s32 $0x1900  }
0x5: {  	s8 =	sand.u32 $0x1, s0;
	s0 =	rddreg [dreg:$0x2];
	s9 =	smul.u32 $0x18800, s1  }
0x6: {  	[smem:$0x7FF] =	sst s3;
	s4 =	sadd.s32 $0xFA00, s7;
	s13 =	smul.u32 $0x62000, s1  }
0x7: {  	s6 =	sadd.s32 $0x71800, s7;
	s11 =	sshll.u32 s1, $0x1;
	s5 =	smul.u32 $0x188000, s8  }
0x8: {  	_ =	strace $0x80000056;
	s29 =	ssub.s32 $0x2, s8;
	s11 =	sor.u32 s8, s11  }
0x9: {  	s12 =	sshrl.u32 s29, $0x1;
	s23 =	sadd.s32 s9, s2;
	s30 =	ssub.s32 $0x188A, s11  }
0xa: {  	s31 =	sshrl.u32 s13, $0x2;
	s10 =	sadd.s32 s9, s5;
	s5 =	sadd.s32 $0x1F8400, s7  }
0xb: {  	s12 =	ssub.s32 s29, s12;
	s9 =	sshrl.u32 s30, $0x5;
	s10 =	sshrl.u32 s10, $0x3  }
0xc: {  	s23 =	sshrl.u32 s23, $0x3;
	s10 =	sadd.s32 s10, s7;
	s7 =	sshll.u32 s11, $0x7  }
0xd: {  	s11 =	sadd.s32 s31, s2;
	s8 =	sadd.s32 $0x229400, s10;
	s10 =	smax.u32 s12, $0x1  }
0xe: {  	s12 =	sadd.s32 $0x3800, s11;
	s13 =	sadd.s32 $0x7000, s11;
	s14 =	sadd.s32 $0xA800, s11  }
0xf: {  	v0 =	vimm.f32 $0.0e+00;
	s15 =	sadd.s32 $0xE000, s11;
	s16 =	sadd.s32 $0x11800, s11;
	s17 =	sadd.s32 $0x15000, s11  }
.LBB2_1:
0x10: {  	s24 =	simm.s32 $0x80;
	s25 =	simm.s32 $0x0  }
.LBB2_2:
0x11: {  	p0 =	sne.s32 s24, $0xDF80;
	[tilespmem:s25+$0x2900] =	vst v0;
	s26 =	smov.u32 s24;
	s24 =	sadd.s32 $0x80, s24  }
.Ltmp0:
0x12: {  	[tilespmem:s25+$0x2910] =	vst v0;
	(pc) =	sbr.rel @p0 .LBB2_2-.Ltmp0, $2  }
0x13: {  	_ =	sdelay $0x2  }
0x14: {  	s25 =	sshra.s32 s26, $0x2  }
0x15: {  	[tilespmem:s25+$0x2900] =	vst v0  }
0x16: {  	[tilespmem:s25+$0x2910] =	vst v0  }
0x17: {  	[spmem:s11] =	stream.linear.scatter [tilespmem:s18], [sflag:$0x1], $0x3800, $0x38;
	[tilespmem:$0x1E900] =	vst v63  }
0x18: {  	_ =	swait.ge [sflag:s19], $0x3800  }
0x19: {  	[sflag:s19] =	ssyncset.done $0x0  }
0x1a: {  	[sflag:s19] =	ssyncadd.s32 $0xFFFFC800  }
0x1b: {  	[spmem:s12] =	stream.linear.scatter [tilespmem:s18], [sflag:$0x1], $0x3800, $0x38;
	[tilespmem:$0x1E900] =	vst v63  }
0x1c: {  	_ =	swait.ge [sflag:s19], $0x3800  }
0x1d: {  	[sflag:s19] =	ssyncset.done $0x0  }
0x1e: {  	[sflag:s19] =	ssyncadd.s32 $0xFFFFC800  }
0x1f: {  	[spmem:s13] =	stream.linear.scatter [tilespmem:s18], [sflag:$0x1], $0x3800, $0x38;
	[tilespmem:$0x1E900] =	vst v63  }
0x20: {  	_ =	swait.ge [sflag:s19], $0x3800  }
0x21: {  	[sflag:s19] =	ssyncset.done $0x0  }
0x22: {  	[sflag:s19] =	ssyncadd.s32 $0xFFFFC800  }
0x23: {  	[spmem:s14] =	stream.linear.scatter [tilespmem:s18], [sflag:$0x1], $0x3800, $0x38;
	[tilespmem:$0x1E900] =	vst v63  }
0x24: {  	_ =	swait.ge [sflag:s19], $0x3800  }
0x25: {  	[sflag:s19] =	ssyncset.done $0x0  }
0x26: {  	[sflag:s19] =	ssyncadd.s32 $0xFFFFC800  }
0x27: {  	[spmem:s15] =	stream.linear.scatter [tilespmem:s18], [sflag:$0x1], $0x3800, $0x38;
	[tilespmem:$0x1E900] =	vst v63  }
0x28: {  	_ =	swait.ge [sflag:s19], $0x3800  }
0x29: {  	[sflag:s19] =	ssyncset.done $0x0  }
0x2a: {  	[sflag:s19] =	ssyncadd.s32 $0xFFFFC800  }
0x2b: {  	[spmem:s16] =	stream.linear.scatter [tilespmem:s18], [sflag:$0x1], $0x3800, $0x38;
	[tilespmem:$0x1E900] =	vst v63  }
0x2c: {  	_ =	swait.ge [sflag:s19], $0x3800  }
0x2d: {  	[sflag:s19] =	ssyncset.done $0x0  }
0x2e: {  	[sflag:s19] =	ssyncadd.s32 $0xFFFFC800  }
0x2f: {  	[spmem:s17] =	stream.linear.scatter [tilespmem:s18], [sflag:$0x1], $0x3800, $0x38;
	[tilespmem:$0x1E900] =	vst v63  }
0x30: {  	_ =	swait.ge [sflag:s19], $0x3800  }
0x31: {  	[sflag:s19] =	ssyncset.done $0x0  }
0x32: {  	[sflag:s19] =	ssyncadd.s32 $0xFFFFC800  }
0x33: {  	s24 =	simm.s32 $0x0;
	s25 =	simm.s32 $0x0;
	[bflag:$0x0] =	sbarrier.arrive $0xFFFF  }
.LBB2_4:
0x34: {  	s26 =	sshll.u32 s25, $0xC  }
0x35: {  	s26 =	sor.u32 s7, s26  }
0x36: {  	s28 =	sshrl.u32 s26, $0x3  }
0x37: {  	s28 =	sadd.s32 s4, s28  }
0x38: {  	[tilespmem:s24], [sflag:$0x1] =	stream.linear.gather [hbm4b:s28+s24], $0x80, $0x38;
	[tilespmem:$0x1E900] =	vst v63  }
0x39: {  	s28 =	sadd.s32 $0xC3580, s26;
	_ =	swait.ge [sflag:s19], $0x80  }
0x3a: {  	s28 =	sshrl.u32 s28, $0x3;
	[sflag:s19] =	ssyncset.done $0x0  }
0x3b: {  	s28 =	sadd.s32 s4, s28;
	[sflag:s19] =	ssyncadd.s32 $0xFFFFFF80  }
0x3c: {  	[tilespmem:s20], [sflag:$0x1] =	stream.linear.gather [hbm4b:s28+s24], $0x80, $0x38;
	[tilespmem:$0x1E900] =	vst v63  }
0x3d: {  	_ =	swait.ge [sflag:s19], $0x80  }
0x3e: {  	[sflag:s19] =	ssyncset.done $0x0  }
0x3f: {  	[sflag:s19] =	ssyncadd.s32 $0xFFFFFF80  }
0x40: {  	[tilespmem:s21], [sflag:$0x1] =	stream.indirect.gather [hbm4b:s5+s20], $0x20, s24, s20, $0xb8;
	[tilespmem:$0x1E900] =	vst v63  }
0x41: {  	s26 =	sshll.u32 s26, $0x1;
	_ =	swait.ge [sflag:s19], $0x1000  }
0x42: {  	s26 =	sand.u32 $0x1FFFFF00, s26;
	[sflag:s19] =	ssyncset.done $0x0  }
0x43: {  	s28 =	sadd.s32 s6, s26;
	s26 =	simm.s32 $0x1100;
	[sflag:s19] =	ssyncadd.s32 $0xFFFFF000  }
0x44: {  	[tilespmem:s26], [sflag:$0x1] =	stream.linear.gather [hbm4b:s28+s24], $0x800, $0x38;
	[tilespmem:$0x1E900] =	vst v63  }
0x45: {  	_ =	swait.ge [sflag:s19], $0x800  }
0x46: {  	[sflag:s19] =	ssyncset.done $0x0  }
0x47: {  	[sflag:s19] =	ssyncadd.s32 $0xFFFFF800  }
0x48: {  	s29 =	simm.s32 $0x80;
	s28 =	simm.s32 $0x0;
	v1 =	vld [tilespmem:s26+$0x0]  }
.LBB2_5:
0x49: {  	p0 =	sne.s32 s29, $0x3F80;
	v2 =	vld [tilespmem:s28+$0x100]  }
0x4a: {  	v3 =	vld [tilespmem:s28+$0x110];
	_ =	sdelay $0x2  }
0x4b: {  	v4 =	vbroadcast v1, $0x4;
	v1 =	vbroadcast v1, $0x5;
	_ =	sdelay $0x1  }
.Ltmp1:
0x4c: {  	v2 =	vmul.f32 v4, v2;
	v1 =	vmul.f32 v3, v1;
	(pc) =	sbr.rel @p0 .LBB2_5-.Ltmp1, $4  }
0x4d: {  	_ = 	snop  }
0x4e: {  	[tilespmem:s28+$0x1900] =	vst v2  }
0x4f: {  	s26 =	sadd.s32 $0x10, s26;
	[tilespmem:s28+$0x1910] =	vst v1  }
0x50: {  	s28 =	sshra.s32 s29, $0x2;
	s29 =	sadd.s32 $0x80, s29;
	v1 =	vld [tilespmem:s26+$0x0]  }
0x51: {  	_ = 	snop  }
0x52: {  	v2 =	vld [tilespmem:s28+$0x100]  }
0x53: {  	v3 =	vld [tilespmem:s28+$0x110];
	_ =	sdelay $0x1  }
0x54: {  	v4 =	vbroadcast v1, $0x4  }
0x55: {  	v1 =	vbroadcast v1, $0x5  }
0x56: {  	v2 =	vmul.f32 v4, v2  }
0x57: {  	s25 =	sadd.s32 $0x1, s25;
	v1 =	vmul.f32 v3, v1  }
0x58: {  	p0 =	sne.s32 s25, s9;
	[tilespmem:s28+$0x1900] =	vst v2  }
.Ltmp2:
0x59: {  	[tilespmem:s28+$0x1910] =	vst v1;
	(pc) =	sbr.rel @p0 .LBB2_4-.Ltmp2, $4  }
0x5a: {  	[spmem:s2] =	stream.indirect.scatter.add.f32 [tilespmem:s22], [sflag:$0x1], $0x20, s20, s20, $0xb8;
	[tilespmem:$0x1E900] =	vst v63  }
0x5b: {  	_ =	swait.ge [sflag:s19], $0x1000  }
0x5c: {  	[sflag:s19] =	ssyncset.done $0x0  }
0x5d: {  	[sflag:s19] =	ssyncadd.s32 $0xFFFFF000  }
0x5e: {  	s3 =	sadd.s32 $0x1, s3  }
0x5f: {  	s24 =	sshll.u32 s1, $0x6;
	p0 =	sne.s32 s3, s10  }
.Ltmp3:
0x60: {  	[bflag:$0x0] =	sbarrier.arrive $0xFFFF;
	s24 =	sor.u32 $0x1C01, s24;
	(pc) =	sbr.rel @p0 .LBB2_1-.Ltmp3, $4  }
0x61: {  	[hbm:s8], [sflag:s24] =	dma.local [spmem:s23], $0x3100  }
0x62: {  	_ =	swait.ge [sflag:s19], $0x3100  }
0x63: {  	[sflag:s19] =	ssyncset.done $0x0  }
0x64: {  	[sflag:s19] =	ssyncadd.s32 $0xFFFFCF00  }
0x65: {  	_ =	sfence.sel $0x180000  }
0x66: {  	[bflag:$0x0] =	sbarrier.arrive $0xFFFF  }
0x67: {  	p0 =	sne.s32 s1, $0x0;
	_ =	strace $0x90000056  }
0x68: {  	s0 =	sadd.s32 @!p0 $0x100000, s0;
	[bflag:$0x2] =	sbarrier.arrive $0xFFFF  }
0x69: {  	[sflag:s0] =	ssyncadd.tile.s32 @!p0 $0x1;
	_ =	shalt  }
.Lfunc_end2:
_tile_overlayer_lowered:
.L_overlay_start_2:
0x6a: {  	(tag) =	ssettag $0x2  }
0x6b: {  	s0 =	rddreg [dreg:$0x0];
	s2 =	stileid.u32  }
0x6c: {  	s1 =	rddreg [dreg:$0x1];
	p0 =	sne.s32 s2, $0x0  }
0x6d: {  	s3 =	rddreg [dreg:$0x2];
	[bflag:$0x3] =	sbarrier.arrive $0xFFFF;
	s2 =	simm.s32 @!p0 $0x1C01  }
0x6e: {  	[timem:s3], [sflag:s2] =	dma.local @!p0 [hbm:s0], s1  }
0x6f: {  	s0 =	simm.s32 @!p0 $0x1  }
0x70: {  	_ =	swait.ge @!p0 [sflag:s0], s1  }
0x71: {  	s1 =	ssub.s32 @!p0 $0x0, s1;
	[sflag:s0] =	ssyncset.done @!p0 $0x0  }
0x72: {  	[sflag:s0] =	ssyncadd.s32 @!p0 s1  }
0x73: {  	[bflag:$0x3] =	sbarrier.arrive $0xFFFF  }
0x74: {  	_ =	shalt  }

</sc_bundles>
